<compile_context>
chip_gen: v7x
topology: tpu7x:2x2x1
jax: 0.10.2.dev20260603
libtpu: 0.0.44.dev20260713+nightly
codegen_flags: <defaults>
</compile_context>

<pallas_src>
import functools

import jax
import jax.numpy as jnp
from jax import lax
from jax.experimental import pallas as pl
from jax.experimental.pallas import tpu as pltpu
from jax.experimental.pallas import tpu_sc as plsc

N = 10000
E = 160000
D = 256
H = 256
L = 3
V = 4
EPS = 1e-5

NC = 2
NS = 16
CH = 128
EPT = 10240
EPAD = EPT * NS
NCH = EPT // CH
ACC_ROWS = 10016
CROWS = 624
ZTAIL = ACC_ROWS - CROWS * NS
OTAIL = N - CROWS * NS
RBLK = 400
GRID = N // RBLK

_f32 = jnp.float32
_i32 = jnp.int32


def _sc_mesh():
  try:
    return plsc.VectorSubcoreMesh(core_axis_name="c", subcore_axis_name="s",
                                  num_cores=NC, num_subcores=NS)
  except TypeError:
    return plsc.VectorSubcoreMesh(core_axis_name="c", subcore_axis_name="s",
                                  num_cores=NC)


def _build_sc_agg():
  mesh = _sc_mesh()

  @functools.partial(
      pl.kernel, mesh=mesh,
      out_type=(jax.ShapeDtypeStruct((N, 128), _f32),
                jax.ShapeDtypeStruct((N, 128), _f32)),
      scratch_types=(
          [pltpu.VMEM((CH,), _i32)] * 8
          + [pltpu.VMEM((CH, 128), _f32)] * 2
          + [pltpu.VMEM_SHARED((ACC_ROWS, 128), _f32)]
          + [pltpu.SemaphoreType.DMA] * 8
      ))
  def agg(src_h, dst_h, e0_h, e1_h, z_h, o0_h, o1_h,
          sv0, dv0, sv1, dv1, sv2, dv2, sv3, dv3,
          rows0, rows1, acc,
          g0, g1, i0, i1, i2, i3, t0, t1):
    c = lax.axis_index("c")
    s = lax.axis_index("s")
    srcv = (sv0, sv1, sv2, sv3)
    dstv = (dv0, dv1, dv2, dv3)
    rows = (rows0, rows1)
    gsem = (g0, g1)
    isem = (i0, i1, i2, i3)
    ssem = (t0, t1)

    zoff = pl.multiple_of(s * CROWS, 8)
    pltpu.sync_copy(z_h.at[pl.ds(0, CROWS)], acc.at[pl.ds(zoff, CROWS)])

    @pl.when(s == NS - 1)
    def _():
      pltpu.sync_copy(z_h.at[pl.ds(0, ZTAIL)],
                      acc.at[pl.ds(CROWS * NS, ZTAIL)])

    plsc.subcore_barrier()
    base = s * NCH * CH

    def idx_start(j, b):
      off = pl.multiple_of(base + j * CH, CH)
      pltpu.async_copy(src_h.at[pl.ds(off, CH)], srcv[b], isem[b])
      pltpu.async_copy(dst_h.at[pl.ds(off, CH)], dstv[b], isem[b])

    def idx_wait(j, b):
      off = pl.multiple_of(base + j * CH, CH)
      pltpu.make_async_copy(src_h.at[pl.ds(off, CH)], srcv[b], isem[b]).wait()
      pltpu.make_async_copy(dst_h.at[pl.ds(off, CH)], dstv[b], isem[b]).wait()

    def run(e_h, o_h):
      idx_start(0, 0)
      idx_start(1, 1)
      idx_start(2, 2)
      idx_wait(0, 0)
      pltpu.async_copy(e_h.at[srcv[0]], rows[0], gsem[0])

      @pl.loop(0, NCH, step=4)
      def _(j0):
        for b in range(4):
          j = j0 + b
          r = b % 2
          nr = 1 - r
          n4 = (b + 1) % 4
          p4 = (b + 3) % 4
          pltpu.make_async_copy(e_h.at[srcv[b]], rows[r], gsem[r]).wait()
          pltpu.async_copy(rows[r], acc.at[dstv[b]], ssem[r], add=True)

          @pl.when(jnp.logical_and(j >= 1, j + 1 < NCH))
          def _():
            pltpu.make_async_copy(rows[nr], acc.at[dstv[p4]],
                                  ssem[nr]).wait()

          @pl.when(j + 3 < NCH)
          def _():
            idx_start(j + 3, p4)

          @pl.when(j + 1 < NCH)
          def _():
            idx_wait(j + 1, n4)
            pltpu.async_copy(e_h.at[srcv[n4]], rows[nr], gsem[nr])

      for b in range(2):
        pltpu.make_async_copy(rows[b], acc.at[dstv[b]], ssem[b]).wait()

      plsc.subcore_barrier()
      ooff = pl.multiple_of(s * CROWS, 8)
      pltpu.sync_copy(acc.at[pl.ds(ooff, CROWS)],
                      o_h.at[pl.ds(ooff, CROWS)])

      @pl.when(s == NS - 1)
      def _():
        pltpu.sync_copy(acc.at[pl.ds(CROWS * NS, OTAIL)],
                        o_h.at[pl.ds(CROWS * NS, OTAIL)])

    @pl.when(c == 0)
    def _():
      run(e0_h, o0_h)

    @pl.when(c == 1)
    def _():
      run(e1_h, o1_h)

  return agg


def _build_sc_deg():
  mesh = _sc_mesh()
  half = NCH // 2

  @functools.partial(
      pl.kernel, mesh=mesh,
      out_type=(jax.ShapeDtypeStruct((N, 128), _f32),
                jax.ShapeDtypeStruct((N, 128), _f32)),
      scratch_types=(
          [pltpu.VMEM((CH,), _i32)] * 4
          + [pltpu.VMEM((CH, 128), _f32),
             pltpu.VMEM_SHARED((ACC_ROWS, 128), _f32)]
          + [pltpu.SemaphoreType.DMA] * 8
      ))
  def deg(dst_h, z16_h, ones_h, o0_h, o1_h,
          dv0, dv1, dv2, dv3, onesv, dacc,
          i0, i1, i2, i3, t0, t1, t2, t3):
    c = lax.axis_index("c")
    s = lax.axis_index("s")
    dstv = (dv0, dv1, dv2, dv3)
    isem = (i0, i1, i2, i3)
    ssem = (t0, t1, t2, t3)

    zoff = pl.multiple_of(s * CROWS, 8)
    pltpu.sync_copy(z16_h.at[pl.ds(0, CROWS)], dacc.at[pl.ds(zoff, CROWS)])

    @pl.when(s == NS - 1)
    def _():
      pltpu.sync_copy(z16_h.at[pl.ds(0, ZTAIL)],
                      dacc.at[pl.ds(CROWS * NS, ZTAIL)])

    pltpu.sync_copy(ones_h, onesv)
    plsc.subcore_barrier()
    base = (s * NCH + c * half) * CH

    def idx_start(j, b):
      off = pl.multiple_of(base + j * CH, CH)
      pltpu.async_copy(dst_h.at[pl.ds(off, CH)], dstv[b], isem[b])

    def idx_wait(j, b):
      off = pl.multiple_of(base + j * CH, CH)
      pltpu.make_async_copy(dst_h.at[pl.ds(off, CH)], dstv[b],
                            isem[b]).wait()

    idx_start(0, 0)
    idx_start(1, 1)
    idx_start(2, 2)

    @pl.loop(0, half, step=4)
    def _(j0):
      for b in range(4):
        j = j0 + b
        p4 = (b + 3) % 4
        idx_wait(j, b)
        pltpu.async_copy(onesv, dacc.at[dstv[b]], ssem[b], add=True)

        @pl.when(jnp.logical_and(j >= 1, j + 3 < half))
        def _():
          pltpu.make_async_copy(onesv, dacc.at[dstv[p4]], ssem[p4]).wait()

        @pl.when(j + 3 < half)
        def _():
          idx_start(j + 3, p4)

    for b in (1, 2, 3):
      pltpu.make_async_copy(onesv, dacc.at[dstv[b]], ssem[b]).wait()
    pltpu.make_async_copy(onesv, dacc.at[dstv[0]], ssem[0]).wait()
    plsc.subcore_barrier()

    def out(o_h):
      ooff = pl.multiple_of(s * CROWS, 8)
      pltpu.sync_copy(dacc.at[pl.ds(ooff, CROWS)],
                      o_h.at[pl.ds(ooff, CROWS)])

      @pl.when(s == NS - 1)
      def _():
        pltpu.sync_copy(dacc.at[pl.ds(CROWS * NS, OTAIL)],
                        o_h.at[pl.ds(CROWS * NS, OTAIL)])

    @pl.when(c == 0)
    def _():
      out(o0_h)

    @pl.when(c == 1)
    def _():
      out(o1_h)

  return deg


_SC_CACHE = {}


def _sc_kernels():
  if "agg" not in _SC_CACHE:
    _SC_CACHE["agg"] = _build_sc_agg()
    _SC_CACHE["deg"] = _build_sc_deg()
  return _SC_CACHE["agg"], _SC_CACHE["deg"]


def _k1a_body(e0, e1, cv, wr, zr, ste):
  eb = jnp.concatenate([e0[...], e1[...]], axis=1)
  hb = eb + cv[0:1, :]
  zr[...] = jnp.dot(hb.astype(jnp.bfloat16), wr[...],
                    preferred_element_type=_f32)
  blk = jnp.concatenate([
      jnp.sum(eb, axis=0, keepdims=True),
      jnp.zeros((7, H), _f32)], axis=0)

  @pl.when(pl.program_id(0) == 0)
  def _():
    ste[...] = blk

  @pl.when(pl.program_id(0) != 0)
  def _():
    ste[...] = ste[...] + blk


def _k1b_body(s0, s1, d0, d1, zr, cv, wl, pv, z, st):
  deg = d0[:, 0:1] + d1[:, 0:1]
  sb = jnp.concatenate([s0[...], s1[...]], axis=1)
  mb = (sb + deg * cv[0:1, :]) / jnp.maximum(deg, 1.0)
  zz = (jnp.dot(mb.astype(jnp.bfloat16), wl[...],
                preferred_element_type=_f32)
        + pv[0:1, :]) + zr[...]
  z[...] = zz
  blk = jnp.concatenate([
      jnp.sum(zz, axis=0, keepdims=True),
      jnp.sum(zz * zz, axis=0, keepdims=True),
      jnp.zeros((6, H), _f32)], axis=0)

  @pl.when(pl.program_id(0) == 0)
  def _():
    st[...] = blk

  @pl.when(pl.program_id(0) != 0)
  def _():
    st[...] = st[...] + blk


_ispec_h = pl.BlockSpec((RBLK, 128), lambda i: (i, 0))
_ispec_d = pl.BlockSpec((RBLK, 128), lambda i: (i, 0))
_wspec = pl.BlockSpec((D, H), lambda i: (0, 0))
_pspec = pl.BlockSpec((8, H), lambda i: (0, 0))

_K1A = pl.pallas_call(
    _k1a_body, grid=(GRID,),
    in_specs=[_ispec_h] * 2 + [_pspec, _wspec],
    out_specs=[pl.BlockSpec((RBLK, H), lambda i: (i, 0)), _pspec],
    out_shape=[jax.ShapeDtypeStruct((N, H), _f32),
               jax.ShapeDtypeStruct((8, H), _f32)],
)

_K1B = pl.pallas_call(
    _k1b_body, grid=(GRID,),
    in_specs=([_ispec_h] * 2 + [_ispec_d] * 2
              + [pl.BlockSpec((RBLK, H), lambda i: (i, 0)), _pspec,
                 _wspec, _pspec]),
    out_specs=[pl.BlockSpec((RBLK, H), lambda i: (i, 0)), _pspec],
    out_shape=[jax.ShapeDtypeStruct((N, H), _f32),
               jax.ShapeDtypeStruct((8, H), _f32)],
)


def _k2v_body(z, st, o):
  mu = st[0:1, :] * (1.0 / N)
  dz = z[...] - mu
  blk = jnp.concatenate([
      jnp.sum(dz * dz, axis=0, keepdims=True),
      jnp.zeros((7, H), _f32)], axis=0)

  @pl.when(pl.program_id(0) == 0)
  def _():
    o[...] = blk

  @pl.when(pl.program_id(0) != 0)
  def _():
    o[...] = o[...] + blk


_K2V = pl.pallas_call(
    _k2v_body, grid=(GRID,),
    in_specs=[pl.BlockSpec((RBLK, H), lambda i: (i, 0)), _pspec],
    out_specs=_pspec,
    out_shape=jax.ShapeDtypeStruct((8, H), _f32),
)


def _k2_body_split(z, st, bp, o0, o1):
  mu = st[0:1, :] * (1.0 / N)
  var = st[1:2, :] * (1.0 / N) - mu * mu
  y = jnp.maximum(
      bp[0:1, :] * (z[...] - mu) / jnp.sqrt(var + EPS) + bp[1:2, :], 0.0)
  o0[...] = y[:, 0:128]
  o1[...] = y[:, 128:256]


def _k2_body_full(z, st, bp, o):
  mu = st[0:1, :] * (1.0 / N)
  var = st[1:2, :] * (1.0 / N) - mu * mu
  o[...] = jnp.maximum(
      bp[0:1, :] * (z[...] - mu) / jnp.sqrt(var + EPS) + bp[1:2, :], 0.0)


_K2S = pl.pallas_call(
    _k2_body_split, grid=(GRID,),
    in_specs=[pl.BlockSpec((RBLK, H), lambda i: (i, 0)), _pspec, _pspec],
    out_specs=[_ispec_h, _ispec_h],
    out_shape=[jax.ShapeDtypeStruct((N, 128), _f32),
               jax.ShapeDtypeStruct((N, 128), _f32)],
)

_K2F = pl.pallas_call(
    _k2_body_full, grid=(GRID,),
    in_specs=[pl.BlockSpec((RBLK, H), lambda i: (i, 0)), _pspec, _pspec],
    out_specs=pl.BlockSpec((RBLK, H), lambda i: (i, 0)),
    out_shape=jax.ShapeDtypeStruct((N, H), _f32),
)


def _k3_body(ste, vn, w1, b1, g1, bb1, w2, b2, g2, bb2, o):
  pooled = ste[0:1, :]
  rows = []
  for v in range(V):
    t = pooled + vn[v:v + 1, :]
    tb = t.astype(jnp.bfloat16).astype(_f32)
    h1 = jnp.sum(w1[v].astype(jnp.bfloat16).astype(_f32) * tb[0, :, None],
                 axis=0, keepdims=True) + b1[v:v + 1, :]
    h1 = jnp.maximum(h1, 0.0)
    mu1 = jnp.mean(h1, axis=1, keepdims=True)
    va1 = jnp.mean((h1 - mu1) ** 2, axis=1, keepdims=True)
    h1 = g1[v:v + 1, :] * (h1 - mu1) / jnp.sqrt(va1 + EPS) + bb1[v:v + 1, :]
    h1b = h1.astype(jnp.bfloat16).astype(_f32)
    h2 = jnp.sum(w2[v].astype(jnp.bfloat16).astype(_f32) * h1b[0, :, None],
                 axis=0, keepdims=True) + b2[v:v + 1, :]
    h2 = jnp.maximum(h2, 0.0)
    mu2 = jnp.mean(h2, axis=1, keepdims=True)
    va2 = jnp.mean((h2 - mu2) ** 2, axis=1, keepdims=True)
    h2 = g2[v:v + 1, :] * (h2 - mu2) / jnp.sqrt(va2 + EPS) + bb2[v:v + 1, :]
    rows.append(h2)
  vnn = jnp.concatenate(rows, axis=0)
  csum = rows[0] + rows[1] + rows[2] + rows[3]
  o[...] = jnp.concatenate([vnn, csum, jnp.zeros((3, H), _f32)], axis=0)


_K3 = pl.pallas_call(
    _k3_body,
    out_shape=jax.ShapeDtypeStruct((8, H), _f32),
)


def kernel(x, adj_t, vn_emb, convWl, convbl, convWr, bn_g, bn_b,
           mlp_W1, mlp_b1, ln1_g, ln1_b, mlp_W2, mlp_b2, ln2_g, ln2_b):
  _SC_AGG, _SC_DEG = _sc_kernels()
  src = adj_t[0]
  dst = adj_t[1]
  pad = EPAD - E
  pad_src = (jnp.arange(pad, dtype=_i32) * 97) % N
  pad_dst = N + (jnp.arange(pad, dtype=_i32) % (ACC_ROWS - N))
  src_p = jnp.concatenate([src, pad_src])
  dst_p = jnp.concatenate([dst, pad_dst])
  zeros128 = jnp.zeros((CROWS, 128), _f32)
  zeros16 = jnp.zeros((CROWS, 128), _f32)
  ones16 = jnp.ones((CH, 128), _f32)

  deg0, deg1 = _SC_DEG(dst_p, zeros16, ones16)
  convWl_b = convWl.astype(jnp.bfloat16)
  convWr_b = convWr.astype(jnp.bfloat16)

  e0 = x[:, 0:128]
  e1 = x[:, 128:256]
  vn = jnp.zeros((8, D), _f32) + vn_emb[0:1, :]
  cv = jnp.zeros((8, H), _f32)
  out = None
  for l in range(L):
    s0, s1 = _SC_AGG(src_p, dst_p, e0, e1, zeros128)
    zr, ste = _K1A(e0, e1, cv, convWr_b[l])
    pv = jnp.concatenate(
        [convbl[l][None, :], jnp.zeros((7, H), _f32)], axis=0)
    z, st = _K1B(s0, s1, deg0, deg1, zr, cv, convWl_b[l], pv)
    bp = jnp.concatenate(
        [bn_g[l][None, :], bn_b[l][None, :], jnp.zeros((6, H), _f32)],
        axis=0)
    if l < L - 1:
      k3 = _K3(ste, vn,
               mlp_W1[l * V:(l + 1) * V], mlp_b1[l * V:(l + 1) * V],
               ln1_g[l * V:(l + 1) * V], ln1_b[l * V:(l + 1) * V],
               mlp_W2[l * V:(l + 1) * V], mlp_b2[l * V:(l + 1) * V],
               ln2_g[l * V:(l + 1) * V], ln2_b[l * V:(l + 1) * V])
      vn = k3
      cv = jnp.concatenate([k3[4:5, :], jnp.zeros((7, H), _f32)], axis=0)
      e0, e1 = _K2S(z, st, bp)
    else:
      out = _K2F(z, st, bp)
  return out

# --- scband reference (transcript-rebuilt; emitter-appended) ---
"""Pipeline reference for scband-virtual-node-78030965834311 (READ-ONLY COPY).

The authoritative reference and input builder live on the scoring server;
editing this copy changes nothing except your own understanding.
"""

import jax, jax.numpy as jnp
import numpy as np

N = 10000
E = 160000
D = 256
H = 256
L = 3
V = 4
M = V * (L - 1)
EPS = 1e-5


def setup_inputs(seed: int = 0) -> dict:
    key = jax.random.key(seed)
    ks = jax.random.split(key, 8)
    x = jax.random.normal(ks[0], (N, D), dtype=jnp.float32)
    adj_t = jax.random.randint(ks[1], (2, E), 0, N, dtype=jnp.int32)
    # virtual node embedding table initialized to zeros (torch.nn.init.constant_(..., 0))
    vn_emb = jnp.zeros((V, D), dtype=jnp.float32)
    # SAGEConv params for 3 layers (all dims 256): lin_l (with bias) on aggregated, lin_r (no bias) on root
    convWl = jax.random.normal(ks[2], (L, D, H), dtype=jnp.float32) * 0.05
    convbl = jnp.zeros((L, H), dtype=jnp.float32)
    convWr = jax.random.normal(ks[3], (L, D, H), dtype=jnp.float32) * 0.05
    bn_g = jnp.ones((L, H), dtype=jnp.float32)
    bn_b = jnp.zeros((L, H), dtype=jnp.float32)
    # 8 virtual-node MLPs: Linear(D,2H) -> ReLU -> LayerNorm -> Linear(2H,H) -> ReLU -> LayerNorm
    mlp_W1 = jax.random.normal(ks[4], (M, D, 2 * H), dtype=jnp.float32) * 0.05
    mlp_b1 = jnp.zeros((M, 2 * H), dtype=jnp.float32)
    ln1_g = jnp.ones((M, 2 * H), dtype=jnp.float32)
    ln1_b = jnp.zeros((M, 2 * H), dtype=jnp.float32)
    mlp_W2 = jax.random.normal(ks[5], (M, 2 * H, H), dtype=jnp.float32) * 0.05
    mlp_b2 = jnp.zeros((M, H), dtype=jnp.float32)
    ln2_g = jnp.ones((M, H), dtype=jnp.float32)
    ln2_b = jnp.zeros((M, H), dtype=jnp.float32)
    return {"x": x, "adj_t": adj_t, "vn_emb": vn_emb, "convWl": convWl, "convbl": convbl,
            "convWr": convWr, "bn_g": bn_g, "bn_b": bn_b, "mlp_W1": mlp_W1, "mlp_b1": mlp_b1,
            "ln1_g": ln1_g, "ln1_b": ln1_b, "mlp_W2": mlp_W2, "mlp_b2": mlp_b2,
            "ln2_g": ln2_g, "ln2_b": ln2_b}


def _sage_conv(h, src, dst, Wl, bl, Wr):
    msg = jnp.take(h, src, axis=0)
    summed = jax.ops.segment_sum(msg, dst, num_segments=N)
    deg = jax.ops.segment_sum(jnp.ones((E,), dtype=h.dtype), dst, num_segments=N)
    mean = summed / jnp.clip(deg, 1.0, None)[:, None]
    return mean @ Wl + bl + h @ Wr


def _batch_norm(h, g, b):
    mu = jnp.mean(h, axis=0)
    var = jnp.mean((h - mu) ** 2, axis=0)
    return g * (h - mu) / jnp.sqrt(var + EPS) + b


def _layer_norm(h, g, b):
    mu = jnp.mean(h, axis=-1, keepdims=True)
    var = jnp.mean((h - mu) ** 2, axis=-1, keepdims=True)
    return g * (h - mu) / jnp.sqrt(var + EPS) + b


def reference(x, adj_t, vn_emb, convWl, convbl, convWr, bn_g, bn_b,
              mlp_W1, mlp_b1, ln1_g, ln1_b, mlp_W2, mlp_b2, ln2_g, ln2_b):
    src = adj_t[0]
    dst = adj_t[1]
    virtual_node = vn_emb  # embedding lookup with indices all zeros -> the full [V, D] table rows (row 0 repeated is equivalent since table is per-row; faithful: table[zeros(V)] == row0 tiled; table init is all-zero so identical)
    virtual_node = jnp.take(vn_emb, jnp.zeros((V,), dtype=jnp.int32), axis=0)
    embs = [x]
    for layer in range(L):
        agg_vn = jnp.sum(virtual_node, axis=0, keepdims=True)
        new_x = embs[layer] + agg_vn
        new_x = _sage_conv(new_x, src, dst, convWl[layer], convbl[layer], convWr[layer])
        new_x = _batch_norm(new_x, bn_g[layer], bn_b[layer])
        new_x = jax.nn.relu(new_x)
        embs.append(new_x)
        if layer < L - 1:
            pooled = jnp.sum(embs[layer], axis=0, keepdims=True)  # global_add_pool over single graph
            vtmp = pooled + virtual_node  # [V, dim]
            vlist = []
            for v in range(V):
                idx = v + layer * V
                h = vtmp[v][None, :] @ mlp_W1[idx] + mlp_b1[idx]
                h = jax.nn.relu(h)
                h = _layer_norm(h, ln1_g[idx], ln1_b[idx])
                h = h @ mlp_W2[idx] + mlp_b2[idx]
                h = jax.nn.relu(h)
                h = _layer_norm(h, ln2_g[idx], ln2_b[idx])
                vlist.append(h)
            virtual_node = jnp.concatenate(vlist, axis=0)
    return embs[-1]

if __name__ == "__main__":
    import jax
    _d = setup_inputs()
    print(jax.jit(kernel)(*tuple(_d.values())))

</pallas_src>

<mosaic_0001>
#map = affine_map<(d0, d1) -> (0)>
#map1 = affine_map<(d0, d1) -> (0, 0)>
module attributes {stable_mosaic.version = 14 : i64} {
  func.func @agg(%arg0: i32, %arg1: i32, %arg2: memref<163840xi32, #tpu.memory_space<hbm>>, %arg3: memref<163840xi32, #tpu.memory_space<hbm>>, %arg4: memref<10000x128xf32, #tpu.memory_space<hbm>>, %arg5: memref<10000x128xf32, #tpu.memory_space<hbm>>, %arg6: memref<624x128xf32, #tpu.memory_space<hbm>>, %arg7: memref<10000x128xf32, #tpu.memory_space<hbm>>, %arg8: memref<10000x128xf32, #tpu.memory_space<hbm>>, %arg9: memref<128xi32, #tpu.memory_space<vmem>>, %arg10: memref<128xi32, #tpu.memory_space<vmem>>, %arg11: memref<128xi32, #tpu.memory_space<vmem>>, %arg12: memref<128xi32, #tpu.memory_space<vmem>>, %arg13: memref<128xi32, #tpu.memory_space<vmem>>, %arg14: memref<128xi32, #tpu.memory_space<vmem>>, %arg15: memref<128xi32, #tpu.memory_space<vmem>>, %arg16: memref<128xi32, #tpu.memory_space<vmem>>, %arg17: memref<128x128xf32, #tpu.memory_space<vmem>>, %arg18: memref<128x128xf32, #tpu.memory_space<vmem>>, %arg19: memref<10016x128xf32, #tpu.memory_space<vmem_shared>>, %arg20: memref<!tpu.dma_semaphore, #tpu.memory_space<semaphore_mem>>, %arg21: memref<!tpu.dma_semaphore, #tpu.memory_space<semaphore_mem>>, %arg22: memref<!tpu.dma_semaphore, #tpu.memory_space<semaphore_mem>>, %arg23: memref<!tpu.dma_semaphore, #tpu.memory_space<semaphore_mem>>, %arg24: memref<!tpu.dma_semaphore, #tpu.memory_space<semaphore_mem>>, %arg25: memref<!tpu.dma_semaphore, #tpu.memory_space<semaphore_mem>>, %arg26: memref<!tpu.dma_semaphore, #tpu.memory_space<semaphore_mem>>, %arg27: memref<!tpu.dma_semaphore, #tpu.memory_space<semaphore_mem>>) attributes {dimension_semantics = [#tpu.dimension_semantics<core_parallel>, #tpu.dimension_semantics<subcore_parallel>], iteration_bounds = array<i64: 2, 16>, scalar_prefetch = 0 : i64, scratch_operands = 19 : i64, tpu.core_type = #tpu.core_type<sc_vector_subcore>, window_params = [{transform_indices = #map}, {transform_indices = #map}, {transform_indices = #map1}, {transform_indices = #map1}, {transform_indices = #map1}, {transform_indices = #map1}, {transform_indices = #map1}]} {
    %mul3A = arith.constant 624 : i32
    %mul3A_0 = arith.muli %arg1, %mul3A : i32
    %multiple_of3A = tpu.assume_multiple %mul3A_0, 8 : i32
    "tpu.region"() ({
      %run_scoped3A = tpu.sem_alloc : memref<!tpu.dma_semaphore, #tpu.memory_space<semaphore_mem>>
      %dma_start3A = arith.constant 0 : i32
      %dma_start3A_17 = tpu.memref_slice %arg19[%multiple_of3A, %dma_start3A] : memref<10016x128xf32, #tpu.memory_space<vmem_shared>> -> memref<624x128xf32, #tpu.memory_space<vmem_shared>>
      %dma_start3A_18 = arith.constant 0 : i32
      %dma_start3A_19 = arith.constant 0 : i32
      %dma_start3A_20 = tpu.memref_slice %arg6[%dma_start3A_18, %dma_start3A_19] : memref<624x128xf32, #tpu.memory_space<hbm>> -> memref<624x128xf32, #tpu.memory_space<hbm>>
      tpu.enqueue_dma source(%dma_start3A_20 : memref<624x128xf32, #tpu.memory_space<hbm>>) target(%dma_start3A_17 : memref<624x128xf32, #tpu.memory_space<vmem_shared>>) target_semaphore(%run_scoped3A : memref<!tpu.dma_semaphore, #tpu.memory_space<semaphore_mem>>)
      %dma_wait3A = arith.constant 0 : i32
      %dma_wait3A_21 = tpu.memref_slice %arg19[%multiple_of3A, %dma_wait3A] : memref<10016x128xf32, #tpu.memory_space<vmem_shared>> -> memref<624x128xf32, #tpu.memory_space<vmem_shared>>
      %dma_wait3A_22 = arith.constant 0 : i32
      %dma_wait3A_23 = arith.constant 0 : i32
      %dma_wait3A_24 = tpu.memref_slice %arg6[%dma_wait3A_22, %dma_wait3A_23] : memref<624x128xf32, #tpu.memory_space<hbm>> -> memref<624x128xf32, #tpu.memory_space<hbm>>
      tpu.wait_dma2 semaphore(%run_scoped3A : memref<!tpu.dma_semaphore, #tpu.memory_space<semaphore_mem>>) src(%dma_wait3A_24 : memref<624x128xf32, #tpu.memory_space<hbm>>) dst(%dma_wait3A_21 : memref<624x128xf32, #tpu.memory_space<vmem_shared>>)
      tpu.yield
    }) : () -> ()
    %eq3A = arith.constant 15 : i32
    %eq3A_1 = arith.cmpi eq, %arg1, %eq3A : i32
    %convert_element_type3A = arith.extui %eq3A_1 : i1 to i32
    %cond3A = arith.constant 0 : i32
    %cond3A_2 = arith.cmpi ne, %convert_element_type3A, %cond3A : i32
    scf.if %cond3A_2 {
      "tpu.region"() ({
        %run_scoped3A = tpu.sem_alloc : memref<!tpu.dma_semaphore, #tpu.memory_space<semaphore_mem>>
        %dma_start3A = arith.constant 9984 : i32
        %dma_start3A_17 = arith.constant 0 : i32
        %dma_start3A_18 = tpu.memref_slice %arg19[%dma_start3A, %dma_start3A_17] : memref<10016x128xf32, #tpu.memory_space<vmem_shared>> -> memref<32x128xf32, #tpu.memory_space<vmem_shared>>
        %dma_start3A_19 = arith.constant 0 : i32
        %dma_start3A_20 = arith.constant 0 : i32
        %dma_start3A_21 = tpu.memref_slice %arg6[%dma_start3A_19, %dma_start3A_20] : memref<624x128xf32, #tpu.memory_space<hbm>> -> memref<32x128xf32, #tpu.memory_space<hbm>>
        tpu.enqueue_dma source(%dma_start3A_21 : memref<32x128xf32, #tpu.memory_space<hbm>>) target(%dma_start3A_18 : memref<32x128xf32, #tpu.memory_space<vmem_shared>>) target_semaphore(%run_scoped3A : memref<!tpu.dma_semaphore, #tpu.memory_space<semaphore_mem>>)
        %dma_wait3A = arith.constant 9984 : i32
        %dma_wait3A_22 = arith.constant 0 : i32
        %dma_wait3A_23 = tpu.memref_slice %arg19[%dma_wait3A, %dma_wait3A_22] : memref<10016x128xf32, #tpu.memory_space<vmem_shared>> -> memref<32x128xf32, #tpu.memory_space<vmem_shared>>
        %dma_wait3A_24 = arith.constant 0 : i32
        %dma_wait3A_25 = arith.constant 0 : i32
        %dma_wait3A_26 = tpu.memref_slice %arg6[%dma_wait3A_24, %dma_wait3A_25] : memref<624x128xf32, #tpu.memory_space<hbm>> -> memref<32x128xf32, #tpu.memory_space<hbm>>
        tpu.wait_dma2 semaphore(%run_scoped3A : memref<!tpu.dma_semaphore, #tpu.memory_space<semaphore_mem>>) src(%dma_wait3A_26 : memref<32x128xf32, #tpu.memory_space<hbm>>) dst(%dma_wait3A_23 : memref<32x128xf32, #tpu.memory_space<vmem_shared>>)
        tpu.yield
      }) : () -> ()
    } else {
    }
    %barrier3A = arith.constant 0 : index
    tpu.barrier barrier_id(%barrier3A)
    %mul3A_3 = arith.constant 80 : i32
    %mul3A_4 = arith.muli %arg1, %mul3A_3 : i32
    %mul3A_5 = arith.constant 128 : i32
    %mul3A_6 = arith.muli %mul3A_4, %mul3A_5 : i32
    %eq3A_7 = arith.constant 0 : i32
    %eq3A_8 = arith.cmpi eq, %arg0, %eq3A_7 : i32
    %convert_element_type3A_9 = arith.extui %eq3A_8 : i1 to i32
    %cond3A_10 = arith.constant 0 : i32
    %cond3A_11 = arith.cmpi ne, %convert_element_type3A_9, %cond3A_10 : i32
    scf.if %cond3A_11 {
      %add3A = arith.constant 0 : i32
      %add3A_17 = arith.addi %mul3A_6, %add3A : i32
      %multiple_of3A_18 = tpu.assume_multiple %add3A_17, 128 : i32
      %dma_start3A = tpu.memref_slice %arg2[%multiple_of3A_18] : memref<163840xi32, #tpu.memory_space<hbm>> -> memref<128xi32, #tpu.memory_space<hbm>>
      %dma_start3A_19 = tpu.memref_slice %arg2[%multiple_of3A_18] : memref<163840xi32, #tpu.memory_space<hbm>> -> memref<128xi32, #tpu.memory_space<hbm>>
      tpu.enqueue_dma source(%dma_start3A_19 : memref<128xi32, #tpu.memory_space<hbm>>) target(%arg9 : memref<128xi32, #tpu.memory_space<vmem>>) target_semaphore(%arg22 : memref<!tpu.dma_semaphore, #tpu.memory_space<semaphore_mem>>)
      %dma_start3A_20 = tpu.memref_slice %arg3[%multiple_of3A_18] : memref<163840xi32, #tpu.memory_space<hbm>> -> memref<128xi32, #tpu.memory_space<hbm>>
      %dma_start3A_21 = tpu.memref_slice %arg3[%multiple_of3A_18] : memref<163840xi32, #tpu.memory_space<hbm>> -> memref<128xi32, #tpu.memory_space<hbm>>
      tpu.enqueue_dma source(%dma_start3A_21 : memref<128xi32, #tpu.memory_space<hbm>>) target(%arg10 : memref<128xi32, #tpu.memory_space<vmem>>) target_semaphore(%arg22 : memref<!tpu.dma_semaphore, #tpu.memory_space<semaphore_mem>>)
      %add3A_22 = arith.constant 128 : i32
      %add3A_23 = arith.addi %mul3A_6, %add3A_22 : i32
      %multiple_of3A_24 = tpu.assume_multiple %add3A_23, 128 : i32
      %dma_start3A_25 = tpu.memref_slice %arg2[%multiple_of3A_24] : memref<163840xi32, #tpu.memory_space<hbm>> -> memref<128xi32, #tpu.memory_space<hbm>>
      %dma_start3A_26 = tpu.memref_slice %arg2[%multiple_of3A_24] : memref<163840xi32, #tpu.memory_space<hbm>> -> memref<128xi32, #tpu.memory_space<hbm>>
      tpu.enqueue_dma source(%dma_start3A_26 : memref<128xi32, #tpu.memory_space<hbm>>) target(%arg11 : memref<128xi32, #tpu.memory_space<vmem>>) target_semaphore(%arg23 : memref<!tpu.dma_semaphore, #tpu.memory_space<semaphore_mem>>)
      %dma_start3A_27 = tpu.memref_slice %arg3[%multiple_of3A_24] : memref<163840xi32, #tpu.memory_space<hbm>> -> memref<128xi32, #tpu.memory_space<hbm>>
      %dma_start3A_28 = tpu.memref_slice %arg3[%multiple_of3A_24] : memref<163840xi32, #tpu.memory_space<hbm>> -> memref<128xi32, #tpu.memory_space<hbm>>
      tpu.enqueue_dma source(%dma_start3A_28 : memref<128xi32, #tpu.memory_space<hbm>>) target(%arg12 : memref<128xi32, #tpu.memory_space<vmem>>) target_semaphore(%arg23 : memref<!tpu.dma_semaphore, #tpu.memory_space<semaphore_mem>>)
      %add3A_29 = arith.constant 256 : i32
      %add3A_30 = arith.addi %mul3A_6, %add3A_29 : i32
      %multiple_of3A_31 = tpu.assume_multiple %add3A_30, 128 : i32
      %dma_start3A_32 = tpu.memref_slice %arg2[%multiple_of3A_31] : memref<163840xi32, #tpu.memory_space<hbm>> -> memref<128xi32, #tpu.memory_space<hbm>>
      %dma_start3A_33 = tpu.memref_slice %arg2[%multiple_of3A_31] : memref<163840xi32, #tpu.memory_space<hbm>> -> memref<128xi32, #tpu.memory_space<hbm>>
      tpu.enqueue_dma source(%dma_start3A_33 : memref<128xi32, #tpu.memory_space<hbm>>) target(%arg13 : memref<128xi32, #tpu.memory_space<vmem>>) target_semaphore(%arg24 : memref<!tpu.dma_semaphore, #tpu.memory_space<semaphore_mem>>)
      %dma_start3A_34 = tpu.memref_slice %arg3[%multiple_of3A_31] : memref<163840xi32, #tpu.memory_space<hbm>> -> memref<128xi32, #tpu.memory_space<hbm>>
      %dma_start3A_35 = tpu.memref_slice %arg3[%multiple_of3A_31] : memref<163840xi32, #tpu.memory_space<hbm>> -> memref<128xi32, #tpu.memory_space<hbm>>
      tpu.enqueue_dma source(%dma_start3A_35 : memref<128xi32, #tpu.memory_space<hbm>>) target(%arg14 : memref<128xi32, #tpu.memory_space<vmem>>) target_semaphore(%arg24 : memref<!tpu.dma_semaphore, #tpu.memory_space<semaphore_mem>>)
      %add3A_36 = arith.constant 0 : i32
      %add3A_37 = arith.addi %mul3A_6, %add3A_36 : i32
      %multiple_of3A_38 = tpu.assume_multiple %add3A_37, 128 : i32
      %dma_wait3A = tpu.memref_slice %arg2[%multiple_of3A_38] : memref<163840xi32, #tpu.memory_space<hbm>> -> memref<128xi32, #tpu.memory_space<hbm>>
      %dma_wait3A_39 = tpu.memref_slice %arg2[%multiple_of3A_38] : memref<163840xi32, #tpu.memory_space<hbm>> -> memref<128xi32, #tpu.memory_space<hbm>>
      tpu.wait_dma2 semaphore(%arg22 : memref<!tpu.dma_semaphore, #tpu.memory_space<semaphore_mem>>) src(%dma_wait3A_39 : memref<128xi32, #tpu.memory_space<hbm>>) dst(%arg9 : memref<128xi32, #tpu.memory_space<vmem>>)
      %dma_wait3A_40 = tpu.memref_slice %arg3[%multiple_of3A_38] : memref<163840xi32, #tpu.memory_space<hbm>> -> memref<128xi32, #tpu.memory_space<hbm>>
      %dma_wait3A_41 = tpu.memref_slice %arg3[%multiple_of3A_38] : memref<163840xi32, #tpu.memory_space<hbm>> -> memref<128xi32, #tpu.memory_space<hbm>>
      tpu.wait_dma2 semaphore(%arg22 : memref<!tpu.dma_semaphore, #tpu.memory_space<semaphore_mem>>) src(%dma_wait3A_41 : memref<128xi32, #tpu.memory_space<hbm>>) dst(%arg10 : memref<128xi32, #tpu.memory_space<vmem>>)
      %dma_start3A_42 = arith.constant 0 : i32
      %dma_start3A_43 = arith.constant 0 : i32
      %dma_start3A_44 = tpu.memref_slice %arg4[%dma_start3A_42, %dma_start3A_43] : memref<10000x128xf32, #tpu.memory_space<hbm>> -> memref<10000x128xf32, #tpu.memory_space<hbm>>
      tpu.enqueue_indirect_dma source(%dma_start3A_44 : memref<10000x128xf32, #tpu.memory_space<hbm>>) target(%arg17 : memref<128x128xf32, #tpu.memory_space<vmem>>) offsets(%arg9 : memref<128xi32, #tpu.memory_space<vmem>>) semaphore(%arg20 : memref<!tpu.dma_semaphore, #tpu.memory_space<semaphore_mem>>)
      %scan3A = arith.constant 0 : i32
      %scan3A_45 = arith.constant 20 : i32
      %scan3A_46 = arith.addi %scan3A, %scan3A_45 : i32
      %scan3A_47 = arith.constant 1 : i32
      scf.for %scan3A_64 = %scan3A to %scan3A_46 step %scan3A_47  : i32 {
        %mul3A_65 = arith.constant 4 : i32
        %mul3A_66 = arith.muli %scan3A_64, %mul3A_65 : i32
        %add3A_67 = arith.constant 0 : i32
        %add3A_68 = arith.addi %add3A_67, %mul3A_66 : i32
        %add3A_69 = arith.constant 0 : i32
        %add3A_70 = arith.addi %add3A_68, %add3A_69 : i32
        %dma_wait3A_71 = arith.constant 0 : i32
        %dma_wait3A_72 = arith.constant 0 : i32
        %dma_wait3A_73 = tpu.memref_slice %arg4[%dma_wait3A_71, %dma_wait3A_72] : memref<10000x128xf32, #tpu.memory_space<hbm>> -> memref<10000x128xf32, #tpu.memory_space<hbm>>
        tpu.wait_indirect_dma semaphore(%arg20 : memref<!tpu.dma_semaphore, #tpu.memory_space<semaphore_mem>>) src(%dma_wait3A_73 : memref<10000x128xf32, #tpu.memory_space<hbm>>) dst(%arg17 : memref<128x128xf32, #tpu.memory_space<vmem>>)
        %dma_start3A_74 = arith.constant 0 : i32
        %dma_start3A_75 = arith.constant 0 : i32
        %dma_start3A_76 = tpu.memref_slice %arg19[%dma_start3A_74, %dma_start3A_75] : memref<10016x128xf32, #tpu.memory_space<vmem_shared>> -> memref<10016x128xf32, #tpu.memory_space<vmem_shared>>
        tpu.enqueue_indirect_dma source(%arg17 : memref<128x128xf32, #tpu.memory_space<vmem>>) target(%dma_start3A_76 : memref<10016x128xf32, #tpu.memory_space<vmem_shared>>) offsets(%arg10 : memref<128xi32, #tpu.memory_space<vmem>>) semaphore(%arg26 : memref<!tpu.dma_semaphore, #tpu.memory_space<semaphore_mem>>) {add = true}
        %ge3A = arith.constant 1 : i32
        %ge3A_77 = arith.cmpi sge, %add3A_70, %ge3A : i32
        %add3A_78 = arith.constant 1 : i32
        %add3A_79 = arith.addi %add3A_70, %add3A_78 : i32
        %lt3A = arith.constant 80 : i32
        %lt3A_80 = arith.cmpi slt, %add3A_79, %lt3A : i32
        %and3A = arith.andi %ge3A_77, %lt3A_80 : i1
        %convert_element_type3A_81 = arith.extui %and3A : i1 to i32
        %cond3A_82 = arith.constant 0 : i32
        %cond3A_83 = arith.cmpi ne, %convert_element_type3A_81, %cond3A_82 : i32
        scf.if %cond3A_83 {
          %dma_wait3A_194 = arith.constant 0 : i32
          %dma_wait3A_195 = arith.constant 0 : i32
          %dma_wait3A_196 = tpu.memref_slice %arg19[%dma_wait3A_194, %dma_wait3A_195] : memref<10016x128xf32, #tpu.memory_space<vmem_shared>> -> memref<10016x128xf32, #tpu.memory_space<vmem_shared>>
          tpu.wait_indirect_dma semaphore(%arg27 : memref<!tpu.dma_semaphore, #tpu.memory_space<semaphore_mem>>) src(%arg18 : memref<128x128xf32, #tpu.memory_space<vmem>>) dst(%dma_wait3A_196 : memref<10016x128xf32, #tpu.memory_space<vmem_shared>>)
        } else {
        }
        %add3A_84 = arith.constant 3 : i32
        %add3A_85 = arith.addi %add3A_70, %add3A_84 : i32
        %lt3A_86 = arith.constant 80 : i32
        %lt3A_87 = arith.cmpi slt, %add3A_85, %lt3A_86 : i32
        %convert_element_type3A_88 = arith.extui %lt3A_87 : i1 to i32
        %cond3A_89 = arith.constant 0 : i32
        %cond3A_90 = arith.cmpi ne, %convert_element_type3A_88, %cond3A_89 : i32
        scf.if %cond3A_90 {
          %add3A_194 = arith.constant 3 : i32
          %add3A_195 = arith.addi %add3A_70, %add3A_194 : i32
          %mul3A_196 = arith.constant 128 : i32
          %mul3A_197 = arith.muli %add3A_195, %mul3A_196 : i32
          %add3A_198 = arith.addi %mul3A_6, %mul3A_197 : i32
          %multiple_of3A_199 = tpu.assume_multiple %add3A_198, 128 : i32
          %dma_start3A_200 = tpu.memref_slice %arg2[%multiple_of3A_199] : memref<163840xi32, #tpu.memory_space<hbm>> -> memref<128xi32, #tpu.memory_space<hbm>>
          %dma_start3A_201 = tpu.memref_slice %arg2[%multiple_of3A_199] : memref<163840xi32, #tpu.memory_space<hbm>> -> memref<128xi32, #tpu.memory_space<hbm>>
          tpu.enqueue_dma source(%dma_start3A_201 : memref<128xi32, #tpu.memory_space<hbm>>) target(%arg15 : memref<128xi32, #tpu.memory_space<vmem>>) target_semaphore(%arg25 : memref<!tpu.dma_semaphore, #tpu.memory_space<semaphore_mem>>)
          %dma_start3A_202 = tpu.memref_slice %arg3[%multiple_of3A_199] : memref<163840xi32, #tpu.memory_space<hbm>> -> memref<128xi32, #tpu.memory_space<hbm>>
          %dma_start3A_203 = tpu.memref_slice %arg3[%multiple_of3A_199] : memref<163840xi32, #tpu.memory_space<hbm>> -> memref<128xi32, #tpu.memory_space<hbm>>
          tpu.enqueue_dma source(%dma_start3A_203 : memref<128xi32, #tpu.memory_space<hbm>>) target(%arg16 : memref<128xi32, #tpu.memory_space<vmem>>) target_semaphore(%arg25 : memref<!tpu.dma_semaphore, #tpu.memory_space<semaphore_mem>>)
        } else {
        }
        %add3A_91 = arith.constant 1 : i32
        %add3A_92 = arith.addi %add3A_70, %add3A_91 : i32
        %lt3A_93 = arith.constant 80 : i32
        %lt3A_94 = arith.cmpi slt, %add3A_92, %lt3A_93 : i32
        %convert_element_type3A_95 = arith.extui %lt3A_94 : i1 to i32
        %cond3A_96 = arith.constant 0 : i32
        %cond3A_97 = arith.cmpi ne, %convert_element_type3A_95, %cond3A_96 : i32
        scf.if %cond3A_97 {
          %add3A_194 = arith.constant 1 : i32
          %add3A_195 = arith.addi %add3A_70, %add3A_194 : i32
          %mul3A_196 = arith.constant 128 : i32
          %mul3A_197 = arith.muli %add3A_195, %mul3A_196 : i32
          %add3A_198 = arith.addi %mul3A_6, %mul3A_197 : i32
          %multiple_of3A_199 = tpu.assume_multiple %add3A_198, 128 : i32
          %dma_wait3A_200 = tpu.memref_slice %arg2[%multiple_of3A_199] : memref<163840xi32, #tpu.memory_space<hbm>> -> memref<128xi32, #tpu.memory_space<hbm>>
          %dma_wait3A_201 = tpu.memref_slice %arg2[%multiple_of3A_199] : memref<163840xi32, #tpu.memory_space<hbm>> -> memref<128xi32, #tpu.memory_space<hbm>>
          tpu.wait_dma2 semaphore(%arg23 : memref<!tpu.dma_semaphore, #tpu.memory_space<semaphore_mem>>) src(%dma_wait3A_201 : memref<128xi32, #tpu.memory_space<hbm>>) dst(%arg11 : memref<128xi32, #tpu.memory_space<vmem>>)
          %dma_wait3A_202 = tpu.memref_slice %arg3[%multiple_of3A_199] : memref<163840xi32, #tpu.memory_space<hbm>> -> memref<128xi32, #tpu.memory_space<hbm>>
          %dma_wait3A_203 = tpu.memref_slice %arg3[%multiple_of3A_199] : memref<163840xi32, #tpu.memory_space<hbm>> -> memref<128xi32, #tpu.memory_space<hbm>>
          tpu.wait_dma2 semaphore(%arg23 : memref<!tpu.dma_semaphore, #tpu.memory_space<semaphore_mem>>) src(%dma_wait3A_203 : memref<128xi32, #tpu.memory_space<hbm>>) dst(%arg12 : memref<128xi32, #tpu.memory_space<vmem>>)
          %dma_start3A_204 = arith.constant 0 : i32
          %dma_start3A_205 = arith.constant 0 : i32
          %dma_start3A_206 = tpu.memref_slice %arg4[%dma_start3A_204, %dma_start3A_205] : memref<10000x128xf32, #tpu.memory_space<hbm>> -> memref<10000x128xf32, #tpu.memory_space<hbm>>
          tpu.enqueue_indirect_dma source(%dma_start3A_206 : memref<10000x128xf32, #tpu.memory_space<hbm>>) target(%arg18 : memref<128x128xf32, #tpu.memory_space<vmem>>) offsets(%arg11 : memref<128xi32, #tpu.memory_space<vmem>>) semaphore(%arg21 : memref<!tpu.dma_semaphore, #tpu.memory_space<semaphore_mem>>)
        } else {
        }
        %add3A_98 = arith.constant 1 : i32
        %add3A_99 = arith.addi %add3A_68, %add3A_98 : i32
        %dma_wait3A_100 = arith.constant 0 : i32
        %dma_wait3A_101 = arith.constant 0 : i32
        %dma_wait3A_102 = tpu.memref_slice %arg4[%dma_wait3A_100, %dma_wait3A_101] : memref<10000x128xf32, #tpu.memory_space<hbm>> -> memref<10000x128xf32, #tpu.memory_space<hbm>>
        tpu.wait_indirect_dma semaphore(%arg21 : memref<!tpu.dma_semaphore, #tpu.memory_space<semaphore_mem>>) src(%dma_wait3A_102 : memref<10000x128xf32, #tpu.memory_space<hbm>>) dst(%arg18 : memref<128x128xf32, #tpu.memory_space<vmem>>)
        %dma_start3A_103 = arith.constant 0 : i32
        %dma_start3A_104 = arith.constant 0 : i32
        %dma_start3A_105 = tpu.memref_slice %arg19[%dma_start3A_103, %dma_start3A_104] : memref<10016x128xf32, #tpu.memory_space<vmem_shared>> -> memref<10016x128xf32, #tpu.memory_space<vmem_shared>>
        tpu.enqueue_indirect_dma source(%arg18 : memref<128x128xf32, #tpu.memory_space<vmem>>) target(%dma_start3A_105 : memref<10016x128xf32, #tpu.memory_space<vmem_shared>>) offsets(%arg12 : memref<128xi32, #tpu.memory_space<vmem>>) semaphore(%arg27 : memref<!tpu.dma_semaphore, #tpu.memory_space<semaphore_mem>>) {add = true}
        %ge3A_106 = arith.constant 1 : i32
        %ge3A_107 = arith.cmpi sge, %add3A_99, %ge3A_106 : i32
        %add3A_108 = arith.constant 1 : i32
        %add3A_109 = arith.addi %add3A_99, %add3A_108 : i32
        %lt3A_110 = arith.constant 80 : i32
        %lt3A_111 = arith.cmpi slt, %add3A_109, %lt3A_110 : i32
        %and3A_112 = arith.andi %ge3A_107, %lt3A_111 : i1
        %convert_element_type3A_113 = arith.extui %and3A_112 : i1 to i32
        %cond3A_114 = arith.constant 0 : i32
        %cond3A_115 = arith.cmpi ne, %convert_element_type3A_113, %cond3A_114 : i32
        scf.if %cond3A_115 {
          %dma_wait3A_194 = arith.constant 0 : i32
          %dma_wait3A_195 = arith.constant 0 : i32
          %dma_wait3A_196 = tpu.memref_slice %arg19[%dma_wait3A_194, %dma_wait3A_195] : memref<10016x128xf32, #tpu.memory_space<vmem_shared>> -> memref<10016x128xf32, #tpu.memory_space<vmem_shared>>
          tpu.wait_indirect_dma semaphore(%arg26 : memref<!tpu.dma_semaphore, #tpu.memory_space<semaphore_mem>>) src(%arg17 : memref<128x128xf32, #tpu.memory_space<vmem>>) dst(%dma_wait3A_196 : memref<10016x128xf32, #tpu.memory_space<vmem_shared>>)
        } else {
        }
        %add3A_116 = arith.constant 3 : i32
        %add3A_117 = arith.addi %add3A_99, %add3A_116 : i32
        %lt3A_118 = arith.constant 80 : i32
        %lt3A_119 = arith.cmpi slt, %add3A_117, %lt3A_118 : i32
        %convert_element_type3A_120 = arith.extui %lt3A_119 : i1 to i32
        %cond3A_121 = arith.constant 0 : i32
        %cond3A_122 = arith.cmpi ne, %convert_element_type3A_120, %cond3A_121 : i32
        scf.if %cond3A_122 {
          %add3A_194 = arith.constant 3 : i32
          %add3A_195 = arith.addi %add3A_99, %add3A_194 : i32
          %mul3A_196 = arith.constant 128 : i32
          %mul3A_197 = arith.muli %add3A_195, %mul3A_196 : i32
          %add3A_198 = arith.addi %mul3A_6, %mul3A_197 : i32
          %multiple_of3A_199 = tpu.assume_multiple %add3A_198, 128 : i32
          %dma_start3A_200 = tpu.memref_slice %arg2[%multiple_of3A_199] : memref<163840xi32, #tpu.memory_space<hbm>> -> memref<128xi32, #tpu.memory_space<hbm>>
          %dma_start3A_201 = tpu.memref_slice %arg2[%multiple_of3A_199] : memref<163840xi32, #tpu.memory_space<hbm>> -> memref<128xi32, #tpu.memory_space<hbm>>
          tpu.enqueue_dma source(%dma_start3A_201 : memref<128xi32, #tpu.memory_space<hbm>>) target(%arg9 : memref<128xi32, #tpu.memory_space<vmem>>) target_semaphore(%arg22 : memref<!tpu.dma_semaphore, #tpu.memory_space<semaphore_mem>>)
          %dma_start3A_202 = tpu.memref_slice %arg3[%multiple_of3A_199] : memref<163840xi32, #tpu.memory_space<hbm>> -> memref<128xi32, #tpu.memory_space<hbm>>
          %dma_start3A_203 = tpu.memref_slice %arg3[%multiple_of3A_199] : memref<163840xi32, #tpu.memory_space<hbm>> -> memref<128xi32, #tpu.memory_space<hbm>>
          tpu.enqueue_dma source(%dma_start3A_203 : memref<128xi32, #tpu.memory_space<hbm>>) target(%arg10 : memref<128xi32, #tpu.memory_space<vmem>>) target_semaphore(%arg22 : memref<!tpu.dma_semaphore, #tpu.memory_space<semaphore_mem>>)
        } else {
        }
        %add3A_123 = arith.constant 1 : i32
        %add3A_124 = arith.addi %add3A_99, %add3A_123 : i32
        %lt3A_125 = arith.constant 80 : i32
        %lt3A_126 = arith.cmpi slt, %add3A_124, %lt3A_125 : i32
        %convert_element_type3A_127 = arith.extui %lt3A_126 : i1 to i32
        %cond3A_128 = arith.constant 0 : i32
        %cond3A_129 = arith.cmpi ne, %convert_element_type3A_127, %cond3A_128 : i32
        scf.if %cond3A_129 {
          %add3A_194 = arith.constant 1 : i32
          %add3A_195 = arith.addi %add3A_99, %add3A_194 : i32
          %mul3A_196 = arith.constant 128 : i32
          %mul3A_197 = arith.muli %add3A_195, %mul3A_196 : i32
          %add3A_198 = arith.addi %mul3A_6, %mul3A_197 : i32
          %multiple_of3A_199 = tpu.assume_multiple %add3A_198, 128 : i32
          %dma_wait3A_200 = tpu.memref_slice %arg2[%multiple_of3A_199] : memref<163840xi32, #tpu.memory_space<hbm>> -> memref<128xi32, #tpu.memory_space<hbm>>
          %dma_wait3A_201 = tpu.memref_slice %arg2[%multiple_of3A_199] : memref<163840xi32, #tpu.memory_space<hbm>> -> memref<128xi32, #tpu.memory_space<hbm>>
          tpu.wait_dma2 semaphore(%arg24 : memref<!tpu.dma_semaphore, #tpu.memory_space<semaphore_mem>>) src(%dma_wait3A_201 : memref<128xi32, #tpu.memory_space<hbm>>) dst(%arg13 : memref<128xi32, #tpu.memory_space<vmem>>)
          %dma_wait3A_202 = tpu.memref_slice %arg3[%multiple_of3A_199] : memref<163840xi32, #tpu.memory_space<hbm>> -> memref<128xi32, #tpu.memory_space<hbm>>
          %dma_wait3A_203 = tpu.memref_slice %arg3[%multiple_of3A_199] : memref<163840xi32, #tpu.memory_space<hbm>> -> memref<128xi32, #tpu.memory_space<hbm>>
          tpu.wait_dma2 semaphore(%arg24 : memref<!tpu.dma_semaphore, #tpu.memory_space<semaphore_mem>>) src(%dma_wait3A_203 : memref<128xi32, #tpu.memory_space<hbm>>) dst(%arg14 : memref<128xi32, #tpu.memory_space<vmem>>)
          %dma_start3A_204 = arith.constant 0 : i32
          %dma_start3A_205 = arith.constant 0 : i32
          %dma_start3A_206 = tpu.memref_slice %arg4[%dma_start3A_204, %dma_start3A_205] : memref<10000x128xf32, #tpu.memory_space<hbm>> -> memref<10000x128xf32, #tpu.memory_space<hbm>>
          tpu.enqueue_indirect_dma source(%dma_start3A_206 : memref<10000x128xf32, #tpu.memory_space<hbm>>) target(%arg17 : memref<128x128xf32, #tpu.memory_space<vmem>>) offsets(%arg13 : memref<128xi32, #tpu.memory_space<vmem>>) semaphore(%arg20 : memref<!tpu.dma_semaphore, #tpu.memory_space<semaphore_mem>>)
        } else {
        }
        %add3A_130 = arith.constant 2 : i32
        %add3A_131 = arith.addi %add3A_68, %add3A_130 : i32
        %dma_wait3A_132 = arith.constant 0 : i32
        %dma_wait3A_133 = arith.constant 0 : i32
        %dma_wait3A_134 = tpu.memref_slice %arg4[%dma_wait3A_132, %dma_wait3A_133] : memref<10000x128xf32, #tpu.memory_space<hbm>> -> memref<10000x128xf32, #tpu.memory_space<hbm>>
        tpu.wait_indirect_dma semaphore(%arg20 : memref<!tpu.dma_semaphore, #tpu.memory_space<semaphore_mem>>) src(%dma_wait3A_134 : memref<10000x128xf32, #tpu.memory_space<hbm>>) dst(%arg17 : memref<128x128xf32, #tpu.memory_space<vmem>>)
        %dma_start3A_135 = arith.constant 0 : i32
        %dma_start3A_136 = arith.constant 0 : i32
        %dma_start3A_137 = tpu.memref_slice %arg19[%dma_start3A_135, %dma_start3A_136] : memref<10016x128xf32, #tpu.memory_space<vmem_shared>> -> memref<10016x128xf32, #tpu.memory_space<vmem_shared>>
        tpu.enqueue_indirect_dma source(%arg17 : memref<128x128xf32, #tpu.memory_space<vmem>>) target(%dma_start3A_137 : memref<10016x128xf32, #tpu.memory_space<vmem_shared>>) offsets(%arg14 : memref<128xi32, #tpu.memory_space<vmem>>) semaphore(%arg26 : memref<!tpu.dma_semaphore, #tpu.memory_space<semaphore_mem>>) {add = true}
        %ge3A_138 = arith.constant 1 : i32
        %ge3A_139 = arith.cmpi sge, %add3A_131, %ge3A_138 : i32
        %add3A_140 = arith.constant 1 : i32
        %add3A_141 = arith.addi %add3A_131, %add3A_140 : i32
        %lt3A_142 = arith.constant 80 : i32
        %lt3A_143 = arith.cmpi slt, %add3A_141, %lt3A_142 : i32
        %and3A_144 = arith.andi %ge3A_139, %lt3A_143 : i1
        %convert_element_type3A_145 = arith.extui %and3A_144 : i1 to i32
        %cond3A_146 = arith.constant 0 : i32
        %cond3A_147 = arith.cmpi ne, %convert_element_type3A_145, %cond3A_146 : i32
        scf.if %cond3A_147 {
          %dma_wait3A_194 = arith.constant 0 : i32
          %dma_wait3A_195 = arith.constant 0 : i32
          %dma_wait3A_196 = tpu.memref_slice %arg19[%dma_wait3A_194, %dma_wait3A_195] : memref<10016x128xf32, #tpu.memory_space<vmem_shared>> -> memref<10016x128xf32, #tpu.memory_space<vmem_shared>>
          tpu.wait_indirect_dma semaphore(%arg27 : memref<!tpu.dma_semaphore, #tpu.memory_space<semaphore_mem>>) src(%arg18 : memref<128x128xf32, #tpu.memory_space<vmem>>) dst(%dma_wait3A_196 : memref<10016x128xf32, #tpu.memory_space<vmem_shared>>)
        } else {
        }
        %add3A_148 = arith.constant 3 : i32
        %add3A_149 = arith.addi %add3A_131, %add3A_148 : i32
        %lt3A_150 = arith.constant 80 : i32
        %lt3A_151 = arith.cmpi slt, %add3A_149, %lt3A_150 : i32
        %convert_element_type3A_152 = arith.extui %lt3A_151 : i1 to i32
        %cond3A_153 = arith.constant 0 : i32
        %cond3A_154 = arith.cmpi ne, %convert_element_type3A_152, %cond3A_153 : i32
        scf.if %cond3A_154 {
          %add3A_194 = arith.constant 3 : i32
          %add3A_195 = arith.addi %add3A_131, %add3A_194 : i32
          %mul3A_196 = arith.constant 128 : i32
          %mul3A_197 = arith.muli %add3A_195, %mul3A_196 : i32
          %add3A_198 = arith.addi %mul3A_6, %mul3A_197 : i32
          %multiple_of3A_199 = tpu.assume_multiple %add3A_198, 128 : i32
          %dma_start3A_200 = tpu.memref_slice %arg2[%multiple_of3A_199] : memref<163840xi32, #tpu.memory_space<hbm>> -> memref<128xi32, #tpu.memory_space<hbm>>
          %dma_start3A_201 = tpu.memref_slice %arg2[%multiple_of3A_199] : memref<163840xi32, #tpu.memory_space<hbm>> -> memref<128xi32, #tpu.memory_space<hbm>>
          tpu.enqueue_dma source(%dma_start3A_201 : memref<128xi32, #tpu.memory_space<hbm>>) target(%arg11 : memref<128xi32, #tpu.memory_space<vmem>>) target_semaphore(%arg23 : memref<!tpu.dma_semaphore, #tpu.memory_space<semaphore_mem>>)
          %dma_start3A_202 = tpu.memref_slice %arg3[%multiple_of3A_199] : memref<163840xi32, #tpu.memory_space<hbm>> -> memref<128xi32, #tpu.memory_space<hbm>>
          %dma_start3A_203 = tpu.memref_slice %arg3[%multiple_of3A_199] : memref<163840xi32, #tpu.memory_space<hbm>> -> memref<128xi32, #tpu.memory_space<hbm>>
          tpu.enqueue_dma source(%dma_start3A_203 : memref<128xi32, #tpu.memory_space<hbm>>) target(%arg12 : memref<128xi32, #tpu.memory_space<vmem>>) target_semaphore(%arg23 : memref<!tpu.dma_semaphore, #tpu.memory_space<semaphore_mem>>)
        } else {
        }
        %add3A_155 = arith.constant 1 : i32
        %add3A_156 = arith.addi %add3A_131, %add3A_155 : i32
        %lt3A_157 = arith.constant 80 : i32
        %lt3A_158 = arith.cmpi slt, %add3A_156, %lt3A_157 : i32
        %convert_element_type3A_159 = arith.extui %lt3A_158 : i1 to i32
        %cond3A_160 = arith.constant 0 : i32
        %cond3A_161 = arith.cmpi ne, %convert_element_type3A_159, %cond3A_160 : i32
        scf.if %cond3A_161 {
          %add3A_194 = arith.constant 1 : i32
          %add3A_195 = arith.addi %add3A_131, %add3A_194 : i32
          %mul3A_196 = arith.constant 128 : i32
          %mul3A_197 = arith.muli %add3A_195, %mul3A_196 : i32
          %add3A_198 = arith.addi %mul3A_6, %mul3A_197 : i32
          %multiple_of3A_199 = tpu.assume_multiple %add3A_198, 128 : i32
          %dma_wait3A_200 = tpu.memref_slice %arg2[%multiple_of3A_199] : memref<163840xi32, #tpu.memory_space<hbm>> -> memref<128xi32, #tpu.memory_space<hbm>>
          %dma_wait3A_201 = tpu.memref_slice %arg2[%multiple_of3A_199] : memref<163840xi32, #tpu.memory_space<hbm>> -> memref<128xi32, #tpu.memory_space<hbm>>
          tpu.wait_dma2 semaphore(%arg25 : memref<!tpu.dma_semaphore, #tpu.memory_space<semaphore_mem>>) src(%dma_wait3A_201 : memref<128xi32, #tpu.memory_space<hbm>>) dst(%arg15 : memref<128xi32, #tpu.memory_space<vmem>>)
          %dma_wait3A_202 = tpu.memref_slice %arg3[%multiple_of3A_199] : memref<163840xi32, #tpu.memory_space<hbm>> -> memref<128xi32, #tpu.memory_space<hbm>>
          %dma_wait3A_203 = tpu.memref_slice %arg3[%multiple_of3A_199] : memref<163840xi32, #tpu.memory_space<hbm>> -> memref<128xi32, #tpu.memory_space<hbm>>
          tpu.wait_dma2 semaphore(%arg25 : memref<!tpu.dma_semaphore, #tpu.memory_space<semaphore_mem>>) src(%dma_wait3A_203 : memref<128xi32, #tpu.memory_space<hbm>>) dst(%arg16 : memref<128xi32, #tpu.memory_space<vmem>>)
          %dma_start3A_204 = arith.constant 0 : i32
          %dma_start3A_205 = arith.constant 0 : i32
          %dma_start3A_206 = tpu.memref_slice %arg4[%dma_start3A_204, %dma_start3A_205] : memref<10000x128xf32, #tpu.memory_space<hbm>> -> memref<10000x128xf32, #tpu.memory_space<hbm>>
          tpu.enqueue_indirect_dma source(%dma_start3A_206 : memref<10000x128xf32, #tpu.memory_space<hbm>>) target(%arg18 : memref<128x128xf32, #tpu.memory_space<vmem>>) offsets(%arg15 : memref<128xi32, #tpu.memory_space<vmem>>) semaphore(%arg21 : memref<!tpu.dma_semaphore, #tpu.memory_space<semaphore_mem>>)
        } else {
        }
        %add3A_162 = arith.constant 3 : i32
        %add3A_163 = arith.addi %add3A_68, %add3A_162 : i32
        %dma_wait3A_164 = arith.constant 0 : i32
        %dma_wait3A_165 = arith.constant 0 : i32
        %dma_wait3A_166 = tpu.memref_slice %arg4[%dma_wait3A_164, %dma_wait3A_165] : memref<10000x128xf32, #tpu.memory_space<hbm>> -> memref<10000x128xf32, #tpu.memory_space<hbm>>
        tpu.wait_indirect_dma semaphore(%arg21 : memref<!tpu.dma_semaphore, #tpu.memory_space<semaphore_mem>>) src(%dma_wait3A_166 : memref<10000x128xf32, #tpu.memory_space<hbm>>) dst(%arg18 : memref<128x128xf32, #tpu.memory_space<vmem>>)
        %dma_start3A_167 = arith.constant 0 : i32
        %dma_start3A_168 = arith.constant 0 : i32
        %dma_start3A_169 = tpu.memref_slice %arg19[%dma_start3A_167, %dma_start3A_168] : memref<10016x128xf32, #tpu.memory_space<vmem_shared>> -> memref<10016x128xf32, #tpu.memory_space<vmem_shared>>
        tpu.enqueue_indirect_dma source(%arg18 : memref<128x128xf32, #tpu.memory_space<vmem>>) target(%dma_start3A_169 : memref<10016x128xf32, #tpu.memory_space<vmem_shared>>) offsets(%arg16 : memref<128xi32, #tpu.memory_space<vmem>>) semaphore(%arg27 : memref<!tpu.dma_semaphore, #tpu.memory_space<semaphore_mem>>) {add = true}
        %ge3A_170 = arith.constant 1 : i32
        %ge3A_171 = arith.cmpi sge, %add3A_163, %ge3A_170 : i32
        %add3A_172 = arith.constant 1 : i32
        %add3A_173 = arith.addi %add3A_163, %add3A_172 : i32
        %lt3A_174 = arith.constant 80 : i32
        %lt3A_175 = arith.cmpi slt, %add3A_173, %lt3A_174 : i32
        %and3A_176 = arith.andi %ge3A_171, %lt3A_175 : i1
        %convert_element_type3A_177 = arith.extui %and3A_176 : i1 to i32
        %cond3A_178 = arith.constant 0 : i32
        %cond3A_179 = arith.cmpi ne, %convert_element_type3A_177, %cond3A_178 : i32
        scf.if %cond3A_179 {
          %dma_wait3A_194 = arith.constant 0 : i32
          %dma_wait3A_195 = arith.constant 0 : i32
          %dma_wait3A_196 = tpu.memref_slice %arg19[%dma_wait3A_194, %dma_wait3A_195] : memref<10016x128xf32, #tpu.memory_space<vmem_shared>> -> memref<10016x128xf32, #tpu.memory_space<vmem_shared>>
          tpu.wait_indirect_dma semaphore(%arg26 : memref<!tpu.dma_semaphore, #tpu.memory_space<semaphore_mem>>) src(%arg17 : memref<128x128xf32, #tpu.memory_space<vmem>>) dst(%dma_wait3A_196 : memref<10016x128xf32, #tpu.memory_space<vmem_shared>>)
        } else {
        }
        %add3A_180 = arith.constant 3 : i32
        %add3A_181 = arith.addi %add3A_163, %add3A_180 : i32
        %lt3A_182 = arith.constant 80 : i32
        %lt3A_183 = arith.cmpi slt, %add3A_181, %lt3A_182 : i32
        %convert_element_type3A_184 = arith.extui %lt3A_183 : i1 to i32
        %cond3A_185 = arith.constant 0 : i32
        %cond3A_186 = arith.cmpi ne, %convert_element_type3A_184, %cond3A_185 : i32
        scf.if %cond3A_186 {
          %add3A_194 = arith.constant 3 : i32
          %add3A_195 = arith.addi %add3A_163, %add3A_194 : i32
          %mul3A_196 = arith.constant 128 : i32
          %mul3A_197 = arith.muli %add3A_195, %mul3A_196 : i32
          %add3A_198 = arith.addi %mul3A_6, %mul3A_197 : i32
          %multiple_of3A_199 = tpu.assume_multiple %add3A_198, 128 : i32
          %dma_start3A_200 = tpu.memref_slice %arg2[%multiple_of3A_199] : memref<163840xi32, #tpu.memory_space<hbm>> -> memref<128xi32, #tpu.memory_space<hbm>>
          %dma_start3A_201 = tpu.memref_slice %arg2[%multiple_of3A_199] : memref<163840xi32, #tpu.memory_space<hbm>> -> memref<128xi32, #tpu.memory_space<hbm>>
          tpu.enqueue_dma source(%dma_start3A_201 : memref<128xi32, #tpu.memory_space<hbm>>) target(%arg13 : memref<128xi32, #tpu.memory_space<vmem>>) target_semaphore(%arg24 : memref<!tpu.dma_semaphore, #tpu.memory_space<semaphore_mem>>)
          %dma_start3A_202 = tpu.memref_slice %arg3[%multiple_of3A_199] : memref<163840xi32, #tpu.memory_space<hbm>> -> memref<128xi32, #tpu.memory_space<hbm>>
          %dma_start3A_203 = tpu.memref_slice %arg3[%multiple_of3A_199] : memref<163840xi32, #tpu.memory_space<hbm>> -> memref<128xi32, #tpu.memory_space<hbm>>
          tpu.enqueue_dma source(%dma_start3A_203 : memref<128xi32, #tpu.memory_space<hbm>>) target(%arg14 : memref<128xi32, #tpu.memory_space<vmem>>) target_semaphore(%arg24 : memref<!tpu.dma_semaphore, #tpu.memory_space<semaphore_mem>>)
        } else {
        }
        %add3A_187 = arith.constant 1 : i32
        %add3A_188 = arith.addi %add3A_163, %add3A_187 : i32
        %lt3A_189 = arith.constant 80 : i32
        %lt3A_190 = arith.cmpi slt, %add3A_188, %lt3A_189 : i32
        %convert_element_type3A_191 = arith.extui %lt3A_190 : i1 to i32
        %cond3A_192 = arith.constant 0 : i32
        %cond3A_193 = arith.cmpi ne, %convert_element_type3A_191, %cond3A_192 : i32
        scf.if %cond3A_193 {
          %add3A_194 = arith.constant 1 : i32
          %add3A_195 = arith.addi %add3A_163, %add3A_194 : i32
          %mul3A_196 = arith.constant 128 : i32
          %mul3A_197 = arith.muli %add3A_195, %mul3A_196 : i32
          %add3A_198 = arith.addi %mul3A_6, %mul3A_197 : i32
          %multiple_of3A_199 = tpu.assume_multiple %add3A_198, 128 : i32
          %dma_wait3A_200 = tpu.memref_slice %arg2[%multiple_of3A_199] : memref<163840xi32, #tpu.memory_space<hbm>> -> memref<128xi32, #tpu.memory_space<hbm>>
          %dma_wait3A_201 = tpu.memref_slice %arg2[%multiple_of3A_199] : memref<163840xi32, #tpu.memory_space<hbm>> -> memref<128xi32, #tpu.memory_space<hbm>>
          tpu.wait_dma2 semaphore(%arg22 : memref<!tpu.dma_semaphore, #tpu.memory_space<semaphore_mem>>) src(%dma_wait3A_201 : memref<128xi32, #tpu.memory_space<hbm>>) dst(%arg9 : memref<128xi32, #tpu.memory_space<vmem>>)
          %dma_wait3A_202 = tpu.memref_slice %arg3[%multiple_of3A_199] : memref<163840xi32, #tpu.memory_space<hbm>> -> memref<128xi32, #tpu.memory_space<hbm>>
          %dma_wait3A_203 = tpu.memref_slice %arg3[%multiple_of3A_199] : memref<163840xi32, #tpu.memory_space<hbm>> -> memref<128xi32, #tpu.memory_space<hbm>>
          tpu.wait_dma2 semaphore(%arg22 : memref<!tpu.dma_semaphore, #tpu.memory_space<semaphore_mem>>) src(%dma_wait3A_203 : memref<128xi32, #tpu.memory_space<hbm>>) dst(%arg10 : memref<128xi32, #tpu.memory_space<vmem>>)
          %dma_start3A_204 = arith.constant 0 : i32
          %dma_start3A_205 = arith.constant 0 : i32
          %dma_start3A_206 = tpu.memref_slice %arg4[%dma_start3A_204, %dma_start3A_205] : memref<10000x128xf32, #tpu.memory_space<hbm>> -> memref<10000x128xf32, #tpu.memory_space<hbm>>
          tpu.enqueue_indirect_dma source(%dma_start3A_206 : memref<10000x128xf32, #tpu.memory_space<hbm>>) target(%arg17 : memref<128x128xf32, #tpu.memory_space<vmem>>) offsets(%arg9 : memref<128xi32, #tpu.memory_space<vmem>>) semaphore(%arg20 : memref<!tpu.dma_semaphore, #tpu.memory_space<semaphore_mem>>)
        } else {
        }
      }
      %scan3A_48 = arith.constant 20 : i32
      %dma_wait3A_49 = arith.constant 0 : i32
      %dma_wait3A_50 = arith.constant 0 : i32
      %dma_wait3A_51 = tpu.memref_slice %arg19[%dma_wait3A_49, %dma_wait3A_50] : memref<10016x128xf32, #tpu.memory_space<vmem_shared>> -> memref<10016x128xf32, #tpu.memory_space<vmem_shared>>
      tpu.wait_indirect_dma semaphore(%arg26 : memref<!tpu.dma_semaphore, #tpu.memory_space<semaphore_mem>>) src(%arg17 : memref<128x128xf32, #tpu.memory_space<vmem>>) dst(%dma_wait3A_51 : memref<10016x128xf32, #tpu.memory_space<vmem_shared>>)
      %dma_wait3A_52 = arith.constant 0 : i32
      %dma_wait3A_53 = arith.constant 0 : i32
      %dma_wait3A_54 = tpu.memref_slice %arg19[%dma_wait3A_52, %dma_wait3A_53] : memref<10016x128xf32, #tpu.memory_space<vmem_shared>> -> memref<10016x128xf32, #tpu.memory_space<vmem_shared>>
      tpu.wait_indirect_dma semaphore(%arg27 : memref<!tpu.dma_semaphore, #tpu.memory_space<semaphore_mem>>) src(%arg18 : memref<128x128xf32, #tpu.memory_space<vmem>>) dst(%dma_wait3A_54 : memref<10016x128xf32, #tpu.memory_space<vmem_shared>>)
      %barrier3A_55 = arith.constant 0 : index
      tpu.barrier barrier_id(%barrier3A_55)
      %mul3A_56 = arith.constant 624 : i32
      %mul3A_57 = arith.muli %arg1, %mul3A_56 : i32
      %multiple_of3A_58 = tpu.assume_multiple %mul3A_57, 8 : i32
      "tpu.region"() ({
        %run_scoped3A = tpu.sem_alloc : memref<!tpu.dma_semaphore, #tpu.memory_space<semaphore_mem>>
        %dma_start3A_64 = arith.constant 0 : i32
        %dma_start3A_65 = tpu.memref_slice %arg7[%multiple_of3A_58, %dma_start3A_64] : memref<10000x128xf32, #tpu.memory_space<hbm>> -> memref<624x128xf32, #tpu.memory_space<hbm>>
        %dma_start3A_66 = arith.constant 0 : i32
        %dma_start3A_67 = tpu.memref_slice %arg19[%multiple_of3A_58, %dma_start3A_66] : memref<10016x128xf32, #tpu.memory_space<vmem_shared>> -> memref<624x128xf32, #tpu.memory_space<vmem_shared>>
        tpu.enqueue_dma source(%dma_start3A_67 : memref<624x128xf32, #tpu.memory_space<vmem_shared>>) target(%dma_start3A_65 : memref<624x128xf32, #tpu.memory_space<hbm>>) target_semaphore(%run_scoped3A : memref<!tpu.dma_semaphore, #tpu.memory_space<semaphore_mem>>)
        %dma_wait3A_68 = arith.constant 0 : i32
        %dma_wait3A_69 = tpu.memref_slice %arg7[%multiple_of3A_58, %dma_wait3A_68] : memref<10000x128xf32, #tpu.memory_space<hbm>> -> memref<624x128xf32, #tpu.memory_space<hbm>>
        %dma_wait3A_70 = arith.constant 0 : i32
        %dma_wait3A_71 = tpu.memref_slice %arg19[%multiple_of3A_58, %dma_wait3A_70] : memref<10016x128xf32, #tpu.memory_space<vmem_shared>> -> memref<624x128xf32, #tpu.memory_space<vmem_shared>>
        tpu.wait_dma2 semaphore(%run_scoped3A : memref<!tpu.dma_semaphore, #tpu.memory_space<semaphore_mem>>) src(%dma_wait3A_71 : memref<624x128xf32, #tpu.memory_space<vmem_shared>>) dst(%dma_wait3A_69 : memref<624x128xf32, #tpu.memory_space<hbm>>)
        tpu.yield
      }) : () -> ()
      %eq3A_59 = arith.constant 15 : i32
      %eq3A_60 = arith.cmpi eq, %arg1, %eq3A_59 : i32
      %convert_element_type3A_61 = arith.extui %eq3A_60 : i1 to i32
      %cond3A_62 = arith.constant 0 : i32
      %cond3A_63 = arith.cmpi ne, %convert_element_type3A_61, %cond3A_62 : i32
      scf.if %cond3A_63 {
        "tpu.region"() ({
          %run_scoped3A = tpu.sem_alloc : memref<!tpu.dma_semaphore, #tpu.memory_space<semaphore_mem>>
          %dma_start3A_64 = arith.constant 9984 : i32
          %dma_start3A_65 = arith.constant 0 : i32
          %dma_start3A_66 = tpu.memref_slice %arg7[%dma_start3A_64, %dma_start3A_65] : memref<10000x128xf32, #tpu.memory_space<hbm>> -> memref<16x128xf32, #tpu.memory_space<hbm>>
          %dma_start3A_67 = arith.constant 9984 : i32
          %dma_start3A_68 = arith.constant 0 : i32
          %dma_start3A_69 = tpu.memref_slice %arg19[%dma_start3A_67, %dma_start3A_68] : memref<10016x128xf32, #tpu.memory_space<vmem_shared>> -> memref<16x128xf32, #tpu.memory_space<vmem_shared>>
          tpu.enqueue_dma source(%dma_start3A_69 : memref<16x128xf32, #tpu.memory_space<vmem_shared>>) target(%dma_start3A_66 : memref<16x128xf32, #tpu.memory_space<hbm>>) target_semaphore(%run_scoped3A : memref<!tpu.dma_semaphore, #tpu.memory_space<semaphore_mem>>)
          %dma_wait3A_70 = arith.constant 9984 : i32
          %dma_wait3A_71 = arith.constant 0 : i32
          %dma_wait3A_72 = tpu.memref_slice %arg7[%dma_wait3A_70, %dma_wait3A_71] : memref<10000x128xf32, #tpu.memory_space<hbm>> -> memref<16x128xf32, #tpu.memory_space<hbm>>
          %dma_wait3A_73 = arith.constant 9984 : i32
          %dma_wait3A_74 = arith.constant 0 : i32
          %dma_wait3A_75 = tpu.memref_slice %arg19[%dma_wait3A_73, %dma_wait3A_74] : memref<10016x128xf32, #tpu.memory_space<vmem_shared>> -> memref<16x128xf32, #tpu.memory_space<vmem_shared>>
          tpu.wait_dma2 semaphore(%run_scoped3A : memref<!tpu.dma_semaphore, #tpu.memory_space<semaphore_mem>>) src(%dma_wait3A_75 : memref<16x128xf32, #tpu.memory_space<vmem_shared>>) dst(%dma_wait3A_72 : memref<16x128xf32, #tpu.memory_space<hbm>>)
          tpu.yield
        }) : () -> ()
      } else {
      }
    } else {
    }
    %eq3A_12 = arith.constant 1 : i32
    %eq3A_13 = arith.cmpi eq, %arg0, %eq3A_12 : i32
    %convert_element_type3A_14 = arith.extui %eq3A_13 : i1 to i32
    %cond3A_15 = arith.constant 0 : i32
    %cond3A_16 = arith.cmpi ne, %convert_element_type3A_14, %cond3A_15 : i32
    scf.if %cond3A_16 {
      %add3A = arith.constant 0 : i32
      %add3A_17 = arith.addi %mul3A_6, %add3A : i32
      %multiple_of3A_18 = tpu.assume_multiple %add3A_17, 128 : i32
      %dma_start3A = tpu.memref_slice %arg2[%multiple_of3A_18] : memref<163840xi32, #tpu.memory_space<hbm>> -> memref<128xi32, #tpu.memory_space<hbm>>
      %dma_start3A_19 = tpu.memref_slice %arg2[%multiple_of3A_18] : memref<163840xi32, #tpu.memory_space<hbm>> -> memref<128xi32, #tpu.memory_space<hbm>>
      tpu.enqueue_dma source(%dma_start3A_19 : memref<128xi32, #tpu.memory_space<hbm>>) target(%arg9 : memref<128xi32, #tpu.memory_space<vmem>>) target_semaphore(%arg22 : memref<!tpu.dma_semaphore, #tpu.memory_space<semaphore_mem>>)
      %dma_start3A_20 = tpu.memref_slice %arg3[%multiple_of3A_18] : memref<163840xi32, #tpu.memory_space<hbm>> -> memref<128xi32, #tpu.memory_space<hbm>>
      %dma_start3A_21 = tpu.memref_slice %arg3[%multiple_of3A_18] : memref<163840xi32, #tpu.memory_space<hbm>> -> memref<128xi32, #tpu.memory_space<hbm>>
      tpu.enqueue_dma source(%dma_start3A_21 : memref<128xi32, #tpu.memory_space<hbm>>) target(%arg10 : memref<128xi32, #tpu.memory_space<vmem>>) target_semaphore(%arg22 : memref<!tpu.dma_semaphore, #tpu.memory_space<semaphore_mem>>)
      %add3A_22 = arith.constant 128 : i32
      %add3A_23 = arith.addi %mul3A_6, %add3A_22 : i32
      %multiple_of3A_24 = tpu.assume_multiple %add3A_23, 128 : i32
      %dma_start3A_25 = tpu.memref_slice %arg2[%multiple_of3A_24] : memref<163840xi32, #tpu.memory_space<hbm>> -> memref<128xi32, #tpu.memory_space<hbm>>
      %dma_start3A_26 = tpu.memref_slice %arg2[%multiple_of3A_24] : memref<163840xi32, #tpu.memory_space<hbm>> -> memref<128xi32, #tpu.memory_space<hbm>>
      tpu.enqueue_dma source(%dma_start3A_26 : memref<128xi32, #tpu.memory_space<hbm>>) target(%arg11 : memref<128xi32, #tpu.memory_space<vmem>>) target_semaphore(%arg23 : memref<!tpu.dma_semaphore, #tpu.memory_space<semaphore_mem>>)
      %dma_start3A_27 = tpu.memref_slice %arg3[%multiple_of3A_24] : memref<163840xi32, #tpu.memory_space<hbm>> -> memref<128xi32, #tpu.memory_space<hbm>>
      %dma_start3A_28 = tpu.memref_slice %arg3[%multiple_of3A_24] : memref<163840xi32, #tpu.memory_space<hbm>> -> memref<128xi32, #tpu.memory_space<hbm>>
      tpu.enqueue_dma source(%dma_start3A_28 : memref<128xi32, #tpu.memory_space<hbm>>) target(%arg12 : memref<128xi32, #tpu.memory_space<vmem>>) target_semaphore(%arg23 : memref<!tpu.dma_semaphore, #tpu.memory_space<semaphore_mem>>)
      %add3A_29 = arith.constant 256 : i32
      %add3A_30 = arith.addi %mul3A_6, %add3A_29 : i32
      %multiple_of3A_31 = tpu.assume_multiple %add3A_30, 128 : i32
      %dma_start3A_32 = tpu.memref_slice %arg2[%multiple_of3A_31] : memref<163840xi32, #tpu.memory_space<hbm>> -> memref<128xi32, #tpu.memory_space<hbm>>
      %dma_start3A_33 = tpu.memref_slice %arg2[%multiple_of3A_31] : memref<163840xi32, #tpu.memory_space<hbm>> -> memref<128xi32, #tpu.memory_space<hbm>>
      tpu.enqueue_dma source(%dma_start3A_33 : memref<128xi32, #tpu.memory_space<hbm>>) target(%arg13 : memref<128xi32, #tpu.memory_space<vmem>>) target_semaphore(%arg24 : memref<!tpu.dma_semaphore, #tpu.memory_space<semaphore_mem>>)
      %dma_start3A_34 = tpu.memref_slice %arg3[%multiple_of3A_31] : memref<163840xi32, #tpu.memory_space<hbm>> -> memref<128xi32, #tpu.memory_space<hbm>>
      %dma_start3A_35 = tpu.memref_slice %arg3[%multiple_of3A_31] : memref<163840xi32, #tpu.memory_space<hbm>> -> memref<128xi32, #tpu.memory_space<hbm>>
      tpu.enqueue_dma source(%dma_start3A_35 : memref<128xi32, #tpu.memory_space<hbm>>) target(%arg14 : memref<128xi32, #tpu.memory_space<vmem>>) target_semaphore(%arg24 : memref<!tpu.dma_semaphore, #tpu.memory_space<semaphore_mem>>)
      %add3A_36 = arith.constant 0 : i32
      %add3A_37 = arith.addi %mul3A_6, %add3A_36 : i32
      %multiple_of3A_38 = tpu.assume_multiple %add3A_37, 128 : i32
      %dma_wait3A = tpu.memref_slice %arg2[%multiple_of3A_38] : memref<163840xi32, #tpu.memory_space<hbm>> -> memref<128xi32, #tpu.memory_space<hbm>>
      %dma_wait3A_39 = tpu.memref_slice %arg2[%multiple_of3A_38] : memref<163840xi32, #tpu.memory_space<hbm>> -> memref<128xi32, #tpu.memory_space<hbm>>
      tpu.wait_dma2 semaphore(%arg22 : memref<!tpu.dma_semaphore, #tpu.memory_space<semaphore_mem>>) src(%dma_wait3A_39 : memref<128xi32, #tpu.memory_space<hbm>>) dst(%arg9 : memref<128xi32, #tpu.memory_space<vmem>>)
      %dma_wait3A_40 = tpu.memref_slice %arg3[%multiple_of3A_38] : memref<163840xi32, #tpu.memory_space<hbm>> -> memref<128xi32, #tpu.memory_space<hbm>>
      %dma_wait3A_41 = tpu.memref_slice %arg3[%multiple_of3A_38] : memref<163840xi32, #tpu.memory_space<hbm>> -> memref<128xi32, #tpu.memory_space<hbm>>
      tpu.wait_dma2 semaphore(%arg22 : memref<!tpu.dma_semaphore, #tpu.memory_space<semaphore_mem>>) src(%dma_wait3A_41 : memref<128xi32, #tpu.memory_space<hbm>>) dst(%arg10 : memref<128xi32, #tpu.memory_space<vmem>>)
      %dma_start3A_42 = arith.constant 0 : i32
      %dma_start3A_43 = arith.constant 0 : i32
      %dma_start3A_44 = tpu.memref_slice %arg5[%dma_start3A_42, %dma_start3A_43] : memref<10000x128xf32, #tpu.memory_space<hbm>> -> memref<10000x128xf32, #tpu.memory_space<hbm>>
      tpu.enqueue_indirect_dma source(%dma_start3A_44 : memref<10000x128xf32, #tpu.memory_space<hbm>>) target(%arg17 : memref<128x128xf32, #tpu.memory_space<vmem>>) offsets(%arg9 : memref<128xi32, #tpu.memory_space<vmem>>) semaphore(%arg20 : memref<!tpu.dma_semaphore, #tpu.memory_space<semaphore_mem>>)
      %scan3A = arith.constant 0 : i32
      %scan3A_45 = arith.constant 20 : i32
      %scan3A_46 = arith.addi %scan3A, %scan3A_45 : i32
      %scan3A_47 = arith.constant 1 : i32
      scf.for %scan3A_64 = %scan3A to %scan3A_46 step %scan3A_47  : i32 {
        %mul3A_65 = arith.constant 4 : i32
        %mul3A_66 = arith.muli %scan3A_64, %mul3A_65 : i32
        %add3A_67 = arith.constant 0 : i32
        %add3A_68 = arith.addi %add3A_67, %mul3A_66 : i32
        %add3A_69 = arith.constant 0 : i32
        %add3A_70 = arith.addi %add3A_68, %add3A_69 : i32
        %dma_wait3A_71 = arith.constant 0 : i32
        %dma_wait3A_72 = arith.constant 0 : i32
        %dma_wait3A_73 = tpu.memref_slice %arg5[%dma_wait3A_71, %dma_wait3A_72] : memref<10000x128xf32, #tpu.memory_space<hbm>> -> memref<10000x128xf32, #tpu.memory_space<hbm>>
        tpu.wait_indirect_dma semaphore(%arg20 : memref<!tpu.dma_semaphore, #tpu.memory_space<semaphore_mem>>) src(%dma_wait3A_73 : memref<10000x128xf32, #tpu.memory_space<hbm>>) dst(%arg17 : memref<128x128xf32, #tpu.memory_space<vmem>>)
        %dma_start3A_74 = arith.constant 0 : i32
        %dma_start3A_75 = arith.constant 0 : i32
        %dma_start3A_76 = tpu.memref_slice %arg19[%dma_start3A_74, %dma_start3A_75] : memref<10016x128xf32, #tpu.memory_space<vmem_shared>> -> memref<10016x128xf32, #tpu.memory_space<vmem_shared>>
        tpu.enqueue_indirect_dma source(%arg17 : memref<128x128xf32, #tpu.memory_space<vmem>>) target(%dma_start3A_76 : memref<10016x128xf32, #tpu.memory_space<vmem_shared>>) offsets(%arg10 : memref<128xi32, #tpu.memory_space<vmem>>) semaphore(%arg26 : memref<!tpu.dma_semaphore, #tpu.memory_space<semaphore_mem>>) {add = true}
        %ge3A = arith.constant 1 : i32
        %ge3A_77 = arith.cmpi sge, %add3A_70, %ge3A : i32
        %add3A_78 = arith.constant 1 : i32
        %add3A_79 = arith.addi %add3A_70, %add3A_78 : i32
        %lt3A = arith.constant 80 : i32
        %lt3A_80 = arith.cmpi slt, %add3A_79, %lt3A : i32
        %and3A = arith.andi %ge3A_77, %lt3A_80 : i1
        %convert_element_type3A_81 = arith.extui %and3A : i1 to i32
        %cond3A_82 = arith.constant 0 : i32
        %cond3A_83 = arith.cmpi ne, %convert_element_type3A_81, %cond3A_82 : i32
        scf.if %cond3A_83 {
          %dma_wait3A_194 = arith.constant 0 : i32
          %dma_wait3A_195 = arith.constant 0 : i32
          %dma_wait3A_196 = tpu.memref_slice %arg19[%dma_wait3A_194, %dma_wait3A_195] : memref<10016x128xf32, #tpu.memory_space<vmem_shared>> -> memref<10016x128xf32, #tpu.memory_space<vmem_shared>>
          tpu.wait_indirect_dma semaphore(%arg27 : memref<!tpu.dma_semaphore, #tpu.memory_space<semaphore_mem>>) src(%arg18 : memref<128x128xf32, #tpu.memory_space<vmem>>) dst(%dma_wait3A_196 : memref<10016x128xf32, #tpu.memory_space<vmem_shared>>)
        } else {
        }
        %add3A_84 = arith.constant 3 : i32
        %add3A_85 = arith.addi %add3A_70, %add3A_84 : i32
        %lt3A_86 = arith.constant 80 : i32
        %lt3A_87 = arith.cmpi slt, %add3A_85, %lt3A_86 : i32
        %convert_element_type3A_88 = arith.extui %lt3A_87 : i1 to i32
        %cond3A_89 = arith.constant 0 : i32
        %cond3A_90 = arith.cmpi ne, %convert_element_type3A_88, %cond3A_89 : i32
        scf.if %cond3A_90 {
          %add3A_194 = arith.constant 3 : i32
          %add3A_195 = arith.addi %add3A_70, %add3A_194 : i32
          %mul3A_196 = arith.constant 128 : i32
          %mul3A_197 = arith.muli %add3A_195, %mul3A_196 : i32
          %add3A_198 = arith.addi %mul3A_6, %mul3A_197 : i32
          %multiple_of3A_199 = tpu.assume_multiple %add3A_198, 128 : i32
          %dma_start3A_200 = tpu.memref_slice %arg2[%multiple_of3A_199] : memref<163840xi32, #tpu.memory_space<hbm>> -> memref<128xi32, #tpu.memory_space<hbm>>
          %dma_start3A_201 = tpu.memref_slice %arg2[%multiple_of3A_199] : memref<163840xi32, #tpu.memory_space<hbm>> -> memref<128xi32, #tpu.memory_space<hbm>>
          tpu.enqueue_dma source(%dma_start3A_201 : memref<128xi32, #tpu.memory_space<hbm>>) target(%arg15 : memref<128xi32, #tpu.memory_space<vmem>>) target_semaphore(%arg25 : memref<!tpu.dma_semaphore, #tpu.memory_space<semaphore_mem>>)
          %dma_start3A_202 = tpu.memref_slice %arg3[%multiple_of3A_199] : memref<163840xi32, #tpu.memory_space<hbm>> -> memref<128xi32, #tpu.memory_space<hbm>>
          %dma_start3A_203 = tpu.memref_slice %arg3[%multiple_of3A_199] : memref<163840xi32, #tpu.memory_space<hbm>> -> memref<128xi32, #tpu.memory_space<hbm>>
          tpu.enqueue_dma source(%dma_start3A_203 : memref<128xi32, #tpu.memory_space<hbm>>) target(%arg16 : memref<128xi32, #tpu.memory_space<vmem>>) target_semaphore(%arg25 : memref<!tpu.dma_semaphore, #tpu.memory_space<semaphore_mem>>)
        } else {
        }
        %add3A_91 = arith.constant 1 : i32
        %add3A_92 = arith.addi %add3A_70, %add3A_91 : i32
        %lt3A_93 = arith.constant 80 : i32
        %lt3A_94 = arith.cmpi slt, %add3A_92, %lt3A_93 : i32
        %convert_element_type3A_95 = arith.extui %lt3A_94 : i1 to i32
        %cond3A_96 = arith.constant 0 : i32
        %cond3A_97 = arith.cmpi ne, %convert_element_type3A_95, %cond3A_96 : i32
        scf.if %cond3A_97 {
          %add3A_194 = arith.constant 1 : i32
          %add3A_195 = arith.addi %add3A_70, %add3A_194 : i32
          %mul3A_196 = arith.constant 128 : i32
          %mul3A_197 = arith.muli %add3A_195, %mul3A_196 : i32
          %add3A_198 = arith.addi %mul3A_6, %mul3A_197 : i32
          %multiple_of3A_199 = tpu.assume_multiple %add3A_198, 128 : i32
          %dma_wait3A_200 = tpu.memref_slice %arg2[%multiple_of3A_199] : memref<163840xi32, #tpu.memory_space<hbm>> -> memref<128xi32, #tpu.memory_space<hbm>>
          %dma_wait3A_201 = tpu.memref_slice %arg2[%multiple_of3A_199] : memref<163840xi32, #tpu.memory_space<hbm>> -> memref<128xi32, #tpu.memory_space<hbm>>
          tpu.wait_dma2 semaphore(%arg23 : memref<!tpu.dma_semaphore, #tpu.memory_space<semaphore_mem>>) src(%dma_wait3A_201 : memref<128xi32, #tpu.memory_space<hbm>>) dst(%arg11 : memref<128xi32, #tpu.memory_space<vmem>>)
          %dma_wait3A_202 = tpu.memref_slice %arg3[%multiple_of3A_199] : memref<163840xi32, #tpu.memory_space<hbm>> -> memref<128xi32, #tpu.memory_space<hbm>>
          %dma_wait3A_203 = tpu.memref_slice %arg3[%multiple_of3A_199] : memref<163840xi32, #tpu.memory_space<hbm>> -> memref<128xi32, #tpu.memory_space<hbm>>
          tpu.wait_dma2 semaphore(%arg23 : memref<!tpu.dma_semaphore, #tpu.memory_space<semaphore_mem>>) src(%dma_wait3A_203 : memref<128xi32, #tpu.memory_space<hbm>>) dst(%arg12 : memref<128xi32, #tpu.memory_space<vmem>>)
          %dma_start3A_204 = arith.constant 0 : i32
          %dma_start3A_205 = arith.constant 0 : i32
          %dma_start3A_206 = tpu.memref_slice %arg5[%dma_start3A_204, %dma_start3A_205] : memref<10000x128xf32, #tpu.memory_space<hbm>> -> memref<10000x128xf32, #tpu.memory_space<hbm>>
          tpu.enqueue_indirect_dma source(%dma_start3A_206 : memref<10000x128xf32, #tpu.memory_space<hbm>>) target(%arg18 : memref<128x128xf32, #tpu.memory_space<vmem>>) offsets(%arg11 : memref<128xi32, #tpu.memory_space<vmem>>) semaphore(%arg21 : memref<!tpu.dma_semaphore, #tpu.memory_space<semaphore_mem>>)
        } else {
        }
        %add3A_98 = arith.constant 1 : i32
        %add3A_99 = arith.addi %add3A_68, %add3A_98 : i32
        %dma_wait3A_100 = arith.constant 0 : i32
        %dma_wait3A_101 = arith.constant 0 : i32
        %dma_wait3A_102 = tpu.memref_slice %arg5[%dma_wait3A_100, %dma_wait3A_101] : memref<10000x128xf32, #tpu.memory_space<hbm>> -> memref<10000x128xf32, #tpu.memory_space<hbm>>
        tpu.wait_indirect_dma semaphore(%arg21 : memref<!tpu.dma_semaphore, #tpu.memory_space<semaphore_mem>>) src(%dma_wait3A_102 : memref<10000x128xf32, #tpu.memory_space<hbm>>) dst(%arg18 : memref<128x128xf32, #tpu.memory_space<vmem>>)
        %dma_start3A_103 = arith.constant 0 : i32
        %dma_start3A_104 = arith.constant 0 : i32
        %dma_start3A_105 = tpu.memref_slice %arg19[%dma_start3A_103, %dma_start3A_104] : memref<10016x128xf32, #tpu.memory_space<vmem_shared>> -> memref<10016x128xf32, #tpu.memory_space<vmem_shared>>
        tpu.enqueue_indirect_dma source(%arg18 : memref<128x128xf32, #tpu.memory_space<vmem>>) target(%dma_start3A_105 : memref<10016x128xf32, #tpu.memory_space<vmem_shared>>) offsets(%arg12 : memref<128xi32, #tpu.memory_space<vmem>>) semaphore(%arg27 : memref<!tpu.dma_semaphore, #tpu.memory_space<semaphore_mem>>) {add = true}
        %ge3A_106 = arith.constant 1 : i32
        %ge3A_107 = arith.cmpi sge, %add3A_99, %ge3A_106 : i32
        %add3A_108 = arith.constant 1 : i32
        %add3A_109 = arith.addi %add3A_99, %add3A_108 : i32
        %lt3A_110 = arith.constant 80 : i32
        %lt3A_111 = arith.cmpi slt, %add3A_109, %lt3A_110 : i32
        %and3A_112 = arith.andi %ge3A_107, %lt3A_111 : i1
        %convert_element_type3A_113 = arith.extui %and3A_112 : i1 to i32
        %cond3A_114 = arith.constant 0 : i32
        %cond3A_115 = arith.cmpi ne, %convert_element_type3A_113, %cond3A_114 : i32
        scf.if %cond3A_115 {
          %dma_wait3A_194 = arith.constant 0 : i32
          %dma_wait3A_195 = arith.constant 0 : i32
          %dma_wait3A_196 = tpu.memref_slice %arg19[%dma_wait3A_194, %dma_wait3A_195] : memref<10016x128xf32, #tpu.memory_space<vmem_shared>> -> memref<10016x128xf32, #tpu.memory_space<vmem_shared>>
          tpu.wait_indirect_dma semaphore(%arg26 : memref<!tpu.dma_semaphore, #tpu.memory_space<semaphore_mem>>) src(%arg17 : memref<128x128xf32, #tpu.memory_space<vmem>>) dst(%dma_wait3A_196 : memref<10016x128xf32, #tpu.memory_space<vmem_shared>>)
        } else {
        }
        %add3A_116 = arith.constant 3 : i32
        %add3A_117 = arith.addi %add3A_99, %add3A_116 : i32
        %lt3A_118 = arith.constant 80 : i32
        %lt3A_119 = arith.cmpi slt, %add3A_117, %lt3A_118 : i32
        %convert_element_type3A_120 = arith.extui %lt3A_119 : i1 to i32
        %cond3A_121 = arith.constant 0 : i32
        %cond3A_122 = arith.cmpi ne, %convert_element_type3A_120, %cond3A_121 : i32
        scf.if %cond3A_122 {
          %add3A_194 = arith.constant 3 : i32
          %add3A_195 = arith.addi %add3A_99, %add3A_194 : i32
          %mul3A_196 = arith.constant 128 : i32
          %mul3A_197 = arith.muli %add3A_195, %mul3A_196 : i32
          %add3A_198 = arith.addi %mul3A_6, %mul3A_197 : i32
          %multiple_of3A_199 = tpu.assume_multiple %add3A_198, 128 : i32
          %dma_start3A_200 = tpu.memref_slice %arg2[%multiple_of3A_199] : memref<163840xi32, #tpu.memory_space<hbm>> -> memref<128xi32, #tpu.memory_space<hbm>>
          %dma_start3A_201 = tpu.memref_slice %arg2[%multiple_of3A_199] : memref<163840xi32, #tpu.memory_space<hbm>> -> memref<128xi32, #tpu.memory_space<hbm>>
          tpu.enqueue_dma source(%dma_start3A_201 : memref<128xi32, #tpu.memory_space<hbm>>) target(%arg9 : memref<128xi32, #tpu.memory_space<vmem>>) target_semaphore(%arg22 : memref<!tpu.dma_semaphore, #tpu.memory_space<semaphore_mem>>)
          %dma_start3A_202 = tpu.memref_slice %arg3[%multiple_of3A_199] : memref<163840xi32, #tpu.memory_space<hbm>> -> memref<128xi32, #tpu.memory_space<hbm>>
          %dma_start3A_203 = tpu.memref_slice %arg3[%multiple_of3A_199] : memref<163840xi32, #tpu.memory_space<hbm>> -> memref<128xi32, #tpu.memory_space<hbm>>
          tpu.enqueue_dma source(%dma_start3A_203 : memref<128xi32, #tpu.memory_space<hbm>>) target(%arg10 : memref<128xi32, #tpu.memory_space<vmem>>) target_semaphore(%arg22 : memref<!tpu.dma_semaphore, #tpu.memory_space<semaphore_mem>>)
        } else {
        }
        %add3A_123 = arith.constant 1 : i32
        %add3A_124 = arith.addi %add3A_99, %add3A_123 : i32
        %lt3A_125 = arith.constant 80 : i32
        %lt3A_126 = arith.cmpi slt, %add3A_124, %lt3A_125 : i32
        %convert_element_type3A_127 = arith.extui %lt3A_126 : i1 to i32
        %cond3A_128 = arith.constant 0 : i32
        %cond3A_129 = arith.cmpi ne, %convert_element_type3A_127, %cond3A_128 : i32
        scf.if %cond3A_129 {
          %add3A_194 = arith.constant 1 : i32
          %add3A_195 = arith.addi %add3A_99, %add3A_194 : i32
          %mul3A_196 = arith.constant 128 : i32
          %mul3A_197 = arith.muli %add3A_195, %mul3A_196 : i32
          %add3A_198 = arith.addi %mul3A_6, %mul3A_197 : i32
          %multiple_of3A_199 = tpu.assume_multiple %add3A_198, 128 : i32
          %dma_wait3A_200 = tpu.memref_slice %arg2[%multiple_of3A_199] : memref<163840xi32, #tpu.memory_space<hbm>> -> memref<128xi32, #tpu.memory_space<hbm>>
          %dma_wait3A_201 = tpu.memref_slice %arg2[%multiple_of3A_199] : memref<163840xi32, #tpu.memory_space<hbm>> -> memref<128xi32, #tpu.memory_space<hbm>>
          tpu.wait_dma2 semaphore(%arg24 : memref<!tpu.dma_semaphore, #tpu.memory_space<semaphore_mem>>) src(%dma_wait3A_201 : memref<128xi32, #tpu.memory_space<hbm>>) dst(%arg13 : memref<128xi32, #tpu.memory_space<vmem>>)
          %dma_wait3A_202 = tpu.memref_slice %arg3[%multiple_of3A_199] : memref<163840xi32, #tpu.memory_space<hbm>> -> memref<128xi32, #tpu.memory_space<hbm>>
          %dma_wait3A_203 = tpu.memref_slice %arg3[%multiple_of3A_199] : memref<163840xi32, #tpu.memory_space<hbm>> -> memref<128xi32, #tpu.memory_space<hbm>>
          tpu.wait_dma2 semaphore(%arg24 : memref<!tpu.dma_semaphore, #tpu.memory_space<semaphore_mem>>) src(%dma_wait3A_203 : memref<128xi32, #tpu.memory_space<hbm>>) dst(%arg14 : memref<128xi32, #tpu.memory_space<vmem>>)
          %dma_start3A_204 = arith.constant 0 : i32
          %dma_start3A_205 = arith.constant 0 : i32
          %dma_start3A_206 = tpu.memref_slice %arg5[%dma_start3A_204, %dma_start3A_205] : memref<10000x128xf32, #tpu.memory_space<hbm>> -> memref<10000x128xf32, #tpu.memory_space<hbm>>
          tpu.enqueue_indirect_dma source(%dma_start3A_206 : memref<10000x128xf32, #tpu.memory_space<hbm>>) target(%arg17 : memref<128x128xf32, #tpu.memory_space<vmem>>) offsets(%arg13 : memref<128xi32, #tpu.memory_space<vmem>>) semaphore(%arg20 : memref<!tpu.dma_semaphore, #tpu.memory_space<semaphore_mem>>)
        } else {
        }
        %add3A_130 = arith.constant 2 : i32
        %add3A_131 = arith.addi %add3A_68, %add3A_130 : i32
        %dma_wait3A_132 = arith.constant 0 : i32
        %dma_wait3A_133 = arith.constant 0 : i32
        %dma_wait3A_134 = tpu.memref_slice %arg5[%dma_wait3A_132, %dma_wait3A_133] : memref<10000x128xf32, #tpu.memory_space<hbm>> -> memref<10000x128xf32, #tpu.memory_space<hbm>>
        tpu.wait_indirect_dma semaphore(%arg20 : memref<!tpu.dma_semaphore, #tpu.memory_space<semaphore_mem>>) src(%dma_wait3A_134 : memref<10000x128xf32, #tpu.memory_space<hbm>>) dst(%arg17 : memref<128x128xf32, #tpu.memory_space<vmem>>)
        %dma_start3A_135 = arith.constant 0 : i32
        %dma_start3A_136 = arith.constant 0 : i32
        %dma_start3A_137 = tpu.memref_slice %arg19[%dma_start3A_135, %dma_start3A_136] : memref<10016x128xf32, #tpu.memory_space<vmem_shared>> -> memref<10016x128xf32, #tpu.memory_space<vmem_shared>>
        tpu.enqueue_indirect_dma source(%arg17 : memref<128x128xf32, #tpu.memory_space<vmem>>) target(%dma_start3A_137 : memref<10016x128xf32, #tpu.memory_space<vmem_shared>>) offsets(%arg14 : memref<128xi32, #tpu.memory_space<vmem>>) semaphore(%arg26 : memref<!tpu.dma_semaphore, #tpu.memory_space<semaphore_mem>>) {add = true}
        %ge3A_138 = arith.constant 1 : i32
        %ge3A_139 = arith.cmpi sge, %add3A_131, %ge3A_138 : i32
        %add3A_140 = arith.constant 1 : i32
        %add3A_141 = arith.addi %add3A_131, %add3A_140 : i32
        %lt3A_142 = arith.constant 80 : i32
        %lt3A_143 = arith.cmpi slt, %add3A_141, %lt3A_142 : i32
        %and3A_144 = arith.andi %ge3A_139, %lt3A_143 : i1
        %convert_element_type3A_145 = arith.extui %and3A_144 : i1 to i32
        %cond3A_146 = arith.constant 0 : i32
        %cond3A_147 = arith.cmpi ne, %convert_element_type3A_145, %cond3A_146 : i32
        scf.if %cond3A_147 {
          %dma_wait3A_194 = arith.constant 0 : i32
          %dma_wait3A_195 = arith.constant 0 : i32
          %dma_wait3A_196 = tpu.memref_slice %arg19[%dma_wait3A_194, %dma_wait3A_195] : memref<10016x128xf32, #tpu.memory_space<vmem_shared>> -> memref<10016x128xf32, #tpu.memory_space<vmem_shared>>
          tpu.wait_indirect_dma semaphore(%arg27 : memref<!tpu.dma_semaphore, #tpu.memory_space<semaphore_mem>>) src(%arg18 : memref<128x128xf32, #tpu.memory_space<vmem>>) dst(%dma_wait3A_196 : memref<10016x128xf32, #tpu.memory_space<vmem_shared>>)
        } else {
        }
        %add3A_148 = arith.constant 3 : i32
        %add3A_149 = arith.addi %add3A_131, %add3A_148 : i32
        %lt3A_150 = arith.constant 80 : i32
        %lt3A_151 = arith.cmpi slt, %add3A_149, %lt3A_150 : i32
        %convert_element_type3A_152 = arith.extui %lt3A_151 : i1 to i32
        %cond3A_153 = arith.constant 0 : i32
        %cond3A_154 = arith.cmpi ne, %convert_element_type3A_152, %cond3A_153 : i32
        scf.if %cond3A_154 {
          %add3A_194 = arith.constant 3 : i32
          %add3A_195 = arith.addi %add3A_131, %add3A_194 : i32
          %mul3A_196 = arith.constant 128 : i32
          %mul3A_197 = arith.muli %add3A_195, %mul3A_196 : i32
          %add3A_198 = arith.addi %mul3A_6, %mul3A_197 : i32
          %multiple_of3A_199 = tpu.assume_multiple %add3A_198, 128 : i32
          %dma_start3A_200 = tpu.memref_slice %arg2[%multiple_of3A_199] : memref<163840xi32, #tpu.memory_space<hbm>> -> memref<128xi32, #tpu.memory_space<hbm>>
          %dma_start3A_201 = tpu.memref_slice %arg2[%multiple_of3A_199] : memref<163840xi32, #tpu.memory_space<hbm>> -> memref<128xi32, #tpu.memory_space<hbm>>
          tpu.enqueue_dma source(%dma_start3A_201 : memref<128xi32, #tpu.memory_space<hbm>>) target(%arg11 : memref<128xi32, #tpu.memory_space<vmem>>) target_semaphore(%arg23 : memref<!tpu.dma_semaphore, #tpu.memory_space<semaphore_mem>>)
          %dma_start3A_202 = tpu.memref_slice %arg3[%multiple_of3A_199] : memref<163840xi32, #tpu.memory_space<hbm>> -> memref<128xi32, #tpu.memory_space<hbm>>
          %dma_start3A_203 = tpu.memref_slice %arg3[%multiple_of3A_199] : memref<163840xi32, #tpu.memory_space<hbm>> -> memref<128xi32, #tpu.memory_space<hbm>>
          tpu.enqueue_dma source(%dma_start3A_203 : memref<128xi32, #tpu.memory_space<hbm>>) target(%arg12 : memref<128xi32, #tpu.memory_space<vmem>>) target_semaphore(%arg23 : memref<!tpu.dma_semaphore, #tpu.memory_space<semaphore_mem>>)
        } else {
        }
        %add3A_155 = arith.constant 1 : i32
        %add3A_156 = arith.addi %add3A_131, %add3A_155 : i32
        %lt3A_157 = arith.constant 80 : i32
        %lt3A_158 = arith.cmpi slt, %add3A_156, %lt3A_157 : i32
        %convert_element_type3A_159 = arith.extui %lt3A_158 : i1 to i32
        %cond3A_160 = arith.constant 0 : i32
        %cond3A_161 = arith.cmpi ne, %convert_element_type3A_159, %cond3A_160 : i32
        scf.if %cond3A_161 {
          %add3A_194 = arith.constant 1 : i32
          %add3A_195 = arith.addi %add3A_131, %add3A_194 : i32
          %mul3A_196 = arith.constant 128 : i32
          %mul3A_197 = arith.muli %add3A_195, %mul3A_196 : i32
          %add3A_198 = arith.addi %mul3A_6, %mul3A_197 : i32
          %multiple_of3A_199 = tpu.assume_multiple %add3A_198, 128 : i32
          %dma_wait3A_200 = tpu.memref_slice %arg2[%multiple_of3A_199] : memref<163840xi32, #tpu.memory_space<hbm>> -> memref<128xi32, #tpu.memory_space<hbm>>
          %dma_wait3A_201 = tpu.memref_slice %arg2[%multiple_of3A_199] : memref<163840xi32, #tpu.memory_space<hbm>> -> memref<128xi32, #tpu.memory_space<hbm>>
          tpu.wait_dma2 semaphore(%arg25 : memref<!tpu.dma_semaphore, #tpu.memory_space<semaphore_mem>>) src(%dma_wait3A_201 : memref<128xi32, #tpu.memory_space<hbm>>) dst(%arg15 : memref<128xi32, #tpu.memory_space<vmem>>)
          %dma_wait3A_202 = tpu.memref_slice %arg3[%multiple_of3A_199] : memref<163840xi32, #tpu.memory_space<hbm>> -> memref<128xi32, #tpu.memory_space<hbm>>
          %dma_wait3A_203 = tpu.memref_slice %arg3[%multiple_of3A_199] : memref<163840xi32, #tpu.memory_space<hbm>> -> memref<128xi32, #tpu.memory_space<hbm>>
          tpu.wait_dma2 semaphore(%arg25 : memref<!tpu.dma_semaphore, #tpu.memory_space<semaphore_mem>>) src(%dma_wait3A_203 : memref<128xi32, #tpu.memory_space<hbm>>) dst(%arg16 : memref<128xi32, #tpu.memory_space<vmem>>)
          %dma_start3A_204 = arith.constant 0 : i32
          %dma_start3A_205 = arith.constant 0 : i32
          %dma_start3A_206 = tpu.memref_slice %arg5[%dma_start3A_204, %dma_start3A_205] : memref<10000x128xf32, #tpu.memory_space<hbm>> -> memref<10000x128xf32, #tpu.memory_space<hbm>>
          tpu.enqueue_indirect_dma source(%dma_start3A_206 : memref<10000x128xf32, #tpu.memory_space<hbm>>) target(%arg18 : memref<128x128xf32, #tpu.memory_space<vmem>>) offsets(%arg15 : memref<128xi32, #tpu.memory_space<vmem>>) semaphore(%arg21 : memref<!tpu.dma_semaphore, #tpu.memory_space<semaphore_mem>>)
        } else {
        }
        %add3A_162 = arith.constant 3 : i32
        %add3A_163 = arith.addi %add3A_68, %add3A_162 : i32
        %dma_wait3A_164 = arith.constant 0 : i32
        %dma_wait3A_165 = arith.constant 0 : i32
        %dma_wait3A_166 = tpu.memref_slice %arg5[%dma_wait3A_164, %dma_wait3A_165] : memref<10000x128xf32, #tpu.memory_space<hbm>> -> memref<10000x128xf32, #tpu.memory_space<hbm>>
        tpu.wait_indirect_dma semaphore(%arg21 : memref<!tpu.dma_semaphore, #tpu.memory_space<semaphore_mem>>) src(%dma_wait3A_166 : memref<10000x128xf32, #tpu.memory_space<hbm>>) dst(%arg18 : memref<128x128xf32, #tpu.memory_space<vmem>>)
        %dma_start3A_167 = arith.constant 0 : i32
        %dma_start3A_168 = arith.constant 0 : i32
        %dma_start3A_169 = tpu.memref_slice %arg19[%dma_start3A_167, %dma_start3A_168] : memref<10016x128xf32, #tpu.memory_space<vmem_shared>> -> memref<10016x128xf32, #tpu.memory_space<vmem_shared>>
        tpu.enqueue_indirect_dma source(%arg18 : memref<128x128xf32, #tpu.memory_space<vmem>>) target(%dma_start3A_169 : memref<10016x128xf32, #tpu.memory_space<vmem_shared>>) offsets(%arg16 : memref<128xi32, #tpu.memory_space<vmem>>) semaphore(%arg27 : memref<!tpu.dma_semaphore, #tpu.memory_space<semaphore_mem>>) {add = true}
        %ge3A_170 = arith.constant 1 : i32
        %ge3A_171 = arith.cmpi sge, %add3A_163, %ge3A_170 : i32
        %add3A_172 = arith.constant 1 : i32
        %add3A_173 = arith.addi %add3A_163, %add3A_172 : i32
        %lt3A_174 = arith.constant 80 : i32
        %lt3A_175 = arith.cmpi slt, %add3A_173, %lt3A_174 : i32
        %and3A_176 = arith.andi %ge3A_171, %lt3A_175 : i1
        %convert_element_type3A_177 = arith.extui %and3A_176 : i1 to i32
        %cond3A_178 = arith.constant 0 : i32
        %cond3A_179 = arith.cmpi ne, %convert_element_type3A_177, %cond3A_178 : i32
        scf.if %cond3A_179 {
          %dma_wait3A_194 = arith.constant 0 : i32
          %dma_wait3A_195 = arith.constant 0 : i32
          %dma_wait3A_196 = tpu.memref_slice %arg19[%dma_wait3A_194, %dma_wait3A_195] : memref<10016x128xf32, #tpu.memory_space<vmem_shared>> -> memref<10016x128xf32, #tpu.memory_space<vmem_shared>>
          tpu.wait_indirect_dma semaphore(%arg26 : memref<!tpu.dma_semaphore, #tpu.memory_space<semaphore_mem>>) src(%arg17 : memref<128x128xf32, #tpu.memory_space<vmem>>) dst(%dma_wait3A_196 : memref<10016x128xf32, #tpu.memory_space<vmem_shared>>)
        } else {
        }
        %add3A_180 = arith.constant 3 : i32
        %add3A_181 = arith.addi %add3A_163, %add3A_180 : i32
        %lt3A_182 = arith.constant 80 : i32
        %lt3A_183 = arith.cmpi slt, %add3A_181, %lt3A_182 : i32
        %convert_element_type3A_184 = arith.extui %lt3A_183 : i1 to i32
        %cond3A_185 = arith.constant 0 : i32
        %cond3A_186 = arith.cmpi ne, %convert_element_type3A_184, %cond3A_185 : i32
        scf.if %cond3A_186 {
          %add3A_194 = arith.constant 3 : i32
          %add3A_195 = arith.addi %add3A_163, %add3A_194 : i32
          %mul3A_196 = arith.constant 128 : i32
          %mul3A_197 = arith.muli %add3A_195, %mul3A_196 : i32
          %add3A_198 = arith.addi %mul3A_6, %mul3A_197 : i32
          %multiple_of3A_199 = tpu.assume_multiple %add3A_198, 128 : i32
          %dma_start3A_200 = tpu.memref_slice %arg2[%multiple_of3A_199] : memref<163840xi32, #tpu.memory_space<hbm>> -> memref<128xi32, #tpu.memory_space<hbm>>
          %dma_start3A_201 = tpu.memref_slice %arg2[%multiple_of3A_199] : memref<163840xi32, #tpu.memory_space<hbm>> -> memref<128xi32, #tpu.memory_space<hbm>>
          tpu.enqueue_dma source(%dma_start3A_201 : memref<128xi32, #tpu.memory_space<hbm>>) target(%arg13 : memref<128xi32, #tpu.memory_space<vmem>>) target_semaphore(%arg24 : memref<!tpu.dma_semaphore, #tpu.memory_space<semaphore_mem>>)
          %dma_start3A_202 = tpu.memref_slice %arg3[%multiple_of3A_199] : memref<163840xi32, #tpu.memory_space<hbm>> -> memref<128xi32, #tpu.memory_space<hbm>>
          %dma_start3A_203 = tpu.memref_slice %arg3[%multiple_of3A_199] : memref<163840xi32, #tpu.memory_space<hbm>> -> memref<128xi32, #tpu.memory_space<hbm>>
          tpu.enqueue_dma source(%dma_start3A_203 : memref<128xi32, #tpu.memory_space<hbm>>) target(%arg14 : memref<128xi32, #tpu.memory_space<vmem>>) target_semaphore(%arg24 : memref<!tpu.dma_semaphore, #tpu.memory_space<semaphore_mem>>)
        } else {
        }
        %add3A_187 = arith.constant 1 : i32
        %add3A_188 = arith.addi %add3A_163, %add3A_187 : i32
        %lt3A_189 = arith.constant 80 : i32
        %lt3A_190 = arith.cmpi slt, %add3A_188, %lt3A_189 : i32
        %convert_element_type3A_191 = arith.extui %lt3A_190 : i1 to i32
        %cond3A_192 = arith.constant 0 : i32
        %cond3A_193 = arith.cmpi ne, %convert_element_type3A_191, %cond3A_192 : i32
        scf.if %cond3A_193 {
          %add3A_194 = arith.constant 1 : i32
          %add3A_195 = arith.addi %add3A_163, %add3A_194 : i32
          %mul3A_196 = arith.constant 128 : i32
          %mul3A_197 = arith.muli %add3A_195, %mul3A_196 : i32
          %add3A_198 = arith.addi %mul3A_6, %mul3A_197 : i32
          %multiple_of3A_199 = tpu.assume_multiple %add3A_198, 128 : i32
          %dma_wait3A_200 = tpu.memref_slice %arg2[%multiple_of3A_199] : memref<163840xi32, #tpu.memory_space<hbm>> -> memref<128xi32, #tpu.memory_space<hbm>>
          %dma_wait3A_201 = tpu.memref_slice %arg2[%multiple_of3A_199] : memref<163840xi32, #tpu.memory_space<hbm>> -> memref<128xi32, #tpu.memory_space<hbm>>
          tpu.wait_dma2 semaphore(%arg22 : memref<!tpu.dma_semaphore, #tpu.memory_space<semaphore_mem>>) src(%dma_wait3A_201 : memref<128xi32, #tpu.memory_space<hbm>>) dst(%arg9 : memref<128xi32, #tpu.memory_space<vmem>>)
          %dma_wait3A_202 = tpu.memref_slice %arg3[%multiple_of3A_199] : memref<163840xi32, #tpu.memory_space<hbm>> -> memref<128xi32, #tpu.memory_space<hbm>>
          %dma_wait3A_203 = tpu.memref_slice %arg3[%multiple_of3A_199] : memref<163840xi32, #tpu.memory_space<hbm>> -> memref<128xi32, #tpu.memory_space<hbm>>
          tpu.wait_dma2 semaphore(%arg22 : memref<!tpu.dma_semaphore, #tpu.memory_space<semaphore_mem>>) src(%dma_wait3A_203 : memref<128xi32, #tpu.memory_space<hbm>>) dst(%arg10 : memref<128xi32, #tpu.memory_space<vmem>>)
          %dma_start3A_204 = arith.constant 0 : i32
          %dma_start3A_205 = arith.constant 0 : i32
          %dma_start3A_206 = tpu.memref_slice %arg5[%dma_start3A_204, %dma_start3A_205] : memref<10000x128xf32, #tpu.memory_space<hbm>> -> memref<10000x128xf32, #tpu.memory_space<hbm>>
          tpu.enqueue_indirect_dma source(%dma_start3A_206 : memref<10000x128xf32, #tpu.memory_space<hbm>>) target(%arg17 : memref<128x128xf32, #tpu.memory_space<vmem>>) offsets(%arg9 : memref<128xi32, #tpu.memory_space<vmem>>) semaphore(%arg20 : memref<!tpu.dma_semaphore, #tpu.memory_space<semaphore_mem>>)
        } else {
        }
      }
      %scan3A_48 = arith.constant 20 : i32
      %dma_wait3A_49 = arith.constant 0 : i32
      %dma_wait3A_50 = arith.constant 0 : i32
      %dma_wait3A_51 = tpu.memref_slice %arg19[%dma_wait3A_49, %dma_wait3A_50] : memref<10016x128xf32, #tpu.memory_space<vmem_shared>> -> memref<10016x128xf32, #tpu.memory_space<vmem_shared>>
      tpu.wait_indirect_dma semaphore(%arg26 : memref<!tpu.dma_semaphore, #tpu.memory_space<semaphore_mem>>) src(%arg17 : memref<128x128xf32, #tpu.memory_space<vmem>>) dst(%dma_wait3A_51 : memref<10016x128xf32, #tpu.memory_space<vmem_shared>>)
      %dma_wait3A_52 = arith.constant 0 : i32
      %dma_wait3A_53 = arith.constant 0 : i32
      %dma_wait3A_54 = tpu.memref_slice %arg19[%dma_wait3A_52, %dma_wait3A_53] : memref<10016x128xf32, #tpu.memory_space<vmem_shared>> -> memref<10016x128xf32, #tpu.memory_space<vmem_shared>>
      tpu.wait_indirect_dma semaphore(%arg27 : memref<!tpu.dma_semaphore, #tpu.memory_space<semaphore_mem>>) src(%arg18 : memref<128x128xf32, #tpu.memory_space<vmem>>) dst(%dma_wait3A_54 : memref<10016x128xf32, #tpu.memory_space<vmem_shared>>)
      %barrier3A_55 = arith.constant 0 : index
      tpu.barrier barrier_id(%barrier3A_55)
      %mul3A_56 = arith.constant 624 : i32
      %mul3A_57 = arith.muli %arg1, %mul3A_56 : i32
      %multiple_of3A_58 = tpu.assume_multiple %mul3A_57, 8 : i32
      "tpu.region"() ({
        %run_scoped3A = tpu.sem_alloc : memref<!tpu.dma_semaphore, #tpu.memory_space<semaphore_mem>>
        %dma_start3A_64 = arith.constant 0 : i32
        %dma_start3A_65 = tpu.memref_slice %arg8[%multiple_of3A_58, %dma_start3A_64] : memref<10000x128xf32, #tpu.memory_space<hbm>> -> memref<624x128xf32, #tpu.memory_space<hbm>>
        %dma_start3A_66 = arith.constant 0 : i32
        %dma_start3A_67 = tpu.memref_slice %arg19[%multiple_of3A_58, %dma_start3A_66] : memref<10016x128xf32, #tpu.memory_space<vmem_shared>> -> memref<624x128xf32, #tpu.memory_space<vmem_shared>>
        tpu.enqueue_dma source(%dma_start3A_67 : memref<624x128xf32, #tpu.memory_space<vmem_shared>>) target(%dma_start3A_65 : memref<624x128xf32, #tpu.memory_space<hbm>>) target_semaphore(%run_scoped3A : memref<!tpu.dma_semaphore, #tpu.memory_space<semaphore_mem>>)
        %dma_wait3A_68 = arith.constant 0 : i32
        %dma_wait3A_69 = tpu.memref_slice %arg8[%multiple_of3A_58, %dma_wait3A_68] : memref<10000x128xf32, #tpu.memory_space<hbm>> -> memref<624x128xf32, #tpu.memory_space<hbm>>
        %dma_wait3A_70 = arith.constant 0 : i32
        %dma_wait3A_71 = tpu.memref_slice %arg19[%multiple_of3A_58, %dma_wait3A_70] : memref<10016x128xf32, #tpu.memory_space<vmem_shared>> -> memref<624x128xf32, #tpu.memory_space<vmem_shared>>
        tpu.wait_dma2 semaphore(%run_scoped3A : memref<!tpu.dma_semaphore, #tpu.memory_space<semaphore_mem>>) src(%dma_wait3A_71 : memref<624x128xf32, #tpu.memory_space<vmem_shared>>) dst(%dma_wait3A_69 : memref<624x128xf32, #tpu.memory_space<hbm>>)
        tpu.yield
      }) : () -> ()
      %eq3A_59 = arith.constant 15 : i32
      %eq3A_60 = arith.cmpi eq, %arg1, %eq3A_59 : i32
      %convert_element_type3A_61 = arith.extui %eq3A_60 : i1 to i32
      %cond3A_62 = arith.constant 0 : i32
      %cond3A_63 = arith.cmpi ne, %convert_element_type3A_61, %cond3A_62 : i32
      scf.if %cond3A_63 {
        "tpu.region"() ({
          %run_scoped3A = tpu.sem_alloc : memref<!tpu.dma_semaphore, #tpu.memory_space<semaphore_mem>>
          %dma_start3A_64 = arith.constant 9984 : i32
          %dma_start3A_65 = arith.constant 0 : i32
          %dma_start3A_66 = tpu.memref_slice %arg8[%dma_start3A_64, %dma_start3A_65] : memref<10000x128xf32, #tpu.memory_space<hbm>> -> memref<16x128xf32, #tpu.memory_space<hbm>>
          %dma_start3A_67 = arith.constant 9984 : i32
          %dma_start3A_68 = arith.constant 0 : i32
          %dma_start3A_69 = tpu.memref_slice %arg19[%dma_start3A_67, %dma_start3A_68] : memref<10016x128xf32, #tpu.memory_space<vmem_shared>> -> memref<16x128xf32, #tpu.memory_space<vmem_shared>>
          tpu.enqueue_dma source(%dma_start3A_69 : memref<16x128xf32, #tpu.memory_space<vmem_shared>>) target(%dma_start3A_66 : memref<16x128xf32, #tpu.memory_space<hbm>>) target_semaphore(%run_scoped3A : memref<!tpu.dma_semaphore, #tpu.memory_space<semaphore_mem>>)
          %dma_wait3A_70 = arith.constant 9984 : i32
          %dma_wait3A_71 = arith.constant 0 : i32
          %dma_wait3A_72 = tpu.memref_slice %arg8[%dma_wait3A_70, %dma_wait3A_71] : memref<10000x128xf32, #tpu.memory_space<hbm>> -> memref<16x128xf32, #tpu.memory_space<hbm>>
          %dma_wait3A_73 = arith.constant 9984 : i32
          %dma_wait3A_74 = arith.constant 0 : i32
          %dma_wait3A_75 = tpu.memref_slice %arg19[%dma_wait3A_73, %dma_wait3A_74] : memref<10016x128xf32, #tpu.memory_space<vmem_shared>> -> memref<16x128xf32, #tpu.memory_space<vmem_shared>>
          tpu.wait_dma2 semaphore(%run_scoped3A : memref<!tpu.dma_semaphore, #tpu.memory_space<semaphore_mem>>) src(%dma_wait3A_75 : memref<16x128xf32, #tpu.memory_space<vmem_shared>>) dst(%dma_wait3A_72 : memref<16x128xf32, #tpu.memory_space<hbm>>)
          tpu.yield
        }) : () -> ()
      } else {
      }
    } else {
    }
    return
  }
}

#map = affine_map<(d0, d1) -> (0)>
#map1 = affine_map<(d0, d1) -> (0, 0)>
module attributes {stable_mosaic.version = 14 : i64} {
  func.func @agg(%arg0: i32, %arg1: i32, %arg2: memref<163840xi32, #tpu.memory_space<hbm>>, %arg3: memref<163840xi32, #tpu.memory_space<hbm>>, %arg4: memref<10000x128xf32, #tpu.memory_space<hbm>>, %arg5: memref<10000x128xf32, #tpu.memory_space<hbm>>, %arg6: memref<624x128xf32, #tpu.memory_space<hbm>>, %arg7: memref<10000x128xf32, #tpu.memory_space<hbm>>, %arg8: memref<10000x128xf32, #tpu.memory_space<hbm>>, %arg9: memref<128xi32, #tpu.memory_space<vmem>>, %arg10: memref<128xi32, #tpu.memory_space<vmem>>, %arg11: memref<128xi32, #tpu.memory_space<vmem>>, %arg12: memref<128xi32, #tpu.memory_space<vmem>>, %arg13: memref<128xi32, #tpu.memory_space<vmem>>, %arg14: memref<128xi32, #tpu.memory_space<vmem>>, %arg15: memref<128xi32, #tpu.memory_space<vmem>>, %arg16: memref<128xi32, #tpu.memory_space<vmem>>, %arg17: memref<128x128xf32, #tpu.memory_space<vmem>>, %arg18: memref<128x128xf32, #tpu.memory_space<vmem>>, %arg19: memref<10016x128xf32, #tpu.memory_space<vmem_shared>>, %arg20: memref<!tpu.dma_semaphore, #tpu.memory_space<semaphore_mem>>, %arg21: memref<!tpu.dma_semaphore, #tpu.memory_space<semaphore_mem>>, %arg22: memref<!tpu.dma_semaphore, #tpu.memory_space<semaphore_mem>>, %arg23: memref<!tpu.dma_semaphore, #tpu.memory_space<semaphore_mem>>, %arg24: memref<!tpu.dma_semaphore, #tpu.memory_space<semaphore_mem>>, %arg25: memref<!tpu.dma_semaphore, #tpu.memory_space<semaphore_mem>>, %arg26: memref<!tpu.dma_semaphore, #tpu.memory_space<semaphore_mem>>, %arg27: memref<!tpu.dma_semaphore, #tpu.memory_space<semaphore_mem>>) attributes {dimension_semantics = [#tpu.dimension_semantics<core_parallel>, #tpu.dimension_semantics<subcore_parallel>], iteration_bounds = array<i64: 2, 16>, scalar_prefetch = 0 : i64, scratch_operands = 19 : i64, tpu.core_type = #tpu.core_type<sc_vector_subcore>, window_params = [{transform_indices = #map}, {transform_indices = #map}, {transform_indices = #map1}, {transform_indices = #map1}, {transform_indices = #map1}, {transform_indices = #map1}, {transform_indices = #map1}]} {
    %mul3A = arith.constant 624 : i32
    %mul3A_0 = arith.muli %arg1, %mul3A : i32
    %multiple_of3A = tpu.assume_multiple %mul3A_0, 8 : i32
    "tpu.region"() ({
      %run_scoped3A = tpu.sem_alloc : memref<!tpu.dma_semaphore, #tpu.memory_space<semaphore_mem>>
      %dma_start3A = arith.constant 0 : i32
      %dma_start3A_17 = tpu.memref_slice %arg19[%multiple_of3A, %dma_start3A] : memref<10016x128xf32, #tpu.memory_space<vmem_shared>> -> memref<624x128xf32, #tpu.memory_space<vmem_shared>>
      %dma_start3A_18 = arith.constant 0 : i32
      %dma_start3A_19 = arith.constant 0 : i32
      %dma_start3A_20 = tpu.memref_slice %arg6[%dma_start3A_18, %dma_start3A_19] : memref<624x128xf32, #tpu.memory_space<hbm>> -> memref<624x128xf32, #tpu.memory_space<hbm>>
      tpu.enqueue_dma source(%dma_start3A_20 : memref<624x128xf32, #tpu.memory_space<hbm>>) target(%dma_start3A_17 : memref<624x128xf32, #tpu.memory_space<vmem_shared>>) target_semaphore(%run_scoped3A : memref<!tpu.dma_semaphore, #tpu.memory_space<semaphore_mem>>)
      %dma_wait3A = arith.constant 0 : i32
      %dma_wait3A_21 = tpu.memref_slice %arg19[%multiple_of3A, %dma_wait3A] : memref<10016x128xf32, #tpu.memory_space<vmem_shared>> -> memref<624x128xf32, #tpu.memory_space<vmem_shared>>
      %dma_wait3A_22 = arith.constant 0 : i32
      %dma_wait3A_23 = arith.constant 0 : i32
      %dma_wait3A_24 = tpu.memref_slice %arg6[%dma_wait3A_22, %dma_wait3A_23] : memref<624x128xf32, #tpu.memory_space<hbm>> -> memref<624x128xf32, #tpu.memory_space<hbm>>
      tpu.wait_dma2 semaphore(%run_scoped3A : memref<!tpu.dma_semaphore, #tpu.memory_space<semaphore_mem>>) src(%dma_wait3A_24 : memref<624x128xf32, #tpu.memory_space<hbm>>) dst(%dma_wait3A_21 : memref<624x128xf32, #tpu.memory_space<vmem_shared>>)
      tpu.yield
    }) : () -> ()
    %eq3A = arith.constant 15 : i32
    %eq3A_1 = arith.cmpi eq, %arg1, %eq3A : i32
    %convert_element_type3A = arith.extui %eq3A_1 : i1 to i32
    %cond3A = arith.constant 0 : i32
    %cond3A_2 = arith.cmpi ne, %convert_element_type3A, %cond3A : i32
    scf.if %cond3A_2 {
      "tpu.region"() ({
        %run_scoped3A = tpu.sem_alloc : memref<!tpu.dma_semaphore, #tpu.memory_space<semaphore_mem>>
        %dma_start3A = arith.constant 9984 : i32
        %dma_start3A_17 = arith.constant 0 : i32
        %dma_start3A_18 = tpu.memref_slice %arg19[%dma_start3A, %dma_start3A_17] : memref<10016x128xf32, #tpu.memory_space<vmem_shared>> -> memref<32x128xf32, #tpu.memory_space<vmem_shared>>
        %dma_start3A_19 = arith.constant 0 : i32
        %dma_start3A_20 = arith.constant 0 : i32
        %dma_start3A_21 = tpu.memref_slice %arg6[%dma_start3A_19, %dma_start3A_20] : memref<624x128xf32, #tpu.memory_space<hbm>> -> memref<32x128xf32, #tpu.memory_space<hbm>>
        tpu.enqueue_dma source(%dma_start3A_21 : memref<32x128xf32, #tpu.memory_space<hbm>>) target(%dma_start3A_18 : memref<32x128xf32, #tpu.memory_space<vmem_shared>>) target_semaphore(%run_scoped3A : memref<!tpu.dma_semaphore, #tpu.memory_space<semaphore_mem>>)
        %dma_wait3A = arith.constant 9984 : i32
        %dma_wait3A_22 = arith.constant 0 : i32
        %dma_wait3A_23 = tpu.memref_slice %arg19[%dma_wait3A, %dma_wait3A_22] : memref<10016x128xf32, #tpu.memory_space<vmem_shared>> -> memref<32x128xf32, #tpu.memory_space<vmem_shared>>
        %dma_wait3A_24 = arith.constant 0 : i32
        %dma_wait3A_25 = arith.constant 0 : i32
        %dma_wait3A_26 = tpu.memref_slice %arg6[%dma_wait3A_24, %dma_wait3A_25] : memref<624x128xf32, #tpu.memory_space<hbm>> -> memref<32x128xf32, #tpu.memory_space<hbm>>
        tpu.wait_dma2 semaphore(%run_scoped3A : memref<!tpu.dma_semaphore, #tpu.memory_space<semaphore_mem>>) src(%dma_wait3A_26 : memref<32x128xf32, #tpu.memory_space<hbm>>) dst(%dma_wait3A_23 : memref<32x128xf32, #tpu.memory_space<vmem_shared>>)
        tpu.yield
      }) : () -> ()
    } else {
    }
    %barrier3A = arith.constant 0 : index
    tpu.barrier barrier_id(%barrier3A)
    %mul3A_3 = arith.constant 80 : i32
    %mul3A_4 = arith.muli %arg1, %mul3A_3 : i32
    %mul3A_5 = arith.constant 128 : i32
    %mul3A_6 = arith.muli %mul3A_4, %mul3A_5 : i32
    %eq3A_7 = arith.constant 0 : i32
    %eq3A_8 = arith.cmpi eq, %arg0, %eq3A_7 : i32
    %convert_element_type3A_9 = arith.extui %eq3A_8 : i1 to i32
    %cond3A_10 = arith.constant 0 : i32
    %cond3A_11 = arith.cmpi ne, %convert_element_type3A_9, %cond3A_10 : i32
    scf.if %cond3A_11 {
      %add3A = arith.constant 0 : i32
      %add3A_17 = arith.addi %mul3A_6, %add3A : i32
      %multiple_of3A_18 = tpu.assume_multiple %add3A_17, 128 : i32
      %dma_start3A = tpu.memref_slice %arg2[%multiple_of3A_18] : memref<163840xi32, #tpu.memory_space<hbm>> -> memref<128xi32, #tpu.memory_space<hbm>>
      %dma_start3A_19 = tpu.memref_slice %arg2[%multiple_of3A_18] : memref<163840xi32, #tpu.memory_space<hbm>> -> memref<128xi32, #tpu.memory_space<hbm>>
      tpu.enqueue_dma source(%dma_start3A_19 : memref<128xi32, #tpu.memory_space<hbm>>) target(%arg9 : memref<128xi32, #tpu.memory_space<vmem>>) target_semaphore(%arg22 : memref<!tpu.dma_semaphore, #tpu.memory_space<semaphore_mem>>)
      %dma_start3A_20 = tpu.memref_slice %arg3[%multiple_of3A_18] : memref<163840xi32, #tpu.memory_space<hbm>> -> memref<128xi32, #tpu.memory_space<hbm>>
      %dma_start3A_21 = tpu.memref_slice %arg3[%multiple_of3A_18] : memref<163840xi32, #tpu.memory_space<hbm>> -> memref<128xi32, #tpu.memory_space<hbm>>
      tpu.enqueue_dma source(%dma_start3A_21 : memref<128xi32, #tpu.memory_space<hbm>>) target(%arg10 : memref<128xi32, #tpu.memory_space<vmem>>) target_semaphore(%arg22 : memref<!tpu.dma_semaphore, #tpu.memory_space<semaphore_mem>>)
      %add3A_22 = arith.constant 128 : i32
      %add3A_23 = arith.addi %mul3A_6, %add3A_22 : i32
      %multiple_of3A_24 = tpu.assume_multiple %add3A_23, 128 : i32
      %dma_start3A_25 = tpu.memref_slice %arg2[%multiple_of3A_24] : memref<163840xi32, #tpu.memory_space<hbm>> -> memref<128xi32, #tpu.memory_space<hbm>>
      %dma_start3A_26 = tpu.memref_slice %arg2[%multiple_of3A_24] : memref<163840xi32, #tpu.memory_space<hbm>> -> memref<128xi32, #tpu.memory_space<hbm>>
      tpu.enqueue_dma source(%dma_start3A_26 : memref<128xi32, #tpu.memory_space<hbm>>) target(%arg11 : memref<128xi32, #tpu.memory_space<vmem>>) target_semaphore(%arg23 : memref<!tpu.dma_semaphore, #tpu.memory_space<semaphore_mem>>)
      %dma_start3A_27 = tpu.memref_slice %arg3[%multiple_of3A_24] : memref<163840xi32, #tpu.memory_space<hbm>> -> memref<128xi32, #tpu.memory_space<hbm>>
      %dma_start3A_28 = tpu.memref_slice %arg3[%multiple_of3A_24] : memref<163840xi32, #tpu.memory_space<hbm>> -> memref<128xi32, #tpu.memory_space<hbm>>
      tpu.enqueue_dma source(%dma_start3A_28 : memref<128xi32, #tpu.memory_space<hbm>>) target(%arg12 : memref<128xi32, #tpu.memory_space<vmem>>) target_semaphore(%arg23 : memref<!tpu.dma_semaphore, #tpu.memory_space<semaphore_mem>>)
      %add3A_29 = arith.constant 256 : i32
      %add3A_30 = arith.addi %mul3A_6, %add3A_29 : i32
      %multiple_of3A_31 = tpu.assume_multiple %add3A_30, 128 : i32
      %dma_start3A_32 = tpu.memref_slice %arg2[%multiple_of3A_31] : memref<163840xi32, #tpu.memory_space<hbm>> -> memref<128xi32, #tpu.memory_space<hbm>>
      %dma_start3A_33 = tpu.memref_slice %arg2[%multiple_of3A_31] : memref<163840xi32, #tpu.memory_space<hbm>> -> memref<128xi32, #tpu.memory_space<hbm>>
      tpu.enqueue_dma source(%dma_start3A_33 : memref<128xi32, #tpu.memory_space<hbm>>) target(%arg13 : memref<128xi32, #tpu.memory_space<vmem>>) target_semaphore(%arg24 : memref<!tpu.dma_semaphore, #tpu.memory_space<semaphore_mem>>)
      %dma_start3A_34 = tpu.memref_slice %arg3[%multiple_of3A_31] : memref<163840xi32, #tpu.memory_space<hbm>> -> memref<128xi32, #tpu.memory_space<hbm>>
      %dma_start3A_35 = tpu.memref_slice %arg3[%multiple_of3A_31] : memref<163840xi32, #tpu.memory_space<hbm>> -> memref<128xi32, #tpu.memory_space<hbm>>
      tpu.enqueue_dma source(%dma_start3A_35 : memref<128xi32, #tpu.memory_space<hbm>>) target(%arg14 : memref<128xi32, #tpu.memory_space<vmem>>) target_semaphore(%arg24 : memref<!tpu.dma_semaphore, #tpu.memory_space<semaphore_mem>>)
      %add3A_36 = arith.constant 0 : i32
      %add3A_37 = arith.addi %mul3A_6, %add3A_36 : i32
      %multiple_of3A_38 = tpu.assume_multiple %add3A_37, 128 : i32
      %dma_wait3A = tpu.memref_slice %arg2[%multiple_of3A_38] : memref<163840xi32, #tpu.memory_space<hbm>> -> memref<128xi32, #tpu.memory_space<hbm>>
      %dma_wait3A_39 = tpu.memref_slice %arg2[%multiple_of3A_38] : memref<163840xi32, #tpu.memory_space<hbm>> -> memref<128xi32, #tpu.memory_space<hbm>>
      tpu.wait_dma2 semaphore(%arg22 : memref<!tpu.dma_semaphore, #tpu.memory_space<semaphore_mem>>) src(%dma_wait3A_39 : memref<128xi32, #tpu.memory_space<hbm>>) dst(%arg9 : memref<128xi32, #tpu.memory_space<vmem>>)
      %dma_wait3A_40 = tpu.memref_slice %arg3[%multiple_of3A_38] : memref<163840xi32, #tpu.memory_space<hbm>> -> memref<128xi32, #tpu.memory_space<hbm>>
      %dma_wait3A_41 = tpu.memref_slice %arg3[%multiple_of3A_38] : memref<163840xi32, #tpu.memory_space<hbm>> -> memref<128xi32, #tpu.memory_space<hbm>>
      tpu.wait_dma2 semaphore(%arg22 : memref<!tpu.dma_semaphore, #tpu.memory_space<semaphore_mem>>) src(%dma_wait3A_41 : memref<128xi32, #tpu.memory_space<hbm>>) dst(%arg10 : memref<128xi32, #tpu.memory_space<vmem>>)
      %dma_start3A_42 = arith.constant 0 : i32
      %dma_start3A_43 = arith.constant 0 : i32
      %dma_start3A_44 = tpu.memref_slice %arg4[%dma_start3A_42, %dma_start3A_43] : memref<10000x128xf32, #tpu.memory_space<hbm>> -> memref<10000x128xf32, #tpu.memory_space<hbm>>
      tpu.enqueue_indirect_dma source(%dma_start3A_44 : memref<10000x128xf32, #tpu.memory_space<hbm>>) target(%arg17 : memref<128x128xf32, #tpu.memory_space<vmem>>) offsets(%arg9 : memref<128xi32, #tpu.memory_space<vmem>>) semaphore(%arg20 : memref<!tpu.dma_semaphore, #tpu.memory_space<semaphore_mem>>)
      %scan3A = arith.constant 0 : i32
      %scan3A_45 = arith.constant 20 : i32
      %scan3A_46 = arith.addi %scan3A, %scan3A_45 : i32
      %scan3A_47 = arith.constant 1 : i32
      scf.for %scan3A_64 = %scan3A to %scan3A_46 step %scan3A_47  : i32 {
        %mul3A_65 = arith.constant 4 : i32
        %mul3A_66 = arith.muli %scan3A_64, %mul3A_65 : i32
        %add3A_67 = arith.constant 0 : i32
        %add3A_68 = arith.addi %add3A_67, %mul3A_66 : i32
        %add3A_69 = arith.constant 0 : i32
        %add3A_70 = arith.addi %add3A_68, %add3A_69 : i32
        %dma_wait3A_71 = arith.constant 0 : i32
        %dma_wait3A_72 = arith.constant 0 : i32
        %dma_wait3A_73 = tpu.memref_slice %arg4[%dma_wait3A_71, %dma_wait3A_72] : memref<10000x128xf32, #tpu.memory_space<hbm>> -> memref<10000x128xf32, #tpu.memory_space<hbm>>
        tpu.wait_indirect_dma semaphore(%arg20 : memref<!tpu.dma_semaphore, #tpu.memory_space<semaphore_mem>>) src(%dma_wait3A_73 : memref<10000x128xf32, #tpu.memory_space<hbm>>) dst(%arg17 : memref<128x128xf32, #tpu.memory_space<vmem>>)
        %dma_start3A_74 = arith.constant 0 : i32
        %dma_start3A_75 = arith.constant 0 : i32
        %dma_start3A_76 = tpu.memref_slice %arg19[%dma_start3A_74, %dma_start3A_75] : memref<10016x128xf32, #tpu.memory_space<vmem_shared>> -> memref<10016x128xf32, #tpu.memory_space<vmem_shared>>
        tpu.enqueue_indirect_dma source(%arg17 : memref<128x128xf32, #tpu.memory_space<vmem>>) target(%dma_start3A_76 : memref<10016x128xf32, #tpu.memory_space<vmem_shared>>) offsets(%arg10 : memref<128xi32, #tpu.memory_space<vmem>>) semaphore(%arg26 : memref<!tpu.dma_semaphore, #tpu.memory_space<semaphore_mem>>) {add = true}
        %ge3A = arith.constant 1 : i32
        %ge3A_77 = arith.cmpi sge, %add3A_70, %ge3A : i32
        %add3A_78 = arith.constant 1 : i32
        %add3A_79 = arith.addi %add3A_70, %add3A_78 : i32
        %lt3A = arith.constant 80 : i32
        %lt3A_80 = arith.cmpi slt, %add3A_79, %lt3A : i32
        %and3A = arith.andi %ge3A_77, %lt3A_80 : i1
        %convert_element_type3A_81 = arith.extui %and3A : i1 to i32
        %cond3A_82 = arith.constant 0 : i32
        %cond3A_83 = arith.cmpi ne, %convert_element_type3A_81, %cond3A_82 : i32
        scf.if %cond3A_83 {
          %dma_wait3A_194 = arith.constant 0 : i32
          %dma_wait3A_195 = arith.constant 0 : i32
          %dma_wait3A_196 = tpu.memref_slice %arg19[%dma_wait3A_194, %dma_wait3A_195] : memref<10016x128xf32, #tpu.memory_space<vmem_shared>> -> memref<10016x128xf32, #tpu.memory_space<vmem_shared>>
          tpu.wait_indirect_dma semaphore(%arg27 : memref<!tpu.dma_semaphore, #tpu.memory_space<semaphore_mem>>) src(%arg18 : memref<128x128xf32, #tpu.memory_space<vmem>>) dst(%dma_wait3A_196 : memref<10016x128xf32, #tpu.memory_space<vmem_shared>>)
        } else {
        }
        %add3A_84 = arith.constant 3 : i32
        %add3A_85 = arith.addi %add3A_70, %add3A_84 : i32
        %lt3A_86 = arith.constant 80 : i32
        %lt3A_87 = arith.cmpi slt, %add3A_85, %lt3A_86 : i32
        %convert_element_type3A_88 = arith.extui %lt3A_87 : i1 to i32
        %cond3A_89 = arith.constant 0 : i32
        %cond3A_90 = arith.cmpi ne, %convert_element_type3A_88, %cond3A_89 : i32
        scf.if %cond3A_90 {
          %add3A_194 = arith.constant 3 : i32
          %add3A_195 = arith.addi %add3A_70, %add3A_194 : i32
          %mul3A_196 = arith.constant 128 : i32
          %mul3A_197 = arith.muli %add3A_195, %mul3A_196 : i32
          %add3A_198 = arith.addi %mul3A_6, %mul3A_197 : i32
          %multiple_of3A_199 = tpu.assume_multiple %add3A_198, 128 : i32
          %dma_start3A_200 = tpu.memref_slice %arg2[%multiple_of3A_199] : memref<163840xi32, #tpu.memory_space<hbm>> -> memref<128xi32, #tpu.memory_space<hbm>>
          %dma_start3A_201 = tpu.memref_slice %arg2[%multiple_of3A_199] : memref<163840xi32, #tpu.memory_space<hbm>> -> memref<128xi32, #tpu.memory_space<hbm>>
          tpu.enqueue_dma source(%dma_start3A_201 : memref<128xi32, #tpu.memory_space<hbm>>) target(%arg15 : memref<128xi32, #tpu.memory_space<vmem>>) target_semaphore(%arg25 : memref<!tpu.dma_semaphore, #tpu.memory_space<semaphore_mem>>)
          %dma_start3A_202 = tpu.memref_slice %arg3[%multiple_of3A_199] : memref<163840xi32, #tpu.memory_space<hbm>> -> memref<128xi32, #tpu.memory_space<hbm>>
          %dma_start3A_203 = tpu.memref_slice %arg3[%multiple_of3A_199] : memref<163840xi32, #tpu.memory_space<hbm>> -> memref<128xi32, #tpu.memory_space<hbm>>
          tpu.enqueue_dma source(%dma_start3A_203 : memref<128xi32, #tpu.memory_space<hbm>>) target(%arg16 : memref<128xi32, #tpu.memory_space<vmem>>) target_semaphore(%arg25 : memref<!tpu.dma_semaphore, #tpu.memory_space<semaphore_mem>>)
        } else {
        }
        %add3A_91 = arith.constant 1 : i32
        %add3A_92 = arith.addi %add3A_70, %add3A_91 : i32
        %lt3A_93 = arith.constant 80 : i32
        %lt3A_94 = arith.cmpi slt, %add3A_92, %lt3A_93 : i32
        %convert_element_type3A_95 = arith.extui %lt3A_94 : i1 to i32
        %cond3A_96 = arith.constant 0 : i32
        %cond3A_97 = arith.cmpi ne, %convert_element_type3A_95, %cond3A_96 : i32
        scf.if %cond3A_97 {
          %add3A_194 = arith.constant 1 : i32
          %add3A_195 = arith.addi %add3A_70, %add3A_194 : i32
          %mul3A_196 = arith.constant 128 : i32
          %mul3A_197 = arith.muli %add3A_195, %mul3A_196 : i32
          %add3A_198 = arith.addi %mul3A_6, %mul3A_197 : i32
          %multiple_of3A_199 = tpu.assume_multiple %add3A_198, 128 : i32
          %dma_wait3A_200 = tpu.memref_slice %arg2[%multiple_of3A_199] : memref<163840xi32, #tpu.memory_space<hbm>> -> memref<128xi32, #tpu.memory_space<hbm>>
          %dma_wait3A_201 = tpu.memref_slice %arg2[%multiple_of3A_199] : memref<163840xi32, #tpu.memory_space<hbm>> -> memref<128xi32, #tpu.memory_space<hbm>>
          tpu.wait_dma2 semaphore(%arg23 : memref<!tpu.dma_semaphore, #tpu.memory_space<semaphore_mem>>) src(%dma_wait3A_201 : memref<128xi32, #tpu.memory_space<hbm>>) dst(%arg11 : memref<128xi32, #tpu.memory_space<vmem>>)
          %dma_wait3A_202 = tpu.memref_slice %arg3[%multiple_of3A_199] : memref<163840xi32, #tpu.memory_space<hbm>> -> memref<128xi32, #tpu.memory_space<hbm>>
          %dma_wait3A_203 = tpu.memref_slice %arg3[%multiple_of3A_199] : memref<163840xi32, #tpu.memory_space<hbm>> -> memref<128xi32, #tpu.memory_space<hbm>>
          tpu.wait_dma2 semaphore(%arg23 : memref<!tpu.dma_semaphore, #tpu.memory_space<semaphore_mem>>) src(%dma_wait3A_203 : memref<128xi32, #tpu.memory_space<hbm>>) dst(%arg12 : memref<128xi32, #tpu.memory_space<vmem>>)
          %dma_start3A_204 = arith.constant 0 : i32
          %dma_start3A_205 = arith.constant 0 : i32
          %dma_start3A_206 = tpu.memref_slice %arg4[%dma_start3A_204, %dma_start3A_205] : memref<10000x128xf32, #tpu.memory_space<hbm>> -> memref<10000x128xf32, #tpu.memory_space<hbm>>
          tpu.enqueue_indirect_dma source(%dma_start3A_206 : memref<10000x128xf32, #tpu.memory_space<hbm>>) target(%arg18 : memref<128x128xf32, #tpu.memory_space<vmem>>) offsets(%arg11 : memref<128xi32, #tpu.memory_space<vmem>>) semaphore(%arg21 : memref<!tpu.dma_semaphore, #tpu.memory_space<semaphore_mem>>)
        } else {
        }
        %add3A_98 = arith.constant 1 : i32
        %add3A_99 = arith.addi %add3A_68, %add3A_98 : i32
        %dma_wait3A_100 = arith.constant 0 : i32
        %dma_wait3A_101 = arith.constant 0 : i32
        %dma_wait3A_102 = tpu.memref_slice %arg4[%dma_wait3A_100, %dma_wait3A_101] : memref<10000x128xf32, #tpu.memory_space<hbm>> -> memref<10000x128xf32, #tpu.memory_space<hbm>>
        tpu.wait_indirect_dma semaphore(%arg21 : memref<!tpu.dma_semaphore, #tpu.memory_space<semaphore_mem>>) src(%dma_wait3A_102 : memref<10000x128xf32, #tpu.memory_space<hbm>>) dst(%arg18 : memref<128x128xf32, #tpu.memory_space<vmem>>)
        %dma_start3A_103 = arith.constant 0 : i32
        %dma_start3A_104 = arith.constant 0 : i32
        %dma_start3A_105 = tpu.memref_slice %arg19[%dma_start3A_103, %dma_start3A_104] : memref<10016x128xf32, #tpu.memory_space<vmem_shared>> -> memref<10016x128xf32, #tpu.memory_space<vmem_shared>>
        tpu.enqueue_indirect_dma source(%arg18 : memref<128x128xf32, #tpu.memory_space<vmem>>) target(%dma_start3A_105 : memref<10016x128xf32, #tpu.memory_space<vmem_shared>>) offsets(%arg12 : memref<128xi32, #tpu.memory_space<vmem>>) semaphore(%arg27 : memref<!tpu.dma_semaphore, #tpu.memory_space<semaphore_mem>>) {add = true}
        %ge3A_106 = arith.constant 1 : i32
        %ge3A_107 = arith.cmpi sge, %add3A_99, %ge3A_106 : i32
        %add3A_108 = arith.constant 1 : i32
        %add3A_109 = arith.addi %add3A_99, %add3A_108 : i32
        %lt3A_110 = arith.constant 80 : i32
        %lt3A_111 = arith.cmpi slt, %add3A_109, %lt3A_110 : i32
        %and3A_112 = arith.andi %ge3A_107, %lt3A_111 : i1
        %convert_element_type3A_113 = arith.extui %and3A_112 : i1 to i32
        %cond3A_114 = arith.constant 0 : i32
        %cond3A_115 = arith.cmpi ne, %convert_element_type3A_113, %cond3A_114 : i32
        scf.if %cond3A_115 {
          %dma_wait3A_194 = arith.constant 0 : i32
          %dma_wait3A_195 = arith.constant 0 : i32
          %dma_wait3A_196 = tpu.memref_slice %arg19[%dma_wait3A_194, %dma_wait3A_195] : memref<10016x128xf32, #tpu.memory_space<vmem_shared>> -> memref<10016x128xf32, #tpu.memory_space<vmem_shared>>
          tpu.wait_indirect_dma semaphore(%arg26 : memref<!tpu.dma_semaphore, #tpu.memory_space<semaphore_mem>>) src(%arg17 : memref<128x128xf32, #tpu.memory_space<vmem>>) dst(%dma_wait3A_196 : memref<10016x128xf32, #tpu.memory_space<vmem_shared>>)
        } else {
        }
        %add3A_116 = arith.constant 3 : i32
        %add3A_117 = arith.addi %add3A_99, %add3A_116 : i32
        %lt3A_118 = arith.constant 80 : i32
        %lt3A_119 = arith.cmpi slt, %add3A_117, %lt3A_118 : i32
        %convert_element_type3A_120 = arith.extui %lt3A_119 : i1 to i32
        %cond3A_121 = arith.constant 0 : i32
        %cond3A_122 = arith.cmpi ne, %convert_element_type3A_120, %cond3A_121 : i32
        scf.if %cond3A_122 {
          %add3A_194 = arith.constant 3 : i32
          %add3A_195 = arith.addi %add3A_99, %add3A_194 : i32
          %mul3A_196 = arith.constant 128 : i32
          %mul3A_197 = arith.muli %add3A_195, %mul3A_196 : i32
          %add3A_198 = arith.addi %mul3A_6, %mul3A_197 : i32
          %multiple_of3A_199 = tpu.assume_multiple %add3A_198, 128 : i32
          %dma_start3A_200 = tpu.memref_slice %arg2[%multiple_of3A_199] : memref<163840xi32, #tpu.memory_space<hbm>> -> memref<128xi32, #tpu.memory_space<hbm>>
          %dma_start3A_201 = tpu.memref_slice %arg2[%multiple_of3A_199] : memref<163840xi32, #tpu.memory_space<hbm>> -> memref<128xi32, #tpu.memory_space<hbm>>
          tpu.enqueue_dma source(%dma_start3A_201 : memref<128xi32, #tpu.memory_space<hbm>>) target(%arg9 : memref<128xi32, #tpu.memory_space<vmem>>) target_semaphore(%arg22 : memref<!tpu.dma_semaphore, #tpu.memory_space<semaphore_mem>>)
          %dma_start3A_202 = tpu.memref_slice %arg3[%multiple_of3A_199] : memref<163840xi32, #tpu.memory_space<hbm>> -> memref<128xi32, #tpu.memory_space<hbm>>
          %dma_start3A_203 = tpu.memref_slice %arg3[%multiple_of3A_199] : memref<163840xi32, #tpu.memory_space<hbm>> -> memref<128xi32, #tpu.memory_space<hbm>>
          tpu.enqueue_dma source(%dma_start3A_203 : memref<128xi32, #tpu.memory_space<hbm>>) target(%arg10 : memref<128xi32, #tpu.memory_space<vmem>>) target_semaphore(%arg22 : memref<!tpu.dma_semaphore, #tpu.memory_space<semaphore_mem>>)
        } else {
        }
        %add3A_123 = arith.constant 1 : i32
        %add3A_124 = arith.addi %add3A_99, %add3A_123 : i32
        %lt3A_125 = arith.constant 80 : i32
        %lt3A_126 = arith.cmpi slt, %add3A_124, %lt3A_125 : i32
        %convert_element_type3A_127 = arith.extui %lt3A_126 : i1 to i32
        %cond3A_128 = arith.constant 0 : i32
        %cond3A_129 = arith.cmpi ne, %convert_element_type3A_127, %cond3A_128 : i32
        scf.if %cond3A_129 {
          %add3A_194 = arith.constant 1 : i32
          %add3A_195 = arith.addi %add3A_99, %add3A_194 : i32
          %mul3A_196 = arith.constant 128 : i32
          %mul3A_197 = arith.muli %add3A_195, %mul3A_196 : i32
          %add3A_198 = arith.addi %mul3A_6, %mul3A_197 : i32
          %multiple_of3A_199 = tpu.assume_multiple %add3A_198, 128 : i32
          %dma_wait3A_200 = tpu.memref_slice %arg2[%multiple_of3A_199] : memref<163840xi32, #tpu.memory_space<hbm>> -> memref<128xi32, #tpu.memory_space<hbm>>
          %dma_wait3A_201 = tpu.memref_slice %arg2[%multiple_of3A_199] : memref<163840xi32, #tpu.memory_space<hbm>> -> memref<128xi32, #tpu.memory_space<hbm>>
          tpu.wait_dma2 semaphore(%arg24 : memref<!tpu.dma_semaphore, #tpu.memory_space<semaphore_mem>>) src(%dma_wait3A_201 : memref<128xi32, #tpu.memory_space<hbm>>) dst(%arg13 : memref<128xi32, #tpu.memory_space<vmem>>)
          %dma_wait3A_202 = tpu.memref_slice %arg3[%multiple_of3A_199] : memref<163840xi32, #tpu.memory_space<hbm>> -> memref<128xi32, #tpu.memory_space<hbm>>
          %dma_wait3A_203 = tpu.memref_slice %arg3[%multiple_of3A_199] : memref<163840xi32, #tpu.memory_space<hbm>> -> memref<128xi32, #tpu.memory_space<hbm>>
          tpu.wait_dma2 semaphore(%arg24 : memref<!tpu.dma_semaphore, #tpu.memory_space<semaphore_mem>>) src(%dma_wait3A_203 : memref<128xi32, #tpu.memory_space<hbm>>) dst(%arg14 : memref<128xi32, #tpu.memory_space<vmem>>)
          %dma_start3A_204 = arith.constant 0 : i32
          %dma_start3A_205 = arith.constant 0 : i32
          %dma_start3A_206 = tpu.memref_slice %arg4[%dma_start3A_204, %dma_start3A_205] : memref<10000x128xf32, #tpu.memory_space<hbm>> -> memref<10000x128xf32, #tpu.memory_space<hbm>>
          tpu.enqueue_indirect_dma source(%dma_start3A_206 : memref<10000x128xf32, #tpu.memory_space<hbm>>) target(%arg17 : memref<128x128xf32, #tpu.memory_space<vmem>>) offsets(%arg13 : memref<128xi32, #tpu.memory_space<vmem>>) semaphore(%arg20 : memref<!tpu.dma_semaphore, #tpu.memory_space<semaphore_mem>>)
        } else {
        }
        %add3A_130 = arith.constant 2 : i32
        %add3A_131 = arith.addi %add3A_68, %add3A_130 : i32
        %dma_wait3A_132 = arith.constant 0 : i32
        %dma_wait3A_133 = arith.constant 0 : i32
        %dma_wait3A_134 = tpu.memref_slice %arg4[%dma_wait3A_132, %dma_wait3A_133] : memref<10000x128xf32, #tpu.memory_space<hbm>> -> memref<10000x128xf32, #tpu.memory_space<hbm>>
        tpu.wait_indirect_dma semaphore(%arg20 : memref<!tpu.dma_semaphore, #tpu.memory_space<semaphore_mem>>) src(%dma_wait3A_134 : memref<10000x128xf32, #tpu.memory_space<hbm>>) dst(%arg17 : memref<128x128xf32, #tpu.memory_space<vmem>>)
        %dma_start3A_135 = arith.constant 0 : i32
        %dma_start3A_136 = arith.constant 0 : i32
        %dma_start3A_137 = tpu.memref_slice %arg19[%dma_start3A_135, %dma_start3A_136] : memref<10016x128xf32, #tpu.memory_space<vmem_shared>> -> memref<10016x128xf32, #tpu.memory_space<vmem_shared>>
        tpu.enqueue_indirect_dma source(%arg17 : memref<128x128xf32, #tpu.memory_space<vmem>>) target(%dma_start3A_137 : memref<10016x128xf32, #tpu.memory_space<vmem_shared>>) offsets(%arg14 : memref<128xi32, #tpu.memory_space<vmem>>) semaphore(%arg26 : memref<!tpu.dma_semaphore, #tpu.memory_space<semaphore_mem>>) {add = true}
        %ge3A_138 = arith.constant 1 : i32
        %ge3A_139 = arith.cmpi sge, %add3A_131, %ge3A_138 : i32
        %add3A_140 = arith.constant 1 : i32
        %add3A_141 = arith.addi %add3A_131, %add3A_140 : i32
        %lt3A_142 = arith.constant 80 : i32
        %lt3A_143 = arith.cmpi slt, %add3A_141, %lt3A_142 : i32
        %and3A_144 = arith.andi %ge3A_139, %lt3A_143 : i1
        %convert_element_type3A_145 = arith.extui %and3A_144 : i1 to i32
        %cond3A_146 = arith.constant 0 : i32
        %cond3A_147 = arith.cmpi ne, %convert_element_type3A_145, %cond3A_146 : i32
        scf.if %cond3A_147 {
          %dma_wait3A_194 = arith.constant 0 : i32
          %dma_wait3A_195 = arith.constant 0 : i32
          %dma_wait3A_196 = tpu.memref_slice %arg19[%dma_wait3A_194, %dma_wait3A_195] : memref<10016x128xf32, #tpu.memory_space<vmem_shared>> -> memref<10016x128xf32, #tpu.memory_space<vmem_shared>>
          tpu.wait_indirect_dma semaphore(%arg27 : memref<!tpu.dma_semaphore, #tpu.memory_space<semaphore_mem>>) src(%arg18 : memref<128x128xf32, #tpu.memory_space<vmem>>) dst(%dma_wait3A_196 : memref<10016x128xf32, #tpu.memory_space<vmem_shared>>)
        } else {
        }
        %add3A_148 = arith.constant 3 : i32
        %add3A_149 = arith.addi %add3A_131, %add3A_148 : i32
        %lt3A_150 = arith.constant 80 : i32
        %lt3A_151 = arith.cmpi slt, %add3A_149, %lt3A_150 : i32
        %convert_element_type3A_152 = arith.extui %lt3A_151 : i1 to i32
        %cond3A_153 = arith.constant 0 : i32
        %cond3A_154 = arith.cmpi ne, %convert_element_type3A_152, %cond3A_153 : i32
        scf.if %cond3A_154 {
          %add3A_194 = arith.constant 3 : i32
          %add3A_195 = arith.addi %add3A_131, %add3A_194 : i32
          %mul3A_196 = arith.constant 128 : i32
          %mul3A_197 = arith.muli %add3A_195, %mul3A_196 : i32
          %add3A_198 = arith.addi %mul3A_6, %mul3A_197 : i32
          %multiple_of3A_199 = tpu.assume_multiple %add3A_198, 128 : i32
          %dma_start3A_200 = tpu.memref_slice %arg2[%multiple_of3A_199] : memref<163840xi32, #tpu.memory_space<hbm>> -> memref<128xi32, #tpu.memory_space<hbm>>
          %dma_start3A_201 = tpu.memref_slice %arg2[%multiple_of3A_199] : memref<163840xi32, #tpu.memory_space<hbm>> -> memref<128xi32, #tpu.memory_space<hbm>>
          tpu.enqueue_dma source(%dma_start3A_201 : memref<128xi32, #tpu.memory_space<hbm>>) target(%arg11 : memref<128xi32, #tpu.memory_space<vmem>>) target_semaphore(%arg23 : memref<!tpu.dma_semaphore, #tpu.memory_space<semaphore_mem>>)
          %dma_start3A_202 = tpu.memref_slice %arg3[%multiple_of3A_199] : memref<163840xi32, #tpu.memory_space<hbm>> -> memref<128xi32, #tpu.memory_space<hbm>>
          %dma_start3A_203 = tpu.memref_slice %arg3[%multiple_of3A_199] : memref<163840xi32, #tpu.memory_space<hbm>> -> memref<128xi32, #tpu.memory_space<hbm>>
          tpu.enqueue_dma source(%dma_start3A_203 : memref<128xi32, #tpu.memory_space<hbm>>) target(%arg12 : memref<128xi32, #tpu.memory_space<vmem>>) target_semaphore(%arg23 : memref<!tpu.dma_semaphore, #tpu.memory_space<semaphore_mem>>)
        } else {
        }
        %add3A_155 = arith.constant 1 : i32
        %add3A_156 = arith.addi %add3A_131, %add3A_155 : i32
        %lt3A_157 = arith.constant 80 : i32
        %lt3A_158 = arith.cmpi slt, %add3A_156, %lt3A_157 : i32
        %convert_element_type3A_159 = arith.extui %lt3A_158 : i1 to i32
        %cond3A_160 = arith.constant 0 : i32
        %cond3A_161 = arith.cmpi ne, %convert_element_type3A_159, %cond3A_160 : i32
        scf.if %cond3A_161 {
          %add3A_194 = arith.constant 1 : i32
          %add3A_195 = arith.addi %add3A_131, %add3A_194 : i32
          %mul3A_196 = arith.constant 128 : i32
          %mul3A_197 = arith.muli %add3A_195, %mul3A_196 : i32
          %add3A_198 = arith.addi %mul3A_6, %mul3A_197 : i32
          %multiple_of3A_199 = tpu.assume_multiple %add3A_198, 128 : i32
          %dma_wait3A_200 = tpu.memref_slice %arg2[%multiple_of3A_199] : memref<163840xi32, #tpu.memory_space<hbm>> -> memref<128xi32, #tpu.memory_space<hbm>>
          %dma_wait3A_201 = tpu.memref_slice %arg2[%multiple_of3A_199] : memref<163840xi32, #tpu.memory_space<hbm>> -> memref<128xi32, #tpu.memory_space<hbm>>
          tpu.wait_dma2 semaphore(%arg25 : memref<!tpu.dma_semaphore, #tpu.memory_space<semaphore_mem>>) src(%dma_wait3A_201 : memref<128xi32, #tpu.memory_space<hbm>>) dst(%arg15 : memref<128xi32, #tpu.memory_space<vmem>>)
          %dma_wait3A_202 = tpu.memref_slice %arg3[%multiple_of3A_199] : memref<163840xi32, #tpu.memory_space<hbm>> -> memref<128xi32, #tpu.memory_space<hbm>>
          %dma_wait3A_203 = tpu.memref_slice %arg3[%multiple_of3A_199] : memref<163840xi32, #tpu.memory_space<hbm>> -> memref<128xi32, #tpu.memory_space<hbm>>
          tpu.wait_dma2 semaphore(%arg25 : memref<!tpu.dma_semaphore, #tpu.memory_space<semaphore_mem>>) src(%dma_wait3A_203 : memref<128xi32, #tpu.memory_space<hbm>>) dst(%arg16 : memref<128xi32, #tpu.memory_space<vmem>>)
          %dma_start3A_204 = arith.constant 0 : i32
          %dma_start3A_205 = arith.constant 0 : i32
          %dma_start3A_206 = tpu.memref_slice %arg4[%dma_start3A_204, %dma_start3A_205] : memref<10000x128xf32, #tpu.memory_space<hbm>> -> memref<10000x128xf32, #tpu.memory_space<hbm>>
          tpu.enqueue_indirect_dma source(%dma_start3A_206 : memref<10000x128xf32, #tpu.memory_space<hbm>>) target(%arg18 : memref<128x128xf32, #tpu.memory_space<vmem>>) offsets(%arg15 : memref<128xi32, #tpu.memory_space<vmem>>) semaphore(%arg21 : memref<!tpu.dma_semaphore, #tpu.memory_space<semaphore_mem>>)
        } else {
        }
        %add3A_162 = arith.constant 3 : i32
        %add3A_163 = arith.addi %add3A_68, %add3A_162 : i32
        %dma_wait3A_164 = arith.constant 0 : i32
        %dma_wait3A_165 = arith.constant 0 : i32
        %dma_wait3A_166 = tpu.memref_slice %arg4[%dma_wait3A_164, %dma_wait3A_165] : memref<10000x128xf32, #tpu.memory_space<hbm>> -> memref<10000x128xf32, #tpu.memory_space<hbm>>
        tpu.wait_indirect_dma semaphore(%arg21 : memref<!tpu.dma_semaphore, #tpu.memory_space<semaphore_mem>>) src(%dma_wait3A_166 : memref<10000x128xf32, #tpu.memory_space<hbm>>) dst(%arg18 : memref<128x128xf32, #tpu.memory_space<vmem>>)
        %dma_start3A_167 = arith.constant 0 : i32
        %dma_start3A_168 = arith.constant 0 : i32
        %dma_start3A_169 = tpu.memref_slice %arg19[%dma_start3A_167, %dma_start3A_168] : memref<10016x128xf32, #tpu.memory_space<vmem_shared>> -> memref<10016x128xf32, #tpu.memory_space<vmem_shared>>
        tpu.enqueue_indirect_dma source(%arg18 : memref<128x128xf32, #tpu.memory_space<vmem>>) target(%dma_start3A_169 : memref<10016x128xf32, #tpu.memory_space<vmem_shared>>) offsets(%arg16 : memref<128xi32, #tpu.memory_space<vmem>>) semaphore(%arg27 : memref<!tpu.dma_semaphore, #tpu.memory_space<semaphore_mem>>) {add = true}
        %ge3A_170 = arith.constant 1 : i32
        %ge3A_171 = arith.cmpi sge, %add3A_163, %ge3A_170 : i32
        %add3A_172 = arith.constant 1 : i32
        %add3A_173 = arith.addi %add3A_163, %add3A_172 : i32
        %lt3A_174 = arith.constant 80 : i32
        %lt3A_175 = arith.cmpi slt, %add3A_173, %lt3A_174 : i32
        %and3A_176 = arith.andi %ge3A_171, %lt3A_175 : i1
        %convert_element_type3A_177 = arith.extui %and3A_176 : i1 to i32
        %cond3A_178 = arith.constant 0 : i32
        %cond3A_179 = arith.cmpi ne, %convert_element_type3A_177, %cond3A_178 : i32
        scf.if %cond3A_179 {
          %dma_wait3A_194 = arith.constant 0 : i32
          %dma_wait3A_195 = arith.constant 0 : i32
          %dma_wait3A_196 = tpu.memref_slice %arg19[%dma_wait3A_194, %dma_wait3A_195] : memref<10016x128xf32, #tpu.memory_space<vmem_shared>> -> memref<10016x128xf32, #tpu.memory_space<vmem_shared>>
          tpu.wait_indirect_dma semaphore(%arg26 : memref<!tpu.dma_semaphore, #tpu.memory_space<semaphore_mem>>) src(%arg17 : memref<128x128xf32, #tpu.memory_space<vmem>>) dst(%dma_wait3A_196 : memref<10016x128xf32, #tpu.memory_space<vmem_shared>>)
        } else {
        }
        %add3A_180 = arith.constant 3 : i32
        %add3A_181 = arith.addi %add3A_163, %add3A_180 : i32
        %lt3A_182 = arith.constant 80 : i32
        %lt3A_183 = arith.cmpi slt, %add3A_181, %lt3A_182 : i32
        %convert_element_type3A_184 = arith.extui %lt3A_183 : i1 to i32
        %cond3A_185 = arith.constant 0 : i32
        %cond3A_186 = arith.cmpi ne, %convert_element_type3A_184, %cond3A_185 : i32
        scf.if %cond3A_186 {
          %add3A_194 = arith.constant 3 : i32
          %add3A_195 = arith.addi %add3A_163, %add3A_194 : i32
          %mul3A_196 = arith.constant 128 : i32
          %mul3A_197 = arith.muli %add3A_195, %mul3A_196 : i32
          %add3A_198 = arith.addi %mul3A_6, %mul3A_197 : i32
          %multiple_of3A_199 = tpu.assume_multiple %add3A_198, 128 : i32
          %dma_start3A_200 = tpu.memref_slice %arg2[%multiple_of3A_199] : memref<163840xi32, #tpu.memory_space<hbm>> -> memref<128xi32, #tpu.memory_space<hbm>>
          %dma_start3A_201 = tpu.memref_slice %arg2[%multiple_of3A_199] : memref<163840xi32, #tpu.memory_space<hbm>> -> memref<128xi32, #tpu.memory_space<hbm>>
          tpu.enqueue_dma source(%dma_start3A_201 : memref<128xi32, #tpu.memory_space<hbm>>) target(%arg13 : memref<128xi32, #tpu.memory_space<vmem>>) target_semaphore(%arg24 : memref<!tpu.dma_semaphore, #tpu.memory_space<semaphore_mem>>)
          %dma_start3A_202 = tpu.memref_slice %arg3[%multiple_of3A_199] : memref<163840xi32, #tpu.memory_space<hbm>> -> memref<128xi32, #tpu.memory_space<hbm>>
          %dma_start3A_203 = tpu.memref_slice %arg3[%multiple_of3A_199] : memref<163840xi32, #tpu.memory_space<hbm>> -> memref<128xi32, #tpu.memory_space<hbm>>
          tpu.enqueue_dma source(%dma_start3A_203 : memref<128xi32, #tpu.memory_space<hbm>>) target(%arg14 : memref<128xi32, #tpu.memory_space<vmem>>) target_semaphore(%arg24 : memref<!tpu.dma_semaphore, #tpu.memory_space<semaphore_mem>>)
        } else {
        }
        %add3A_187 = arith.constant 1 : i32
        %add3A_188 = arith.addi %add3A_163, %add3A_187 : i32
        %lt3A_189 = arith.constant 80 : i32
        %lt3A_190 = arith.cmpi slt, %add3A_188, %lt3A_189 : i32
        %convert_element_type3A_191 = arith.extui %lt3A_190 : i1 to i32
        %cond3A_192 = arith.constant 0 : i32
        %cond3A_193 = arith.cmpi ne, %convert_element_type3A_191, %cond3A_192 : i32
        scf.if %cond3A_193 {
          %add3A_194 = arith.constant 1 : i32
          %add3A_195 = arith.addi %add3A_163, %add3A_194 : i32
          %mul3A_196 = arith.constant 128 : i32
          %mul3A_197 = arith.muli %add3A_195, %mul3A_196 : i32
          %add3A_198 = arith.addi %mul3A_6, %mul3A_197 : i32
          %multiple_of3A_199 = tpu.assume_multiple %add3A_198, 128 : i32
          %dma_wait3A_200 = tpu.memref_slice %arg2[%multiple_of3A_199] : memref<163840xi32, #tpu.memory_space<hbm>> -> memref<128xi32, #tpu.memory_space<hbm>>
          %dma_wait3A_201 = tpu.memref_slice %arg2[%multiple_of3A_199] : memref<163840xi32, #tpu.memory_space<hbm>> -> memref<128xi32, #tpu.memory_space<hbm>>
          tpu.wait_dma2 semaphore(%arg22 : memref<!tpu.dma_semaphore, #tpu.memory_space<semaphore_mem>>) src(%dma_wait3A_201 : memref<128xi32, #tpu.memory_space<hbm>>) dst(%arg9 : memref<128xi32, #tpu.memory_space<vmem>>)
          %dma_wait3A_202 = tpu.memref_slice %arg3[%multiple_of3A_199] : memref<163840xi32, #tpu.memory_space<hbm>> -> memref<128xi32, #tpu.memory_space<hbm>>
          %dma_wait3A_203 = tpu.memref_slice %arg3[%multiple_of3A_199] : memref<163840xi32, #tpu.memory_space<hbm>> -> memref<128xi32, #tpu.memory_space<hbm>>
          tpu.wait_dma2 semaphore(%arg22 : memref<!tpu.dma_semaphore, #tpu.memory_space<semaphore_mem>>) src(%dma_wait3A_203 : memref<128xi32, #tpu.memory_space<hbm>>) dst(%arg10 : memref<128xi32, #tpu.memory_space<vmem>>)
          %dma_start3A_204 = arith.constant 0 : i32
          %dma_start3A_205 = arith.constant 0 : i32
          %dma_start3A_206 = tpu.memref_slice %arg4[%dma_start3A_204, %dma_start3A_205] : memref<10000x128xf32, #tpu.memory_space<hbm>> -> memref<10000x128xf32, #tpu.memory_space<hbm>>
          tpu.enqueue_indirect_dma source(%dma_start3A_206 : memref<10000x128xf32, #tpu.memory_space<hbm>>) target(%arg17 : memref<128x128xf32, #tpu.memory_space<vmem>>) offsets(%arg9 : memref<128xi32, #tpu.memory_space<vmem>>) semaphore(%arg20 : memref<!tpu.dma_semaphore, #tpu.memory_space<semaphore_mem>>)
        } else {
        }
      }
      %scan3A_48 = arith.constant 20 : i32
      %dma_wait3A_49 = arith.constant 0 : i32
      %dma_wait3A_50 = arith.constant 0 : i32
      %dma_wait3A_51 = tpu.memref_slice %arg19[%dma_wait3A_49, %dma_wait3A_50] : memref<10016x128xf32, #tpu.memory_space<vmem_shared>> -> memref<10016x128xf32, #tpu.memory_space<vmem_shared>>
      tpu.wait_indirect_dma semaphore(%arg26 : memref<!tpu.dma_semaphore, #tpu.memory_space<semaphore_mem>>) src(%arg17 : memref<128x128xf32, #tpu.memory_space<vmem>>) dst(%dma_wait3A_51 : memref<10016x128xf32, #tpu.memory_space<vmem_shared>>)
      %dma_wait3A_52 = arith.constant 0 : i32
      %dma_wait3A_53 = arith.constant 0 : i32
      %dma_wait3A_54 = tpu.memref_slice %arg19[%dma_wait3A_52, %dma_wait3A_53] : memref<10016x128xf32, #tpu.memory_space<vmem_shared>> -> memref<10016x128xf32, #tpu.memory_space<vmem_shared>>
      tpu.wait_indirect_dma semaphore(%arg27 : memref<!tpu.dma_semaphore, #tpu.memory_space<semaphore_mem>>) src(%arg18 : memref<128x128xf32, #tpu.memory_space<vmem>>) dst(%dma_wait3A_54 : memref<10016x128xf32, #tpu.memory_space<vmem_shared>>)
      %barrier3A_55 = arith.constant 0 : index
      tpu.barrier barrier_id(%barrier3A_55)
      %mul3A_56 = arith.constant 624 : i32
      %mul3A_57 = arith.muli %arg1, %mul3A_56 : i32
      %multiple_of3A_58 = tpu.assume_multiple %mul3A_57, 8 : i32
      "tpu.region"() ({
        %run_scoped3A = tpu.sem_alloc : memref<!tpu.dma_semaphore, #tpu.memory_space<semaphore_mem>>
        %dma_start3A_64 = arith.constant 0 : i32
        %dma_start3A_65 = tpu.memref_slice %arg7[%multiple_of3A_58, %dma_start3A_64] : memref<10000x128xf32, #tpu.memory_space<hbm>> -> memref<624x128xf32, #tpu.memory_space<hbm>>
        %dma_start3A_66 = arith.constant 0 : i32
        %dma_start3A_67 = tpu.memref_slice %arg19[%multiple_of3A_58, %dma_start3A_66] : memref<10016x128xf32, #tpu.memory_space<vmem_shared>> -> memref<624x128xf32, #tpu.memory_space<vmem_shared>>
        tpu.enqueue_dma source(%dma_start3A_67 : memref<624x128xf32, #tpu.memory_space<vmem_shared>>) target(%dma_start3A_65 : memref<624x128xf32, #tpu.memory_space<hbm>>) target_semaphore(%run_scoped3A : memref<!tpu.dma_semaphore, #tpu.memory_space<semaphore_mem>>)
        %dma_wait3A_68 = arith.constant 0 : i32
        %dma_wait3A_69 = tpu.memref_slice %arg7[%multiple_of3A_58, %dma_wait3A_68] : memref<10000x128xf32, #tpu.memory_space<hbm>> -> memref<624x128xf32, #tpu.memory_space<hbm>>
        %dma_wait3A_70 = arith.constant 0 : i32
        %dma_wait3A_71 = tpu.memref_slice %arg19[%multiple_of3A_58, %dma_wait3A_70] : memref<10016x128xf32, #tpu.memory_space<vmem_shared>> -> memref<624x128xf32, #tpu.memory_space<vmem_shared>>
        tpu.wait_dma2 semaphore(%run_scoped3A : memref<!tpu.dma_semaphore, #tpu.memory_space<semaphore_mem>>) src(%dma_wait3A_71 : memref<624x128xf32, #tpu.memory_space<vmem_shared>>) dst(%dma_wait3A_69 : memref<624x128xf32, #tpu.memory_space<hbm>>)
        tpu.yield
      }) : () -> ()
      %eq3A_59 = arith.constant 15 : i32
      %eq3A_60 = arith.cmpi eq, %arg1, %eq3A_59 : i32
      %convert_element_type3A_61 = arith.extui %eq3A_60 : i1 to i32
      %cond3A_62 = arith.constant 0 : i32
      %cond3A_63 = arith.cmpi ne, %convert_element_type3A_61, %cond3A_62 : i32
      scf.if %cond3A_63 {
        "tpu.region"() ({
          %run_scoped3A = tpu.sem_alloc : memref<!tpu.dma_semaphore, #tpu.memory_space<semaphore_mem>>
          %dma_start3A_64 = arith.constant 9984 : i32
          %dma_start3A_65 = arith.constant 0 : i32
          %dma_start3A_66 = tpu.memref_slice %arg7[%dma_start3A_64, %dma_start3A_65] : memref<10000x128xf32, #tpu.memory_space<hbm>> -> memref<16x128xf32, #tpu.memory_space<hbm>>
          %dma_start3A_67 = arith.constant 9984 : i32
          %dma_start3A_68 = arith.constant 0 : i32
          %dma_start3A_69 = tpu.memref_slice %arg19[%dma_start3A_67, %dma_start3A_68] : memref<10016x128xf32, #tpu.memory_space<vmem_shared>> -> memref<16x128xf32, #tpu.memory_space<vmem_shared>>
          tpu.enqueue_dma source(%dma_start3A_69 : memref<16x128xf32, #tpu.memory_space<vmem_shared>>) target(%dma_start3A_66 : memref<16x128xf32, #tpu.memory_space<hbm>>) target_semaphore(%run_scoped3A : memref<!tpu.dma_semaphore, #tpu.memory_space<semaphore_mem>>)
          %dma_wait3A_70 = arith.constant 9984 : i32
          %dma_wait3A_71 = arith.constant 0 : i32
          %dma_wait3A_72 = tpu.memref_slice %arg7[%dma_wait3A_70, %dma_wait3A_71] : memref<10000x128xf32, #tpu.memory_space<hbm>> -> memref<16x128xf32, #tpu.memory_space<hbm>>
          %dma_wait3A_73 = arith.constant 9984 : i32
          %dma_wait3A_74 = arith.constant 0 : i32
          %dma_wait3A_75 = tpu.memref_slice %arg19[%dma_wait3A_73, %dma_wait3A_74] : memref<10016x128xf32, #tpu.memory_space<vmem_shared>> -> memref<16x128xf32, #tpu.memory_space<vmem_shared>>
          tpu.wait_dma2 semaphore(%run_scoped3A : memref<!tpu.dma_semaphore, #tpu.memory_space<semaphore_mem>>) src(%dma_wait3A_75 : memref<16x128xf32, #tpu.memory_space<vmem_shared>>) dst(%dma_wait3A_72 : memref<16x128xf32, #tpu.memory_space<hbm>>)
          tpu.yield
        }) : () -> ()
      } else {
      }
    } else {
    }
    %eq3A_12 = arith.constant 1 : i32
    %eq3A_13 = arith.cmpi eq, %arg0, %eq3A_12 : i32
    %convert_element_type3A_14 = arith.extui %eq3A_13 : i1 to i32
    %cond3A_15 = arith.constant 0 : i32
    %cond3A_16 = arith.cmpi ne, %convert_element_type3A_14, %cond3A_15 : i32
    scf.if %cond3A_16 {
      %add3A = arith.constant 0 : i32
      %add3A_17 = arith.addi %mul3A_6, %add3A : i32
      %multiple_of3A_18 = tpu.assume_multiple %add3A_17, 128 : i32
      %dma_start3A = tpu.memref_slice %arg2[%multiple_of3A_18] : memref<163840xi32, #tpu.memory_space<hbm>> -> memref<128xi32, #tpu.memory_space<hbm>>
      %dma_start3A_19 = tpu.memref_slice %arg2[%multiple_of3A_18] : memref<163840xi32, #tpu.memory_space<hbm>> -> memref<128xi32, #tpu.memory_space<hbm>>
      tpu.enqueue_dma source(%dma_start3A_19 : memref<128xi32, #tpu.memory_space<hbm>>) target(%arg9 : memref<128xi32, #tpu.memory_space<vmem>>) target_semaphore(%arg22 : memref<!tpu.dma_semaphore, #tpu.memory_space<semaphore_mem>>)
      %dma_start3A_20 = tpu.memref_slice %arg3[%multiple_of3A_18] : memref<163840xi32, #tpu.memory_space<hbm>> -> memref<128xi32, #tpu.memory_space<hbm>>
      %dma_start3A_21 = tpu.memref_slice %arg3[%multiple_of3A_18] : memref<163840xi32, #tpu.memory_space<hbm>> -> memref<128xi32, #tpu.memory_space<hbm>>
      tpu.enqueue_dma source(%dma_start3A_21 : memref<128xi32, #tpu.memory_space<hbm>>) target(%arg10 : memref<128xi32, #tpu.memory_space<vmem>>) target_semaphore(%arg22 : memref<!tpu.dma_semaphore, #tpu.memory_space<semaphore_mem>>)
      %add3A_22 = arith.constant 128 : i32
      %add3A_23 = arith.addi %mul3A_6, %add3A_22 : i32
      %multiple_of3A_24 = tpu.assume_multiple %add3A_23, 128 : i32
      %dma_start3A_25 = tpu.memref_slice %arg2[%multiple_of3A_24] : memref<163840xi32, #tpu.memory_space<hbm>> -> memref<128xi32, #tpu.memory_space<hbm>>
      %dma_start3A_26 = tpu.memref_slice %arg2[%multiple_of3A_24] : memref<163840xi32, #tpu.memory_space<hbm>> -> memref<128xi32, #tpu.memory_space<hbm>>
      tpu.enqueue_dma source(%dma_start3A_26 : memref<128xi32, #tpu.memory_space<hbm>>) target(%arg11 : memref<128xi32, #tpu.memory_space<vmem>>) target_semaphore(%arg23 : memref<!tpu.dma_semaphore, #tpu.memory_space<semaphore_mem>>)
      %dma_start3A_27 = tpu.memref_slice %arg3[%multiple_of3A_24] : memref<163840xi32, #tpu.memory_space<hbm>> -> memref<128xi32, #tpu.memory_space<hbm>>
      %dma_start3A_28 = tpu.memref_slice %arg3[%multiple_of3A_24] : memref<163840xi32, #tpu.memory_space<hbm>> -> memref<128xi32, #tpu.memory_space<hbm>>
      tpu.enqueue_dma source(%dma_start3A_28 : memref<128xi32, #tpu.memory_space<hbm>>) target(%arg12 : memref<128xi32, #tpu.memory_space<vmem>>) target_semaphore(%arg23 : memref<!tpu.dma_semaphore, #tpu.memory_space<semaphore_mem>>)
      %add3A_29 = arith.constant 256 : i32
      %add3A_30 = arith.addi %mul3A_6, %add3A_29 : i32
      %multiple_of3A_31 = tpu.assume_multiple %add3A_30, 128 : i32
      %dma_start3A_32 = tpu.memref_slice %arg2[%multiple_of3A_31] : memref<163840xi32, #tpu.memory_space<hbm>> -> memref<128xi32, #tpu.memory_space<hbm>>
      %dma_start3A_33 = tpu.memref_slice %arg2[%multiple_of3A_31] : memref<163840xi32, #tpu.memory_space<hbm>> -> memref<128xi32, #tpu.memory_space<hbm>>
      tpu.enqueue_dma source(%dma_start3A_33 : memref<128xi32, #tpu.memory_space<hbm>>) target(%arg13 : memref<128xi32, #tpu.memory_space<vmem>>) target_semaphore(%arg24 : memref<!tpu.dma_semaphore, #tpu.memory_space<semaphore_mem>>)
      %dma_start3A_34 = tpu.memref_slice %arg3[%multiple_of3A_31] : memref<163840xi32, #tpu.memory_space<hbm>> -> memref<128xi32, #tpu.memory_space<hbm>>
      %dma_start3A_35 = tpu.memref_slice %arg3[%multiple_of3A_31] : memref<163840xi32, #tpu.memory_space<hbm>> -> memref<128xi32, #tpu.memory_space<hbm>>
      tpu.enqueue_dma source(%dma_start3A_35 : memref<128xi32, #tpu.memory_space<hbm>>) target(%arg14 : memref<128xi32, #tpu.memory_space<vmem>>) target_semaphore(%arg24 : memref<!tpu.dma_semaphore, #tpu.memory_space<semaphore_mem>>)
      %add3A_36 = arith.constant 0 : i32
      %add3A_37 = arith.addi %mul3A_6, %add3A_36 : i32
      %multiple_of3A_38 = tpu.assume_multiple %add3A_37, 128 : i32
      %dma_wait3A = tpu.memref_slice %arg2[%multiple_of3A_38] : memref<163840xi32, #tpu.memory_space<hbm>> -> memref<128xi32, #tpu.memory_space<hbm>>
      %dma_wait3A_39 = tpu.memref_slice %arg2[%multiple_of3A_38] : memref<163840xi32, #tpu.memory_space<hbm>> -> memref<128xi32, #tpu.memory_space<hbm>>
      tpu.wait_dma2 semaphore(%arg22 : memref<!tpu.dma_semaphore, #tpu.memory_space<semaphore_mem>>) src(%dma_wait3A_39 : memref<128xi32, #tpu.memory_space<hbm>>) dst(%arg9 : memref<128xi32, #tpu.memory_space<vmem>>)
      %dma_wait3A_40 = tpu.memref_slice %arg3[%multiple_of3A_38] : memref<163840xi32, #tpu.memory_space<hbm>> -> memref<128xi32, #tpu.memory_space<hbm>>
      %dma_wait3A_41 = tpu.memref_slice %arg3[%multiple_of3A_38] : memref<163840xi32, #tpu.memory_space<hbm>> -> memref<128xi32, #tpu.memory_space<hbm>>
      tpu.wait_dma2 semaphore(%arg22 : memref<!tpu.dma_semaphore, #tpu.memory_space<semaphore_mem>>) src(%dma_wait3A_41 : memref<128xi32, #tpu.memory_space<hbm>>) dst(%arg10 : memref<128xi32, #tpu.memory_space<vmem>>)
      %dma_start3A_42 = arith.constant 0 : i32
      %dma_start3A_43 = arith.constant 0 : i32
      %dma_start3A_44 = tpu.memref_slice %arg5[%dma_start3A_42, %dma_start3A_43] : memref<10000x128xf32, #tpu.memory_space<hbm>> -> memref<10000x128xf32, #tpu.memory_space<hbm>>
      tpu.enqueue_indirect_dma source(%dma_start3A_44 : memref<10000x128xf32, #tpu.memory_space<hbm>>) target(%arg17 : memref<128x128xf32, #tpu.memory_space<vmem>>) offsets(%arg9 : memref<128xi32, #tpu.memory_space<vmem>>) semaphore(%arg20 : memref<!tpu.dma_semaphore, #tpu.memory_space<semaphore_mem>>)
      %scan3A = arith.constant 0 : i32
      %scan3A_45 = arith.constant 20 : i32
      %scan3A_46 = arith.addi %scan3A, %scan3A_45 : i32
      %scan3A_47 = arith.constant 1 : i32
      scf.for %scan3A_64 = %scan3A to %scan3A_46 step %scan3A_47  : i32 {
        %mul3A_65 = arith.constant 4 : i32
        %mul3A_66 = arith.muli %scan3A_64, %mul3A_65 : i32
        %add3A_67 = arith.constant 0 : i32
        %add3A_68 = arith.addi %add3A_67, %mul3A_66 : i32
        %add3A_69 = arith.constant 0 : i32
        %add3A_70 = arith.addi %add3A_68, %add3A_69 : i32
        %dma_wait3A_71 = arith.constant 0 : i32
        %dma_wait3A_72 = arith.constant 0 : i32
        %dma_wait3A_73 = tpu.memref_slice %arg5[%dma_wait3A_71, %dma_wait3A_72] : memref<10000x128xf32, #tpu.memory_space<hbm>> -> memref<10000x128xf32, #tpu.memory_space<hbm>>
        tpu.wait_indirect_dma semaphore(%arg20 : memref<!tpu.dma_semaphore, #tpu.memory_space<semaphore_mem>>) src(%dma_wait3A_73 : memref<10000x128xf32, #tpu.memory_space<hbm>>) dst(%arg17 : memref<128x128xf32, #tpu.memory_space<vmem>>)
        %dma_start3A_74 = arith.constant 0 : i32
        %dma_start3A_75 = arith.constant 0 : i32
        %dma_start3A_76 = tpu.memref_slice %arg19[%dma_start3A_74, %dma_start3A_75] : memref<10016x128xf32, #tpu.memory_space<vmem_shared>> -> memref<10016x128xf32, #tpu.memory_space<vmem_shared>>
        tpu.enqueue_indirect_dma source(%arg17 : memref<128x128xf32, #tpu.memory_space<vmem>>) target(%dma_start3A_76 : memref<10016x128xf32, #tpu.memory_space<vmem_shared>>) offsets(%arg10 : memref<128xi32, #tpu.memory_space<vmem>>) semaphore(%arg26 : memref<!tpu.dma_semaphore, #tpu.memory_space<semaphore_mem>>) {add = true}
        %ge3A = arith.constant 1 : i32
        %ge3A_77 = arith.cmpi sge, %add3A_70, %ge3A : i32
        %add3A_78 = arith.constant 1 : i32
        %add3A_79 = arith.addi %add3A_70, %add3A_78 : i32
        %lt3A = arith.constant 80 : i32
        %lt3A_80 = arith.cmpi slt, %add3A_79, %lt3A : i32
        %and3A = arith.andi %ge3A_77, %lt3A_80 : i1
        %convert_element_type3A_81 = arith.extui %and3A : i1 to i32
        %cond3A_82 = arith.constant 0 : i32
        %cond3A_83 = arith.cmpi ne, %convert_element_type3A_81, %cond3A_82 : i32
        scf.if %cond3A_83 {
          %dma_wait3A_194 = arith.constant 0 : i32
          %dma_wait3A_195 = arith.constant 0 : i32
          %dma_wait3A_196 = tpu.memref_slice %arg19[%dma_wait3A_194, %dma_wait3A_195] : memref<10016x128xf32, #tpu.memory_space<vmem_shared>> -> memref<10016x128xf32, #tpu.memory_space<vmem_shared>>
          tpu.wait_indirect_dma semaphore(%arg27 : memref<!tpu.dma_semaphore, #tpu.memory_space<semaphore_mem>>) src(%arg18 : memref<128x128xf32, #tpu.memory_space<vmem>>) dst(%dma_wait3A_196 : memref<10016x128xf32, #tpu.memory_space<vmem_shared>>)
        } else {
        }
        %add3A_84 = arith.constant 3 : i32
        %add3A_85 = arith.addi %add3A_70, %add3A_84 : i32
        %lt3A_86 = arith.constant 80 : i32
        %lt3A_87 = arith.cmpi slt, %add3A_85, %lt3A_86 : i32
        %convert_element_type3A_88 = arith.extui %lt3A_87 : i1 to i32
        %cond3A_89 = arith.constant 0 : i32
        %cond3A_90 = arith.cmpi ne, %convert_element_type3A_88, %cond3A_89 : i32
        scf.if %cond3A_90 {
          %add3A_194 = arith.constant 3 : i32
          %add3A_195 = arith.addi %add3A_70, %add3A_194 : i32
          %mul3A_196 = arith.constant 128 : i32
          %mul3A_197 = arith.muli %add3A_195, %mul3A_196 : i32
          %add3A_198 = arith.addi %mul3A_6, %mul3A_197 : i32
          %multiple_of3A_199 = tpu.assume_multiple %add3A_198, 128 : i32
          %dma_start3A_200 = tpu.memref_slice %arg2[%multiple_of3A_199] : memref<163840xi32, #tpu.memory_space<hbm>> -> memref<128xi32, #tpu.memory_space<hbm>>
          %dma_start3A_201 = tpu.memref_slice %arg2[%multiple_of3A_199] : memref<163840xi32, #tpu.memory_space<hbm>> -> memref<128xi32, #tpu.memory_space<hbm>>
          tpu.enqueue_dma source(%dma_start3A_201 : memref<128xi32, #tpu.memory_space<hbm>>) target(%arg15 : memref<128xi32, #tpu.memory_space<vmem>>) target_semaphore(%arg25 : memref<!tpu.dma_semaphore, #tpu.memory_space<semaphore_mem>>)
          %dma_start3A_202 = tpu.memref_slice %arg3[%multiple_of3A_199] : memref<163840xi32, #tpu.memory_space<hbm>> -> memref<128xi32, #tpu.memory_space<hbm>>
          %dma_start3A_203 = tpu.memref_slice %arg3[%multiple_of3A_199] : memref<163840xi32, #tpu.memory_space<hbm>> -> memref<128xi32, #tpu.memory_space<hbm>>
          tpu.enqueue_dma source(%dma_start3A_203 : memref<128xi32, #tpu.memory_space<hbm>>) target(%arg16 : memref<128xi32, #tpu.memory_space<vmem>>) target_semaphore(%arg25 : memref<!tpu.dma_semaphore, #tpu.memory_space<semaphore_mem>>)
        } else {
        }
        %add3A_91 = arith.constant 1 : i32
        %add3A_92 = arith.addi %add3A_70, %add3A_91 : i32
        %lt3A_93 = arith.constant 80 : i32
        %lt3A_94 = arith.cmpi slt, %add3A_92, %lt3A_93 : i32
        %convert_element_type3A_95 = arith.extui %lt3A_94 : i1 to i32
        %cond3A_96 = arith.constant 0 : i32
        %cond3A_97 = arith.cmpi ne, %convert_element_type3A_95, %cond3A_96 : i32
        scf.if %cond3A_97 {
          %add3A_194 = arith.constant 1 : i32
          %add3A_195 = arith.addi %add3A_70, %add3A_194 : i32
          %mul3A_196 = arith.constant 128 : i32
          %mul3A_197 = arith.muli %add3A_195, %mul3A_196 : i32
          %add3A_198 = arith.addi %mul3A_6, %mul3A_197 : i32
          %multiple_of3A_199 = tpu.assume_multiple %add3A_198, 128 : i32
          %dma_wait3A_200 = tpu.memref_slice %arg2[%multiple_of3A_199] : memref<163840xi32, #tpu.memory_space<hbm>> -> memref<128xi32, #tpu.memory_space<hbm>>
          %dma_wait3A_201 = tpu.memref_slice %arg2[%multiple_of3A_199] : memref<163840xi32, #tpu.memory_space<hbm>> -> memref<128xi32, #tpu.memory_space<hbm>>
          tpu.wait_dma2 semaphore(%arg23 : memref<!tpu.dma_semaphore, #tpu.memory_space<semaphore_mem>>) src(%dma_wait3A_201 : memref<128xi32, #tpu.memory_space<hbm>>) dst(%arg11 : memref<128xi32, #tpu.memory_space<vmem>>)
          %dma_wait3A_202 = tpu.memref_slice %arg3[%multiple_of3A_199] : memref<163840xi32, #tpu.memory_space<hbm>> -> memref<128xi32, #tpu.memory_space<hbm>>
          %dma_wait3A_203 = tpu.memref_slice %arg3[%multiple_of3A_199] : memref<163840xi32, #tpu.memory_space<hbm>> -> memref<128xi32, #tpu.memory_space<hbm>>
          tpu.wait_dma2 semaphore(%arg23 : memref<!tpu.dma_semaphore, #tpu.memory_space<semaphore_mem>>) src(%dma_wait3A_203 : memref<128xi32, #tpu.memory_space<hbm>>) dst(%arg12 : memref<128xi32, #tpu.memory_space<vmem>>)
          %dma_start3A_204 = arith.constant 0 : i32
          %dma_start3A_205 = arith.constant 0 : i32
          %dma_start3A_206 = tpu.memref_slice %arg5[%dma_start3A_204, %dma_start3A_205] : memref<10000x128xf32, #tpu.memory_space<hbm>> -> memref<10000x128xf32, #tpu.memory_space<hbm>>
          tpu.enqueue_indirect_dma source(%dma_start3A_206 : memref<10000x128xf32, #tpu.memory_space<hbm>>) target(%arg18 : memref<128x128xf32, #tpu.memory_space<vmem>>) offsets(%arg11 : memref<128xi32, #tpu.memory_space<vmem>>) semaphore(%arg21 : memref<!tpu.dma_semaphore, #tpu.memory_space<semaphore_mem>>)
        } else {
        }
        %add3A_98 = arith.constant 1 : i32
        %add3A_99 = arith.addi %add3A_68, %add3A_98 : i32
        %dma_wait3A_100 = arith.constant 0 : i32
        %dma_wait3A_101 = arith.constant 0 : i32
        %dma_wait3A_102 = tpu.memref_slice %arg5[%dma_wait3A_100, %dma_wait3A_101] : memref<10000x128xf32, #tpu.memory_space<hbm>> -> memref<10000x128xf32, #tpu.memory_space<hbm>>
        tpu.wait_indirect_dma semaphore(%arg21 : memref<!tpu.dma_semaphore, #tpu.memory_space<semaphore_mem>>) src(%dma_wait3A_102 : memref<10000x128xf32, #tpu.memory_space<hbm>>) dst(%arg18 : memref<128x128xf32, #tpu.memory_space<vmem>>)
        %dma_start3A_103 = arith.constant 0 : i32
        %dma_start3A_104 = arith.constant 0 : i32
        %dma_start3A_105 = tpu.memref_slice %arg19[%dma_start3A_103, %dma_start3A_104] : memref<10016x128xf32, #tpu.memory_space<vmem_shared>> -> memref<10016x128xf32, #tpu.memory_space<vmem_shared>>
        tpu.enqueue_indirect_dma source(%arg18 : memref<128x128xf32, #tpu.memory_space<vmem>>) target(%dma_start3A_105 : memref<10016x128xf32, #tpu.memory_space<vmem_shared>>) offsets(%arg12 : memref<128xi32, #tpu.memory_space<vmem>>) semaphore(%arg27 : memref<!tpu.dma_semaphore, #tpu.memory_space<semaphore_mem>>) {add = true}
        %ge3A_106 = arith.constant 1 : i32
        %ge3A_107 = arith.cmpi sge, %add3A_99, %ge3A_106 : i32
        %add3A_108 = arith.constant 1 : i32
        %add3A_109 = arith.addi %add3A_99, %add3A_108 : i32
        %lt3A_110 = arith.constant 80 : i32
        %lt3A_111 = arith.cmpi slt, %add3A_109, %lt3A_110 : i32
        %and3A_112 = arith.andi %ge3A_107, %lt3A_111 : i1
        %convert_element_type3A_113 = arith.extui %and3A_112 : i1 to i32
        %cond3A_114 = arith.constant 0 : i32
        %cond3A_115 = arith.cmpi ne, %convert_element_type3A_113, %cond3A_114 : i32
        scf.if %cond3A_115 {
          %dma_wait3A_194 = arith.constant 0 : i32
          %dma_wait3A_195 = arith.constant 0 : i32
          %dma_wait3A_196 = tpu.memref_slice %arg19[%dma_wait3A_194, %dma_wait3A_195] : memref<10016x128xf32, #tpu.memory_space<vmem_shared>> -> memref<10016x128xf32, #tpu.memory_space<vmem_shared>>
          tpu.wait_indirect_dma semaphore(%arg26 : memref<!tpu.dma_semaphore, #tpu.memory_space<semaphore_mem>>) src(%arg17 : memref<128x128xf32, #tpu.memory_space<vmem>>) dst(%dma_wait3A_196 : memref<10016x128xf32, #tpu.memory_space<vmem_shared>>)
        } else {
        }
        %add3A_116 = arith.constant 3 : i32
        %add3A_117 = arith.addi %add3A_99, %add3A_116 : i32
        %lt3A_118 = arith.constant 80 : i32
        %lt3A_119 = arith.cmpi slt, %add3A_117, %lt3A_118 : i32
        %convert_element_type3A_120 = arith.extui %lt3A_119 : i1 to i32
        %cond3A_121 = arith.constant 0 : i32
        %cond3A_122 = arith.cmpi ne, %convert_element_type3A_120, %cond3A_121 : i32
        scf.if %cond3A_122 {
          %add3A_194 = arith.constant 3 : i32
          %add3A_195 = arith.addi %add3A_99, %add3A_194 : i32
          %mul3A_196 = arith.constant 128 : i32
          %mul3A_197 = arith.muli %add3A_195, %mul3A_196 : i32
          %add3A_198 = arith.addi %mul3A_6, %mul3A_197 : i32
          %multiple_of3A_199 = tpu.assume_multiple %add3A_198, 128 : i32
          %dma_start3A_200 = tpu.memref_slice %arg2[%multiple_of3A_199] : memref<163840xi32, #tpu.memory_space<hbm>> -> memref<128xi32, #tpu.memory_space<hbm>>
          %dma_start3A_201 = tpu.memref_slice %arg2[%multiple_of3A_199] : memref<163840xi32, #tpu.memory_space<hbm>> -> memref<128xi32, #tpu.memory_space<hbm>>
          tpu.enqueue_dma source(%dma_start3A_201 : memref<128xi32, #tpu.memory_space<hbm>>) target(%arg9 : memref<128xi32, #tpu.memory_space<vmem>>) target_semaphore(%arg22 : memref<!tpu.dma_semaphore, #tpu.memory_space<semaphore_mem>>)
          %dma_start3A_202 = tpu.memref_slice %arg3[%multiple_of3A_199] : memref<163840xi32, #tpu.memory_space<hbm>> -> memref<128xi32, #tpu.memory_space<hbm>>
          %dma_start3A_203 = tpu.memref_slice %arg3[%multiple_of3A_199] : memref<163840xi32, #tpu.memory_space<hbm>> -> memref<128xi32, #tpu.memory_space<hbm>>
          tpu.enqueue_dma source(%dma_start3A_203 : memref<128xi32, #tpu.memory_space<hbm>>) target(%arg10 : memref<128xi32, #tpu.memory_space<vmem>>) target_semaphore(%arg22 : memref<!tpu.dma_semaphore, #tpu.memory_space<semaphore_mem>>)
        } else {
        }
        %add3A_123 = arith.constant 1 : i32
        %add3A_124 = arith.addi %add3A_99, %add3A_123 : i32
        %lt3A_125 = arith.constant 80 : i32
        %lt3A_126 = arith.cmpi slt, %add3A_124, %lt3A_125 : i32
        %convert_element_type3A_127 = arith.extui %lt3A_126 : i1 to i32
        %cond3A_128 = arith.constant 0 : i32
        %cond3A_129 = arith.cmpi ne, %convert_element_type3A_127, %cond3A_128 : i32
        scf.if %cond3A_129 {
          %add3A_194 = arith.constant 1 : i32
          %add3A_195 = arith.addi %add3A_99, %add3A_194 : i32
          %mul3A_196 = arith.constant 128 : i32
          %mul3A_197 = arith.muli %add3A_195, %mul3A_196 : i32
          %add3A_198 = arith.addi %mul3A_6, %mul3A_197 : i32
          %multiple_of3A_199 = tpu.assume_multiple %add3A_198, 128 : i32
          %dma_wait3A_200 = tpu.memref_slice %arg2[%multiple_of3A_199] : memref<163840xi32, #tpu.memory_space<hbm>> -> memref<128xi32, #tpu.memory_space<hbm>>
          %dma_wait3A_201 = tpu.memref_slice %arg2[%multiple_of3A_199] : memref<163840xi32, #tpu.memory_space<hbm>> -> memref<128xi32, #tpu.memory_space<hbm>>
          tpu.wait_dma2 semaphore(%arg24 : memref<!tpu.dma_semaphore, #tpu.memory_space<semaphore_mem>>) src(%dma_wait3A_201 : memref<128xi32, #tpu.memory_space<hbm>>) dst(%arg13 : memref<128xi32, #tpu.memory_space<vmem>>)
          %dma_wait3A_202 = tpu.memref_slice %arg3[%multiple_of3A_199] : memref<163840xi32, #tpu.memory_space<hbm>> -> memref<128xi32, #tpu.memory_space<hbm>>
          %dma_wait3A_203 = tpu.memref_slice %arg3[%multiple_of3A_199] : memref<163840xi32, #tpu.memory_space<hbm>> -> memref<128xi32, #tpu.memory_space<hbm>>
          tpu.wait_dma2 semaphore(%arg24 : memref<!tpu.dma_semaphore, #tpu.memory_space<semaphore_mem>>) src(%dma_wait3A_203 : memref<128xi32, #tpu.memory_space<hbm>>) dst(%arg14 : memref<128xi32, #tpu.memory_space<vmem>>)
          %dma_start3A_204 = arith.constant 0 : i32
          %dma_start3A_205 = arith.constant 0 : i32
          %dma_start3A_206 = tpu.memref_slice %arg5[%dma_start3A_204, %dma_start3A_205] : memref<10000x128xf32, #tpu.memory_space<hbm>> -> memref<10000x128xf32, #tpu.memory_space<hbm>>
          tpu.enqueue_indirect_dma source(%dma_start3A_206 : memref<10000x128xf32, #tpu.memory_space<hbm>>) target(%arg17 : memref<128x128xf32, #tpu.memory_space<vmem>>) offsets(%arg13 : memref<128xi32, #tpu.memory_space<vmem>>) semaphore(%arg20 : memref<!tpu.dma_semaphore, #tpu.memory_space<semaphore_mem>>)
        } else {
        }
        %add3A_130 = arith.constant 2 : i32
        %add3A_131 = arith.addi %add3A_68, %add3A_130 : i32
        %dma_wait3A_132 = arith.constant 0 : i32
        %dma_wait3A_133 = arith.constant 0 : i32
        %dma_wait3A_134 = tpu.memref_slice %arg5[%dma_wait3A_132, %dma_wait3A_133] : memref<10000x128xf32, #tpu.memory_space<hbm>> -> memref<10000x128xf32, #tpu.memory_space<hbm>>
        tpu.wait_indirect_dma semaphore(%arg20 : memref<!tpu.dma_semaphore, #tpu.memory_space<semaphore_mem>>) src(%dma_wait3A_134 : memref<10000x128xf32, #tpu.memory_space<hbm>>) dst(%arg17 : memref<128x128xf32, #tpu.memory_space<vmem>>)
        %dma_start3A_135 = arith.constant 0 : i32
        %dma_start3A_136 = arith.constant 0 : i32
        %dma_start3A_137 = tpu.memref_slice %arg19[%dma_start3A_135, %dma_start3A_136] : memref<10016x128xf32, #tpu.memory_space<vmem_shared>> -> memref<10016x128xf32, #tpu.memory_space<vmem_shared>>
        tpu.enqueue_indirect_dma source(%arg17 : memref<128x128xf32, #tpu.memory_space<vmem>>) target(%dma_start3A_137 : memref<10016x128xf32, #tpu.memory_space<vmem_shared>>) offsets(%arg14 : memref<128xi32, #tpu.memory_space<vmem>>) semaphore(%arg26 : memref<!tpu.dma_semaphore, #tpu.memory_space<semaphore_mem>>) {add = true}
        %ge3A_138 = arith.constant 1 : i32
        %ge3A_139 = arith.cmpi sge, %add3A_131, %ge3A_138 : i32
        %add3A_140 = arith.constant 1 : i32
        %add3A_141 = arith.addi %add3A_131, %add3A_140 : i32
        %lt3A_142 = arith.constant 80 : i32
        %lt3A_143 = arith.cmpi slt, %add3A_141, %lt3A_142 : i32
        %and3A_144 = arith.andi %ge3A_139, %lt3A_143 : i1
        %convert_element_type3A_145 = arith.extui %and3A_144 : i1 to i32
        %cond3A_146 = arith.constant 0 : i32
        %cond3A_147 = arith.cmpi ne, %convert_element_type3A_145, %cond3A_146 : i32
        scf.if %cond3A_147 {
          %dma_wait3A_194 = arith.constant 0 : i32
          %dma_wait3A_195 = arith.constant 0 : i32
          %dma_wait3A_196 = tpu.memref_slice %arg19[%dma_wait3A_194, %dma_wait3A_195] : memref<10016x128xf32, #tpu.memory_space<vmem_shared>> -> memref<10016x128xf32, #tpu.memory_space<vmem_shared>>
          tpu.wait_indirect_dma semaphore(%arg27 : memref<!tpu.dma_semaphore, #tpu.memory_space<semaphore_mem>>) src(%arg18 : memref<128x128xf32, #tpu.memory_space<vmem>>) dst(%dma_wait3A_196 : memref<10016x128xf32, #tpu.memory_space<vmem_shared>>)
        } else {
        }
        %add3A_148 = arith.constant 3 : i32
        %add3A_149 = arith.addi %add3A_131, %add3A_148 : i32
        %lt3A_150 = arith.constant 80 : i32
        %lt3A_151 = arith.cmpi slt, %add3A_149, %lt3A_150 : i32
        %convert_element_type3A_152 = arith.extui %lt3A_151 : i1 to i32
        %cond3A_153 = arith.constant 0 : i32
        %cond3A_154 = arith.cmpi ne, %convert_element_type3A_152, %cond3A_153 : i32
        scf.if %cond3A_154 {
          %add3A_194 = arith.constant 3 : i32
          %add3A_195 = arith.addi %add3A_131, %add3A_194 : i32
          %mul3A_196 = arith.constant 128 : i32
          %mul3A_197 = arith.muli %add3A_195, %mul3A_196 : i32
          %add3A_198 = arith.addi %mul3A_6, %mul3A_197 : i32
          %multiple_of3A_199 = tpu.assume_multiple %add3A_198, 128 : i32
          %dma_start3A_200 = tpu.memref_slice %arg2[%multiple_of3A_199] : memref<163840xi32, #tpu.memory_space<hbm>> -> memref<128xi32, #tpu.memory_space<hbm>>
          %dma_start3A_201 = tpu.memref_slice %arg2[%multiple_of3A_199] : memref<163840xi32, #tpu.memory_space<hbm>> -> memref<128xi32, #tpu.memory_space<hbm>>
          tpu.enqueue_dma source(%dma_start3A_201 : memref<128xi32, #tpu.memory_space<hbm>>) target(%arg11 : memref<128xi32, #tpu.memory_space<vmem>>) target_semaphore(%arg23 : memref<!tpu.dma_semaphore, #tpu.memory_space<semaphore_mem>>)
          %dma_start3A_202 = tpu.memref_slice %arg3[%multiple_of3A_199] : memref<163840xi32, #tpu.memory_space<hbm>> -> memref<128xi32, #tpu.memory_space<hbm>>
          %dma_start3A_203 = tpu.memref_slice %arg3[%multiple_of3A_199] : memref<163840xi32, #tpu.memory_space<hbm>> -> memref<128xi32, #tpu.memory_space<hbm>>
          tpu.enqueue_dma source(%dma_start3A_203 : memref<128xi32, #tpu.memory_space<hbm>>) target(%arg12 : memref<128xi32, #tpu.memory_space<vmem>>) target_semaphore(%arg23 : memref<!tpu.dma_semaphore, #tpu.memory_space<semaphore_mem>>)
        } else {
        }
        %add3A_155 = arith.constant 1 : i32
        %add3A_156 = arith.addi %add3A_131, %add3A_155 : i32
        %lt3A_157 = arith.constant 80 : i32
        %lt3A_158 = arith.cmpi slt, %add3A_156, %lt3A_157 : i32
        %convert_element_type3A_159 = arith.extui %lt3A_158 : i1 to i32
        %cond3A_160 = arith.constant 0 : i32
        %cond3A_161 = arith.cmpi ne, %convert_element_type3A_159, %cond3A_160 : i32
        scf.if %cond3A_161 {
          %add3A_194 = arith.constant 1 : i32
          %add3A_195 = arith.addi %add3A_131, %add3A_194 : i32
          %mul3A_196 = arith.constant 128 : i32
          %mul3A_197 = arith.muli %add3A_195, %mul3A_196 : i32
          %add3A_198 = arith.addi %mul3A_6, %mul3A_197 : i32
          %multiple_of3A_199 = tpu.assume_multiple %add3A_198, 128 : i32
          %dma_wait3A_200 = tpu.memref_slice %arg2[%multiple_of3A_199] : memref<163840xi32, #tpu.memory_space<hbm>> -> memref<128xi32, #tpu.memory_space<hbm>>
          %dma_wait3A_201 = tpu.memref_slice %arg2[%multiple_of3A_199] : memref<163840xi32, #tpu.memory_space<hbm>> -> memref<128xi32, #tpu.memory_space<hbm>>
          tpu.wait_dma2 semaphore(%arg25 : memref<!tpu.dma_semaphore, #tpu.memory_space<semaphore_mem>>) src(%dma_wait3A_201 : memref<128xi32, #tpu.memory_space<hbm>>) dst(%arg15 : memref<128xi32, #tpu.memory_space<vmem>>)
          %dma_wait3A_202 = tpu.memref_slice %arg3[%multiple_of3A_199] : memref<163840xi32, #tpu.memory_space<hbm>> -> memref<128xi32, #tpu.memory_space<hbm>>
          %dma_wait3A_203 = tpu.memref_slice %arg3[%multiple_of3A_199] : memref<163840xi32, #tpu.memory_space<hbm>> -> memref<128xi32, #tpu.memory_space<hbm>>
          tpu.wait_dma2 semaphore(%arg25 : memref<!tpu.dma_semaphore, #tpu.memory_space<semaphore_mem>>) src(%dma_wait3A_203 : memref<128xi32, #tpu.memory_space<hbm>>) dst(%arg16 : memref<128xi32, #tpu.memory_space<vmem>>)
          %dma_start3A_204 = arith.constant 0 : i32
          %dma_start3A_205 = arith.constant 0 : i32
          %dma_start3A_206 = tpu.memref_slice %arg5[%dma_start3A_204, %dma_start3A_205] : memref<10000x128xf32, #tpu.memory_space<hbm>> -> memref<10000x128xf32, #tpu.memory_space<hbm>>
          tpu.enqueue_indirect_dma source(%dma_start3A_206 : memref<10000x128xf32, #tpu.memory_space<hbm>>) target(%arg18 : memref<128x128xf32, #tpu.memory_space<vmem>>) offsets(%arg15 : memref<128xi32, #tpu.memory_space<vmem>>) semaphore(%arg21 : memref<!tpu.dma_semaphore, #tpu.memory_space<semaphore_mem>>)
        } else {
        }
        %add3A_162 = arith.constant 3 : i32
        %add3A_163 = arith.addi %add3A_68, %add3A_162 : i32
        %dma_wait3A_164 = arith.constant 0 : i32
        %dma_wait3A_165 = arith.constant 0 : i32
        %dma_wait3A_166 = tpu.memref_slice %arg5[%dma_wait3A_164, %dma_wait3A_165] : memref<10000x128xf32, #tpu.memory_space<hbm>> -> memref<10000x128xf32, #tpu.memory_space<hbm>>
        tpu.wait_indirect_dma semaphore(%arg21 : memref<!tpu.dma_semaphore, #tpu.memory_space<semaphore_mem>>) src(%dma_wait3A_166 : memref<10000x128xf32, #tpu.memory_space<hbm>>) dst(%arg18 : memref<128x128xf32, #tpu.memory_space<vmem>>)
        %dma_start3A_167 = arith.constant 0 : i32
        %dma_start3A_168 = arith.constant 0 : i32
        %dma_start3A_169 = tpu.memref_slice %arg19[%dma_start3A_167, %dma_start3A_168] : memref<10016x128xf32, #tpu.memory_space<vmem_shared>> -> memref<10016x128xf32, #tpu.memory_space<vmem_shared>>
        tpu.enqueue_indirect_dma source(%arg18 : memref<128x128xf32, #tpu.memory_space<vmem>>) target(%dma_start3A_169 : memref<10016x128xf32, #tpu.memory_space<vmem_shared>>) offsets(%arg16 : memref<128xi32, #tpu.memory_space<vmem>>) semaphore(%arg27 : memref<!tpu.dma_semaphore, #tpu.memory_space<semaphore_mem>>) {add = true}
        %ge3A_170 = arith.constant 1 : i32
        %ge3A_171 = arith.cmpi sge, %add3A_163, %ge3A_170 : i32
        %add3A_172 = arith.constant 1 : i32
        %add3A_173 = arith.addi %add3A_163, %add3A_172 : i32
        %lt3A_174 = arith.constant 80 : i32
        %lt3A_175 = arith.cmpi slt, %add3A_173, %lt3A_174 : i32
        %and3A_176 = arith.andi %ge3A_171, %lt3A_175 : i1
        %convert_element_type3A_177 = arith.extui %and3A_176 : i1 to i32
        %cond3A_178 = arith.constant 0 : i32
        %cond3A_179 = arith.cmpi ne, %convert_element_type3A_177, %cond3A_178 : i32
        scf.if %cond3A_179 {
          %dma_wait3A_194 = arith.constant 0 : i32
          %dma_wait3A_195 = arith.constant 0 : i32
          %dma_wait3A_196 = tpu.memref_slice %arg19[%dma_wait3A_194, %dma_wait3A_195] : memref<10016x128xf32, #tpu.memory_space<vmem_shared>> -> memref<10016x128xf32, #tpu.memory_space<vmem_shared>>
          tpu.wait_indirect_dma semaphore(%arg26 : memref<!tpu.dma_semaphore, #tpu.memory_space<semaphore_mem>>) src(%arg17 : memref<128x128xf32, #tpu.memory_space<vmem>>) dst(%dma_wait3A_196 : memref<10016x128xf32, #tpu.memory_space<vmem_shared>>)
        } else {
        }
        %add3A_180 = arith.constant 3 : i32
        %add3A_181 = arith.addi %add3A_163, %add3A_180 : i32
        %lt3A_182 = arith.constant 80 : i32
        %lt3A_183 = arith.cmpi slt, %add3A_181, %lt3A_182 : i32
        %convert_element_type3A_184 = arith.extui %lt3A_183 : i1 to i32
        %cond3A_185 = arith.constant 0 : i32
        %cond3A_186 = arith.cmpi ne, %convert_element_type3A_184, %cond3A_185 : i32
        scf.if %cond3A_186 {
          %add3A_194 = arith.constant 3 : i32
          %add3A_195 = arith.addi %add3A_163, %add3A_194 : i32
          %mul3A_196 = arith.constant 128 : i32
          %mul3A_197 = arith.muli %add3A_195, %mul3A_196 : i32
          %add3A_198 = arith.addi %mul3A_6, %mul3A_197 : i32
          %multiple_of3A_199 = tpu.assume_multiple %add3A_198, 128 : i32
          %dma_start3A_200 = tpu.memref_slice %arg2[%multiple_of3A_199] : memref<163840xi32, #tpu.memory_space<hbm>> -> memref<128xi32, #tpu.memory_space<hbm>>
          %dma_start3A_201 = tpu.memref_slice %arg2[%multiple_of3A_199] : memref<163840xi32, #tpu.memory_space<hbm>> -> memref<128xi32, #tpu.memory_space<hbm>>
          tpu.enqueue_dma source(%dma_start3A_201 : memref<128xi32, #tpu.memory_space<hbm>>) target(%arg13 : memref<128xi32, #tpu.memory_space<vmem>>) target_semaphore(%arg24 : memref<!tpu.dma_semaphore, #tpu.memory_space<semaphore_mem>>)
          %dma_start3A_202 = tpu.memref_slice %arg3[%multiple_of3A_199] : memref<163840xi32, #tpu.memory_space<hbm>> -> memref<128xi32, #tpu.memory_space<hbm>>
          %dma_start3A_203 = tpu.memref_slice %arg3[%multiple_of3A_199] : memref<163840xi32, #tpu.memory_space<hbm>> -> memref<128xi32, #tpu.memory_space<hbm>>
          tpu.enqueue_dma source(%dma_start3A_203 : memref<128xi32, #tpu.memory_space<hbm>>) target(%arg14 : memref<128xi32, #tpu.memory_space<vmem>>) target_semaphore(%arg24 : memref<!tpu.dma_semaphore, #tpu.memory_space<semaphore_mem>>)
        } else {
        }
        %add3A_187 = arith.constant 1 : i32
        %add3A_188 = arith.addi %add3A_163, %add3A_187 : i32
        %lt3A_189 = arith.constant 80 : i32
        %lt3A_190 = arith.cmpi slt, %add3A_188, %lt3A_189 : i32
        %convert_element_type3A_191 = arith.extui %lt3A_190 : i1 to i32
        %cond3A_192 = arith.constant 0 : i32
        %cond3A_193 = arith.cmpi ne, %convert_element_type3A_191, %cond3A_192 : i32
        scf.if %cond3A_193 {
          %add3A_194 = arith.constant 1 : i32
          %add3A_195 = arith.addi %add3A_163, %add3A_194 : i32
          %mul3A_196 = arith.constant 128 : i32
          %mul3A_197 = arith.muli %add3A_195, %mul3A_196 : i32
          %add3A_198 = arith.addi %mul3A_6, %mul3A_197 : i32
          %multiple_of3A_199 = tpu.assume_multiple %add3A_198, 128 : i32
          %dma_wait3A_200 = tpu.memref_slice %arg2[%multiple_of3A_199] : memref<163840xi32, #tpu.memory_space<hbm>> -> memref<128xi32, #tpu.memory_space<hbm>>
          %dma_wait3A_201 = tpu.memref_slice %arg2[%multiple_of3A_199] : memref<163840xi32, #tpu.memory_space<hbm>> -> memref<128xi32, #tpu.memory_space<hbm>>
          tpu.wait_dma2 semaphore(%arg22 : memref<!tpu.dma_semaphore, #tpu.memory_space<semaphore_mem>>) src(%dma_wait3A_201 : memref<128xi32, #tpu.memory_space<hbm>>) dst(%arg9 : memref<128xi32, #tpu.memory_space<vmem>>)
          %dma_wait3A_202 = tpu.memref_slice %arg3[%multiple_of3A_199] : memref<163840xi32, #tpu.memory_space<hbm>> -> memref<128xi32, #tpu.memory_space<hbm>>
          %dma_wait3A_203 = tpu.memref_slice %arg3[%multiple_of3A_199] : memref<163840xi32, #tpu.memory_space<hbm>> -> memref<128xi32, #tpu.memory_space<hbm>>
          tpu.wait_dma2 semaphore(%arg22 : memref<!tpu.dma_semaphore, #tpu.memory_space<semaphore_mem>>) src(%dma_wait3A_203 : memref<128xi32, #tpu.memory_space<hbm>>) dst(%arg10 : memref<128xi32, #tpu.memory_space<vmem>>)
          %dma_start3A_204 = arith.constant 0 : i32
          %dma_start3A_205 = arith.constant 0 : i32
          %dma_start3A_206 = tpu.memref_slice %arg5[%dma_start3A_204, %dma_start3A_205] : memref<10000x128xf32, #tpu.memory_space<hbm>> -> memref<10000x128xf32, #tpu.memory_space<hbm>>
          tpu.enqueue_indirect_dma source(%dma_start3A_206 : memref<10000x128xf32, #tpu.memory_space<hbm>>) target(%arg17 : memref<128x128xf32, #tpu.memory_space<vmem>>) offsets(%arg9 : memref<128xi32, #tpu.memory_space<vmem>>) semaphore(%arg20 : memref<!tpu.dma_semaphore, #tpu.memory_space<semaphore_mem>>)
        } else {
        }
      }
      %scan3A_48 = arith.constant 20 : i32
      %dma_wait3A_49 = arith.constant 0 : i32
      %dma_wait3A_50 = arith.constant 0 : i32
      %dma_wait3A_51 = tpu.memref_slice %arg19[%dma_wait3A_49, %dma_wait3A_50] : memref<10016x128xf32, #tpu.memory_space<vmem_shared>> -> memref<10016x128xf32, #tpu.memory_space<vmem_shared>>
      tpu.wait_indirect_dma semaphore(%arg26 : memref<!tpu.dma_semaphore, #tpu.memory_space<semaphore_mem>>) src(%arg17 : memref<128x128xf32, #tpu.memory_space<vmem>>) dst(%dma_wait3A_51 : memref<10016x128xf32, #tpu.memory_space<vmem_shared>>)
      %dma_wait3A_52 = arith.constant 0 : i32
      %dma_wait3A_53 = arith.constant 0 : i32
      %dma_wait3A_54 = tpu.memref_slice %arg19[%dma_wait3A_52, %dma_wait3A_53] : memref<10016x128xf32, #tpu.memory_space<vmem_shared>> -> memref<10016x128xf32, #tpu.memory_space<vmem_shared>>
      tpu.wait_indirect_dma semaphore(%arg27 : memref<!tpu.dma_semaphore, #tpu.memory_space<semaphore_mem>>) src(%arg18 : memref<128x128xf32, #tpu.memory_space<vmem>>) dst(%dma_wait3A_54 : memref<10016x128xf32, #tpu.memory_space<vmem_shared>>)
      %barrier3A_55 = arith.constant 0 : index
      tpu.barrier barrier_id(%barrier3A_55)
      %mul3A_56 = arith.constant 624 : i32
      %mul3A_57 = arith.muli %arg1, %mul3A_56 : i32
      %multiple_of3A_58 = tpu.assume_multiple %mul3A_57, 8 : i32
      "tpu.region"() ({
        %run_scoped3A = tpu.sem_alloc : memref<!tpu.dma_semaphore, #tpu.memory_space<semaphore_mem>>
        %dma_start3A_64 = arith.constant 0 : i32
        %dma_start3A_65 = tpu.memref_slice %arg8[%multiple_of3A_58, %dma_start3A_64] : memref<10000x128xf32, #tpu.memory_space<hbm>> -> memref<624x128xf32, #tpu.memory_space<hbm>>
        %dma_start3A_66 = arith.constant 0 : i32
        %dma_start3A_67 = tpu.memref_slice %arg19[%multiple_of3A_58, %dma_start3A_66] : memref<10016x128xf32, #tpu.memory_space<vmem_shared>> -> memref<624x128xf32, #tpu.memory_space<vmem_shared>>
        tpu.enqueue_dma source(%dma_start3A_67 : memref<624x128xf32, #tpu.memory_space<vmem_shared>>) target(%dma_start3A_65 : memref<624x128xf32, #tpu.memory_space<hbm>>) target_semaphore(%run_scoped3A : memref<!tpu.dma_semaphore, #tpu.memory_space<semaphore_mem>>)
        %dma_wait3A_68 = arith.constant 0 : i32
        %dma_wait3A_69 = tpu.memref_slice %arg8[%multiple_of3A_58, %dma_wait3A_68] : memref<10000x128xf32, #tpu.memory_space<hbm>> -> memref<624x128xf32, #tpu.memory_space<hbm>>
        %dma_wait3A_70 = arith.constant 0 : i32
        %dma_wait3A_71 = tpu.memref_slice %arg19[%multiple_of3A_58, %dma_wait3A_70] : memref<10016x128xf32, #tpu.memory_space<vmem_shared>> -> memref<624x128xf32, #tpu.memory_space<vmem_shared>>
        tpu.wait_dma2 semaphore(%run_scoped3A : memref<!tpu.dma_semaphore, #tpu.memory_space<semaphore_mem>>) src(%dma_wait3A_71 : memref<624x128xf32, #tpu.memory_space<vmem_shared>>) dst(%dma_wait3A_69 : memref<624x128xf32, #tpu.memory_space<hbm>>)
        tpu.yield
      }) : () -> ()
      %eq3A_59 = arith.constant 15 : i32
      %eq3A_60 = arith.cmpi eq, %arg1, %eq3A_59 : i32
      %convert_element_type3A_61 = arith.extui %eq3A_60 : i1 to i32
      %cond3A_62 = arith.constant 0 : i32
      %cond3A_63 = arith.cmpi ne, %convert_element_type3A_61, %cond3A_62 : i32
      scf.if %cond3A_63 {
        "tpu.region"() ({
          %run_scoped3A = tpu.sem_alloc : memref<!tpu.dma_semaphore, #tpu.memory_space<semaphore_mem>>
          %dma_start3A_64 = arith.constant 9984 : i32
          %dma_start3A_65 = arith.constant 0 : i32
          %dma_start3A_66 = tpu.memref_slice %arg8[%dma_start3A_64, %dma_start3A_65] : memref<10000x128xf32, #tpu.memory_space<hbm>> -> memref<16x128xf32, #tpu.memory_space<hbm>>
          %dma_start3A_67 = arith.constant 9984 : i32
          %dma_start3A_68 = arith.constant 0 : i32
          %dma_start3A_69 = tpu.memref_slice %arg19[%dma_start3A_67, %dma_start3A_68] : memref<10016x128xf32, #tpu.memory_space<vmem_shared>> -> memref<16x128xf32, #tpu.memory_space<vmem_shared>>
          tpu.enqueue_dma source(%dma_start3A_69 : memref<16x128xf32, #tpu.memory_space<vmem_shared>>) target(%dma_start3A_66 : memref<16x128xf32, #tpu.memory_space<hbm>>) target_semaphore(%run_scoped3A : memref<!tpu.dma_semaphore, #tpu.memory_space<semaphore_mem>>)
          %dma_wait3A_70 = arith.constant 9984 : i32
          %dma_wait3A_71 = arith.constant 0 : i32
          %dma_wait3A_72 = tpu.memref_slice %arg8[%dma_wait3A_70, %dma_wait3A_71] : memref<10000x128xf32, #tpu.memory_space<hbm>> -> memref<16x128xf32, #tpu.memory_space<hbm>>
          %dma_wait3A_73 = arith.constant 9984 : i32
          %dma_wait3A_74 = arith.constant 0 : i32
          %dma_wait3A_75 = tpu.memref_slice %arg19[%dma_wait3A_73, %dma_wait3A_74] : memref<10016x128xf32, #tpu.memory_space<vmem_shared>> -> memref<16x128xf32, #tpu.memory_space<vmem_shared>>
          tpu.wait_dma2 semaphore(%run_scoped3A : memref<!tpu.dma_semaphore, #tpu.memory_space<semaphore_mem>>) src(%dma_wait3A_75 : memref<16x128xf32, #tpu.memory_space<vmem_shared>>) dst(%dma_wait3A_72 : memref<16x128xf32, #tpu.memory_space<hbm>>)
          tpu.yield
        }) : () -> ()
      } else {
      }
    } else {
    }
    return
  }
}

#map = affine_map<(d0, d1) -> (0)>
#map1 = affine_map<(d0, d1) -> (0, 0)>
module attributes {stable_mosaic.version = 14 : i64} {
  func.func @deg(%arg0: i32, %arg1: i32, %arg2: memref<163840xi32, #tpu.memory_space<hbm>>, %arg3: memref<624x128xf32, #tpu.memory_space<hbm>>, %arg4: memref<128x128xf32, #tpu.memory_space<hbm>>, %arg5: memref<10000x128xf32, #tpu.memory_space<hbm>>, %arg6: memref<10000x128xf32, #tpu.memory_space<hbm>>, %arg7: memref<128xi32, #tpu.memory_space<vmem>>, %arg8: memref<128xi32, #tpu.memory_space<vmem>>, %arg9: memref<128xi32, #tpu.memory_space<vmem>>, %arg10: memref<128xi32, #tpu.memory_space<vmem>>, %arg11: memref<128x128xf32, #tpu.memory_space<vmem>>, %arg12: memref<10016x128xf32, #tpu.memory_space<vmem_shared>>, %arg13: memref<!tpu.dma_semaphore, #tpu.memory_space<semaphore_mem>>, %arg14: memref<!tpu.dma_semaphore, #tpu.memory_space<semaphore_mem>>, %arg15: memref<!tpu.dma_semaphore, #tpu.memory_space<semaphore_mem>>, %arg16: memref<!tpu.dma_semaphore, #tpu.memory_space<semaphore_mem>>, %arg17: memref<!tpu.dma_semaphore, #tpu.memory_space<semaphore_mem>>, %arg18: memref<!tpu.dma_semaphore, #tpu.memory_space<semaphore_mem>>, %arg19: memref<!tpu.dma_semaphore, #tpu.memory_space<semaphore_mem>>, %arg20: memref<!tpu.dma_semaphore, #tpu.memory_space<semaphore_mem>>) attributes {dimension_semantics = [#tpu.dimension_semantics<core_parallel>, #tpu.dimension_semantics<subcore_parallel>], iteration_bounds = array<i64: 2, 16>, scalar_prefetch = 0 : i64, scratch_operands = 14 : i64, tpu.core_type = #tpu.core_type<sc_vector_subcore>, window_params = [{transform_indices = #map}, {transform_indices = #map1}, {transform_indices = #map1}, {transform_indices = #map1}, {transform_indices = #map1}]} {
    %mul3A = arith.constant 624 : i32
    %mul3A_0 = arith.muli %arg1, %mul3A : i32
    %multiple_of3A = tpu.assume_multiple %mul3A_0, 8 : i32
    "tpu.region"() ({
      %run_scoped3A = tpu.sem_alloc : memref<!tpu.dma_semaphore, #tpu.memory_space<semaphore_mem>>
      %dma_start3A_49 = arith.constant 0 : i32
      %dma_start3A_50 = tpu.memref_slice %arg12[%multiple_of3A, %dma_start3A_49] : memref<10016x128xf32, #tpu.memory_space<vmem_shared>> -> memref<624x128xf32, #tpu.memory_space<vmem_shared>>
      %dma_start3A_51 = arith.constant 0 : i32
      %dma_start3A_52 = arith.constant 0 : i32
      %dma_start3A_53 = tpu.memref_slice %arg3[%dma_start3A_51, %dma_start3A_52] : memref<624x128xf32, #tpu.memory_space<hbm>> -> memref<624x128xf32, #tpu.memory_space<hbm>>
      tpu.enqueue_dma source(%dma_start3A_53 : memref<624x128xf32, #tpu.memory_space<hbm>>) target(%dma_start3A_50 : memref<624x128xf32, #tpu.memory_space<vmem_shared>>) target_semaphore(%run_scoped3A : memref<!tpu.dma_semaphore, #tpu.memory_space<semaphore_mem>>)
      %dma_wait3A_54 = arith.constant 0 : i32
      %dma_wait3A_55 = tpu.memref_slice %arg12[%multiple_of3A, %dma_wait3A_54] : memref<10016x128xf32, #tpu.memory_space<vmem_shared>> -> memref<624x128xf32, #tpu.memory_space<vmem_shared>>
      %dma_wait3A_56 = arith.constant 0 : i32
      %dma_wait3A_57 = arith.constant 0 : i32
      %dma_wait3A_58 = tpu.memref_slice %arg3[%dma_wait3A_56, %dma_wait3A_57] : memref<624x128xf32, #tpu.memory_space<hbm>> -> memref<624x128xf32, #tpu.memory_space<hbm>>
      tpu.wait_dma2 semaphore(%run_scoped3A : memref<!tpu.dma_semaphore, #tpu.memory_space<semaphore_mem>>) src(%dma_wait3A_58 : memref<624x128xf32, #tpu.memory_space<hbm>>) dst(%dma_wait3A_55 : memref<624x128xf32, #tpu.memory_space<vmem_shared>>)
      tpu.yield
    }) : () -> ()
    %eq3A = arith.constant 15 : i32
    %eq3A_1 = arith.cmpi eq, %arg1, %eq3A : i32
    %convert_element_type3A = arith.extui %eq3A_1 : i1 to i32
    %cond3A = arith.constant 0 : i32
    %cond3A_2 = arith.cmpi ne, %convert_element_type3A, %cond3A : i32
    scf.if %cond3A_2 {
      "tpu.region"() ({
        %run_scoped3A = tpu.sem_alloc : memref<!tpu.dma_semaphore, #tpu.memory_space<semaphore_mem>>
        %dma_start3A_49 = arith.constant 9984 : i32
        %dma_start3A_50 = arith.constant 0 : i32
        %dma_start3A_51 = tpu.memref_slice %arg12[%dma_start3A_49, %dma_start3A_50] : memref<10016x128xf32, #tpu.memory_space<vmem_shared>> -> memref<32x128xf32, #tpu.memory_space<vmem_shared>>
        %dma_start3A_52 = arith.constant 0 : i32
        %dma_start3A_53 = arith.constant 0 : i32
        %dma_start3A_54 = tpu.memref_slice %arg3[%dma_start3A_52, %dma_start3A_53] : memref<624x128xf32, #tpu.memory_space<hbm>> -> memref<32x128xf32, #tpu.memory_space<hbm>>
        tpu.enqueue_dma source(%dma_start3A_54 : memref<32x128xf32, #tpu.memory_space<hbm>>) target(%dma_start3A_51 : memref<32x128xf32, #tpu.memory_space<vmem_shared>>) target_semaphore(%run_scoped3A : memref<!tpu.dma_semaphore, #tpu.memory_space<semaphore_mem>>)
        %dma_wait3A_55 = arith.constant 9984 : i32
        %dma_wait3A_56 = arith.constant 0 : i32
        %dma_wait3A_57 = tpu.memref_slice %arg12[%dma_wait3A_55, %dma_wait3A_56] : memref<10016x128xf32, #tpu.memory_space<vmem_shared>> -> memref<32x128xf32, #tpu.memory_space<vmem_shared>>
        %dma_wait3A_58 = arith.constant 0 : i32
        %dma_wait3A_59 = arith.constant 0 : i32
        %dma_wait3A_60 = tpu.memref_slice %arg3[%dma_wait3A_58, %dma_wait3A_59] : memref<624x128xf32, #tpu.memory_space<hbm>> -> memref<32x128xf32, #tpu.memory_space<hbm>>
        tpu.wait_dma2 semaphore(%run_scoped3A : memref<!tpu.dma_semaphore, #tpu.memory_space<semaphore_mem>>) src(%dma_wait3A_60 : memref<32x128xf32, #tpu.memory_space<hbm>>) dst(%dma_wait3A_57 : memref<32x128xf32, #tpu.memory_space<vmem_shared>>)
        tpu.yield
      }) : () -> ()
    } else {
    }
    "tpu.region"() ({
      %run_scoped3A = tpu.sem_alloc : memref<!tpu.dma_semaphore, #tpu.memory_space<semaphore_mem>>
      tpu.enqueue_dma source(%arg4 : memref<128x128xf32, #tpu.memory_space<hbm>>) target(%arg11 : memref<128x128xf32, #tpu.memory_space<vmem>>) target_semaphore(%run_scoped3A : memref<!tpu.dma_semaphore, #tpu.memory_space<semaphore_mem>>)
      tpu.wait_dma2 semaphore(%run_scoped3A : memref<!tpu.dma_semaphore, #tpu.memory_space<semaphore_mem>>) src(%arg4 : memref<128x128xf32, #tpu.memory_space<hbm>>) dst(%arg11 : memref<128x128xf32, #tpu.memory_space<vmem>>)
      tpu.yield
    }) : () -> ()
    %barrier3A = arith.constant 0 : index
    tpu.barrier barrier_id(%barrier3A)
    %mul3A_3 = arith.constant 80 : i32
    %mul3A_4 = arith.muli %arg1, %mul3A_3 : i32
    %mul3A_5 = arith.constant 40 : i32
    %mul3A_6 = arith.muli %arg0, %mul3A_5 : i32
    %add3A = arith.addi %mul3A_4, %mul3A_6 : i32
    %mul3A_7 = arith.constant 128 : i32
    %mul3A_8 = arith.muli %add3A, %mul3A_7 : i32
    %add3A_9 = arith.constant 0 : i32
    %add3A_10 = arith.addi %mul3A_8, %add3A_9 : i32
    %multiple_of3A_11 = tpu.assume_multiple %add3A_10, 128 : i32
    %dma_start3A = tpu.memref_slice %arg2[%multiple_of3A_11] : memref<163840xi32, #tpu.memory_space<hbm>> -> memref<128xi32, #tpu.memory_space<hbm>>
    %dma_start3A_12 = tpu.memref_slice %arg2[%multiple_of3A_11] : memref<163840xi32, #tpu.memory_space<hbm>> -> memref<128xi32, #tpu.memory_space<hbm>>
    tpu.enqueue_dma source(%dma_start3A_12 : memref<128xi32, #tpu.memory_space<hbm>>) target(%arg7 : memref<128xi32, #tpu.memory_space<vmem>>) target_semaphore(%arg13 : memref<!tpu.dma_semaphore, #tpu.memory_space<semaphore_mem>>)
    %add3A_13 = arith.constant 128 : i32
    %add3A_14 = arith.addi %mul3A_8, %add3A_13 : i32
    %multiple_of3A_15 = tpu.assume_multiple %add3A_14, 128 : i32
    %dma_start3A_16 = tpu.memref_slice %arg2[%multiple_of3A_15] : memref<163840xi32, #tpu.memory_space<hbm>> -> memref<128xi32, #tpu.memory_space<hbm>>
    %dma_start3A_17 = tpu.memref_slice %arg2[%multiple_of3A_15] : memref<163840xi32, #tpu.memory_space<hbm>> -> memref<128xi32, #tpu.memory_space<hbm>>
    tpu.enqueue_dma source(%dma_start3A_17 : memref<128xi32, #tpu.memory_space<hbm>>) target(%arg8 : memref<128xi32, #tpu.memory_space<vmem>>) target_semaphore(%arg14 : memref<!tpu.dma_semaphore, #tpu.memory_space<semaphore_mem>>)
    %add3A_18 = arith.constant 256 : i32
    %add3A_19 = arith.addi %mul3A_8, %add3A_18 : i32
    %multiple_of3A_20 = tpu.assume_multiple %add3A_19, 128 : i32
    %dma_start3A_21 = tpu.memref_slice %arg2[%multiple_of3A_20] : memref<163840xi32, #tpu.memory_space<hbm>> -> memref<128xi32, #tpu.memory_space<hbm>>
    %dma_start3A_22 = tpu.memref_slice %arg2[%multiple_of3A_20] : memref<163840xi32, #tpu.memory_space<hbm>> -> memref<128xi32, #tpu.memory_space<hbm>>
    tpu.enqueue_dma source(%dma_start3A_22 : memref<128xi32, #tpu.memory_space<hbm>>) target(%arg9 : memref<128xi32, #tpu.memory_space<vmem>>) target_semaphore(%arg15 : memref<!tpu.dma_semaphore, #tpu.memory_space<semaphore_mem>>)
    %scan3A = arith.constant 0 : i32
    %scan3A_23 = arith.constant 10 : i32
    %scan3A_24 = arith.addi %scan3A, %scan3A_23 : i32
    %scan3A_25 = arith.constant 1 : i32
    scf.for %scan3A_49 = %scan3A to %scan3A_24 step %scan3A_25  : i32 {
      %mul3A_50 = arith.constant 4 : i32
      %mul3A_51 = arith.muli %scan3A_49, %mul3A_50 : i32
      %add3A_52 = arith.constant 0 : i32
      %add3A_53 = arith.addi %add3A_52, %mul3A_51 : i32
      %add3A_54 = arith.constant 0 : i32
      %add3A_55 = arith.addi %add3A_53, %add3A_54 : i32
      %mul3A_56 = arith.constant 128 : i32
      %mul3A_57 = arith.muli %add3A_55, %mul3A_56 : i32
      %add3A_58 = arith.addi %mul3A_8, %mul3A_57 : i32
      %multiple_of3A_59 = tpu.assume_multiple %add3A_58, 128 : i32
      %dma_wait3A_60 = tpu.memref_slice %arg2[%multiple_of3A_59] : memref<163840xi32, #tpu.memory_space<hbm>> -> memref<128xi32, #tpu.memory_space<hbm>>
      %dma_wait3A_61 = tpu.memref_slice %arg2[%multiple_of3A_59] : memref<163840xi32, #tpu.memory_space<hbm>> -> memref<128xi32, #tpu.memory_space<hbm>>
      tpu.wait_dma2 semaphore(%arg13 : memref<!tpu.dma_semaphore, #tpu.memory_space<semaphore_mem>>) src(%dma_wait3A_61 : memref<128xi32, #tpu.memory_space<hbm>>) dst(%arg7 : memref<128xi32, #tpu.memory_space<vmem>>)
      %dma_start3A_62 = arith.constant 0 : i32
      %dma_start3A_63 = arith.constant 0 : i32
      %dma_start3A_64 = tpu.memref_slice %arg12[%dma_start3A_62, %dma_start3A_63] : memref<10016x128xf32, #tpu.memory_space<vmem_shared>> -> memref<10016x128xf32, #tpu.memory_space<vmem_shared>>
      tpu.enqueue_indirect_dma source(%arg11 : memref<128x128xf32, #tpu.memory_space<vmem>>) target(%dma_start3A_64 : memref<10016x128xf32, #tpu.memory_space<vmem_shared>>) offsets(%arg7 : memref<128xi32, #tpu.memory_space<vmem>>) semaphore(%arg17 : memref<!tpu.dma_semaphore, #tpu.memory_space<semaphore_mem>>) {add = true}
      %ge3A = arith.constant 1 : i32
      %ge3A_65 = arith.cmpi sge, %add3A_55, %ge3A : i32
      %add3A_66 = arith.constant 3 : i32
      %add3A_67 = arith.addi %add3A_55, %add3A_66 : i32
      %lt3A = arith.constant 40 : i32
      %lt3A_68 = arith.cmpi slt, %add3A_67, %lt3A : i32
      %and3A = arith.andi %ge3A_65, %lt3A_68 : i1
      %convert_element_type3A_69 = arith.extui %and3A : i1 to i32
      %cond3A_70 = arith.constant 0 : i32
      %cond3A_71 = arith.cmpi ne, %convert_element_type3A_69, %cond3A_70 : i32
      scf.if %cond3A_71 {
        %dma_wait3A_163 = arith.constant 0 : i32
        %dma_wait3A_164 = arith.constant 0 : i32
        %dma_wait3A_165 = tpu.memref_slice %arg12[%dma_wait3A_163, %dma_wait3A_164] : memref<10016x128xf32, #tpu.memory_space<vmem_shared>> -> memref<10016x128xf32, #tpu.memory_space<vmem_shared>>
        tpu.wait_indirect_dma semaphore(%arg20 : memref<!tpu.dma_semaphore, #tpu.memory_space<semaphore_mem>>) src(%arg11 : memref<128x128xf32, #tpu.memory_space<vmem>>) dst(%dma_wait3A_165 : memref<10016x128xf32, #tpu.memory_space<vmem_shared>>)
      } else {
      }
      %add3A_72 = arith.constant 3 : i32
      %add3A_73 = arith.addi %add3A_55, %add3A_72 : i32
      %lt3A_74 = arith.constant 40 : i32
      %lt3A_75 = arith.cmpi slt, %add3A_73, %lt3A_74 : i32
      %convert_element_type3A_76 = arith.extui %lt3A_75 : i1 to i32
      %cond3A_77 = arith.constant 0 : i32
      %cond3A_78 = arith.cmpi ne, %convert_element_type3A_76, %cond3A_77 : i32
      scf.if %cond3A_78 {
        %add3A_163 = arith.constant 3 : i32
        %add3A_164 = arith.addi %add3A_55, %add3A_163 : i32
        %mul3A_165 = arith.constant 128 : i32
        %mul3A_166 = arith.muli %add3A_164, %mul3A_165 : i32
        %add3A_167 = arith.addi %mul3A_8, %mul3A_166 : i32
        %multiple_of3A_168 = tpu.assume_multiple %add3A_167, 128 : i32
        %dma_start3A_169 = tpu.memref_slice %arg2[%multiple_of3A_168] : memref<163840xi32, #tpu.memory_space<hbm>> -> memref<128xi32, #tpu.memory_space<hbm>>
        %dma_start3A_170 = tpu.memref_slice %arg2[%multiple_of3A_168] : memref<163840xi32, #tpu.memory_space<hbm>> -> memref<128xi32, #tpu.memory_space<hbm>>
        tpu.enqueue_dma source(%dma_start3A_170 : memref<128xi32, #tpu.memory_space<hbm>>) target(%arg10 : memref<128xi32, #tpu.memory_space<vmem>>) target_semaphore(%arg16 : memref<!tpu.dma_semaphore, #tpu.memory_space<semaphore_mem>>)
      } else {
      }
      %add3A_79 = arith.constant 1 : i32
      %add3A_80 = arith.addi %add3A_53, %add3A_79 : i32
      %mul3A_81 = arith.constant 128 : i32
      %mul3A_82 = arith.muli %add3A_80, %mul3A_81 : i32
      %add3A_83 = arith.addi %mul3A_8, %mul3A_82 : i32
      %multiple_of3A_84 = tpu.assume_multiple %add3A_83, 128 : i32
      %dma_wait3A_85 = tpu.memref_slice %arg2[%multiple_of3A_84] : memref<163840xi32, #tpu.memory_space<hbm>> -> memref<128xi32, #tpu.memory_space<hbm>>
      %dma_wait3A_86 = tpu.memref_slice %arg2[%multiple_of3A_84] : memref<163840xi32, #tpu.memory_space<hbm>> -> memref<128xi32, #tpu.memory_space<hbm>>
      tpu.wait_dma2 semaphore(%arg14 : memref<!tpu.dma_semaphore, #tpu.memory_space<semaphore_mem>>) src(%dma_wait3A_86 : memref<128xi32, #tpu.memory_space<hbm>>) dst(%arg8 : memref<128xi32, #tpu.memory_space<vmem>>)
      %dma_start3A_87 = arith.constant 0 : i32
      %dma_start3A_88 = arith.constant 0 : i32
      %dma_start3A_89 = tpu.memref_slice %arg12[%dma_start3A_87, %dma_start3A_88] : memref<10016x128xf32, #tpu.memory_space<vmem_shared>> -> memref<10016x128xf32, #tpu.memory_space<vmem_shared>>
      tpu.enqueue_indirect_dma source(%arg11 : memref<128x128xf32, #tpu.memory_space<vmem>>) target(%dma_start3A_89 : memref<10016x128xf32, #tpu.memory_space<vmem_shared>>) offsets(%arg8 : memref<128xi32, #tpu.memory_space<vmem>>) semaphore(%arg18 : memref<!tpu.dma_semaphore, #tpu.memory_space<semaphore_mem>>) {add = true}
      %ge3A_90 = arith.constant 1 : i32
      %ge3A_91 = arith.cmpi sge, %add3A_80, %ge3A_90 : i32
      %add3A_92 = arith.constant 3 : i32
      %add3A_93 = arith.addi %add3A_80, %add3A_92 : i32
      %lt3A_94 = arith.constant 40 : i32
      %lt3A_95 = arith.cmpi slt, %add3A_93, %lt3A_94 : i32
      %and3A_96 = arith.andi %ge3A_91, %lt3A_95 : i1
      %convert_element_type3A_97 = arith.extui %and3A_96 : i1 to i32
      %cond3A_98 = arith.constant 0 : i32
      %cond3A_99 = arith.cmpi ne, %convert_element_type3A_97, %cond3A_98 : i32
      scf.if %cond3A_99 {
        %dma_wait3A_163 = arith.constant 0 : i32
        %dma_wait3A_164 = arith.constant 0 : i32
        %dma_wait3A_165 = tpu.memref_slice %arg12[%dma_wait3A_163, %dma_wait3A_164] : memref<10016x128xf32, #tpu.memory_space<vmem_shared>> -> memref<10016x128xf32, #tpu.memory_space<vmem_shared>>
        tpu.wait_indirect_dma semaphore(%arg17 : memref<!tpu.dma_semaphore, #tpu.memory_space<semaphore_mem>>) src(%arg11 : memref<128x128xf32, #tpu.memory_space<vmem>>) dst(%dma_wait3A_165 : memref<10016x128xf32, #tpu.memory_space<vmem_shared>>)
      } else {
      }
      %add3A_100 = arith.constant 3 : i32
      %add3A_101 = arith.addi %add3A_80, %add3A_100 : i32
      %lt3A_102 = arith.constant 40 : i32
      %lt3A_103 = arith.cmpi slt, %add3A_101, %lt3A_102 : i32
      %convert_element_type3A_104 = arith.extui %lt3A_103 : i1 to i32
      %cond3A_105 = arith.constant 0 : i32
      %cond3A_106 = arith.cmpi ne, %convert_element_type3A_104, %cond3A_105 : i32
      scf.if %cond3A_106 {
        %add3A_163 = arith.constant 3 : i32
        %add3A_164 = arith.addi %add3A_80, %add3A_163 : i32
        %mul3A_165 = arith.constant 128 : i32
        %mul3A_166 = arith.muli %add3A_164, %mul3A_165 : i32
        %add3A_167 = arith.addi %mul3A_8, %mul3A_166 : i32
        %multiple_of3A_168 = tpu.assume_multiple %add3A_167, 128 : i32
        %dma_start3A_169 = tpu.memref_slice %arg2[%multiple_of3A_168] : memref<163840xi32, #tpu.memory_space<hbm>> -> memref<128xi32, #tpu.memory_space<hbm>>
        %dma_start3A_170 = tpu.memref_slice %arg2[%multiple_of3A_168] : memref<163840xi32, #tpu.memory_space<hbm>> -> memref<128xi32, #tpu.memory_space<hbm>>
        tpu.enqueue_dma source(%dma_start3A_170 : memref<128xi32, #tpu.memory_space<hbm>>) target(%arg7 : memref<128xi32, #tpu.memory_space<vmem>>) target_semaphore(%arg13 : memref<!tpu.dma_semaphore, #tpu.memory_space<semaphore_mem>>)
      } else {
      }
      %add3A_107 = arith.constant 2 : i32
      %add3A_108 = arith.addi %add3A_53, %add3A_107 : i32
      %mul3A_109 = arith.constant 128 : i32
      %mul3A_110 = arith.muli %add3A_108, %mul3A_109 : i32
      %add3A_111 = arith.addi %mul3A_8, %mul3A_110 : i32
      %multiple_of3A_112 = tpu.assume_multiple %add3A_111, 128 : i32
      %dma_wait3A_113 = tpu.memref_slice %arg2[%multiple_of3A_112] : memref<163840xi32, #tpu.memory_space<hbm>> -> memref<128xi32, #tpu.memory_space<hbm>>
      %dma_wait3A_114 = tpu.memref_slice %arg2[%multiple_of3A_112] : memref<163840xi32, #tpu.memory_space<hbm>> -> memref<128xi32, #tpu.memory_space<hbm>>
      tpu.wait_dma2 semaphore(%arg15 : memref<!tpu.dma_semaphore, #tpu.memory_space<semaphore_mem>>) src(%dma_wait3A_114 : memref<128xi32, #tpu.memory_space<hbm>>) dst(%arg9 : memref<128xi32, #tpu.memory_space<vmem>>)
      %dma_start3A_115 = arith.constant 0 : i32
      %dma_start3A_116 = arith.constant 0 : i32
      %dma_start3A_117 = tpu.memref_slice %arg12[%dma_start3A_115, %dma_start3A_116] : memref<10016x128xf32, #tpu.memory_space<vmem_shared>> -> memref<10016x128xf32, #tpu.memory_space<vmem_shared>>
      tpu.enqueue_indirect_dma source(%arg11 : memref<128x128xf32, #tpu.memory_space<vmem>>) target(%dma_start3A_117 : memref<10016x128xf32, #tpu.memory_space<vmem_shared>>) offsets(%arg9 : memref<128xi32, #tpu.memory_space<vmem>>) semaphore(%arg19 : memref<!tpu.dma_semaphore, #tpu.memory_space<semaphore_mem>>) {add = true}
      %ge3A_118 = arith.constant 1 : i32
      %ge3A_119 = arith.cmpi sge, %add3A_108, %ge3A_118 : i32
      %add3A_120 = arith.constant 3 : i32
      %add3A_121 = arith.addi %add3A_108, %add3A_120 : i32
      %lt3A_122 = arith.constant 40 : i32
      %lt3A_123 = arith.cmpi slt, %add3A_121, %lt3A_122 : i32
      %and3A_124 = arith.andi %ge3A_119, %lt3A_123 : i1
      %convert_element_type3A_125 = arith.extui %and3A_124 : i1 to i32
      %cond3A_126 = arith.constant 0 : i32
      %cond3A_127 = arith.cmpi ne, %convert_element_type3A_125, %cond3A_126 : i32
      scf.if %cond3A_127 {
        %dma_wait3A_163 = arith.constant 0 : i32
        %dma_wait3A_164 = arith.constant 0 : i32
        %dma_wait3A_165 = tpu.memref_slice %arg12[%dma_wait3A_163, %dma_wait3A_164] : memref<10016x128xf32, #tpu.memory_space<vmem_shared>> -> memref<10016x128xf32, #tpu.memory_space<vmem_shared>>
        tpu.wait_indirect_dma semaphore(%arg18 : memref<!tpu.dma_semaphore, #tpu.memory_space<semaphore_mem>>) src(%arg11 : memref<128x128xf32, #tpu.memory_space<vmem>>) dst(%dma_wait3A_165 : memref<10016x128xf32, #tpu.memory_space<vmem_shared>>)
      } else {
      }
      %add3A_128 = arith.constant 3 : i32
      %add3A_129 = arith.addi %add3A_108, %add3A_128 : i32
      %lt3A_130 = arith.constant 40 : i32
      %lt3A_131 = arith.cmpi slt, %add3A_129, %lt3A_130 : i32
      %convert_element_type3A_132 = arith.extui %lt3A_131 : i1 to i32
      %cond3A_133 = arith.constant 0 : i32
      %cond3A_134 = arith.cmpi ne, %convert_element_type3A_132, %cond3A_133 : i32
      scf.if %cond3A_134 {
        %add3A_163 = arith.constant 3 : i32
        %add3A_164 = arith.addi %add3A_108, %add3A_163 : i32
        %mul3A_165 = arith.constant 128 : i32
        %mul3A_166 = arith.muli %add3A_164, %mul3A_165 : i32
        %add3A_167 = arith.addi %mul3A_8, %mul3A_166 : i32
        %multiple_of3A_168 = tpu.assume_multiple %add3A_167, 128 : i32
        %dma_start3A_169 = tpu.memref_slice %arg2[%multiple_of3A_168] : memref<163840xi32, #tpu.memory_space<hbm>> -> memref<128xi32, #tpu.memory_space<hbm>>
        %dma_start3A_170 = tpu.memref_slice %arg2[%multiple_of3A_168] : memref<163840xi32, #tpu.memory_space<hbm>> -> memref<128xi32, #tpu.memory_space<hbm>>
        tpu.enqueue_dma source(%dma_start3A_170 : memref<128xi32, #tpu.memory_space<hbm>>) target(%arg8 : memref<128xi32, #tpu.memory_space<vmem>>) target_semaphore(%arg14 : memref<!tpu.dma_semaphore, #tpu.memory_space<semaphore_mem>>)
      } else {
      }
      %add3A_135 = arith.constant 3 : i32
      %add3A_136 = arith.addi %add3A_53, %add3A_135 : i32
      %mul3A_137 = arith.constant 128 : i32
      %mul3A_138 = arith.muli %add3A_136, %mul3A_137 : i32
      %add3A_139 = arith.addi %mul3A_8, %mul3A_138 : i32
      %multiple_of3A_140 = tpu.assume_multiple %add3A_139, 128 : i32
      %dma_wait3A_141 = tpu.memref_slice %arg2[%multiple_of3A_140] : memref<163840xi32, #tpu.memory_space<hbm>> -> memref<128xi32, #tpu.memory_space<hbm>>
      %dma_wait3A_142 = tpu.memref_slice %arg2[%multiple_of3A_140] : memref<163840xi32, #tpu.memory_space<hbm>> -> memref<128xi32, #tpu.memory_space<hbm>>
      tpu.wait_dma2 semaphore(%arg16 : memref<!tpu.dma_semaphore, #tpu.memory_space<semaphore_mem>>) src(%dma_wait3A_142 : memref<128xi32, #tpu.memory_space<hbm>>) dst(%arg10 : memref<128xi32, #tpu.memory_space<vmem>>)
      %dma_start3A_143 = arith.constant 0 : i32
      %dma_start3A_144 = arith.constant 0 : i32
      %dma_start3A_145 = tpu.memref_slice %arg12[%dma_start3A_143, %dma_start3A_144] : memref<10016x128xf32, #tpu.memory_space<vmem_shared>> -> memref<10016x128xf32, #tpu.memory_space<vmem_shared>>
      tpu.enqueue_indirect_dma source(%arg11 : memref<128x128xf32, #tpu.memory_space<vmem>>) target(%dma_start3A_145 : memref<10016x128xf32, #tpu.memory_space<vmem_shared>>) offsets(%arg10 : memref<128xi32, #tpu.memory_space<vmem>>) semaphore(%arg20 : memref<!tpu.dma_semaphore, #tpu.memory_space<semaphore_mem>>) {add = true}
      %ge3A_146 = arith.constant 1 : i32
      %ge3A_147 = arith.cmpi sge, %add3A_136, %ge3A_146 : i32
      %add3A_148 = arith.constant 3 : i32
      %add3A_149 = arith.addi %add3A_136, %add3A_148 : i32
      %lt3A_150 = arith.constant 40 : i32
      %lt3A_151 = arith.cmpi slt, %add3A_149, %lt3A_150 : i32
      %and3A_152 = arith.andi %ge3A_147, %lt3A_151 : i1
      %convert_element_type3A_153 = arith.extui %and3A_152 : i1 to i32
      %cond3A_154 = arith.constant 0 : i32
      %cond3A_155 = arith.cmpi ne, %convert_element_type3A_153, %cond3A_154 : i32
      scf.if %cond3A_155 {
        %dma_wait3A_163 = arith.constant 0 : i32
        %dma_wait3A_164 = arith.constant 0 : i32
        %dma_wait3A_165 = tpu.memref_slice %arg12[%dma_wait3A_163, %dma_wait3A_164] : memref<10016x128xf32, #tpu.memory_space<vmem_shared>> -> memref<10016x128xf32, #tpu.memory_space<vmem_shared>>
        tpu.wait_indirect_dma semaphore(%arg19 : memref<!tpu.dma_semaphore, #tpu.memory_space<semaphore_mem>>) src(%arg11 : memref<128x128xf32, #tpu.memory_space<vmem>>) dst(%dma_wait3A_165 : memref<10016x128xf32, #tpu.memory_space<vmem_shared>>)
      } else {
      }
      %add3A_156 = arith.constant 3 : i32
      %add3A_157 = arith.addi %add3A_136, %add3A_156 : i32
      %lt3A_158 = arith.constant 40 : i32
      %lt3A_159 = arith.cmpi slt, %add3A_157, %lt3A_158 : i32
      %convert_element_type3A_160 = arith.extui %lt3A_159 : i1 to i32
      %cond3A_161 = arith.constant 0 : i32
      %cond3A_162 = arith.cmpi ne, %convert_element_type3A_160, %cond3A_161 : i32
      scf.if %cond3A_162 {
        %add3A_163 = arith.constant 3 : i32
        %add3A_164 = arith.addi %add3A_136, %add3A_163 : i32
        %mul3A_165 = arith.constant 128 : i32
        %mul3A_166 = arith.muli %add3A_164, %mul3A_165 : i32
        %add3A_167 = arith.addi %mul3A_8, %mul3A_166 : i32
        %multiple_of3A_168 = tpu.assume_multiple %add3A_167, 128 : i32
        %dma_start3A_169 = tpu.memref_slice %arg2[%multiple_of3A_168] : memref<163840xi32, #tpu.memory_space<hbm>> -> memref<128xi32, #tpu.memory_space<hbm>>
        %dma_start3A_170 = tpu.memref_slice %arg2[%multiple_of3A_168] : memref<163840xi32, #tpu.memory_space<hbm>> -> memref<128xi32, #tpu.memory_space<hbm>>
        tpu.enqueue_dma source(%dma_start3A_170 : memref<128xi32, #tpu.memory_space<hbm>>) target(%arg9 : memref<128xi32, #tpu.memory_space<vmem>>) target_semaphore(%arg15 : memref<!tpu.dma_semaphore, #tpu.memory_space<semaphore_mem>>)
      } else {
      }
    }
    %scan3A_26 = arith.constant 10 : i32
    %dma_wait3A = arith.constant 0 : i32
    %dma_wait3A_27 = arith.constant 0 : i32
    %dma_wait3A_28 = tpu.memref_slice %arg12[%dma_wait3A, %dma_wait3A_27] : memref<10016x128xf32, #tpu.memory_space<vmem_shared>> -> memref<10016x128xf32, #tpu.memory_space<vmem_shared>>
    tpu.wait_indirect_dma semaphore(%arg18 : memref<!tpu.dma_semaphore, #tpu.memory_space<semaphore_mem>>) src(%arg11 : memref<128x128xf32, #tpu.memory_space<vmem>>) dst(%dma_wait3A_28 : memref<10016x128xf32, #tpu.memory_space<vmem_shared>>)
    %dma_wait3A_29 = arith.constant 0 : i32
    %dma_wait3A_30 = arith.constant 0 : i32
    %dma_wait3A_31 = tpu.memref_slice %arg12[%dma_wait3A_29, %dma_wait3A_30] : memref<10016x128xf32, #tpu.memory_space<vmem_shared>> -> memref<10016x128xf32, #tpu.memory_space<vmem_shared>>
    tpu.wait_indirect_dma semaphore(%arg19 : memref<!tpu.dma_semaphore, #tpu.memory_space<semaphore_mem>>) src(%arg11 : memref<128x128xf32, #tpu.memory_space<vmem>>) dst(%dma_wait3A_31 : memref<10016x128xf32, #tpu.memory_space<vmem_shared>>)
    %dma_wait3A_32 = arith.constant 0 : i32
    %dma_wait3A_33 = arith.constant 0 : i32
    %dma_wait3A_34 = tpu.memref_slice %arg12[%dma_wait3A_32, %dma_wait3A_33] : memref<10016x128xf32, #tpu.memory_space<vmem_shared>> -> memref<10016x128xf32, #tpu.memory_space<vmem_shared>>
    tpu.wait_indirect_dma semaphore(%arg20 : memref<!tpu.dma_semaphore, #tpu.memory_space<semaphore_mem>>) src(%arg11 : memref<128x128xf32, #tpu.memory_space<vmem>>) dst(%dma_wait3A_34 : memref<10016x128xf32, #tpu.memory_space<vmem_shared>>)
    %dma_wait3A_35 = arith.constant 0 : i32
    %dma_wait3A_36 = arith.constant 0 : i32
    %dma_wait3A_37 = tpu.memref_slice %arg12[%dma_wait3A_35, %dma_wait3A_36] : memref<10016x128xf32, #tpu.memory_space<vmem_shared>> -> memref<10016x128xf32, #tpu.memory_space<vmem_shared>>
    tpu.wait_indirect_dma semaphore(%arg17 : memref<!tpu.dma_semaphore, #tpu.memory_space<semaphore_mem>>) src(%arg11 : memref<128x128xf32, #tpu.memory_space<vmem>>) dst(%dma_wait3A_37 : memref<10016x128xf32, #tpu.memory_space<vmem_shared>>)
    %barrier3A_38 = arith.constant 0 : index
    tpu.barrier barrier_id(%barrier3A_38)
    %eq3A_39 = arith.constant 0 : i32
    %eq3A_40 = arith.cmpi eq, %arg0, %eq3A_39 : i32
    %convert_element_type3A_41 = arith.extui %eq3A_40 : i1 to i32
    %cond3A_42 = arith.constant 0 : i32
    %cond3A_43 = arith.cmpi ne, %convert_element_type3A_41, %cond3A_42 : i32
    scf.if %cond3A_43 {
      %mul3A_49 = arith.constant 624 : i32
      %mul3A_50 = arith.muli %arg1, %mul3A_49 : i32
      %multiple_of3A_51 = tpu.assume_multiple %mul3A_50, 8 : i32
      "tpu.region"() ({
        %run_scoped3A = tpu.sem_alloc : memref<!tpu.dma_semaphore, #tpu.memory_space<semaphore_mem>>
        %dma_start3A_57 = arith.constant 0 : i32
        %dma_start3A_58 = tpu.memref_slice %arg5[%multiple_of3A_51, %dma_start3A_57] : memref<10000x128xf32, #tpu.memory_space<hbm>> -> memref<624x128xf32, #tpu.memory_space<hbm>>
        %dma_start3A_59 = arith.constant 0 : i32
        %dma_start3A_60 = tpu.memref_slice %arg12[%multiple_of3A_51, %dma_start3A_59] : memref<10016x128xf32, #tpu.memory_space<vmem_shared>> -> memref<624x128xf32, #tpu.memory_space<vmem_shared>>
        tpu.enqueue_dma source(%dma_start3A_60 : memref<624x128xf32, #tpu.memory_space<vmem_shared>>) target(%dma_start3A_58 : memref<624x128xf32, #tpu.memory_space<hbm>>) target_semaphore(%run_scoped3A : memref<!tpu.dma_semaphore, #tpu.memory_space<semaphore_mem>>)
        %dma_wait3A_61 = arith.constant 0 : i32
        %dma_wait3A_62 = tpu.memref_slice %arg5[%multiple_of3A_51, %dma_wait3A_61] : memref<10000x128xf32, #tpu.memory_space<hbm>> -> memref<624x128xf32, #tpu.memory_space<hbm>>
        %dma_wait3A_63 = arith.constant 0 : i32
        %dma_wait3A_64 = tpu.memref_slice %arg12[%multiple_of3A_51, %dma_wait3A_63] : memref<10016x128xf32, #tpu.memory_space<vmem_shared>> -> memref<624x128xf32, #tpu.memory_space<vmem_shared>>
        tpu.wait_dma2 semaphore(%run_scoped3A : memref<!tpu.dma_semaphore, #tpu.memory_space<semaphore_mem>>) src(%dma_wait3A_64 : memref<624x128xf32, #tpu.memory_space<vmem_shared>>) dst(%dma_wait3A_62 : memref<624x128xf32, #tpu.memory_space<hbm>>)
        tpu.yield
      }) : () -> ()
      %eq3A_52 = arith.constant 15 : i32
      %eq3A_53 = arith.cmpi eq, %arg1, %eq3A_52 : i32
      %convert_element_type3A_54 = arith.extui %eq3A_53 : i1 to i32
      %cond3A_55 = arith.constant 0 : i32
      %cond3A_56 = arith.cmpi ne, %convert_element_type3A_54, %cond3A_55 : i32
      scf.if %cond3A_56 {
        "tpu.region"() ({
          %run_scoped3A = tpu.sem_alloc : memref<!tpu.dma_semaphore, #tpu.memory_space<semaphore_mem>>
          %dma_start3A_57 = arith.constant 9984 : i32
          %dma_start3A_58 = arith.constant 0 : i32
          %dma_start3A_59 = tpu.memref_slice %arg5[%dma_start3A_57, %dma_start3A_58] : memref<10000x128xf32, #tpu.memory_space<hbm>> -> memref<16x128xf32, #tpu.memory_space<hbm>>
          %dma_start3A_60 = arith.constant 9984 : i32
          %dma_start3A_61 = arith.constant 0 : i32
          %dma_start3A_62 = tpu.memref_slice %arg12[%dma_start3A_60, %dma_start3A_61] : memref<10016x128xf32, #tpu.memory_space<vmem_shared>> -> memref<16x128xf32, #tpu.memory_space<vmem_shared>>
          tpu.enqueue_dma source(%dma_start3A_62 : memref<16x128xf32, #tpu.memory_space<vmem_shared>>) target(%dma_start3A_59 : memref<16x128xf32, #tpu.memory_space<hbm>>) target_semaphore(%run_scoped3A : memref<!tpu.dma_semaphore, #tpu.memory_space<semaphore_mem>>)
          %dma_wait3A_63 = arith.constant 9984 : i32
          %dma_wait3A_64 = arith.constant 0 : i32
          %dma_wait3A_65 = tpu.memref_slice %arg5[%dma_wait3A_63, %dma_wait3A_64] : memref<10000x128xf32, #tpu.memory_space<hbm>> -> memref<16x128xf32, #tpu.memory_space<hbm>>
          %dma_wait3A_66 = arith.constant 9984 : i32
          %dma_wait3A_67 = arith.constant 0 : i32
          %dma_wait3A_68 = tpu.memref_slice %arg12[%dma_wait3A_66, %dma_wait3A_67] : memref<10016x128xf32, #tpu.memory_space<vmem_shared>> -> memref<16x128xf32, #tpu.memory_space<vmem_shared>>
          tpu.wait_dma2 semaphore(%run_scoped3A : memref<!tpu.dma_semaphore, #tpu.memory_space<semaphore_mem>>) src(%dma_wait3A_68 : memref<16x128xf32, #tpu.memory_space<vmem_shared>>) dst(%dma_wait3A_65 : memref<16x128xf32, #tpu.memory_space<hbm>>)
          tpu.yield
        }) : () -> ()
      } else {
      }
    } else {
    }
    %eq3A_44 = arith.constant 1 : i32
    %eq3A_45 = arith.cmpi eq, %arg0, %eq3A_44 : i32
    %convert_element_type3A_46 = arith.extui %eq3A_45 : i1 to i32
    %cond3A_47 = arith.constant 0 : i32
    %cond3A_48 = arith.cmpi ne, %convert_element_type3A_46, %cond3A_47 : i32
    scf.if %cond3A_48 {
      %mul3A_49 = arith.constant 624 : i32
      %mul3A_50 = arith.muli %arg1, %mul3A_49 : i32
      %multiple_of3A_51 = tpu.assume_multiple %mul3A_50, 8 : i32
      "tpu.region"() ({
        %run_scoped3A = tpu.sem_alloc : memref<!tpu.dma_semaphore, #tpu.memory_space<semaphore_mem>>
        %dma_start3A_57 = arith.constant 0 : i32
        %dma_start3A_58 = tpu.memref_slice %arg6[%multiple_of3A_51, %dma_start3A_57] : memref<10000x128xf32, #tpu.memory_space<hbm>> -> memref<624x128xf32, #tpu.memory_space<hbm>>
        %dma_start3A_59 = arith.constant 0 : i32
        %dma_start3A_60 = tpu.memref_slice %arg12[%multiple_of3A_51, %dma_start3A_59] : memref<10016x128xf32, #tpu.memory_space<vmem_shared>> -> memref<624x128xf32, #tpu.memory_space<vmem_shared>>
        tpu.enqueue_dma source(%dma_start3A_60 : memref<624x128xf32, #tpu.memory_space<vmem_shared>>) target(%dma_start3A_58 : memref<624x128xf32, #tpu.memory_space<hbm>>) target_semaphore(%run_scoped3A : memref<!tpu.dma_semaphore, #tpu.memory_space<semaphore_mem>>)
        %dma_wait3A_61 = arith.constant 0 : i32
        %dma_wait3A_62 = tpu.memref_slice %arg6[%multiple_of3A_51, %dma_wait3A_61] : memref<10000x128xf32, #tpu.memory_space<hbm>> -> memref<624x128xf32, #tpu.memory_space<hbm>>
        %dma_wait3A_63 = arith.constant 0 : i32
        %dma_wait3A_64 = tpu.memref_slice %arg12[%multiple_of3A_51, %dma_wait3A_63] : memref<10016x128xf32, #tpu.memory_space<vmem_shared>> -> memref<624x128xf32, #tpu.memory_space<vmem_shared>>
        tpu.wait_dma2 semaphore(%run_scoped3A : memref<!tpu.dma_semaphore, #tpu.memory_space<semaphore_mem>>) src(%dma_wait3A_64 : memref<624x128xf32, #tpu.memory_space<vmem_shared>>) dst(%dma_wait3A_62 : memref<624x128xf32, #tpu.memory_space<hbm>>)
        tpu.yield
      }) : () -> ()
      %eq3A_52 = arith.constant 15 : i32
      %eq3A_53 = arith.cmpi eq, %arg1, %eq3A_52 : i32
      %convert_element_type3A_54 = arith.extui %eq3A_53 : i1 to i32
      %cond3A_55 = arith.constant 0 : i32
      %cond3A_56 = arith.cmpi ne, %convert_element_type3A_54, %cond3A_55 : i32
      scf.if %cond3A_56 {
        "tpu.region"() ({
          %run_scoped3A = tpu.sem_alloc : memref<!tpu.dma_semaphore, #tpu.memory_space<semaphore_mem>>
          %dma_start3A_57 = arith.constant 9984 : i32
          %dma_start3A_58 = arith.constant 0 : i32
          %dma_start3A_59 = tpu.memref_slice %arg6[%dma_start3A_57, %dma_start3A_58] : memref<10000x128xf32, #tpu.memory_space<hbm>> -> memref<16x128xf32, #tpu.memory_space<hbm>>
          %dma_start3A_60 = arith.constant 9984 : i32
          %dma_start3A_61 = arith.constant 0 : i32
          %dma_start3A_62 = tpu.memref_slice %arg12[%dma_start3A_60, %dma_start3A_61] : memref<10016x128xf32, #tpu.memory_space<vmem_shared>> -> memref<16x128xf32, #tpu.memory_space<vmem_shared>>
          tpu.enqueue_dma source(%dma_start3A_62 : memref<16x128xf32, #tpu.memory_space<vmem_shared>>) target(%dma_start3A_59 : memref<16x128xf32, #tpu.memory_space<hbm>>) target_semaphore(%run_scoped3A : memref<!tpu.dma_semaphore, #tpu.memory_space<semaphore_mem>>)
          %dma_wait3A_63 = arith.constant 9984 : i32
          %dma_wait3A_64 = arith.constant 0 : i32
          %dma_wait3A_65 = tpu.memref_slice %arg6[%dma_wait3A_63, %dma_wait3A_64] : memref<10000x128xf32, #tpu.memory_space<hbm>> -> memref<16x128xf32, #tpu.memory_space<hbm>>
          %dma_wait3A_66 = arith.constant 9984 : i32
          %dma_wait3A_67 = arith.constant 0 : i32
          %dma_wait3A_68 = tpu.memref_slice %arg12[%dma_wait3A_66, %dma_wait3A_67] : memref<10016x128xf32, #tpu.memory_space<vmem_shared>> -> memref<16x128xf32, #tpu.memory_space<vmem_shared>>
          tpu.wait_dma2 semaphore(%run_scoped3A : memref<!tpu.dma_semaphore, #tpu.memory_space<semaphore_mem>>) src(%dma_wait3A_68 : memref<16x128xf32, #tpu.memory_space<vmem_shared>>) dst(%dma_wait3A_65 : memref<16x128xf32, #tpu.memory_space<hbm>>)
          tpu.yield
        }) : () -> ()
      } else {
      }
    } else {
    }
    return
  }
}

#map = affine_map<(d0, d1) -> (0)>
#map1 = affine_map<(d0, d1) -> (0, 0)>
module attributes {stable_mosaic.version = 14 : i64} {
  func.func @agg(%arg0: i32, %arg1: i32, %arg2: memref<163840xi32, #tpu.memory_space<hbm>>, %arg3: memref<163840xi32, #tpu.memory_space<hbm>>, %arg4: memref<10000x128xf32, #tpu.memory_space<hbm>>, %arg5: memref<10000x128xf32, #tpu.memory_space<hbm>>, %arg6: memref<624x128xf32, #tpu.memory_space<hbm>>, %arg7: memref<10000x128xf32, #tpu.memory_space<hbm>>, %arg8: memref<10000x128xf32, #tpu.memory_space<hbm>>, %arg9: memref<128xi32, #tpu.memory_space<vmem>>, %arg10: memref<128xi32, #tpu.memory_space<vmem>>, %arg11: memref<128xi32, #tpu.memory_space<vmem>>, %arg12: memref<128xi32, #tpu.memory_space<vmem>>, %arg13: memref<128xi32, #tpu.memory_space<vmem>>, %arg14: memref<128xi32, #tpu.memory_space<vmem>>, %arg15: memref<128xi32, #tpu.memory_space<vmem>>, %arg16: memref<128xi32, #tpu.memory_space<vmem>>, %arg17: memref<128x128xf32, #tpu.memory_space<vmem>>, %arg18: memref<128x128xf32, #tpu.memory_space<vmem>>, %arg19: memref<10016x128xf32, #tpu.memory_space<vmem_shared>>, %arg20: memref<!tpu.dma_semaphore, #tpu.memory_space<semaphore_mem>>, %arg21: memref<!tpu.dma_semaphore, #tpu.memory_space<semaphore_mem>>, %arg22: memref<!tpu.dma_semaphore, #tpu.memory_space<semaphore_mem>>, %arg23: memref<!tpu.dma_semaphore, #tpu.memory_space<semaphore_mem>>, %arg24: memref<!tpu.dma_semaphore, #tpu.memory_space<semaphore_mem>>, %arg25: memref<!tpu.dma_semaphore, #tpu.memory_space<semaphore_mem>>, %arg26: memref<!tpu.dma_semaphore, #tpu.memory_space<semaphore_mem>>, %arg27: memref<!tpu.dma_semaphore, #tpu.memory_space<semaphore_mem>>) attributes {dimension_semantics = [#tpu.dimension_semantics<core_parallel>, #tpu.dimension_semantics<subcore_parallel>], iteration_bounds = array<i64: 2, 16>, scalar_prefetch = 0 : i64, scratch_operands = 19 : i64, tpu.core_type = #tpu.core_type<sc_vector_subcore>, window_params = [{transform_indices = #map}, {transform_indices = #map}, {transform_indices = #map1}, {transform_indices = #map1}, {transform_indices = #map1}, {transform_indices = #map1}, {transform_indices = #map1}]} {
    %mul3A = arith.constant 624 : i32
    %mul3A_0 = arith.muli %arg1, %mul3A : i32
    %multiple_of3A = tpu.assume_multiple %mul3A_0, 8 : i32
    "tpu.region"() ({
      %run_scoped3A = tpu.sem_alloc : memref<!tpu.dma_semaphore, #tpu.memory_space<semaphore_mem>>
      %dma_start3A = arith.constant 0 : i32
      %dma_start3A_17 = tpu.memref_slice %arg19[%multiple_of3A, %dma_start3A] : memref<10016x128xf32, #tpu.memory_space<vmem_shared>> -> memref<624x128xf32, #tpu.memory_space<vmem_shared>>
      %dma_start3A_18 = arith.constant 0 : i32
      %dma_start3A_19 = arith.constant 0 : i32
      %dma_start3A_20 = tpu.memref_slice %arg6[%dma_start3A_18, %dma_start3A_19] : memref<624x128xf32, #tpu.memory_space<hbm>> -> memref<624x128xf32, #tpu.memory_space<hbm>>
      tpu.enqueue_dma source(%dma_start3A_20 : memref<624x128xf32, #tpu.memory_space<hbm>>) target(%dma_start3A_17 : memref<624x128xf32, #tpu.memory_space<vmem_shared>>) target_semaphore(%run_scoped3A : memref<!tpu.dma_semaphore, #tpu.memory_space<semaphore_mem>>)
      %dma_wait3A = arith.constant 0 : i32
      %dma_wait3A_21 = tpu.memref_slice %arg19[%multiple_of3A, %dma_wait3A] : memref<10016x128xf32, #tpu.memory_space<vmem_shared>> -> memref<624x128xf32, #tpu.memory_space<vmem_shared>>
      %dma_wait3A_22 = arith.constant 0 : i32
      %dma_wait3A_23 = arith.constant 0 : i32
      %dma_wait3A_24 = tpu.memref_slice %arg6[%dma_wait3A_22, %dma_wait3A_23] : memref<624x128xf32, #tpu.memory_space<hbm>> -> memref<624x128xf32, #tpu.memory_space<hbm>>
      tpu.wait_dma2 semaphore(%run_scoped3A : memref<!tpu.dma_semaphore, #tpu.memory_space<semaphore_mem>>) src(%dma_wait3A_24 : memref<624x128xf32, #tpu.memory_space<hbm>>) dst(%dma_wait3A_21 : memref<624x128xf32, #tpu.memory_space<vmem_shared>>)
      tpu.yield
    }) : () -> ()
    %eq3A = arith.constant 15 : i32
    %eq3A_1 = arith.cmpi eq, %arg1, %eq3A : i32
    %convert_element_type3A = arith.extui %eq3A_1 : i1 to i32
    %cond3A = arith.constant 0 : i32
    %cond3A_2 = arith.cmpi ne, %convert_element_type3A, %cond3A : i32
    scf.if %cond3A_2 {
      "tpu.region"() ({
        %run_scoped3A = tpu.sem_alloc : memref<!tpu.dma_semaphore, #tpu.memory_space<semaphore_mem>>
        %dma_start3A = arith.constant 9984 : i32
        %dma_start3A_17 = arith.constant 0 : i32
        %dma_start3A_18 = tpu.memref_slice %arg19[%dma_start3A, %dma_start3A_17] : memref<10016x128xf32, #tpu.memory_space<vmem_shared>> -> memref<32x128xf32, #tpu.memory_space<vmem_shared>>
        %dma_start3A_19 = arith.constant 0 : i32
        %dma_start3A_20 = arith.constant 0 : i32
        %dma_start3A_21 = tpu.memref_slice %arg6[%dma_start3A_19, %dma_start3A_20] : memref<624x128xf32, #tpu.memory_space<hbm>> -> memref<32x128xf32, #tpu.memory_space<hbm>>
        tpu.enqueue_dma source(%dma_start3A_21 : memref<32x128xf32, #tpu.memory_space<hbm>>) target(%dma_start3A_18 : memref<32x128xf32, #tpu.memory_space<vmem_shared>>) target_semaphore(%run_scoped3A : memref<!tpu.dma_semaphore, #tpu.memory_space<semaphore_mem>>)
        %dma_wait3A = arith.constant 9984 : i32
        %dma_wait3A_22 = arith.constant 0 : i32
        %dma_wait3A_23 = tpu.memref_slice %arg19[%dma_wait3A, %dma_wait3A_22] : memref<10016x128xf32, #tpu.memory_space<vmem_shared>> -> memref<32x128xf32, #tpu.memory_space<vmem_shared>>
        %dma_wait3A_24 = arith.constant 0 : i32
        %dma_wait3A_25 = arith.constant 0 : i32
        %dma_wait3A_26 = tpu.memref_slice %arg6[%dma_wait3A_24, %dma_wait3A_25] : memref<624x128xf32, #tpu.memory_space<hbm>> -> memref<32x128xf32, #tpu.memory_space<hbm>>
        tpu.wait_dma2 semaphore(%run_scoped3A : memref<!tpu.dma_semaphore, #tpu.memory_space<semaphore_mem>>) src(%dma_wait3A_26 : memref<32x128xf32, #tpu.memory_space<hbm>>) dst(%dma_wait3A_23 : memref<32x128xf32, #tpu.memory_space<vmem_shared>>)
        tpu.yield
      }) : () -> ()
    } else {
    }
    %barrier3A = arith.constant 0 : index
    tpu.barrier barrier_id(%barrier3A)
    %mul3A_3 = arith.constant 80 : i32
    %mul3A_4 = arith.muli %arg1, %mul3A_3 : i32
    %mul3A_5 = arith.constant 128 : i32
    %mul3A_6 = arith.muli %mul3A_4, %mul3A_5 : i32
    %eq3A_7 = arith.constant 0 : i32
    %eq3A_8 = arith.cmpi eq, %arg0, %eq3A_7 : i32
    %convert_element_type3A_9 = arith.extui %eq3A_8 : i1 to i32
    %cond3A_10 = arith.constant 0 : i32
    %cond3A_11 = arith.cmpi ne, %convert_element_type3A_9, %cond3A_10 : i32
    scf.if %cond3A_11 {
      %add3A = arith.constant 0 : i32
      %add3A_17 = arith.addi %mul3A_6, %add3A : i32
      %multiple_of3A_18 = tpu.assume_multiple %add3A_17, 128 : i32
      %dma_start3A = tpu.memref_slice %arg2[%multiple_of3A_18] : memref<163840xi32, #tpu.memory_space<hbm>> -> memref<128xi32, #tpu.memory_space<hbm>>
      %dma_start3A_19 = tpu.memref_slice %arg2[%multiple_of3A_18] : memref<163840xi32, #tpu.memory_space<hbm>> -> memref<128xi32, #tpu.memory_space<hbm>>
      tpu.enqueue_dma source(%dma_start3A_19 : memref<128xi32, #tpu.memory_space<hbm>>) target(%arg9 : memref<128xi32, #tpu.memory_space<vmem>>) target_semaphore(%arg22 : memref<!tpu.dma_semaphore, #tpu.memory_space<semaphore_mem>>)
      %dma_start3A_20 = tpu.memref_slice %arg3[%multiple_of3A_18] : memref<163840xi32, #tpu.memory_space<hbm>> -> memref<128xi32, #tpu.memory_space<hbm>>
      %dma_start3A_21 = tpu.memref_slice %arg3[%multiple_of3A_18] : memref<163840xi32, #tpu.memory_space<hbm>> -> memref<128xi32, #tpu.memory_space<hbm>>
      tpu.enqueue_dma source(%dma_start3A_21 : memref<128xi32, #tpu.memory_space<hbm>>) target(%arg10 : memref<128xi32, #tpu.memory_space<vmem>>) target_semaphore(%arg22 : memref<!tpu.dma_semaphore, #tpu.memory_space<semaphore_mem>>)
      %add3A_22 = arith.constant 128 : i32
      %add3A_23 = arith.addi %mul3A_6, %add3A_22 : i32
      %multiple_of3A_24 = tpu.assume_multiple %add3A_23, 128 : i32
      %dma_start3A_25 = tpu.memref_slice %arg2[%multiple_of3A_24] : memref<163840xi32, #tpu.memory_space<hbm>> -> memref<128xi32, #tpu.memory_space<hbm>>
      %dma_start3A_26 = tpu.memref_slice %arg2[%multiple_of3A_24] : memref<163840xi32, #tpu.memory_space<hbm>> -> memref<128xi32, #tpu.memory_space<hbm>>
      tpu.enqueue_dma source(%dma_start3A_26 : memref<128xi32, #tpu.memory_space<hbm>>) target(%arg11 : memref<128xi32, #tpu.memory_space<vmem>>) target_semaphore(%arg23 : memref<!tpu.dma_semaphore, #tpu.memory_space<semaphore_mem>>)
      %dma_start3A_27 = tpu.memref_slice %arg3[%multiple_of3A_24] : memref<163840xi32, #tpu.memory_space<hbm>> -> memref<128xi32, #tpu.memory_space<hbm>>
      %dma_start3A_28 = tpu.memref_slice %arg3[%multiple_of3A_24] : memref<163840xi32, #tpu.memory_space<hbm>> -> memref<128xi32, #tpu.memory_space<hbm>>
      tpu.enqueue_dma source(%dma_start3A_28 : memref<128xi32, #tpu.memory_space<hbm>>) target(%arg12 : memref<128xi32, #tpu.memory_space<vmem>>) target_semaphore(%arg23 : memref<!tpu.dma_semaphore, #tpu.memory_space<semaphore_mem>>)
      %add3A_29 = arith.constant 256 : i32
      %add3A_30 = arith.addi %mul3A_6, %add3A_29 : i32
      %multiple_of3A_31 = tpu.assume_multiple %add3A_30, 128 : i32
      %dma_start3A_32 = tpu.memref_slice %arg2[%multiple_of3A_31] : memref<163840xi32, #tpu.memory_space<hbm>> -> memref<128xi32, #tpu.memory_space<hbm>>
      %dma_start3A_33 = tpu.memref_slice %arg2[%multiple_of3A_31] : memref<163840xi32, #tpu.memory_space<hbm>> -> memref<128xi32, #tpu.memory_space<hbm>>
      tpu.enqueue_dma source(%dma_start3A_33 : memref<128xi32, #tpu.memory_space<hbm>>) target(%arg13 : memref<128xi32, #tpu.memory_space<vmem>>) target_semaphore(%arg24 : memref<!tpu.dma_semaphore, #tpu.memory_space<semaphore_mem>>)
      %dma_start3A_34 = tpu.memref_slice %arg3[%multiple_of3A_31] : memref<163840xi32, #tpu.memory_space<hbm>> -> memref<128xi32, #tpu.memory_space<hbm>>
      %dma_start3A_35 = tpu.memref_slice %arg3[%multiple_of3A_31] : memref<163840xi32, #tpu.memory_space<hbm>> -> memref<128xi32, #tpu.memory_space<hbm>>
      tpu.enqueue_dma source(%dma_start3A_35 : memref<128xi32, #tpu.memory_space<hbm>>) target(%arg14 : memref<128xi32, #tpu.memory_space<vmem>>) target_semaphore(%arg24 : memref<!tpu.dma_semaphore, #tpu.memory_space<semaphore_mem>>)
      %add3A_36 = arith.constant 0 : i32
      %add3A_37 = arith.addi %mul3A_6, %add3A_36 : i32
      %multiple_of3A_38 = tpu.assume_multiple %add3A_37, 128 : i32
      %dma_wait3A = tpu.memref_slice %arg2[%multiple_of3A_38] : memref<163840xi32, #tpu.memory_space<hbm>> -> memref<128xi32, #tpu.memory_space<hbm>>
      %dma_wait3A_39 = tpu.memref_slice %arg2[%multiple_of3A_38] : memref<163840xi32, #tpu.memory_space<hbm>> -> memref<128xi32, #tpu.memory_space<hbm>>
      tpu.wait_dma2 semaphore(%arg22 : memref<!tpu.dma_semaphore, #tpu.memory_space<semaphore_mem>>) src(%dma_wait3A_39 : memref<128xi32, #tpu.memory_space<hbm>>) dst(%arg9 : memref<128xi32, #tpu.memory_space<vmem>>)
      %dma_wait3A_40 = tpu.memref_slice %arg3[%multiple_of3A_38] : memref<163840xi32, #tpu.memory_space<hbm>> -> memref<128xi32, #tpu.memory_space<hbm>>
      %dma_wait3A_41 = tpu.memref_slice %arg3[%multiple_of3A_38] : memref<163840xi32, #tpu.memory_space<hbm>> -> memref<128xi32, #tpu.memory_space<hbm>>
      tpu.wait_dma2 semaphore(%arg22 : memref<!tpu.dma_semaphore, #tpu.memory_space<semaphore_mem>>) src(%dma_wait3A_41 : memref<128xi32, #tpu.memory_space<hbm>>) dst(%arg10 : memref<128xi32, #tpu.memory_space<vmem>>)
      %dma_start3A_42 = arith.constant 0 : i32
      %dma_start3A_43 = arith.constant 0 : i32
      %dma_start3A_44 = tpu.memref_slice %arg4[%dma_start3A_42, %dma_start3A_43] : memref<10000x128xf32, #tpu.memory_space<hbm>> -> memref<10000x128xf32, #tpu.memory_space<hbm>>
      tpu.enqueue_indirect_dma source(%dma_start3A_44 : memref<10000x128xf32, #tpu.memory_space<hbm>>) target(%arg17 : memref<128x128xf32, #tpu.memory_space<vmem>>) offsets(%arg9 : memref<128xi32, #tpu.memory_space<vmem>>) semaphore(%arg20 : memref<!tpu.dma_semaphore, #tpu.memory_space<semaphore_mem>>)
      %scan3A = arith.constant 0 : i32
      %scan3A_45 = arith.constant 20 : i32
      %scan3A_46 = arith.addi %scan3A, %scan3A_45 : i32
      %scan3A_47 = arith.constant 1 : i32
      scf.for %scan3A_64 = %scan3A to %scan3A_46 step %scan3A_47  : i32 {
        %mul3A_65 = arith.constant 4 : i32
        %mul3A_66 = arith.muli %scan3A_64, %mul3A_65 : i32
        %add3A_67 = arith.constant 0 : i32
        %add3A_68 = arith.addi %add3A_67, %mul3A_66 : i32
        %add3A_69 = arith.constant 0 : i32
        %add3A_70 = arith.addi %add3A_68, %add3A_69 : i32
        %dma_wait3A_71 = arith.constant 0 : i32
        %dma_wait3A_72 = arith.constant 0 : i32
        %dma_wait3A_73 = tpu.memref_slice %arg4[%dma_wait3A_71, %dma_wait3A_72] : memref<10000x128xf32, #tpu.memory_space<hbm>> -> memref<10000x128xf32, #tpu.memory_space<hbm>>
        tpu.wait_indirect_dma semaphore(%arg20 : memref<!tpu.dma_semaphore, #tpu.memory_space<semaphore_mem>>) src(%dma_wait3A_73 : memref<10000x128xf32, #tpu.memory_space<hbm>>) dst(%arg17 : memref<128x128xf32, #tpu.memory_space<vmem>>)
        %dma_start3A_74 = arith.constant 0 : i32
        %dma_start3A_75 = arith.constant 0 : i32
        %dma_start3A_76 = tpu.memref_slice %arg19[%dma_start3A_74, %dma_start3A_75] : memref<10016x128xf32, #tpu.memory_space<vmem_shared>> -> memref<10016x128xf32, #tpu.memory_space<vmem_shared>>
        tpu.enqueue_indirect_dma source(%arg17 : memref<128x128xf32, #tpu.memory_space<vmem>>) target(%dma_start3A_76 : memref<10016x128xf32, #tpu.memory_space<vmem_shared>>) offsets(%arg10 : memref<128xi32, #tpu.memory_space<vmem>>) semaphore(%arg26 : memref<!tpu.dma_semaphore, #tpu.memory_space<semaphore_mem>>) {add = true}
        %ge3A = arith.constant 1 : i32
        %ge3A_77 = arith.cmpi sge, %add3A_70, %ge3A : i32
        %add3A_78 = arith.constant 1 : i32
        %add3A_79 = arith.addi %add3A_70, %add3A_78 : i32
        %lt3A = arith.constant 80 : i32
        %lt3A_80 = arith.cmpi slt, %add3A_79, %lt3A : i32
        %and3A = arith.andi %ge3A_77, %lt3A_80 : i1
        %convert_element_type3A_81 = arith.extui %and3A : i1 to i32
        %cond3A_82 = arith.constant 0 : i32
        %cond3A_83 = arith.cmpi ne, %convert_element_type3A_81, %cond3A_82 : i32
        scf.if %cond3A_83 {
          %dma_wait3A_194 = arith.constant 0 : i32
          %dma_wait3A_195 = arith.constant 0 : i32
          %dma_wait3A_196 = tpu.memref_slice %arg19[%dma_wait3A_194, %dma_wait3A_195] : memref<10016x128xf32, #tpu.memory_space<vmem_shared>> -> memref<10016x128xf32, #tpu.memory_space<vmem_shared>>
          tpu.wait_indirect_dma semaphore(%arg27 : memref<!tpu.dma_semaphore, #tpu.memory_space<semaphore_mem>>) src(%arg18 : memref<128x128xf32, #tpu.memory_space<vmem>>) dst(%dma_wait3A_196 : memref<10016x128xf32, #tpu.memory_space<vmem_shared>>)
        } else {
        }
        %add3A_84 = arith.constant 3 : i32
        %add3A_85 = arith.addi %add3A_70, %add3A_84 : i32
        %lt3A_86 = arith.constant 80 : i32
        %lt3A_87 = arith.cmpi slt, %add3A_85, %lt3A_86 : i32
        %convert_element_type3A_88 = arith.extui %lt3A_87 : i1 to i32
        %cond3A_89 = arith.constant 0 : i32
        %cond3A_90 = arith.cmpi ne, %convert_element_type3A_88, %cond3A_89 : i32
        scf.if %cond3A_90 {
          %add3A_194 = arith.constant 3 : i32
          %add3A_195 = arith.addi %add3A_70, %add3A_194 : i32
          %mul3A_196 = arith.constant 128 : i32
          %mul3A_197 = arith.muli %add3A_195, %mul3A_196 : i32
          %add3A_198 = arith.addi %mul3A_6, %mul3A_197 : i32
          %multiple_of3A_199 = tpu.assume_multiple %add3A_198, 128 : i32
          %dma_start3A_200 = tpu.memref_slice %arg2[%multiple_of3A_199] : memref<163840xi32, #tpu.memory_space<hbm>> -> memref<128xi32, #tpu.memory_space<hbm>>
          %dma_start3A_201 = tpu.memref_slice %arg2[%multiple_of3A_199] : memref<163840xi32, #tpu.memory_space<hbm>> -> memref<128xi32, #tpu.memory_space<hbm>>
          tpu.enqueue_dma source(%dma_start3A_201 : memref<128xi32, #tpu.memory_space<hbm>>) target(%arg15 : memref<128xi32, #tpu.memory_space<vmem>>) target_semaphore(%arg25 : memref<!tpu.dma_semaphore, #tpu.memory_space<semaphore_mem>>)
          %dma_start3A_202 = tpu.memref_slice %arg3[%multiple_of3A_199] : memref<163840xi32, #tpu.memory_space<hbm>> -> memref<128xi32, #tpu.memory_space<hbm>>
          %dma_start3A_203 = tpu.memref_slice %arg3[%multiple_of3A_199] : memref<163840xi32, #tpu.memory_space<hbm>> -> memref<128xi32, #tpu.memory_space<hbm>>
          tpu.enqueue_dma source(%dma_start3A_203 : memref<128xi32, #tpu.memory_space<hbm>>) target(%arg16 : memref<128xi32, #tpu.memory_space<vmem>>) target_semaphore(%arg25 : memref<!tpu.dma_semaphore, #tpu.memory_space<semaphore_mem>>)
        } else {
        }
        %add3A_91 = arith.constant 1 : i32
        %add3A_92 = arith.addi %add3A_70, %add3A_91 : i32
        %lt3A_93 = arith.constant 80 : i32
        %lt3A_94 = arith.cmpi slt, %add3A_92, %lt3A_93 : i32
        %convert_element_type3A_95 = arith.extui %lt3A_94 : i1 to i32
        %cond3A_96 = arith.constant 0 : i32
        %cond3A_97 = arith.cmpi ne, %convert_element_type3A_95, %cond3A_96 : i32
        scf.if %cond3A_97 {
          %add3A_194 = arith.constant 1 : i32
          %add3A_195 = arith.addi %add3A_70, %add3A_194 : i32
          %mul3A_196 = arith.constant 128 : i32
          %mul3A_197 = arith.muli %add3A_195, %mul3A_196 : i32
          %add3A_198 = arith.addi %mul3A_6, %mul3A_197 : i32
          %multiple_of3A_199 = tpu.assume_multiple %add3A_198, 128 : i32
          %dma_wait3A_200 = tpu.memref_slice %arg2[%multiple_of3A_199] : memref<163840xi32, #tpu.memory_space<hbm>> -> memref<128xi32, #tpu.memory_space<hbm>>
          %dma_wait3A_201 = tpu.memref_slice %arg2[%multiple_of3A_199] : memref<163840xi32, #tpu.memory_space<hbm>> -> memref<128xi32, #tpu.memory_space<hbm>>
          tpu.wait_dma2 semaphore(%arg23 : memref<!tpu.dma_semaphore, #tpu.memory_space<semaphore_mem>>) src(%dma_wait3A_201 : memref<128xi32, #tpu.memory_space<hbm>>) dst(%arg11 : memref<128xi32, #tpu.memory_space<vmem>>)
          %dma_wait3A_202 = tpu.memref_slice %arg3[%multiple_of3A_199] : memref<163840xi32, #tpu.memory_space<hbm>> -> memref<128xi32, #tpu.memory_space<hbm>>
          %dma_wait3A_203 = tpu.memref_slice %arg3[%multiple_of3A_199] : memref<163840xi32, #tpu.memory_space<hbm>> -> memref<128xi32, #tpu.memory_space<hbm>>
          tpu.wait_dma2 semaphore(%arg23 : memref<!tpu.dma_semaphore, #tpu.memory_space<semaphore_mem>>) src(%dma_wait3A_203 : memref<128xi32, #tpu.memory_space<hbm>>) dst(%arg12 : memref<128xi32, #tpu.memory_space<vmem>>)
          %dma_start3A_204 = arith.constant 0 : i32
          %dma_start3A_205 = arith.constant 0 : i32
          %dma_start3A_206 = tpu.memref_slice %arg4[%dma_start3A_204, %dma_start3A_205] : memref<10000x128xf32, #tpu.memory_space<hbm>> -> memref<10000x128xf32, #tpu.memory_space<hbm>>
          tpu.enqueue_indirect_dma source(%dma_start3A_206 : memref<10000x128xf32, #tpu.memory_space<hbm>>) target(%arg18 : memref<128x128xf32, #tpu.memory_space<vmem>>) offsets(%arg11 : memref<128xi32, #tpu.memory_space<vmem>>) semaphore(%arg21 : memref<!tpu.dma_semaphore, #tpu.memory_space<semaphore_mem>>)
        } else {
        }
        %add3A_98 = arith.constant 1 : i32
        %add3A_99 = arith.addi %add3A_68, %add3A_98 : i32
        %dma_wait3A_100 = arith.constant 0 : i32
        %dma_wait3A_101 = arith.constant 0 : i32
        %dma_wait3A_102 = tpu.memref_slice %arg4[%dma_wait3A_100, %dma_wait3A_101] : memref<10000x128xf32, #tpu.memory_space<hbm>> -> memref<10000x128xf32, #tpu.memory_space<hbm>>
        tpu.wait_indirect_dma semaphore(%arg21 : memref<!tpu.dma_semaphore, #tpu.memory_space<semaphore_mem>>) src(%dma_wait3A_102 : memref<10000x128xf32, #tpu.memory_space<hbm>>) dst(%arg18 : memref<128x128xf32, #tpu.memory_space<vmem>>)
        %dma_start3A_103 = arith.constant 0 : i32
        %dma_start3A_104 = arith.constant 0 : i32
        %dma_start3A_105 = tpu.memref_slice %arg19[%dma_start3A_103, %dma_start3A_104] : memref<10016x128xf32, #tpu.memory_space<vmem_shared>> -> memref<10016x128xf32, #tpu.memory_space<vmem_shared>>
        tpu.enqueue_indirect_dma source(%arg18 : memref<128x128xf32, #tpu.memory_space<vmem>>) target(%dma_start3A_105 : memref<10016x128xf32, #tpu.memory_space<vmem_shared>>) offsets(%arg12 : memref<128xi32, #tpu.memory_space<vmem>>) semaphore(%arg27 : memref<!tpu.dma_semaphore, #tpu.memory_space<semaphore_mem>>) {add = true}
        %ge3A_106 = arith.constant 1 : i32
        %ge3A_107 = arith.cmpi sge, %add3A_99, %ge3A_106 : i32
        %add3A_108 = arith.constant 1 : i32
        %add3A_109 = arith.addi %add3A_99, %add3A_108 : i32
        %lt3A_110 = arith.constant 80 : i32
        %lt3A_111 = arith.cmpi slt, %add3A_109, %lt3A_110 : i32
        %and3A_112 = arith.andi %ge3A_107, %lt3A_111 : i1
        %convert_element_type3A_113 = arith.extui %and3A_112 : i1 to i32
        %cond3A_114 = arith.constant 0 : i32
        %cond3A_115 = arith.cmpi ne, %convert_element_type3A_113, %cond3A_114 : i32
        scf.if %cond3A_115 {
          %dma_wait3A_194 = arith.constant 0 : i32
          %dma_wait3A_195 = arith.constant 0 : i32
          %dma_wait3A_196 = tpu.memref_slice %arg19[%dma_wait3A_194, %dma_wait3A_195] : memref<10016x128xf32, #tpu.memory_space<vmem_shared>> -> memref<10016x128xf32, #tpu.memory_space<vmem_shared>>
          tpu.wait_indirect_dma semaphore(%arg26 : memref<!tpu.dma_semaphore, #tpu.memory_space<semaphore_mem>>) src(%arg17 : memref<128x128xf32, #tpu.memory_space<vmem>>) dst(%dma_wait3A_196 : memref<10016x128xf32, #tpu.memory_space<vmem_shared>>)
        } else {
        }
        %add3A_116 = arith.constant 3 : i32
        %add3A_117 = arith.addi %add3A_99, %add3A_116 : i32
        %lt3A_118 = arith.constant 80 : i32
        %lt3A_119 = arith.cmpi slt, %add3A_117, %lt3A_118 : i32
        %convert_element_type3A_120 = arith.extui %lt3A_119 : i1 to i32
        %cond3A_121 = arith.constant 0 : i32
        %cond3A_122 = arith.cmpi ne, %convert_element_type3A_120, %cond3A_121 : i32
        scf.if %cond3A_122 {
          %add3A_194 = arith.constant 3 : i32
          %add3A_195 = arith.addi %add3A_99, %add3A_194 : i32
          %mul3A_196 = arith.constant 128 : i32
          %mul3A_197 = arith.muli %add3A_195, %mul3A_196 : i32
          %add3A_198 = arith.addi %mul3A_6, %mul3A_197 : i32
          %multiple_of3A_199 = tpu.assume_multiple %add3A_198, 128 : i32
          %dma_start3A_200 = tpu.memref_slice %arg2[%multiple_of3A_199] : memref<163840xi32, #tpu.memory_space<hbm>> -> memref<128xi32, #tpu.memory_space<hbm>>
          %dma_start3A_201 = tpu.memref_slice %arg2[%multiple_of3A_199] : memref<163840xi32, #tpu.memory_space<hbm>> -> memref<128xi32, #tpu.memory_space<hbm>>
          tpu.enqueue_dma source(%dma_start3A_201 : memref<128xi32, #tpu.memory_space<hbm>>) target(%arg9 : memref<128xi32, #tpu.memory_space<vmem>>) target_semaphore(%arg22 : memref<!tpu.dma_semaphore, #tpu.memory_space<semaphore_mem>>)
          %dma_start3A_202 = tpu.memref_slice %arg3[%multiple_of3A_199] : memref<163840xi32, #tpu.memory_space<hbm>> -> memref<128xi32, #tpu.memory_space<hbm>>
          %dma_start3A_203 = tpu.memref_slice %arg3[%multiple_of3A_199] : memref<163840xi32, #tpu.memory_space<hbm>> -> memref<128xi32, #tpu.memory_space<hbm>>
          tpu.enqueue_dma source(%dma_start3A_203 : memref<128xi32, #tpu.memory_space<hbm>>) target(%arg10 : memref<128xi32, #tpu.memory_space<vmem>>) target_semaphore(%arg22 : memref<!tpu.dma_semaphore, #tpu.memory_space<semaphore_mem>>)
        } else {
        }
        %add3A_123 = arith.constant 1 : i32
        %add3A_124 = arith.addi %add3A_99, %add3A_123 : i32
        %lt3A_125 = arith.constant 80 : i32
        %lt3A_126 = arith.cmpi slt, %add3A_124, %lt3A_125 : i32
        %convert_element_type3A_127 = arith.extui %lt3A_126 : i1 to i32
        %cond3A_128 = arith.constant 0 : i32
        %cond3A_129 = arith.cmpi ne, %convert_element_type3A_127, %cond3A_128 : i32
        scf.if %cond3A_129 {
          %add3A_194 = arith.constant 1 : i32
          %add3A_195 = arith.addi %add3A_99, %add3A_194 : i32
          %mul3A_196 = arith.constant 128 : i32
          %mul3A_197 = arith.muli %add3A_195, %mul3A_196 : i32
          %add3A_198 = arith.addi %mul3A_6, %mul3A_197 : i32
          %multiple_of3A_199 = tpu.assume_multiple %add3A_198, 128 : i32
          %dma_wait3A_200 = tpu.memref_slice %arg2[%multiple_of3A_199] : memref<163840xi32, #tpu.memory_space<hbm>> -> memref<128xi32, #tpu.memory_space<hbm>>
          %dma_wait3A_201 = tpu.memref_slice %arg2[%multiple_of3A_199] : memref<163840xi32, #tpu.memory_space<hbm>> -> memref<128xi32, #tpu.memory_space<hbm>>
          tpu.wait_dma2 semaphore(%arg24 : memref<!tpu.dma_semaphore, #tpu.memory_space<semaphore_mem>>) src(%dma_wait3A_201 : memref<128xi32, #tpu.memory_space<hbm>>) dst(%arg13 : memref<128xi32, #tpu.memory_space<vmem>>)
          %dma_wait3A_202 = tpu.memref_slice %arg3[%multiple_of3A_199] : memref<163840xi32, #tpu.memory_space<hbm>> -> memref<128xi32, #tpu.memory_space<hbm>>
          %dma_wait3A_203 = tpu.memref_slice %arg3[%multiple_of3A_199] : memref<163840xi32, #tpu.memory_space<hbm>> -> memref<128xi32, #tpu.memory_space<hbm>>
          tpu.wait_dma2 semaphore(%arg24 : memref<!tpu.dma_semaphore, #tpu.memory_space<semaphore_mem>>) src(%dma_wait3A_203 : memref<128xi32, #tpu.memory_space<hbm>>) dst(%arg14 : memref<128xi32, #tpu.memory_space<vmem>>)
          %dma_start3A_204 = arith.constant 0 : i32
          %dma_start3A_205 = arith.constant 0 : i32
          %dma_start3A_206 = tpu.memref_slice %arg4[%dma_start3A_204, %dma_start3A_205] : memref<10000x128xf32, #tpu.memory_space<hbm>> -> memref<10000x128xf32, #tpu.memory_space<hbm>>
          tpu.enqueue_indirect_dma source(%dma_start3A_206 : memref<10000x128xf32, #tpu.memory_space<hbm>>) target(%arg17 : memref<128x128xf32, #tpu.memory_space<vmem>>) offsets(%arg13 : memref<128xi32, #tpu.memory_space<vmem>>) semaphore(%arg20 : memref<!tpu.dma_semaphore, #tpu.memory_space<semaphore_mem>>)
        } else {
        }
        %add3A_130 = arith.constant 2 : i32
        %add3A_131 = arith.addi %add3A_68, %add3A_130 : i32
        %dma_wait3A_132 = arith.constant 0 : i32
        %dma_wait3A_133 = arith.constant 0 : i32
        %dma_wait3A_134 = tpu.memref_slice %arg4[%dma_wait3A_132, %dma_wait3A_133] : memref<10000x128xf32, #tpu.memory_space<hbm>> -> memref<10000x128xf32, #tpu.memory_space<hbm>>
        tpu.wait_indirect_dma semaphore(%arg20 : memref<!tpu.dma_semaphore, #tpu.memory_space<semaphore_mem>>) src(%dma_wait3A_134 : memref<10000x128xf32, #tpu.memory_space<hbm>>) dst(%arg17 : memref<128x128xf32, #tpu.memory_space<vmem>>)
        %dma_start3A_135 = arith.constant 0 : i32
        %dma_start3A_136 = arith.constant 0 : i32
        %dma_start3A_137 = tpu.memref_slice %arg19[%dma_start3A_135, %dma_start3A_136] : memref<10016x128xf32, #tpu.memory_space<vmem_shared>> -> memref<10016x128xf32, #tpu.memory_space<vmem_shared>>
        tpu.enqueue_indirect_dma source(%arg17 : memref<128x128xf32, #tpu.memory_space<vmem>>) target(%dma_start3A_137 : memref<10016x128xf32, #tpu.memory_space<vmem_shared>>) offsets(%arg14 : memref<128xi32, #tpu.memory_space<vmem>>) semaphore(%arg26 : memref<!tpu.dma_semaphore, #tpu.memory_space<semaphore_mem>>) {add = true}
        %ge3A_138 = arith.constant 1 : i32
        %ge3A_139 = arith.cmpi sge, %add3A_131, %ge3A_138 : i32
        %add3A_140 = arith.constant 1 : i32
        %add3A_141 = arith.addi %add3A_131, %add3A_140 : i32
        %lt3A_142 = arith.constant 80 : i32
        %lt3A_143 = arith.cmpi slt, %add3A_141, %lt3A_142 : i32
        %and3A_144 = arith.andi %ge3A_139, %lt3A_143 : i1
        %convert_element_type3A_145 = arith.extui %and3A_144 : i1 to i32
        %cond3A_146 = arith.constant 0 : i32
        %cond3A_147 = arith.cmpi ne, %convert_element_type3A_145, %cond3A_146 : i32
        scf.if %cond3A_147 {
          %dma_wait3A_194 = arith.constant 0 : i32
          %dma_wait3A_195 = arith.constant 0 : i32
          %dma_wait3A_196 = tpu.memref_slice %arg19[%dma_wait3A_194, %dma_wait3A_195] : memref<10016x128xf32, #tpu.memory_space<vmem_shared>> -> memref<10016x128xf32, #tpu.memory_space<vmem_shared>>
          tpu.wait_indirect_dma semaphore(%arg27 : memref<!tpu.dma_semaphore, #tpu.memory_space<semaphore_mem>>) src(%arg18 : memref<128x128xf32, #tpu.memory_space<vmem>>) dst(%dma_wait3A_196 : memref<10016x128xf32, #tpu.memory_space<vmem_shared>>)
        } else {
        }
        %add3A_148 = arith.constant 3 : i32
        %add3A_149 = arith.addi %add3A_131, %add3A_148 : i32
        %lt3A_150 = arith.constant 80 : i32
        %lt3A_151 = arith.cmpi slt, %add3A_149, %lt3A_150 : i32
        %convert_element_type3A_152 = arith.extui %lt3A_151 : i1 to i32
        %cond3A_153 = arith.constant 0 : i32
        %cond3A_154 = arith.cmpi ne, %convert_element_type3A_152, %cond3A_153 : i32
        scf.if %cond3A_154 {
          %add3A_194 = arith.constant 3 : i32
          %add3A_195 = arith.addi %add3A_131, %add3A_194 : i32
          %mul3A_196 = arith.constant 128 : i32
          %mul3A_197 = arith.muli %add3A_195, %mul3A_196 : i32
          %add3A_198 = arith.addi %mul3A_6, %mul3A_197 : i32
          %multiple_of3A_199 = tpu.assume_multiple %add3A_198, 128 : i32
          %dma_start3A_200 = tpu.memref_slice %arg2[%multiple_of3A_199] : memref<163840xi32, #tpu.memory_space<hbm>> -> memref<128xi32, #tpu.memory_space<hbm>>
          %dma_start3A_201 = tpu.memref_slice %arg2[%multiple_of3A_199] : memref<163840xi32, #tpu.memory_space<hbm>> -> memref<128xi32, #tpu.memory_space<hbm>>
          tpu.enqueue_dma source(%dma_start3A_201 : memref<128xi32, #tpu.memory_space<hbm>>) target(%arg11 : memref<128xi32, #tpu.memory_space<vmem>>) target_semaphore(%arg23 : memref<!tpu.dma_semaphore, #tpu.memory_space<semaphore_mem>>)
          %dma_start3A_202 = tpu.memref_slice %arg3[%multiple_of3A_199] : memref<163840xi32, #tpu.memory_space<hbm>> -> memref<128xi32, #tpu.memory_space<hbm>>
          %dma_start3A_203 = tpu.memref_slice %arg3[%multiple_of3A_199] : memref<163840xi32, #tpu.memory_space<hbm>> -> memref<128xi32, #tpu.memory_space<hbm>>
          tpu.enqueue_dma source(%dma_start3A_203 : memref<128xi32, #tpu.memory_space<hbm>>) target(%arg12 : memref<128xi32, #tpu.memory_space<vmem>>) target_semaphore(%arg23 : memref<!tpu.dma_semaphore, #tpu.memory_space<semaphore_mem>>)
        } else {
        }
        %add3A_155 = arith.constant 1 : i32
        %add3A_156 = arith.addi %add3A_131, %add3A_155 : i32
        %lt3A_157 = arith.constant 80 : i32
        %lt3A_158 = arith.cmpi slt, %add3A_156, %lt3A_157 : i32
        %convert_element_type3A_159 = arith.extui %lt3A_158 : i1 to i32
        %cond3A_160 = arith.constant 0 : i32
        %cond3A_161 = arith.cmpi ne, %convert_element_type3A_159, %cond3A_160 : i32
        scf.if %cond3A_161 {
          %add3A_194 = arith.constant 1 : i32
          %add3A_195 = arith.addi %add3A_131, %add3A_194 : i32
          %mul3A_196 = arith.constant 128 : i32
          %mul3A_197 = arith.muli %add3A_195, %mul3A_196 : i32
          %add3A_198 = arith.addi %mul3A_6, %mul3A_197 : i32
          %multiple_of3A_199 = tpu.assume_multiple %add3A_198, 128 : i32
          %dma_wait3A_200 = tpu.memref_slice %arg2[%multiple_of3A_199] : memref<163840xi32, #tpu.memory_space<hbm>> -> memref<128xi32, #tpu.memory_space<hbm>>
          %dma_wait3A_201 = tpu.memref_slice %arg2[%multiple_of3A_199] : memref<163840xi32, #tpu.memory_space<hbm>> -> memref<128xi32, #tpu.memory_space<hbm>>
          tpu.wait_dma2 semaphore(%arg25 : memref<!tpu.dma_semaphore, #tpu.memory_space<semaphore_mem>>) src(%dma_wait3A_201 : memref<128xi32, #tpu.memory_space<hbm>>) dst(%arg15 : memref<128xi32, #tpu.memory_space<vmem>>)
          %dma_wait3A_202 = tpu.memref_slice %arg3[%multiple_of3A_199] : memref<163840xi32, #tpu.memory_space<hbm>> -> memref<128xi32, #tpu.memory_space<hbm>>
          %dma_wait3A_203 = tpu.memref_slice %arg3[%multiple_of3A_199] : memref<163840xi32, #tpu.memory_space<hbm>> -> memref<128xi32, #tpu.memory_space<hbm>>
          tpu.wait_dma2 semaphore(%arg25 : memref<!tpu.dma_semaphore, #tpu.memory_space<semaphore_mem>>) src(%dma_wait3A_203 : memref<128xi32, #tpu.memory_space<hbm>>) dst(%arg16 : memref<128xi32, #tpu.memory_space<vmem>>)
          %dma_start3A_204 = arith.constant 0 : i32
          %dma_start3A_205 = arith.constant 0 : i32
          %dma_start3A_206 = tpu.memref_slice %arg4[%dma_start3A_204, %dma_start3A_205] : memref<10000x128xf32, #tpu.memory_space<hbm>> -> memref<10000x128xf32, #tpu.memory_space<hbm>>
          tpu.enqueue_indirect_dma source(%dma_start3A_206 : memref<10000x128xf32, #tpu.memory_space<hbm>>) target(%arg18 : memref<128x128xf32, #tpu.memory_space<vmem>>) offsets(%arg15 : memref<128xi32, #tpu.memory_space<vmem>>) semaphore(%arg21 : memref<!tpu.dma_semaphore, #tpu.memory_space<semaphore_mem>>)
        } else {
        }
        %add3A_162 = arith.constant 3 : i32
        %add3A_163 = arith.addi %add3A_68, %add3A_162 : i32
        %dma_wait3A_164 = arith.constant 0 : i32
        %dma_wait3A_165 = arith.constant 0 : i32
        %dma_wait3A_166 = tpu.memref_slice %arg4[%dma_wait3A_164, %dma_wait3A_165] : memref<10000x128xf32, #tpu.memory_space<hbm>> -> memref<10000x128xf32, #tpu.memory_space<hbm>>
        tpu.wait_indirect_dma semaphore(%arg21 : memref<!tpu.dma_semaphore, #tpu.memory_space<semaphore_mem>>) src(%dma_wait3A_166 : memref<10000x128xf32, #tpu.memory_space<hbm>>) dst(%arg18 : memref<128x128xf32, #tpu.memory_space<vmem>>)
        %dma_start3A_167 = arith.constant 0 : i32
        %dma_start3A_168 = arith.constant 0 : i32
        %dma_start3A_169 = tpu.memref_slice %arg19[%dma_start3A_167, %dma_start3A_168] : memref<10016x128xf32, #tpu.memory_space<vmem_shared>> -> memref<10016x128xf32, #tpu.memory_space<vmem_shared>>
        tpu.enqueue_indirect_dma source(%arg18 : memref<128x128xf32, #tpu.memory_space<vmem>>) target(%dma_start3A_169 : memref<10016x128xf32, #tpu.memory_space<vmem_shared>>) offsets(%arg16 : memref<128xi32, #tpu.memory_space<vmem>>) semaphore(%arg27 : memref<!tpu.dma_semaphore, #tpu.memory_space<semaphore_mem>>) {add = true}
        %ge3A_170 = arith.constant 1 : i32
        %ge3A_171 = arith.cmpi sge, %add3A_163, %ge3A_170 : i32
        %add3A_172 = arith.constant 1 : i32
        %add3A_173 = arith.addi %add3A_163, %add3A_172 : i32
        %lt3A_174 = arith.constant 80 : i32
        %lt3A_175 = arith.cmpi slt, %add3A_173, %lt3A_174 : i32
        %and3A_176 = arith.andi %ge3A_171, %lt3A_175 : i1
        %convert_element_type3A_177 = arith.extui %and3A_176 : i1 to i32
        %cond3A_178 = arith.constant 0 : i32
        %cond3A_179 = arith.cmpi ne, %convert_element_type3A_177, %cond3A_178 : i32
        scf.if %cond3A_179 {
          %dma_wait3A_194 = arith.constant 0 : i32
          %dma_wait3A_195 = arith.constant 0 : i32
          %dma_wait3A_196 = tpu.memref_slice %arg19[%dma_wait3A_194, %dma_wait3A_195] : memref<10016x128xf32, #tpu.memory_space<vmem_shared>> -> memref<10016x128xf32, #tpu.memory_space<vmem_shared>>
          tpu.wait_indirect_dma semaphore(%arg26 : memref<!tpu.dma_semaphore, #tpu.memory_space<semaphore_mem>>) src(%arg17 : memref<128x128xf32, #tpu.memory_space<vmem>>) dst(%dma_wait3A_196 : memref<10016x128xf32, #tpu.memory_space<vmem_shared>>)
        } else {
        }
        %add3A_180 = arith.constant 3 : i32
        %add3A_181 = arith.addi %add3A_163, %add3A_180 : i32
        %lt3A_182 = arith.constant 80 : i32
        %lt3A_183 = arith.cmpi slt, %add3A_181, %lt3A_182 : i32
        %convert_element_type3A_184 = arith.extui %lt3A_183 : i1 to i32
        %cond3A_185 = arith.constant 0 : i32
        %cond3A_186 = arith.cmpi ne, %convert_element_type3A_184, %cond3A_185 : i32
        scf.if %cond3A_186 {
          %add3A_194 = arith.constant 3 : i32
          %add3A_195 = arith.addi %add3A_163, %add3A_194 : i32
          %mul3A_196 = arith.constant 128 : i32
          %mul3A_197 = arith.muli %add3A_195, %mul3A_196 : i32
          %add3A_198 = arith.addi %mul3A_6, %mul3A_197 : i32
          %multiple_of3A_199 = tpu.assume_multiple %add3A_198, 128 : i32
          %dma_start3A_200 = tpu.memref_slice %arg2[%multiple_of3A_199] : memref<163840xi32, #tpu.memory_space<hbm>> -> memref<128xi32, #tpu.memory_space<hbm>>
          %dma_start3A_201 = tpu.memref_slice %arg2[%multiple_of3A_199] : memref<163840xi32, #tpu.memory_space<hbm>> -> memref<128xi32, #tpu.memory_space<hbm>>
          tpu.enqueue_dma source(%dma_start3A_201 : memref<128xi32, #tpu.memory_space<hbm>>) target(%arg13 : memref<128xi32, #tpu.memory_space<vmem>>) target_semaphore(%arg24 : memref<!tpu.dma_semaphore, #tpu.memory_space<semaphore_mem>>)
          %dma_start3A_202 = tpu.memref_slice %arg3[%multiple_of3A_199] : memref<163840xi32, #tpu.memory_space<hbm>> -> memref<128xi32, #tpu.memory_space<hbm>>
          %dma_start3A_203 = tpu.memref_slice %arg3[%multiple_of3A_199] : memref<163840xi32, #tpu.memory_space<hbm>> -> memref<128xi32, #tpu.memory_space<hbm>>
          tpu.enqueue_dma source(%dma_start3A_203 : memref<128xi32, #tpu.memory_space<hbm>>) target(%arg14 : memref<128xi32, #tpu.memory_space<vmem>>) target_semaphore(%arg24 : memref<!tpu.dma_semaphore, #tpu.memory_space<semaphore_mem>>)
        } else {
        }
        %add3A_187 = arith.constant 1 : i32
        %add3A_188 = arith.addi %add3A_163, %add3A_187 : i32
        %lt3A_189 = arith.constant 80 : i32
        %lt3A_190 = arith.cmpi slt, %add3A_188, %lt3A_189 : i32
        %convert_element_type3A_191 = arith.extui %lt3A_190 : i1 to i32
        %cond3A_192 = arith.constant 0 : i32
        %cond3A_193 = arith.cmpi ne, %convert_element_type3A_191, %cond3A_192 : i32
        scf.if %cond3A_193 {
          %add3A_194 = arith.constant 1 : i32
          %add3A_195 = arith.addi %add3A_163, %add3A_194 : i32
          %mul3A_196 = arith.constant 128 : i32
          %mul3A_197 = arith.muli %add3A_195, %mul3A_196 : i32
          %add3A_198 = arith.addi %mul3A_6, %mul3A_197 : i32
          %multiple_of3A_199 = tpu.assume_multiple %add3A_198, 128 : i32
          %dma_wait3A_200 = tpu.memref_slice %arg2[%multiple_of3A_199] : memref<163840xi32, #tpu.memory_space<hbm>> -> memref<128xi32, #tpu.memory_space<hbm>>
          %dma_wait3A_201 = tpu.memref_slice %arg2[%multiple_of3A_199] : memref<163840xi32, #tpu.memory_space<hbm>> -> memref<128xi32, #tpu.memory_space<hbm>>
          tpu.wait_dma2 semaphore(%arg22 : memref<!tpu.dma_semaphore, #tpu.memory_space<semaphore_mem>>) src(%dma_wait3A_201 : memref<128xi32, #tpu.memory_space<hbm>>) dst(%arg9 : memref<128xi32, #tpu.memory_space<vmem>>)
          %dma_wait3A_202 = tpu.memref_slice %arg3[%multiple_of3A_199] : memref<163840xi32, #tpu.memory_space<hbm>> -> memref<128xi32, #tpu.memory_space<hbm>>
          %dma_wait3A_203 = tpu.memref_slice %arg3[%multiple_of3A_199] : memref<163840xi32, #tpu.memory_space<hbm>> -> memref<128xi32, #tpu.memory_space<hbm>>
          tpu.wait_dma2 semaphore(%arg22 : memref<!tpu.dma_semaphore, #tpu.memory_space<semaphore_mem>>) src(%dma_wait3A_203 : memref<128xi32, #tpu.memory_space<hbm>>) dst(%arg10 : memref<128xi32, #tpu.memory_space<vmem>>)
          %dma_start3A_204 = arith.constant 0 : i32
          %dma_start3A_205 = arith.constant 0 : i32
          %dma_start3A_206 = tpu.memref_slice %arg4[%dma_start3A_204, %dma_start3A_205] : memref<10000x128xf32, #tpu.memory_space<hbm>> -> memref<10000x128xf32, #tpu.memory_space<hbm>>
          tpu.enqueue_indirect_dma source(%dma_start3A_206 : memref<10000x128xf32, #tpu.memory_space<hbm>>) target(%arg17 : memref<128x128xf32, #tpu.memory_space<vmem>>) offsets(%arg9 : memref<128xi32, #tpu.memory_space<vmem>>) semaphore(%arg20 : memref<!tpu.dma_semaphore, #tpu.memory_space<semaphore_mem>>)
        } else {
        }
      }
      %scan3A_48 = arith.constant 20 : i32
      %dma_wait3A_49 = arith.constant 0 : i32
      %dma_wait3A_50 = arith.constant 0 : i32
      %dma_wait3A_51 = tpu.memref_slice %arg19[%dma_wait3A_49, %dma_wait3A_50] : memref<10016x128xf32, #tpu.memory_space<vmem_shared>> -> memref<10016x128xf32, #tpu.memory_space<vmem_shared>>
      tpu.wait_indirect_dma semaphore(%arg26 : memref<!tpu.dma_semaphore, #tpu.memory_space<semaphore_mem>>) src(%arg17 : memref<128x128xf32, #tpu.memory_space<vmem>>) dst(%dma_wait3A_51 : memref<10016x128xf32, #tpu.memory_space<vmem_shared>>)
      %dma_wait3A_52 = arith.constant 0 : i32
      %dma_wait3A_53 = arith.constant 0 : i32
      %dma_wait3A_54 = tpu.memref_slice %arg19[%dma_wait3A_52, %dma_wait3A_53] : memref<10016x128xf32, #tpu.memory_space<vmem_shared>> -> memref<10016x128xf32, #tpu.memory_space<vmem_shared>>
      tpu.wait_indirect_dma semaphore(%arg27 : memref<!tpu.dma_semaphore, #tpu.memory_space<semaphore_mem>>) src(%arg18 : memref<128x128xf32, #tpu.memory_space<vmem>>) dst(%dma_wait3A_54 : memref<10016x128xf32, #tpu.memory_space<vmem_shared>>)
      %barrier3A_55 = arith.constant 0 : index
      tpu.barrier barrier_id(%barrier3A_55)
      %mul3A_56 = arith.constant 624 : i32
      %mul3A_57 = arith.muli %arg1, %mul3A_56 : i32
      %multiple_of3A_58 = tpu.assume_multiple %mul3A_57, 8 : i32
      "tpu.region"() ({
        %run_scoped3A = tpu.sem_alloc : memref<!tpu.dma_semaphore, #tpu.memory_space<semaphore_mem>>
        %dma_start3A_64 = arith.constant 0 : i32
        %dma_start3A_65 = tpu.memref_slice %arg7[%multiple_of3A_58, %dma_start3A_64] : memref<10000x128xf32, #tpu.memory_space<hbm>> -> memref<624x128xf32, #tpu.memory_space<hbm>>
        %dma_start3A_66 = arith.constant 0 : i32
        %dma_start3A_67 = tpu.memref_slice %arg19[%multiple_of3A_58, %dma_start3A_66] : memref<10016x128xf32, #tpu.memory_space<vmem_shared>> -> memref<624x128xf32, #tpu.memory_space<vmem_shared>>
        tpu.enqueue_dma source(%dma_start3A_67 : memref<624x128xf32, #tpu.memory_space<vmem_shared>>) target(%dma_start3A_65 : memref<624x128xf32, #tpu.memory_space<hbm>>) target_semaphore(%run_scoped3A : memref<!tpu.dma_semaphore, #tpu.memory_space<semaphore_mem>>)
        %dma_wait3A_68 = arith.constant 0 : i32
        %dma_wait3A_69 = tpu.memref_slice %arg7[%multiple_of3A_58, %dma_wait3A_68] : memref<10000x128xf32, #tpu.memory_space<hbm>> -> memref<624x128xf32, #tpu.memory_space<hbm>>
        %dma_wait3A_70 = arith.constant 0 : i32
        %dma_wait3A_71 = tpu.memref_slice %arg19[%multiple_of3A_58, %dma_wait3A_70] : memref<10016x128xf32, #tpu.memory_space<vmem_shared>> -> memref<624x128xf32, #tpu.memory_space<vmem_shared>>
        tpu.wait_dma2 semaphore(%run_scoped3A : memref<!tpu.dma_semaphore, #tpu.memory_space<semaphore_mem>>) src(%dma_wait3A_71 : memref<624x128xf32, #tpu.memory_space<vmem_shared>>) dst(%dma_wait3A_69 : memref<624x128xf32, #tpu.memory_space<hbm>>)
        tpu.yield
      }) : () -> ()
      %eq3A_59 = arith.constant 15 : i32
      %eq3A_60 = arith.cmpi eq, %arg1, %eq3A_59 : i32
      %convert_element_type3A_61 = arith.extui %eq3A_60 : i1 to i32
      %cond3A_62 = arith.constant 0 : i32
      %cond3A_63 = arith.cmpi ne, %convert_element_type3A_61, %cond3A_62 : i32
      scf.if %cond3A_63 {
        "tpu.region"() ({
          %run_scoped3A = tpu.sem_alloc : memref<!tpu.dma_semaphore, #tpu.memory_space<semaphore_mem>>
          %dma_start3A_64 = arith.constant 9984 : i32
          %dma_start3A_65 = arith.constant 0 : i32
          %dma_start3A_66 = tpu.memref_slice %arg7[%dma_start3A_64, %dma_start3A_65] : memref<10000x128xf32, #tpu.memory_space<hbm>> -> memref<16x128xf32, #tpu.memory_space<hbm>>
          %dma_start3A_67 = arith.constant 9984 : i32
          %dma_start3A_68 = arith.constant 0 : i32
          %dma_start3A_69 = tpu.memref_slice %arg19[%dma_start3A_67, %dma_start3A_68] : memref<10016x128xf32, #tpu.memory_space<vmem_shared>> -> memref<16x128xf32, #tpu.memory_space<vmem_shared>>
          tpu.enqueue_dma source(%dma_start3A_69 : memref<16x128xf32, #tpu.memory_space<vmem_shared>>) target(%dma_start3A_66 : memref<16x128xf32, #tpu.memory_space<hbm>>) target_semaphore(%run_scoped3A : memref<!tpu.dma_semaphore, #tpu.memory_space<semaphore_mem>>)
          %dma_wait3A_70 = arith.constant 9984 : i32
          %dma_wait3A_71 = arith.constant 0 : i32
          %dma_wait3A_72 = tpu.memref_slice %arg7[%dma_wait3A_70, %dma_wait3A_71] : memref<10000x128xf32, #tpu.memory_space<hbm>> -> memref<16x128xf32, #tpu.memory_space<hbm>>
          %dma_wait3A_73 = arith.constant 9984 : i32
          %dma_wait3A_74 = arith.constant 0 : i32
          %dma_wait3A_75 = tpu.memref_slice %arg19[%dma_wait3A_73, %dma_wait3A_74] : memref<10016x128xf32, #tpu.memory_space<vmem_shared>> -> memref<16x128xf32, #tpu.memory_space<vmem_shared>>
          tpu.wait_dma2 semaphore(%run_scoped3A : memref<!tpu.dma_semaphore, #tpu.memory_space<semaphore_mem>>) src(%dma_wait3A_75 : memref<16x128xf32, #tpu.memory_space<vmem_shared>>) dst(%dma_wait3A_72 : memref<16x128xf32, #tpu.memory_space<hbm>>)
          tpu.yield
        }) : () -> ()
      } else {
      }
    } else {
    }
    %eq3A_12 = arith.constant 1 : i32
    %eq3A_13 = arith.cmpi eq, %arg0, %eq3A_12 : i32
    %convert_element_type3A_14 = arith.extui %eq3A_13 : i1 to i32
    %cond3A_15 = arith.constant 0 : i32
    %cond3A_16 = arith.cmpi ne, %convert_element_type3A_14, %cond3A_15 : i32
    scf.if %cond3A_16 {
      %add3A = arith.constant 0 : i32
      %add3A_17 = arith.addi %mul3A_6, %add3A : i32
      %multiple_of3A_18 = tpu.assume_multiple %add3A_17, 128 : i32
      %dma_start3A = tpu.memref_slice %arg2[%multiple_of3A_18] : memref<163840xi32, #tpu.memory_space<hbm>> -> memref<128xi32, #tpu.memory_space<hbm>>
      %dma_start3A_19 = tpu.memref_slice %arg2[%multiple_of3A_18] : memref<163840xi32, #tpu.memory_space<hbm>> -> memref<128xi32, #tpu.memory_space<hbm>>
      tpu.enqueue_dma source(%dma_start3A_19 : memref<128xi32, #tpu.memory_space<hbm>>) target(%arg9 : memref<128xi32, #tpu.memory_space<vmem>>) target_semaphore(%arg22 : memref<!tpu.dma_semaphore, #tpu.memory_space<semaphore_mem>>)
      %dma_start3A_20 = tpu.memref_slice %arg3[%multiple_of3A_18] : memref<163840xi32, #tpu.memory_space<hbm>> -> memref<128xi32, #tpu.memory_space<hbm>>
      %dma_start3A_21 = tpu.memref_slice %arg3[%multiple_of3A_18] : memref<163840xi32, #tpu.memory_space<hbm>> -> memref<128xi32, #tpu.memory_space<hbm>>
      tpu.enqueue_dma source(%dma_start3A_21 : memref<128xi32, #tpu.memory_space<hbm>>) target(%arg10 : memref<128xi32, #tpu.memory_space<vmem>>) target_semaphore(%arg22 : memref<!tpu.dma_semaphore, #tpu.memory_space<semaphore_mem>>)
      %add3A_22 = arith.constant 128 : i32
      %add3A_23 = arith.addi %mul3A_6, %add3A_22 : i32
      %multiple_of3A_24 = tpu.assume_multiple %add3A_23, 128 : i32
      %dma_start3A_25 = tpu.memref_slice %arg2[%multiple_of3A_24] : memref<163840xi32, #tpu.memory_space<hbm>> -> memref<128xi32, #tpu.memory_space<hbm>>
      %dma_start3A_26 = tpu.memref_slice %arg2[%multiple_of3A_24] : memref<163840xi32, #tpu.memory_space<hbm>> -> memref<128xi32, #tpu.memory_space<hbm>>
      tpu.enqueue_dma source(%dma_start3A_26 : memref<128xi32, #tpu.memory_space<hbm>>) target(%arg11 : memref<128xi32, #tpu.memory_space<vmem>>) target_semaphore(%arg23 : memref<!tpu.dma_semaphore, #tpu.memory_space<semaphore_mem>>)
      %dma_start3A_27 = tpu.memref_slice %arg3[%multiple_of3A_24] : memref<163840xi32, #tpu.memory_space<hbm>> -> memref<128xi32, #tpu.memory_space<hbm>>
      %dma_start3A_28 = tpu.memref_slice %arg3[%multiple_of3A_24] : memref<163840xi32, #tpu.memory_space<hbm>> -> memref<128xi32, #tpu.memory_space<hbm>>
      tpu.enqueue_dma source(%dma_start3A_28 : memref<128xi32, #tpu.memory_space<hbm>>) target(%arg12 : memref<128xi32, #tpu.memory_space<vmem>>) target_semaphore(%arg23 : memref<!tpu.dma_semaphore, #tpu.memory_space<semaphore_mem>>)
      %add3A_29 = arith.constant 256 : i32
      %add3A_30 = arith.addi %mul3A_6, %add3A_29 : i32
      %multiple_of3A_31 = tpu.assume_multiple %add3A_30, 128 : i32
      %dma_start3A_32 = tpu.memref_slice %arg2[%multiple_of3A_31] : memref<163840xi32, #tpu.memory_space<hbm>> -> memref<128xi32, #tpu.memory_space<hbm>>
      %dma_start3A_33 = tpu.memref_slice %arg2[%multiple_of3A_31] : memref<163840xi32, #tpu.memory_space<hbm>> -> memref<128xi32, #tpu.memory_space<hbm>>
      tpu.enqueue_dma source(%dma_start3A_33 : memref<128xi32, #tpu.memory_space<hbm>>) target(%arg13 : memref<128xi32, #tpu.memory_space<vmem>>) target_semaphore(%arg24 : memref<!tpu.dma_semaphore, #tpu.memory_space<semaphore_mem>>)
      %dma_start3A_34 = tpu.memref_slice %arg3[%multiple_of3A_31] : memref<163840xi32, #tpu.memory_space<hbm>> -> memref<128xi32, #tpu.memory_space<hbm>>
      %dma_start3A_35 = tpu.memref_slice %arg3[%multiple_of3A_31] : memref<163840xi32, #tpu.memory_space<hbm>> -> memref<128xi32, #tpu.memory_space<hbm>>
      tpu.enqueue_dma source(%dma_start3A_35 : memref<128xi32, #tpu.memory_space<hbm>>) target(%arg14 : memref<128xi32, #tpu.memory_space<vmem>>) target_semaphore(%arg24 : memref<!tpu.dma_semaphore, #tpu.memory_space<semaphore_mem>>)
      %add3A_36 = arith.constant 0 : i32
      %add3A_37 = arith.addi %mul3A_6, %add3A_36 : i32
      %multiple_of3A_38 = tpu.assume_multiple %add3A_37, 128 : i32
      %dma_wait3A = tpu.memref_slice %arg2[%multiple_of3A_38] : memref<163840xi32, #tpu.memory_space<hbm>> -> memref<128xi32, #tpu.memory_space<hbm>>
      %dma_wait3A_39 = tpu.memref_slice %arg2[%multiple_of3A_38] : memref<163840xi32, #tpu.memory_space<hbm>> -> memref<128xi32, #tpu.memory_space<hbm>>
      tpu.wait_dma2 semaphore(%arg22 : memref<!tpu.dma_semaphore, #tpu.memory_space<semaphore_mem>>) src(%dma_wait3A_39 : memref<128xi32, #tpu.memory_space<hbm>>) dst(%arg9 : memref<128xi32, #tpu.memory_space<vmem>>)
      %dma_wait3A_40 = tpu.memref_slice %arg3[%multiple_of3A_38] : memref<163840xi32, #tpu.memory_space<hbm>> -> memref<128xi32, #tpu.memory_space<hbm>>
      %dma_wait3A_41 = tpu.memref_slice %arg3[%multiple_of3A_38] : memref<163840xi32, #tpu.memory_space<hbm>> -> memref<128xi32, #tpu.memory_space<hbm>>
      tpu.wait_dma2 semaphore(%arg22 : memref<!tpu.dma_semaphore, #tpu.memory_space<semaphore_mem>>) src(%dma_wait3A_41 : memref<128xi32, #tpu.memory_space<hbm>>) dst(%arg10 : memref<128xi32, #tpu.memory_space<vmem>>)
      %dma_start3A_42 = arith.constant 0 : i32
      %dma_start3A_43 = arith.constant 0 : i32
      %dma_start3A_44 = tpu.memref_slice %arg5[%dma_start3A_42, %dma_start3A_43] : memref<10000x128xf32, #tpu.memory_space<hbm>> -> memref<10000x128xf32, #tpu.memory_space<hbm>>
      tpu.enqueue_indirect_dma source(%dma_start3A_44 : memref<10000x128xf32, #tpu.memory_space<hbm>>) target(%arg17 : memref<128x128xf32, #tpu.memory_space<vmem>>) offsets(%arg9 : memref<128xi32, #tpu.memory_space<vmem>>) semaphore(%arg20 : memref<!tpu.dma_semaphore, #tpu.memory_space<semaphore_mem>>)
      %scan3A = arith.constant 0 : i32
      %scan3A_45 = arith.constant 20 : i32
      %scan3A_46 = arith.addi %scan3A, %scan3A_45 : i32
      %scan3A_47 = arith.constant 1 : i32
      scf.for %scan3A_64 = %scan3A to %scan3A_46 step %scan3A_47  : i32 {
        %mul3A_65 = arith.constant 4 : i32
        %mul3A_66 = arith.muli %scan3A_64, %mul3A_65 : i32
        %add3A_67 = arith.constant 0 : i32
        %add3A_68 = arith.addi %add3A_67, %mul3A_66 : i32
        %add3A_69 = arith.constant 0 : i32
        %add3A_70 = arith.addi %add3A_68, %add3A_69 : i32
        %dma_wait3A_71 = arith.constant 0 : i32
        %dma_wait3A_72 = arith.constant 0 : i32
        %dma_wait3A_73 = tpu.memref_slice %arg5[%dma_wait3A_71, %dma_wait3A_72] : memref<10000x128xf32, #tpu.memory_space<hbm>> -> memref<10000x128xf32, #tpu.memory_space<hbm>>
        tpu.wait_indirect_dma semaphore(%arg20 : memref<!tpu.dma_semaphore, #tpu.memory_space<semaphore_mem>>) src(%dma_wait3A_73 : memref<10000x128xf32, #tpu.memory_space<hbm>>) dst(%arg17 : memref<128x128xf32, #tpu.memory_space<vmem>>)
        %dma_start3A_74 = arith.constant 0 : i32
        %dma_start3A_75 = arith.constant 0 : i32
        %dma_start3A_76 = tpu.memref_slice %arg19[%dma_start3A_74, %dma_start3A_75] : memref<10016x128xf32, #tpu.memory_space<vmem_shared>> -> memref<10016x128xf32, #tpu.memory_space<vmem_shared>>
        tpu.enqueue_indirect_dma source(%arg17 : memref<128x128xf32, #tpu.memory_space<vmem>>) target(%dma_start3A_76 : memref<10016x128xf32, #tpu.memory_space<vmem_shared>>) offsets(%arg10 : memref<128xi32, #tpu.memory_space<vmem>>) semaphore(%arg26 : memref<!tpu.dma_semaphore, #tpu.memory_space<semaphore_mem>>) {add = true}
        %ge3A = arith.constant 1 : i32
        %ge3A_77 = arith.cmpi sge, %add3A_70, %ge3A : i32
        %add3A_78 = arith.constant 1 : i32
        %add3A_79 = arith.addi %add3A_70, %add3A_78 : i32
        %lt3A = arith.constant 80 : i32
        %lt3A_80 = arith.cmpi slt, %add3A_79, %lt3A : i32
        %and3A = arith.andi %ge3A_77, %lt3A_80 : i1
        %convert_element_type3A_81 = arith.extui %and3A : i1 to i32
        %cond3A_82 = arith.constant 0 : i32
        %cond3A_83 = arith.cmpi ne, %convert_element_type3A_81, %cond3A_82 : i32
        scf.if %cond3A_83 {
          %dma_wait3A_194 = arith.constant 0 : i32
          %dma_wait3A_195 = arith.constant 0 : i32
          %dma_wait3A_196 = tpu.memref_slice %arg19[%dma_wait3A_194, %dma_wait3A_195] : memref<10016x128xf32, #tpu.memory_space<vmem_shared>> -> memref<10016x128xf32, #tpu.memory_space<vmem_shared>>
          tpu.wait_indirect_dma semaphore(%arg27 : memref<!tpu.dma_semaphore, #tpu.memory_space<semaphore_mem>>) src(%arg18 : memref<128x128xf32, #tpu.memory_space<vmem>>) dst(%dma_wait3A_196 : memref<10016x128xf32, #tpu.memory_space<vmem_shared>>)
        } else {
        }
        %add3A_84 = arith.constant 3 : i32
        %add3A_85 = arith.addi %add3A_70, %add3A_84 : i32
        %lt3A_86 = arith.constant 80 : i32
        %lt3A_87 = arith.cmpi slt, %add3A_85, %lt3A_86 : i32
        %convert_element_type3A_88 = arith.extui %lt3A_87 : i1 to i32
        %cond3A_89 = arith.constant 0 : i32
        %cond3A_90 = arith.cmpi ne, %convert_element_type3A_88, %cond3A_89 : i32
        scf.if %cond3A_90 {
          %add3A_194 = arith.constant 3 : i32
          %add3A_195 = arith.addi %add3A_70, %add3A_194 : i32
          %mul3A_196 = arith.constant 128 : i32
          %mul3A_197 = arith.muli %add3A_195, %mul3A_196 : i32
          %add3A_198 = arith.addi %mul3A_6, %mul3A_197 : i32
          %multiple_of3A_199 = tpu.assume_multiple %add3A_198, 128 : i32
          %dma_start3A_200 = tpu.memref_slice %arg2[%multiple_of3A_199] : memref<163840xi32, #tpu.memory_space<hbm>> -> memref<128xi32, #tpu.memory_space<hbm>>
          %dma_start3A_201 = tpu.memref_slice %arg2[%multiple_of3A_199] : memref<163840xi32, #tpu.memory_space<hbm>> -> memref<128xi32, #tpu.memory_space<hbm>>
          tpu.enqueue_dma source(%dma_start3A_201 : memref<128xi32, #tpu.memory_space<hbm>>) target(%arg15 : memref<128xi32, #tpu.memory_space<vmem>>) target_semaphore(%arg25 : memref<!tpu.dma_semaphore, #tpu.memory_space<semaphore_mem>>)
          %dma_start3A_202 = tpu.memref_slice %arg3[%multiple_of3A_199] : memref<163840xi32, #tpu.memory_space<hbm>> -> memref<128xi32, #tpu.memory_space<hbm>>
          %dma_start3A_203 = tpu.memref_slice %arg3[%multiple_of3A_199] : memref<163840xi32, #tpu.memory_space<hbm>> -> memref<128xi32, #tpu.memory_space<hbm>>
          tpu.enqueue_dma source(%dma_start3A_203 : memref<128xi32, #tpu.memory_space<hbm>>) target(%arg16 : memref<128xi32, #tpu.memory_space<vmem>>) target_semaphore(%arg25 : memref<!tpu.dma_semaphore, #tpu.memory_space<semaphore_mem>>)
        } else {
        }
        %add3A_91 = arith.constant 1 : i32
        %add3A_92 = arith.addi %add3A_70, %add3A_91 : i32
        %lt3A_93 = arith.constant 80 : i32
        %lt3A_94 = arith.cmpi slt, %add3A_92, %lt3A_93 : i32
        %convert_element_type3A_95 = arith.extui %lt3A_94 : i1 to i32
        %cond3A_96 = arith.constant 0 : i32
        %cond3A_97 = arith.cmpi ne, %convert_element_type3A_95, %cond3A_96 : i32
        scf.if %cond3A_97 {
          %add3A_194 = arith.constant 1 : i32
          %add3A_195 = arith.addi %add3A_70, %add3A_194 : i32
          %mul3A_196 = arith.constant 128 : i32
          %mul3A_197 = arith.muli %add3A_195, %mul3A_196 : i32
          %add3A_198 = arith.addi %mul3A_6, %mul3A_197 : i32
          %multiple_of3A_199 = tpu.assume_multiple %add3A_198, 128 : i32
          %dma_wait3A_200 = tpu.memref_slice %arg2[%multiple_of3A_199] : memref<163840xi32, #tpu.memory_space<hbm>> -> memref<128xi32, #tpu.memory_space<hbm>>
          %dma_wait3A_201 = tpu.memref_slice %arg2[%multiple_of3A_199] : memref<163840xi32, #tpu.memory_space<hbm>> -> memref<128xi32, #tpu.memory_space<hbm>>
          tpu.wait_dma2 semaphore(%arg23 : memref<!tpu.dma_semaphore, #tpu.memory_space<semaphore_mem>>) src(%dma_wait3A_201 : memref<128xi32, #tpu.memory_space<hbm>>) dst(%arg11 : memref<128xi32, #tpu.memory_space<vmem>>)
          %dma_wait3A_202 = tpu.memref_slice %arg3[%multiple_of3A_199] : memref<163840xi32, #tpu.memory_space<hbm>> -> memref<128xi32, #tpu.memory_space<hbm>>
          %dma_wait3A_203 = tpu.memref_slice %arg3[%multiple_of3A_199] : memref<163840xi32, #tpu.memory_space<hbm>> -> memref<128xi32, #tpu.memory_space<hbm>>
          tpu.wait_dma2 semaphore(%arg23 : memref<!tpu.dma_semaphore, #tpu.memory_space<semaphore_mem>>) src(%dma_wait3A_203 : memref<128xi32, #tpu.memory_space<hbm>>) dst(%arg12 : memref<128xi32, #tpu.memory_space<vmem>>)
          %dma_start3A_204 = arith.constant 0 : i32
          %dma_start3A_205 = arith.constant 0 : i32
          %dma_start3A_206 = tpu.memref_slice %arg5[%dma_start3A_204, %dma_start3A_205] : memref<10000x128xf32, #tpu.memory_space<hbm>> -> memref<10000x128xf32, #tpu.memory_space<hbm>>
          tpu.enqueue_indirect_dma source(%dma_start3A_206 : memref<10000x128xf32, #tpu.memory_space<hbm>>) target(%arg18 : memref<128x128xf32, #tpu.memory_space<vmem>>) offsets(%arg11 : memref<128xi32, #tpu.memory_space<vmem>>) semaphore(%arg21 : memref<!tpu.dma_semaphore, #tpu.memory_space<semaphore_mem>>)
        } else {
        }
        %add3A_98 = arith.constant 1 : i32
        %add3A_99 = arith.addi %add3A_68, %add3A_98 : i32
        %dma_wait3A_100 = arith.constant 0 : i32
        %dma_wait3A_101 = arith.constant 0 : i32
        %dma_wait3A_102 = tpu.memref_slice %arg5[%dma_wait3A_100, %dma_wait3A_101] : memref<10000x128xf32, #tpu.memory_space<hbm>> -> memref<10000x128xf32, #tpu.memory_space<hbm>>
        tpu.wait_indirect_dma semaphore(%arg21 : memref<!tpu.dma_semaphore, #tpu.memory_space<semaphore_mem>>) src(%dma_wait3A_102 : memref<10000x128xf32, #tpu.memory_space<hbm>>) dst(%arg18 : memref<128x128xf32, #tpu.memory_space<vmem>>)
        %dma_start3A_103 = arith.constant 0 : i32
        %dma_start3A_104 = arith.constant 0 : i32
        %dma_start3A_105 = tpu.memref_slice %arg19[%dma_start3A_103, %dma_start3A_104] : memref<10016x128xf32, #tpu.memory_space<vmem_shared>> -> memref<10016x128xf32, #tpu.memory_space<vmem_shared>>
        tpu.enqueue_indirect_dma source(%arg18 : memref<128x128xf32, #tpu.memory_space<vmem>>) target(%dma_start3A_105 : memref<10016x128xf32, #tpu.memory_space<vmem_shared>>) offsets(%arg12 : memref<128xi32, #tpu.memory_space<vmem>>) semaphore(%arg27 : memref<!tpu.dma_semaphore, #tpu.memory_space<semaphore_mem>>) {add = true}
        %ge3A_106 = arith.constant 1 : i32
        %ge3A_107 = arith.cmpi sge, %add3A_99, %ge3A_106 : i32
        %add3A_108 = arith.constant 1 : i32
        %add3A_109 = arith.addi %add3A_99, %add3A_108 : i32
        %lt3A_110 = arith.constant 80 : i32
        %lt3A_111 = arith.cmpi slt, %add3A_109, %lt3A_110 : i32
        %and3A_112 = arith.andi %ge3A_107, %lt3A_111 : i1
        %convert_element_type3A_113 = arith.extui %and3A_112 : i1 to i32
        %cond3A_114 = arith.constant 0 : i32
        %cond3A_115 = arith.cmpi ne, %convert_element_type3A_113, %cond3A_114 : i32
        scf.if %cond3A_115 {
          %dma_wait3A_194 = arith.constant 0 : i32
          %dma_wait3A_195 = arith.constant 0 : i32
          %dma_wait3A_196 = tpu.memref_slice %arg19[%dma_wait3A_194, %dma_wait3A_195] : memref<10016x128xf32, #tpu.memory_space<vmem_shared>> -> memref<10016x128xf32, #tpu.memory_space<vmem_shared>>
          tpu.wait_indirect_dma semaphore(%arg26 : memref<!tpu.dma_semaphore, #tpu.memory_space<semaphore_mem>>) src(%arg17 : memref<128x128xf32, #tpu.memory_space<vmem>>) dst(%dma_wait3A_196 : memref<10016x128xf32, #tpu.memory_space<vmem_shared>>)
        } else {
        }
        %add3A_116 = arith.constant 3 : i32
        %add3A_117 = arith.addi %add3A_99, %add3A_116 : i32
        %lt3A_118 = arith.constant 80 : i32
        %lt3A_119 = arith.cmpi slt, %add3A_117, %lt3A_118 : i32
        %convert_element_type3A_120 = arith.extui %lt3A_119 : i1 to i32
        %cond3A_121 = arith.constant 0 : i32
        %cond3A_122 = arith.cmpi ne, %convert_element_type3A_120, %cond3A_121 : i32
        scf.if %cond3A_122 {
          %add3A_194 = arith.constant 3 : i32
          %add3A_195 = arith.addi %add3A_99, %add3A_194 : i32
          %mul3A_196 = arith.constant 128 : i32
          %mul3A_197 = arith.muli %add3A_195, %mul3A_196 : i32
          %add3A_198 = arith.addi %mul3A_6, %mul3A_197 : i32
          %multiple_of3A_199 = tpu.assume_multiple %add3A_198, 128 : i32
          %dma_start3A_200 = tpu.memref_slice %arg2[%multiple_of3A_199] : memref<163840xi32, #tpu.memory_space<hbm>> -> memref<128xi32, #tpu.memory_space<hbm>>
          %dma_start3A_201 = tpu.memref_slice %arg2[%multiple_of3A_199] : memref<163840xi32, #tpu.memory_space<hbm>> -> memref<128xi32, #tpu.memory_space<hbm>>
          tpu.enqueue_dma source(%dma_start3A_201 : memref<128xi32, #tpu.memory_space<hbm>>) target(%arg9 : memref<128xi32, #tpu.memory_space<vmem>>) target_semaphore(%arg22 : memref<!tpu.dma_semaphore, #tpu.memory_space<semaphore_mem>>)
          %dma_start3A_202 = tpu.memref_slice %arg3[%multiple_of3A_199] : memref<163840xi32, #tpu.memory_space<hbm>> -> memref<128xi32, #tpu.memory_space<hbm>>
          %dma_start3A_203 = tpu.memref_slice %arg3[%multiple_of3A_199] : memref<163840xi32, #tpu.memory_space<hbm>> -> memref<128xi32, #tpu.memory_space<hbm>>
          tpu.enqueue_dma source(%dma_start3A_203 : memref<128xi32, #tpu.memory_space<hbm>>) target(%arg10 : memref<128xi32, #tpu.memory_space<vmem>>) target_semaphore(%arg22 : memref<!tpu.dma_semaphore, #tpu.memory_space<semaphore_mem>>)
        } else {
        }
        %add3A_123 = arith.constant 1 : i32
        %add3A_124 = arith.addi %add3A_99, %add3A_123 : i32
        %lt3A_125 = arith.constant 80 : i32
        %lt3A_126 = arith.cmpi slt, %add3A_124, %lt3A_125 : i32
        %convert_element_type3A_127 = arith.extui %lt3A_126 : i1 to i32
        %cond3A_128 = arith.constant 0 : i32
        %cond3A_129 = arith.cmpi ne, %convert_element_type3A_127, %cond3A_128 : i32
        scf.if %cond3A_129 {
          %add3A_194 = arith.constant 1 : i32
          %add3A_195 = arith.addi %add3A_99, %add3A_194 : i32
          %mul3A_196 = arith.constant 128 : i32
          %mul3A_197 = arith.muli %add3A_195, %mul3A_196 : i32
          %add3A_198 = arith.addi %mul3A_6, %mul3A_197 : i32
          %multiple_of3A_199 = tpu.assume_multiple %add3A_198, 128 : i32
          %dma_wait3A_200 = tpu.memref_slice %arg2[%multiple_of3A_199] : memref<163840xi32, #tpu.memory_space<hbm>> -> memref<128xi32, #tpu.memory_space<hbm>>
          %dma_wait3A_201 = tpu.memref_slice %arg2[%multiple_of3A_199] : memref<163840xi32, #tpu.memory_space<hbm>> -> memref<128xi32, #tpu.memory_space<hbm>>
          tpu.wait_dma2 semaphore(%arg24 : memref<!tpu.dma_semaphore, #tpu.memory_space<semaphore_mem>>) src(%dma_wait3A_201 : memref<128xi32, #tpu.memory_space<hbm>>) dst(%arg13 : memref<128xi32, #tpu.memory_space<vmem>>)
          %dma_wait3A_202 = tpu.memref_slice %arg3[%multiple_of3A_199] : memref<163840xi32, #tpu.memory_space<hbm>> -> memref<128xi32, #tpu.memory_space<hbm>>
          %dma_wait3A_203 = tpu.memref_slice %arg3[%multiple_of3A_199] : memref<163840xi32, #tpu.memory_space<hbm>> -> memref<128xi32, #tpu.memory_space<hbm>>
          tpu.wait_dma2 semaphore(%arg24 : memref<!tpu.dma_semaphore, #tpu.memory_space<semaphore_mem>>) src(%dma_wait3A_203 : memref<128xi32, #tpu.memory_space<hbm>>) dst(%arg14 : memref<128xi32, #tpu.memory_space<vmem>>)
          %dma_start3A_204 = arith.constant 0 : i32
          %dma_start3A_205 = arith.constant 0 : i32
          %dma_start3A_206 = tpu.memref_slice %arg5[%dma_start3A_204, %dma_start3A_205] : memref<10000x128xf32, #tpu.memory_space<hbm>> -> memref<10000x128xf32, #tpu.memory_space<hbm>>
          tpu.enqueue_indirect_dma source(%dma_start3A_206 : memref<10000x128xf32, #tpu.memory_space<hbm>>) target(%arg17 : memref<128x128xf32, #tpu.memory_space<vmem>>) offsets(%arg13 : memref<128xi32, #tpu.memory_space<vmem>>) semaphore(%arg20 : memref<!tpu.dma_semaphore, #tpu.memory_space<semaphore_mem>>)
        } else {
        }
        %add3A_130 = arith.constant 2 : i32
        %add3A_131 = arith.addi %add3A_68, %add3A_130 : i32
        %dma_wait3A_132 = arith.constant 0 : i32
        %dma_wait3A_133 = arith.constant 0 : i32
        %dma_wait3A_134 = tpu.memref_slice %arg5[%dma_wait3A_132, %dma_wait3A_133] : memref<10000x128xf32, #tpu.memory_space<hbm>> -> memref<10000x128xf32, #tpu.memory_space<hbm>>
        tpu.wait_indirect_dma semaphore(%arg20 : memref<!tpu.dma_semaphore, #tpu.memory_space<semaphore_mem>>) src(%dma_wait3A_134 : memref<10000x128xf32, #tpu.memory_space<hbm>>) dst(%arg17 : memref<128x128xf32, #tpu.memory_space<vmem>>)
        %dma_start3A_135 = arith.constant 0 : i32
        %dma_start3A_136 = arith.constant 0 : i32
        %dma_start3A_137 = tpu.memref_slice %arg19[%dma_start3A_135, %dma_start3A_136] : memref<10016x128xf32, #tpu.memory_space<vmem_shared>> -> memref<10016x128xf32, #tpu.memory_space<vmem_shared>>
        tpu.enqueue_indirect_dma source(%arg17 : memref<128x128xf32, #tpu.memory_space<vmem>>) target(%dma_start3A_137 : memref<10016x128xf32, #tpu.memory_space<vmem_shared>>) offsets(%arg14 : memref<128xi32, #tpu.memory_space<vmem>>) semaphore(%arg26 : memref<!tpu.dma_semaphore, #tpu.memory_space<semaphore_mem>>) {add = true}
        %ge3A_138 = arith.constant 1 : i32
        %ge3A_139 = arith.cmpi sge, %add3A_131, %ge3A_138 : i32
        %add3A_140 = arith.constant 1 : i32
        %add3A_141 = arith.addi %add3A_131, %add3A_140 : i32
        %lt3A_142 = arith.constant 80 : i32
        %lt3A_143 = arith.cmpi slt, %add3A_141, %lt3A_142 : i32
        %and3A_144 = arith.andi %ge3A_139, %lt3A_143 : i1
        %convert_element_type3A_145 = arith.extui %and3A_144 : i1 to i32
        %cond3A_146 = arith.constant 0 : i32
        %cond3A_147 = arith.cmpi ne, %convert_element_type3A_145, %cond3A_146 : i32
        scf.if %cond3A_147 {
          %dma_wait3A_194 = arith.constant 0 : i32
          %dma_wait3A_195 = arith.constant 0 : i32
          %dma_wait3A_196 = tpu.memref_slice %arg19[%dma_wait3A_194, %dma_wait3A_195] : memref<10016x128xf32, #tpu.memory_space<vmem_shared>> -> memref<10016x128xf32, #tpu.memory_space<vmem_shared>>
          tpu.wait_indirect_dma semaphore(%arg27 : memref<!tpu.dma_semaphore, #tpu.memory_space<semaphore_mem>>) src(%arg18 : memref<128x128xf32, #tpu.memory_space<vmem>>) dst(%dma_wait3A_196 : memref<10016x128xf32, #tpu.memory_space<vmem_shared>>)
        } else {
        }
        %add3A_148 = arith.constant 3 : i32
        %add3A_149 = arith.addi %add3A_131, %add3A_148 : i32
        %lt3A_150 = arith.constant 80 : i32
        %lt3A_151 = arith.cmpi slt, %add3A_149, %lt3A_150 : i32
        %convert_element_type3A_152 = arith.extui %lt3A_151 : i1 to i32
        %cond3A_153 = arith.constant 0 : i32
        %cond3A_154 = arith.cmpi ne, %convert_element_type3A_152, %cond3A_153 : i32
        scf.if %cond3A_154 {
          %add3A_194 = arith.constant 3 : i32
          %add3A_195 = arith.addi %add3A_131, %add3A_194 : i32
          %mul3A_196 = arith.constant 128 : i32
          %mul3A_197 = arith.muli %add3A_195, %mul3A_196 : i32
          %add3A_198 = arith.addi %mul3A_6, %mul3A_197 : i32
          %multiple_of3A_199 = tpu.assume_multiple %add3A_198, 128 : i32
          %dma_start3A_200 = tpu.memref_slice %arg2[%multiple_of3A_199] : memref<163840xi32, #tpu.memory_space<hbm>> -> memref<128xi32, #tpu.memory_space<hbm>>
          %dma_start3A_201 = tpu.memref_slice %arg2[%multiple_of3A_199] : memref<163840xi32, #tpu.memory_space<hbm>> -> memref<128xi32, #tpu.memory_space<hbm>>
          tpu.enqueue_dma source(%dma_start3A_201 : memref<128xi32, #tpu.memory_space<hbm>>) target(%arg11 : memref<128xi32, #tpu.memory_space<vmem>>) target_semaphore(%arg23 : memref<!tpu.dma_semaphore, #tpu.memory_space<semaphore_mem>>)
          %dma_start3A_202 = tpu.memref_slice %arg3[%multiple_of3A_199] : memref<163840xi32, #tpu.memory_space<hbm>> -> memref<128xi32, #tpu.memory_space<hbm>>
          %dma_start3A_203 = tpu.memref_slice %arg3[%multiple_of3A_199] : memref<163840xi32, #tpu.memory_space<hbm>> -> memref<128xi32, #tpu.memory_space<hbm>>
          tpu.enqueue_dma source(%dma_start3A_203 : memref<128xi32, #tpu.memory_space<hbm>>) target(%arg12 : memref<128xi32, #tpu.memory_space<vmem>>) target_semaphore(%arg23 : memref<!tpu.dma_semaphore, #tpu.memory_space<semaphore_mem>>)
        } else {
        }
        %add3A_155 = arith.constant 1 : i32
        %add3A_156 = arith.addi %add3A_131, %add3A_155 : i32
        %lt3A_157 = arith.constant 80 : i32
        %lt3A_158 = arith.cmpi slt, %add3A_156, %lt3A_157 : i32
        %convert_element_type3A_159 = arith.extui %lt3A_158 : i1 to i32
        %cond3A_160 = arith.constant 0 : i32
        %cond3A_161 = arith.cmpi ne, %convert_element_type3A_159, %cond3A_160 : i32
        scf.if %cond3A_161 {
          %add3A_194 = arith.constant 1 : i32
          %add3A_195 = arith.addi %add3A_131, %add3A_194 : i32
          %mul3A_196 = arith.constant 128 : i32
          %mul3A_197 = arith.muli %add3A_195, %mul3A_196 : i32
          %add3A_198 = arith.addi %mul3A_6, %mul3A_197 : i32
          %multiple_of3A_199 = tpu.assume_multiple %add3A_198, 128 : i32
          %dma_wait3A_200 = tpu.memref_slice %arg2[%multiple_of3A_199] : memref<163840xi32, #tpu.memory_space<hbm>> -> memref<128xi32, #tpu.memory_space<hbm>>
          %dma_wait3A_201 = tpu.memref_slice %arg2[%multiple_of3A_199] : memref<163840xi32, #tpu.memory_space<hbm>> -> memref<128xi32, #tpu.memory_space<hbm>>
          tpu.wait_dma2 semaphore(%arg25 : memref<!tpu.dma_semaphore, #tpu.memory_space<semaphore_mem>>) src(%dma_wait3A_201 : memref<128xi32, #tpu.memory_space<hbm>>) dst(%arg15 : memref<128xi32, #tpu.memory_space<vmem>>)
          %dma_wait3A_202 = tpu.memref_slice %arg3[%multiple_of3A_199] : memref<163840xi32, #tpu.memory_space<hbm>> -> memref<128xi32, #tpu.memory_space<hbm>>
          %dma_wait3A_203 = tpu.memref_slice %arg3[%multiple_of3A_199] : memref<163840xi32, #tpu.memory_space<hbm>> -> memref<128xi32, #tpu.memory_space<hbm>>
          tpu.wait_dma2 semaphore(%arg25 : memref<!tpu.dma_semaphore, #tpu.memory_space<semaphore_mem>>) src(%dma_wait3A_203 : memref<128xi32, #tpu.memory_space<hbm>>) dst(%arg16 : memref<128xi32, #tpu.memory_space<vmem>>)
          %dma_start3A_204 = arith.constant 0 : i32
          %dma_start3A_205 = arith.constant 0 : i32
          %dma_start3A_206 = tpu.memref_slice %arg5[%dma_start3A_204, %dma_start3A_205] : memref<10000x128xf32, #tpu.memory_space<hbm>> -> memref<10000x128xf32, #tpu.memory_space<hbm>>
          tpu.enqueue_indirect_dma source(%dma_start3A_206 : memref<10000x128xf32, #tpu.memory_space<hbm>>) target(%arg18 : memref<128x128xf32, #tpu.memory_space<vmem>>) offsets(%arg15 : memref<128xi32, #tpu.memory_space<vmem>>) semaphore(%arg21 : memref<!tpu.dma_semaphore, #tpu.memory_space<semaphore_mem>>)
        } else {
        }
        %add3A_162 = arith.constant 3 : i32
        %add3A_163 = arith.addi %add3A_68, %add3A_162 : i32
        %dma_wait3A_164 = arith.constant 0 : i32
        %dma_wait3A_165 = arith.constant 0 : i32
        %dma_wait3A_166 = tpu.memref_slice %arg5[%dma_wait3A_164, %dma_wait3A_165] : memref<10000x128xf32, #tpu.memory_space<hbm>> -> memref<10000x128xf32, #tpu.memory_space<hbm>>
        tpu.wait_indirect_dma semaphore(%arg21 : memref<!tpu.dma_semaphore, #tpu.memory_space<semaphore_mem>>) src(%dma_wait3A_166 : memref<10000x128xf32, #tpu.memory_space<hbm>>) dst(%arg18 : memref<128x128xf32, #tpu.memory_space<vmem>>)
        %dma_start3A_167 = arith.constant 0 : i32
        %dma_start3A_168 = arith.constant 0 : i32
        %dma_start3A_169 = tpu.memref_slice %arg19[%dma_start3A_167, %dma_start3A_168] : memref<10016x128xf32, #tpu.memory_space<vmem_shared>> -> memref<10016x128xf32, #tpu.memory_space<vmem_shared>>
        tpu.enqueue_indirect_dma source(%arg18 : memref<128x128xf32, #tpu.memory_space<vmem>>) target(%dma_start3A_169 : memref<10016x128xf32, #tpu.memory_space<vmem_shared>>) offsets(%arg16 : memref<128xi32, #tpu.memory_space<vmem>>) semaphore(%arg27 : memref<!tpu.dma_semaphore, #tpu.memory_space<semaphore_mem>>) {add = true}
        %ge3A_170 = arith.constant 1 : i32
        %ge3A_171 = arith.cmpi sge, %add3A_163, %ge3A_170 : i32
        %add3A_172 = arith.constant 1 : i32
        %add3A_173 = arith.addi %add3A_163, %add3A_172 : i32
        %lt3A_174 = arith.constant 80 : i32
        %lt3A_175 = arith.cmpi slt, %add3A_173, %lt3A_174 : i32
        %and3A_176 = arith.andi %ge3A_171, %lt3A_175 : i1
        %convert_element_type3A_177 = arith.extui %and3A_176 : i1 to i32
        %cond3A_178 = arith.constant 0 : i32
        %cond3A_179 = arith.cmpi ne, %convert_element_type3A_177, %cond3A_178 : i32
        scf.if %cond3A_179 {
          %dma_wait3A_194 = arith.constant 0 : i32
          %dma_wait3A_195 = arith.constant 0 : i32
          %dma_wait3A_196 = tpu.memref_slice %arg19[%dma_wait3A_194, %dma_wait3A_195] : memref<10016x128xf32, #tpu.memory_space<vmem_shared>> -> memref<10016x128xf32, #tpu.memory_space<vmem_shared>>
          tpu.wait_indirect_dma semaphore(%arg26 : memref<!tpu.dma_semaphore, #tpu.memory_space<semaphore_mem>>) src(%arg17 : memref<128x128xf32, #tpu.memory_space<vmem>>) dst(%dma_wait3A_196 : memref<10016x128xf32, #tpu.memory_space<vmem_shared>>)
        } else {
        }
        %add3A_180 = arith.constant 3 : i32
        %add3A_181 = arith.addi %add3A_163, %add3A_180 : i32
        %lt3A_182 = arith.constant 80 : i32
        %lt3A_183 = arith.cmpi slt, %add3A_181, %lt3A_182 : i32
        %convert_element_type3A_184 = arith.extui %lt3A_183 : i1 to i32
        %cond3A_185 = arith.constant 0 : i32
        %cond3A_186 = arith.cmpi ne, %convert_element_type3A_184, %cond3A_185 : i32
        scf.if %cond3A_186 {
          %add3A_194 = arith.constant 3 : i32
          %add3A_195 = arith.addi %add3A_163, %add3A_194 : i32
          %mul3A_196 = arith.constant 128 : i32
          %mul3A_197 = arith.muli %add3A_195, %mul3A_196 : i32
          %add3A_198 = arith.addi %mul3A_6, %mul3A_197 : i32
          %multiple_of3A_199 = tpu.assume_multiple %add3A_198, 128 : i32
          %dma_start3A_200 = tpu.memref_slice %arg2[%multiple_of3A_199] : memref<163840xi32, #tpu.memory_space<hbm>> -> memref<128xi32, #tpu.memory_space<hbm>>
          %dma_start3A_201 = tpu.memref_slice %arg2[%multiple_of3A_199] : memref<163840xi32, #tpu.memory_space<hbm>> -> memref<128xi32, #tpu.memory_space<hbm>>
          tpu.enqueue_dma source(%dma_start3A_201 : memref<128xi32, #tpu.memory_space<hbm>>) target(%arg13 : memref<128xi32, #tpu.memory_space<vmem>>) target_semaphore(%arg24 : memref<!tpu.dma_semaphore, #tpu.memory_space<semaphore_mem>>)
          %dma_start3A_202 = tpu.memref_slice %arg3[%multiple_of3A_199] : memref<163840xi32, #tpu.memory_space<hbm>> -> memref<128xi32, #tpu.memory_space<hbm>>
          %dma_start3A_203 = tpu.memref_slice %arg3[%multiple_of3A_199] : memref<163840xi32, #tpu.memory_space<hbm>> -> memref<128xi32, #tpu.memory_space<hbm>>
          tpu.enqueue_dma source(%dma_start3A_203 : memref<128xi32, #tpu.memory_space<hbm>>) target(%arg14 : memref<128xi32, #tpu.memory_space<vmem>>) target_semaphore(%arg24 : memref<!tpu.dma_semaphore, #tpu.memory_space<semaphore_mem>>)
        } else {
        }
        %add3A_187 = arith.constant 1 : i32
        %add3A_188 = arith.addi %add3A_163, %add3A_187 : i32
        %lt3A_189 = arith.constant 80 : i32
        %lt3A_190 = arith.cmpi slt, %add3A_188, %lt3A_189 : i32
        %convert_element_type3A_191 = arith.extui %lt3A_190 : i1 to i32
        %cond3A_192 = arith.constant 0 : i32
        %cond3A_193 = arith.cmpi ne, %convert_element_type3A_191, %cond3A_192 : i32
        scf.if %cond3A_193 {
          %add3A_194 = arith.constant 1 : i32
          %add3A_195 = arith.addi %add3A_163, %add3A_194 : i32
          %mul3A_196 = arith.constant 128 : i32
          %mul3A_197 = arith.muli %add3A_195, %mul3A_196 : i32
          %add3A_198 = arith.addi %mul3A_6, %mul3A_197 : i32
          %multiple_of3A_199 = tpu.assume_multiple %add3A_198, 128 : i32
          %dma_wait3A_200 = tpu.memref_slice %arg2[%multiple_of3A_199] : memref<163840xi32, #tpu.memory_space<hbm>> -> memref<128xi32, #tpu.memory_space<hbm>>
          %dma_wait3A_201 = tpu.memref_slice %arg2[%multiple_of3A_199] : memref<163840xi32, #tpu.memory_space<hbm>> -> memref<128xi32, #tpu.memory_space<hbm>>
          tpu.wait_dma2 semaphore(%arg22 : memref<!tpu.dma_semaphore, #tpu.memory_space<semaphore_mem>>) src(%dma_wait3A_201 : memref<128xi32, #tpu.memory_space<hbm>>) dst(%arg9 : memref<128xi32, #tpu.memory_space<vmem>>)
          %dma_wait3A_202 = tpu.memref_slice %arg3[%multiple_of3A_199] : memref<163840xi32, #tpu.memory_space<hbm>> -> memref<128xi32, #tpu.memory_space<hbm>>
          %dma_wait3A_203 = tpu.memref_slice %arg3[%multiple_of3A_199] : memref<163840xi32, #tpu.memory_space<hbm>> -> memref<128xi32, #tpu.memory_space<hbm>>
          tpu.wait_dma2 semaphore(%arg22 : memref<!tpu.dma_semaphore, #tpu.memory_space<semaphore_mem>>) src(%dma_wait3A_203 : memref<128xi32, #tpu.memory_space<hbm>>) dst(%arg10 : memref<128xi32, #tpu.memory_space<vmem>>)
          %dma_start3A_204 = arith.constant 0 : i32
          %dma_start3A_205 = arith.constant 0 : i32
          %dma_start3A_206 = tpu.memref_slice %arg5[%dma_start3A_204, %dma_start3A_205] : memref<10000x128xf32, #tpu.memory_space<hbm>> -> memref<10000x128xf32, #tpu.memory_space<hbm>>
          tpu.enqueue_indirect_dma source(%dma_start3A_206 : memref<10000x128xf32, #tpu.memory_space<hbm>>) target(%arg17 : memref<128x128xf32, #tpu.memory_space<vmem>>) offsets(%arg9 : memref<128xi32, #tpu.memory_space<vmem>>) semaphore(%arg20 : memref<!tpu.dma_semaphore, #tpu.memory_space<semaphore_mem>>)
        } else {
        }
      }
      %scan3A_48 = arith.constant 20 : i32
      %dma_wait3A_49 = arith.constant 0 : i32
      %dma_wait3A_50 = arith.constant 0 : i32
      %dma_wait3A_51 = tpu.memref_slice %arg19[%dma_wait3A_49, %dma_wait3A_50] : memref<10016x128xf32, #tpu.memory_space<vmem_shared>> -> memref<10016x128xf32, #tpu.memory_space<vmem_shared>>
      tpu.wait_indirect_dma semaphore(%arg26 : memref<!tpu.dma_semaphore, #tpu.memory_space<semaphore_mem>>) src(%arg17 : memref<128x128xf32, #tpu.memory_space<vmem>>) dst(%dma_wait3A_51 : memref<10016x128xf32, #tpu.memory_space<vmem_shared>>)
      %dma_wait3A_52 = arith.constant 0 : i32
      %dma_wait3A_53 = arith.constant 0 : i32
      %dma_wait3A_54 = tpu.memref_slice %arg19[%dma_wait3A_52, %dma_wait3A_53] : memref<10016x128xf32, #tpu.memory_space<vmem_shared>> -> memref<10016x128xf32, #tpu.memory_space<vmem_shared>>
      tpu.wait_indirect_dma semaphore(%arg27 : memref<!tpu.dma_semaphore, #tpu.memory_space<semaphore_mem>>) src(%arg18 : memref<128x128xf32, #tpu.memory_space<vmem>>) dst(%dma_wait3A_54 : memref<10016x128xf32, #tpu.memory_space<vmem_shared>>)
      %barrier3A_55 = arith.constant 0 : index
      tpu.barrier barrier_id(%barrier3A_55)
      %mul3A_56 = arith.constant 624 : i32
      %mul3A_57 = arith.muli %arg1, %mul3A_56 : i32
      %multiple_of3A_58 = tpu.assume_multiple %mul3A_57, 8 : i32
      "tpu.region"() ({
        %run_scoped3A = tpu.sem_alloc : memref<!tpu.dma_semaphore, #tpu.memory_space<semaphore_mem>>
        %dma_start3A_64 = arith.constant 0 : i32
        %dma_start3A_65 = tpu.memref_slice %arg8[%multiple_of3A_58, %dma_start3A_64] : memref<10000x128xf32, #tpu.memory_space<hbm>> -> memref<624x128xf32, #tpu.memory_space<hbm>>
        %dma_start3A_66 = arith.constant 0 : i32
        %dma_start3A_67 = tpu.memref_slice %arg19[%multiple_of3A_58, %dma_start3A_66] : memref<10016x128xf32, #tpu.memory_space<vmem_shared>> -> memref<624x128xf32, #tpu.memory_space<vmem_shared>>
        tpu.enqueue_dma source(%dma_start3A_67 : memref<624x128xf32, #tpu.memory_space<vmem_shared>>) target(%dma_start3A_65 : memref<624x128xf32, #tpu.memory_space<hbm>>) target_semaphore(%run_scoped3A : memref<!tpu.dma_semaphore, #tpu.memory_space<semaphore_mem>>)
        %dma_wait3A_68 = arith.constant 0 : i32
        %dma_wait3A_69 = tpu.memref_slice %arg8[%multiple_of3A_58, %dma_wait3A_68] : memref<10000x128xf32, #tpu.memory_space<hbm>> -> memref<624x128xf32, #tpu.memory_space<hbm>>
        %dma_wait3A_70 = arith.constant 0 : i32
        %dma_wait3A_71 = tpu.memref_slice %arg19[%multiple_of3A_58, %dma_wait3A_70] : memref<10016x128xf32, #tpu.memory_space<vmem_shared>> -> memref<624x128xf32, #tpu.memory_space<vmem_shared>>
        tpu.wait_dma2 semaphore(%run_scoped3A : memref<!tpu.dma_semaphore, #tpu.memory_space<semaphore_mem>>) src(%dma_wait3A_71 : memref<624x128xf32, #tpu.memory_space<vmem_shared>>) dst(%dma_wait3A_69 : memref<624x128xf32, #tpu.memory_space<hbm>>)
        tpu.yield
      }) : () -> ()
      %eq3A_59 = arith.constant 15 : i32
      %eq3A_60 = arith.cmpi eq, %arg1, %eq3A_59 : i32
      %convert_element_type3A_61 = arith.extui %eq3A_60 : i1 to i32
      %cond3A_62 = arith.constant 0 : i32
      %cond3A_63 = arith.cmpi ne, %convert_element_type3A_61, %cond3A_62 : i32
      scf.if %cond3A_63 {
        "tpu.region"() ({
          %run_scoped3A = tpu.sem_alloc : memref<!tpu.dma_semaphore, #tpu.memory_space<semaphore_mem>>
          %dma_start3A_64 = arith.constant 9984 : i32
          %dma_start3A_65 = arith.constant 0 : i32
          %dma_start3A_66 = tpu.memref_slice %arg8[%dma_start3A_64, %dma_start3A_65] : memref<10000x128xf32, #tpu.memory_space<hbm>> -> memref<16x128xf32, #tpu.memory_space<hbm>>
          %dma_start3A_67 = arith.constant 9984 : i32
          %dma_start3A_68 = arith.constant 0 : i32
          %dma_start3A_69 = tpu.memref_slice %arg19[%dma_start3A_67, %dma_start3A_68] : memref<10016x128xf32, #tpu.memory_space<vmem_shared>> -> memref<16x128xf32, #tpu.memory_space<vmem_shared>>
          tpu.enqueue_dma source(%dma_start3A_69 : memref<16x128xf32, #tpu.memory_space<vmem_shared>>) target(%dma_start3A_66 : memref<16x128xf32, #tpu.memory_space<hbm>>) target_semaphore(%run_scoped3A : memref<!tpu.dma_semaphore, #tpu.memory_space<semaphore_mem>>)
          %dma_wait3A_70 = arith.constant 9984 : i32
          %dma_wait3A_71 = arith.constant 0 : i32
          %dma_wait3A_72 = tpu.memref_slice %arg8[%dma_wait3A_70, %dma_wait3A_71] : memref<10000x128xf32, #tpu.memory_space<hbm>> -> memref<16x128xf32, #tpu.memory_space<hbm>>
          %dma_wait3A_73 = arith.constant 9984 : i32
          %dma_wait3A_74 = arith.constant 0 : i32
          %dma_wait3A_75 = tpu.memref_slice %arg19[%dma_wait3A_73, %dma_wait3A_74] : memref<10016x128xf32, #tpu.memory_space<vmem_shared>> -> memref<16x128xf32, #tpu.memory_space<vmem_shared>>
          tpu.wait_dma2 semaphore(%run_scoped3A : memref<!tpu.dma_semaphore, #tpu.memory_space<semaphore_mem>>) src(%dma_wait3A_75 : memref<16x128xf32, #tpu.memory_space<vmem_shared>>) dst(%dma_wait3A_72 : memref<16x128xf32, #tpu.memory_space<hbm>>)
          tpu.yield
        }) : () -> ()
      } else {
      }
    } else {
    }
    return
  }
}

module attributes {stable_mosaic.version = 14 : i64} {
  func.func @_k1a_body(%arg0: i32, %arg1: memref<400x128xf32, #tpu.memory_space<vmem>>, %arg2: memref<400x128xf32, #tpu.memory_space<vmem>>, %arg3: memref<8x256xf32, #tpu.memory_space<vmem>>, %arg4: memref<256x256xbf16, #tpu.memory_space<vmem>>, %arg5: memref<400x256xf32, #tpu.memory_space<vmem>>, %arg6: memref<8x256xf32, #tpu.memory_space<vmem>>) attributes {dimension_semantics = [#tpu.dimension_semantics<arbitrary>], iteration_bounds = array<i64: 25>, scalar_prefetch = 0 : i64, scratch_operands = 0 : i64, tpu.core_type = #tpu.core_type<tc>, window_params = [{transform_indices = @transform_0, window_bounds = array<i64: 400, 128>}, {transform_indices = @transform_1, window_bounds = array<i64: 400, 128>}, {pipeline_mode = #tpu.pipeline_mode<synchronous>, transform_indices = @transform_2, window_bounds = array<i64: 8, 256>}, {pipeline_mode = #tpu.pipeline_mode<synchronous>, transform_indices = @transform_3, window_bounds = array<i64: 256, 256>}, {transform_indices = @transform_4, window_bounds = array<i64: 400, 256>}, {pipeline_mode = #tpu.pipeline_mode<synchronous>, transform_indices = @transform_5, window_bounds = array<i64: 8, 256>}]} {
    %get3A = arith.constant 0 : index
    %get3A_0 = arith.constant 0 : index
    %get3A_1 = vector.load %arg1[%get3A, %get3A_0] : memref<400x128xf32, #tpu.memory_space<vmem>>, vector<400x128xf32>
    %get3A_2 = arith.constant 0 : index
    %get3A_3 = arith.constant 0 : index
    %get3A_4 = vector.load %arg2[%get3A_2, %get3A_3] : memref<400x128xf32, #tpu.memory_space<vmem>>, vector<400x128xf32>
    %concatenate3A = tpu.concatenate %get3A_1, %get3A_4 in 1 : vector<400x128xf32>, vector<400x128xf32> -> vector<400x256xf32>
    %get3A_5 = arith.constant 0 : index
    %get3A_6 = arith.constant 0 : index
    %get3A_7 = vector.load %arg3[%get3A_5, %get3A_6] : memref<8x256xf32, #tpu.memory_space<vmem>>, vector<1x256xf32>
    %add3A = vector.broadcast %get3A_7 : vector<1x256xf32> to vector<400x256xf32>
    %add3A_8 = arith.addf %concatenate3A, %add3A : vector<400x256xf32>
    %convert_element_type3A = arith.truncf %add3A_8 : vector<400x256xf32> to vector<400x256xbf16>
    %get3A_9 = arith.constant 0 : index
    %get3A_10 = arith.constant 0 : index
    %get3A_11 = vector.load %arg4[%get3A_9, %get3A_10] : memref<256x256xbf16, #tpu.memory_space<vmem>>, vector<256x256xbf16>
    %dot_general3A = arith.constant dense<0.000000e+00> : vector<400x256xf32>
    %dot_general3A_12 = tpu.matmul %convert_element_type3A, %get3A_11, %dot_general3A {dimension_numbers = #tpu.dot_dimension_numbers<[1], [0], [0], [1], [0, 0, 1, 1], [], []>, transpose_lhs_hint = false} : vector<400x256xbf16>, vector<256x256xbf16>, vector<400x256xf32> -> vector<400x256xf32>
    %swap3A = arith.constant 0 : index
    %swap3A_13 = arith.constant 0 : index
    %swap3A_14 = vector.load %arg5[%swap3A, %swap3A_13] : memref<400x256xf32, #tpu.memory_space<vmem>>, vector<400x256xf32>
    tpu.vector_store %arg5[%swap3A, %swap3A_13], %dot_general3A_12 {strides = array<i32>} : memref<400x256xf32, #tpu.memory_space<vmem>>, vector<400x256xf32>,
    %reduce_sum3A = arith.constant dense<0.000000e+00> : vector<256xf32>
    %reduce_sum3A_15 = vector.multi_reduction <add>, %concatenate3A, %reduce_sum3A [0] : vector<400x256xf32> to vector<256xf32>
    %broadcast_in_dim3A = vector.shape_cast %reduce_sum3A_15 : vector<256xf32> to vector<1x256xf32>
    %broadcast_in_dim3A_16 = arith.constant 0.000000e+00 : f32
    %broadcast_in_dim3A_17 = vector.broadcast %broadcast_in_dim3A_16 : f32 to vector<7x256xf32>
    %concatenate3A_18 = tpu.concatenate %broadcast_in_dim3A, %broadcast_in_dim3A_17 in 0 : vector<1x256xf32>, vector<7x256xf32> -> vector<8x256xf32>
    %eq3A = arith.constant 0 : i32
    %eq3A_19 = arith.cmpi eq, %arg0, %eq3A : i32
    %convert_element_type3A_20 = arith.extui %eq3A_19 : i1 to i32
    %cond3A = arith.constant 0 : i32
    %cond3A_21 = arith.cmpi ne, %convert_element_type3A_20, %cond3A : i32
    scf.if %cond3A_21 {
      %swap3A_26 = arith.constant 0 : index
      %swap3A_27 = arith.constant 0 : index
      %swap3A_28 = vector.load %arg6[%swap3A_26, %swap3A_27] : memref<8x256xf32, #tpu.memory_space<vmem>>, vector<8x256xf32>
      tpu.vector_store %arg6[%swap3A_26, %swap3A_27], %concatenate3A_18 {strides = array<i32>} : memref<8x256xf32, #tpu.memory_space<vmem>>, vector<8x256xf32>,
    } else {
    }
    %ne3A = arith.constant 0 : i32
    %ne3A_22 = arith.cmpi ne, %arg0, %ne3A : i32
    %convert_element_type3A_23 = arith.extui %ne3A_22 : i1 to i32
    %cond3A_24 = arith.constant 0 : i32
    %cond3A_25 = arith.cmpi ne, %convert_element_type3A_23, %cond3A_24 : i32
    scf.if %cond3A_25 {
      %get3A_26 = arith.constant 0 : index
      %get3A_27 = arith.constant 0 : index
      %get3A_28 = vector.load %arg6[%get3A_26, %get3A_27] : memref<8x256xf32, #tpu.memory_space<vmem>>, vector<8x256xf32>
      %add3A_29 = arith.addf %get3A_28, %concatenate3A_18 : vector<8x256xf32>
      %swap3A_30 = arith.constant 0 : index
      %swap3A_31 = arith.constant 0 : index
      %swap3A_32 = vector.load %arg6[%swap3A_30, %swap3A_31] : memref<8x256xf32, #tpu.memory_space<vmem>>, vector<8x256xf32>
      tpu.vector_store %arg6[%swap3A_30, %swap3A_31], %add3A_29 {strides = array<i32>} : memref<8x256xf32, #tpu.memory_space<vmem>>, vector<8x256xf32>,
    } else {
    }
    return
  }
  func.func @transform_0(%arg0: i32) -> (i32, i32) {
    %c0_i32 = arith.constant 0 : i32
    %c0_i32_0 = arith.constant 0 : i32
    return %arg0, %c0_i32 : i32, i32
  }
  func.func @transform_1(%arg0: i32) -> (i32, i32) {
    %c0_i32 = arith.constant 0 : i32
    %c0_i32_0 = arith.constant 0 : i32
    return %arg0, %c0_i32 : i32, i32
  }
  func.func @transform_2(%arg0: i32) -> (i32, i32) {
    %c0_i32 = arith.constant 0 : i32
    %c0_i32_0 = arith.constant 0 : i32
    %c0_i32_1 = arith.constant 0 : i32
    return %c0_i32, %c0_i32_0 : i32, i32
  }
  func.func @transform_3(%arg0: i32) -> (i32, i32) {
    %c0_i32 = arith.constant 0 : i32
    %c0_i32_0 = arith.constant 0 : i32
    %c0_i32_1 = arith.constant 0 : i32
    return %c0_i32, %c0_i32_0 : i32, i32
  }
  func.func @transform_4(%arg0: i32) -> (i32, i32) {
    %c0_i32 = arith.constant 0 : i32
    %c0_i32_0 = arith.constant 0 : i32
    return %arg0, %c0_i32 : i32, i32
  }
  func.func @transform_5(%arg0: i32) -> (i32, i32) {
    %c0_i32 = arith.constant 0 : i32
    %c0_i32_0 = arith.constant 0 : i32
    %c0_i32_1 = arith.constant 0 : i32
    return %c0_i32, %c0_i32_0 : i32, i32
  }
}

module attributes {stable_mosaic.version = 14 : i64} {
  func.func @_k1b_body(%arg0: i32, %arg1: memref<400x128xf32, #tpu.memory_space<vmem>>, %arg2: memref<400x128xf32, #tpu.memory_space<vmem>>, %arg3: memref<400x128xf32, #tpu.memory_space<vmem>>, %arg4: memref<400x128xf32, #tpu.memory_space<vmem>>, %arg5: memref<400x256xf32, #tpu.memory_space<vmem>>, %arg6: memref<8x256xf32, #tpu.memory_space<vmem>>, %arg7: memref<256x256xbf16, #tpu.memory_space<vmem>>, %arg8: memref<8x256xf32, #tpu.memory_space<vmem>>, %arg9: memref<400x256xf32, #tpu.memory_space<vmem>>, %arg10: memref<8x256xf32, #tpu.memory_space<vmem>>) attributes {dimension_semantics = [#tpu.dimension_semantics<arbitrary>], iteration_bounds = array<i64: 25>, scalar_prefetch = 0 : i64, scratch_operands = 0 : i64, tpu.core_type = #tpu.core_type<tc>, window_params = [{transform_indices = @transform_0, window_bounds = array<i64: 400, 128>}, {transform_indices = @transform_1, window_bounds = array<i64: 400, 128>}, {transform_indices = @transform_2, window_bounds = array<i64: 400, 128>}, {transform_indices = @transform_3, window_bounds = array<i64: 400, 128>}, {transform_indices = @transform_4, window_bounds = array<i64: 400, 256>}, {pipeline_mode = #tpu.pipeline_mode<synchronous>, transform_indices = @transform_5, window_bounds = array<i64: 8, 256>}, {pipeline_mode = #tpu.pipeline_mode<synchronous>, transform_indices = @transform_6, window_bounds = array<i64: 256, 256>}, {pipeline_mode = #tpu.pipeline_mode<synchronous>, transform_indices = @transform_7, window_bounds = array<i64: 8, 256>}, {transform_indices = @transform_8, window_bounds = array<i64: 400, 256>}, {pipeline_mode = #tpu.pipeline_mode<synchronous>, transform_indices = @transform_9, window_bounds = array<i64: 8, 256>}]} {
    %get3A = arith.constant 0 : index
    %get3A_0 = arith.constant 0 : index
    %get3A_1 = vector.load %arg3[%get3A, %get3A_0] : memref<400x128xf32, #tpu.memory_space<vmem>>, vector<400x1xf32>
    %get3A_2 = arith.constant 0 : index
    %get3A_3 = arith.constant 0 : index
    %get3A_4 = vector.load %arg4[%get3A_2, %get3A_3] : memref<400x128xf32, #tpu.memory_space<vmem>>, vector<400x1xf32>
    %add3A = arith.addf %get3A_1, %get3A_4 : vector<400x1xf32>
    %get3A_5 = arith.constant 0 : index
    %get3A_6 = arith.constant 0 : index
    %get3A_7 = vector.load %arg1[%get3A_5, %get3A_6] : memref<400x128xf32, #tpu.memory_space<vmem>>, vector<400x128xf32>
    %get3A_8 = arith.constant 0 : index
    %get3A_9 = arith.constant 0 : index
    %get3A_10 = vector.load %arg2[%get3A_8, %get3A_9] : memref<400x128xf32, #tpu.memory_space<vmem>>, vector<400x128xf32>
    %concatenate3A = tpu.concatenate %get3A_7, %get3A_10 in 1 : vector<400x128xf32>, vector<400x128xf32> -> vector<400x256xf32>
    %get3A_11 = arith.constant 0 : index
    %get3A_12 = arith.constant 0 : index
    %get3A_13 = vector.load %arg6[%get3A_11, %get3A_12] : memref<8x256xf32, #tpu.memory_space<vmem>>, vector<1x256xf32>
    %mul3A = vector.broadcast %add3A : vector<400x1xf32> to vector<400x256xf32>
    %mul3A_14 = vector.broadcast %get3A_13 : vector<1x256xf32> to vector<400x256xf32>
    %mul3A_15 = arith.mulf %mul3A, %mul3A_14 : vector<400x256xf32>
    %add3A_16 = arith.addf %concatenate3A, %mul3A_15 : vector<400x256xf32>
    %max3A = arith.constant 1.000000e+00 : f32
    %max3A_17 = vector.broadcast %max3A : f32 to vector<400x1xf32>
    %max3A_18 = arith.maximumf %add3A, %max3A_17 : vector<400x1xf32>
    %div3A = vector.broadcast %max3A_18 : vector<400x1xf32> to vector<400x256xf32>
    %div3A_19 = arith.divf %add3A_16, %div3A : vector<400x256xf32>
    %convert_element_type3A = arith.truncf %div3A_19 : vector<400x256xf32> to vector<400x256xbf16>
    %get3A_20 = arith.constant 0 : index
    %get3A_21 = arith.constant 0 : index
    %get3A_22 = vector.load %arg7[%get3A_20, %get3A_21] : memref<256x256xbf16, #tpu.memory_space<vmem>>, vector<256x256xbf16>
    %dot_general3A = arith.constant dense<0.000000e+00> : vector<400x256xf32>
    %dot_general3A_23 = tpu.matmul %convert_element_type3A, %get3A_22, %dot_general3A {dimension_numbers = #tpu.dot_dimension_numbers<[1], [0], [0], [1], [0, 0, 1, 1], [], []>, transpose_lhs_hint = false} : vector<400x256xbf16>, vector<256x256xbf16>, vector<400x256xf32> -> vector<400x256xf32>
    %get3A_24 = arith.constant 0 : index
    %get3A_25 = arith.constant 0 : index
    %get3A_26 = vector.load %arg8[%get3A_24, %get3A_25] : memref<8x256xf32, #tpu.memory_space<vmem>>, vector<1x256xf32>
    %add3A_27 = vector.broadcast %get3A_26 : vector<1x256xf32> to vector<400x256xf32>
    %add3A_28 = arith.addf %dot_general3A_23, %add3A_27 : vector<400x256xf32>
    %get3A_29 = arith.constant 0 : index
    %get3A_30 = arith.constant 0 : index
    %get3A_31 = vector.load %arg5[%get3A_29, %get3A_30] : memref<400x256xf32, #tpu.memory_space<vmem>>, vector<400x256xf32>
    %add3A_32 = arith.addf %add3A_28, %get3A_31 : vector<400x256xf32>
    %swap3A = arith.constant 0 : index
    %swap3A_33 = arith.constant 0 : index
    %swap3A_34 = vector.load %arg9[%swap3A, %swap3A_33] : memref<400x256xf32, #tpu.memory_space<vmem>>, vector<400x256xf32>
    tpu.vector_store %arg9[%swap3A, %swap3A_33], %add3A_32 {strides = array<i32>} : memref<400x256xf32, #tpu.memory_space<vmem>>, vector<400x256xf32>,
    %reduce_sum3A = arith.constant dense<0.000000e+00> : vector<256xf32>
    %reduce_sum3A_35 = vector.multi_reduction <add>, %add3A_32, %reduce_sum3A [0] : vector<400x256xf32> to vector<256xf32>
    %broadcast_in_dim3A = vector.shape_cast %reduce_sum3A_35 : vector<256xf32> to vector<1x256xf32>
    %mul3A_36 = arith.mulf %add3A_32, %add3A_32 : vector<400x256xf32>
    %reduce_sum3A_37 = arith.constant dense<0.000000e+00> : vector<256xf32>
    %reduce_sum3A_38 = vector.multi_reduction <add>, %mul3A_36, %reduce_sum3A_37 [0] : vector<400x256xf32> to vector<256xf32>
    %broadcast_in_dim3A_39 = vector.shape_cast %reduce_sum3A_38 : vector<256xf32> to vector<1x256xf32>
    %broadcast_in_dim3A_40 = arith.constant 0.000000e+00 : f32
    %broadcast_in_dim3A_41 = vector.broadcast %broadcast_in_dim3A_40 : f32 to vector<6x256xf32>
    %concatenate3A_42 = tpu.concatenate %broadcast_in_dim3A, %broadcast_in_dim3A_39, %broadcast_in_dim3A_41 in 0 : vector<1x256xf32>, vector<1x256xf32>, vector<6x256xf32> -> vector<8x256xf32>
    %eq3A = arith.constant 0 : i32
    %eq3A_43 = arith.cmpi eq, %arg0, %eq3A : i32
    %convert_element_type3A_44 = arith.extui %eq3A_43 : i1 to i32
    %cond3A = arith.constant 0 : i32
    %cond3A_45 = arith.cmpi ne, %convert_element_type3A_44, %cond3A : i32
    scf.if %cond3A_45 {
      %swap3A_50 = arith.constant 0 : index
      %swap3A_51 = arith.constant 0 : index
      %swap3A_52 = vector.load %arg10[%swap3A_50, %swap3A_51] : memref<8x256xf32, #tpu.memory_space<vmem>>, vector<8x256xf32>
      tpu.vector_store %arg10[%swap3A_50, %swap3A_51], %concatenate3A_42 {strides = array<i32>} : memref<8x256xf32, #tpu.memory_space<vmem>>, vector<8x256xf32>,
    } else {
    }
    %ne3A = arith.constant 0 : i32
    %ne3A_46 = arith.cmpi ne, %arg0, %ne3A : i32
    %convert_element_type3A_47 = arith.extui %ne3A_46 : i1 to i32
    %cond3A_48 = arith.constant 0 : i32
    %cond3A_49 = arith.cmpi ne, %convert_element_type3A_47, %cond3A_48 : i32
    scf.if %cond3A_49 {
      %get3A_50 = arith.constant 0 : index
      %get3A_51 = arith.constant 0 : index
      %get3A_52 = vector.load %arg10[%get3A_50, %get3A_51] : memref<8x256xf32, #tpu.memory_space<vmem>>, vector<8x256xf32>
      %add3A_53 = arith.addf %get3A_52, %concatenate3A_42 : vector<8x256xf32>
      %swap3A_54 = arith.constant 0 : index
      %swap3A_55 = arith.constant 0 : index
      %swap3A_56 = vector.load %arg10[%swap3A_54, %swap3A_55] : memref<8x256xf32, #tpu.memory_space<vmem>>, vector<8x256xf32>
      tpu.vector_store %arg10[%swap3A_54, %swap3A_55], %add3A_53 {strides = array<i32>} : memref<8x256xf32, #tpu.memory_space<vmem>>, vector<8x256xf32>,
    } else {
    }
    return
  }
  func.func @transform_0(%arg0: i32) -> (i32, i32) {
    %c0_i32 = arith.constant 0 : i32
    %c0_i32_0 = arith.constant 0 : i32
    return %arg0, %c0_i32 : i32, i32
  }
  func.func @transform_1(%arg0: i32) -> (i32, i32) {
    %c0_i32 = arith.constant 0 : i32
    %c0_i32_0 = arith.constant 0 : i32
    return %arg0, %c0_i32 : i32, i32
  }
  func.func @transform_2(%arg0: i32) -> (i32, i32) {
    %c0_i32 = arith.constant 0 : i32
    %c0_i32_0 = arith.constant 0 : i32
    return %arg0, %c0_i32 : i32, i32
  }
  func.func @transform_3(%arg0: i32) -> (i32, i32) {
    %c0_i32 = arith.constant 0 : i32
    %c0_i32_0 = arith.constant 0 : i32
    return %arg0, %c0_i32 : i32, i32
  }
  func.func @transform_4(%arg0: i32) -> (i32, i32) {
    %c0_i32 = arith.constant 0 : i32
    %c0_i32_0 = arith.constant 0 : i32
    return %arg0, %c0_i32 : i32, i32
  }
  func.func @transform_5(%arg0: i32) -> (i32, i32) {
    %c0_i32 = arith.constant 0 : i32
    %c0_i32_0 = arith.constant 0 : i32
    %c0_i32_1 = arith.constant 0 : i32
    return %c0_i32, %c0_i32_0 : i32, i32
  }
  func.func @transform_6(%arg0: i32) -> (i32, i32) {
    %c0_i32 = arith.constant 0 : i32
    %c0_i32_0 = arith.constant 0 : i32
    %c0_i32_1 = arith.constant 0 : i32
    return %c0_i32, %c0_i32_0 : i32, i32
  }
  func.func @transform_7(%arg0: i32) -> (i32, i32) {
    %c0_i32 = arith.constant 0 : i32
    %c0_i32_0 = arith.constant 0 : i32
    %c0_i32_1 = arith.constant 0 : i32
    return %c0_i32, %c0_i32_0 : i32, i32
  }
  func.func @transform_8(%arg0: i32) -> (i32, i32) {
    %c0_i32 = arith.constant 0 : i32
    %c0_i32_0 = arith.constant 0 : i32
    return %arg0, %c0_i32 : i32, i32
  }
  func.func @transform_9(%arg0: i32) -> (i32, i32) {
    %c0_i32 = arith.constant 0 : i32
    %c0_i32_0 = arith.constant 0 : i32
    %c0_i32_1 = arith.constant 0 : i32
    return %c0_i32, %c0_i32_0 : i32, i32
  }
}

module attributes {stable_mosaic.version = 14 : i64} {
  func.func @_k2_body_split(%arg0: i32, %arg1: memref<400x256xf32, #tpu.memory_space<vmem>>, %arg2: memref<8x256xf32, #tpu.memory_space<vmem>>, %arg3: memref<8x256xf32, #tpu.memory_space<vmem>>, %arg4: memref<400x128xf32, #tpu.memory_space<vmem>>, %arg5: memref<400x128xf32, #tpu.memory_space<vmem>>) attributes {dimension_semantics = [#tpu.dimension_semantics<arbitrary>], iteration_bounds = array<i64: 25>, scalar_prefetch = 0 : i64, scratch_operands = 0 : i64, tpu.core_type = #tpu.core_type<tc>, window_params = [{transform_indices = @transform_0, window_bounds = array<i64: 400, 256>}, {pipeline_mode = #tpu.pipeline_mode<synchronous>, transform_indices = @transform_1, window_bounds = array<i64: 8, 256>}, {pipeline_mode = #tpu.pipeline_mode<synchronous>, transform_indices = @transform_2, window_bounds = array<i64: 8, 256>}, {transform_indices = @transform_3, window_bounds = array<i64: 400, 128>}, {transform_indices = @transform_4, window_bounds = array<i64: 400, 128>}]} {
    %get3A = arith.constant 0 : index
    %get3A_0 = arith.constant 0 : index
    %get3A_1 = vector.load %arg2[%get3A, %get3A_0] : memref<8x256xf32, #tpu.memory_space<vmem>>, vector<1x256xf32>
    %mul3A = arith.constant 9.99999974E-5 : f32
    %mul3A_2 = vector.broadcast %mul3A : f32 to vector<1x256xf32>
    %mul3A_3 = arith.mulf %get3A_1, %mul3A_2 : vector<1x256xf32>
    %get3A_4 = arith.constant 1 : index
    %get3A_5 = arith.constant 0 : index
    %get3A_6 = vector.load %arg2[%get3A_4, %get3A_5] : memref<8x256xf32, #tpu.memory_space<vmem>>, vector<1x256xf32>
    %mul3A_7 = arith.constant 9.99999974E-5 : f32
    %mul3A_8 = vector.broadcast %mul3A_7 : f32 to vector<1x256xf32>
    %mul3A_9 = arith.mulf %get3A_6, %mul3A_8 : vector<1x256xf32>
    %mul3A_10 = arith.mulf %mul3A_3, %mul3A_3 : vector<1x256xf32>
    %sub3A = arith.subf %mul3A_9, %mul3A_10 : vector<1x256xf32>
    %get3A_11 = arith.constant 0 : index
    %get3A_12 = arith.constant 0 : index
    %get3A_13 = vector.load %arg3[%get3A_11, %get3A_12] : memref<8x256xf32, #tpu.memory_space<vmem>>, vector<1x256xf32>
    %get3A_14 = arith.constant 0 : index
    %get3A_15 = arith.constant 0 : index
    %get3A_16 = vector.load %arg1[%get3A_14, %get3A_15] : memref<400x256xf32, #tpu.memory_space<vmem>>, vector<400x256xf32>
    %sub3A_17 = vector.broadcast %mul3A_3 : vector<1x256xf32> to vector<400x256xf32>
    %sub3A_18 = arith.subf %get3A_16, %sub3A_17 : vector<400x256xf32>
    %mul3A_19 = vector.broadcast %get3A_13 : vector<1x256xf32> to vector<400x256xf32>
    %mul3A_20 = arith.mulf %mul3A_19, %sub3A_18 : vector<400x256xf32>
    %add3A = arith.constant 9.99999974E-6 : f32
    %add3A_21 = vector.broadcast %add3A : f32 to vector<1x256xf32>
    %add3A_22 = arith.addf %sub3A, %add3A_21 : vector<1x256xf32>
    %sqrt3A = math.sqrt %add3A_22 : vector<1x256xf32>
    %div3A = vector.broadcast %sqrt3A : vector<1x256xf32> to vector<400x256xf32>
    %div3A_23 = arith.divf %mul3A_20, %div3A : vector<400x256xf32>
    %get3A_24 = arith.constant 1 : index
    %get3A_25 = arith.constant 0 : index
    %get3A_26 = vector.load %arg3[%get3A_24, %get3A_25] : memref<8x256xf32, #tpu.memory_space<vmem>>, vector<1x256xf32>
    %add3A_27 = vector.broadcast %get3A_26 : vector<1x256xf32> to vector<400x256xf32>
    %add3A_28 = arith.addf %div3A_23, %add3A_27 : vector<400x256xf32>
    %max3A = arith.constant 0.000000e+00 : f32
    %max3A_29 = vector.broadcast %max3A : f32 to vector<400x256xf32>
    %max3A_30 = arith.maximumf %add3A_28, %max3A_29 : vector<400x256xf32>
    %slice3A = vector.extract_strided_slice %max3A_30 {offsets = [0, 0], sizes = [400, 128], strides = [1, 1]} : vector<400x256xf32> to vector<400x128xf32>
    %swap3A = arith.constant 0 : index
    %swap3A_31 = arith.constant 0 : index
    %swap3A_32 = vector.load %arg4[%swap3A, %swap3A_31] : memref<400x128xf32, #tpu.memory_space<vmem>>, vector<400x128xf32>
    tpu.vector_store %arg4[%swap3A, %swap3A_31], %slice3A {strides = array<i32>} : memref<400x128xf32, #tpu.memory_space<vmem>>, vector<400x128xf32>,
    %slice3A_33 = vector.extract_strided_slice %max3A_30 {offsets = [0, 128], sizes = [400, 128], strides = [1, 1]} : vector<400x256xf32> to vector<400x128xf32>
    %swap3A_34 = arith.constant 0 : index
    %swap3A_35 = arith.constant 0 : index
    %swap3A_36 = vector.load %arg5[%swap3A_34, %swap3A_35] : memref<400x128xf32, #tpu.memory_space<vmem>>, vector<400x128xf32>
    tpu.vector_store %arg5[%swap3A_34, %swap3A_35], %slice3A_33 {strides = array<i32>} : memref<400x128xf32, #tpu.memory_space<vmem>>, vector<400x128xf32>,
    return
  }
  func.func @transform_0(%arg0: i32) -> (i32, i32) {
    %c0_i32 = arith.constant 0 : i32
    %c0_i32_0 = arith.constant 0 : i32
    return %arg0, %c0_i32 : i32, i32
  }
  func.func @transform_1(%arg0: i32) -> (i32, i32) {
    %c0_i32 = arith.constant 0 : i32
    %c0_i32_0 = arith.constant 0 : i32
    %c0_i32_1 = arith.constant 0 : i32
    return %c0_i32, %c0_i32_0 : i32, i32
  }
  func.func @transform_2(%arg0: i32) -> (i32, i32) {
    %c0_i32 = arith.constant 0 : i32
    %c0_i32_0 = arith.constant 0 : i32
    %c0_i32_1 = arith.constant 0 : i32
    return %c0_i32, %c0_i32_0 : i32, i32
  }
  func.func @transform_3(%arg0: i32) -> (i32, i32) {
    %c0_i32 = arith.constant 0 : i32
    %c0_i32_0 = arith.constant 0 : i32
    return %arg0, %c0_i32 : i32, i32
  }
  func.func @transform_4(%arg0: i32) -> (i32, i32) {
    %c0_i32 = arith.constant 0 : i32
    %c0_i32_0 = arith.constant 0 : i32
    return %arg0, %c0_i32 : i32, i32
  }
}

module attributes {stable_mosaic.version = 14 : i64} {
  func.func @_k3_body(%arg0: memref<8x256xf32, #tpu.memory_space<vmem>>, %arg1: memref<8x256xf32, #tpu.memory_space<vmem>>, %arg2: memref<4x256x512xf32, #tpu.memory_space<vmem>>, %arg3: memref<4x512xf32, #tpu.memory_space<vmem>>, %arg4: memref<4x512xf32, #tpu.memory_space<vmem>>, %arg5: memref<4x512xf32, #tpu.memory_space<vmem>>, %arg6: memref<4x512x256xf32, #tpu.memory_space<vmem>>, %arg7: memref<4x256xf32, #tpu.memory_space<vmem>>, %arg8: memref<4x256xf32, #tpu.memory_space<vmem>>, %arg9: memref<4x256xf32, #tpu.memory_space<vmem>>, %arg10: memref<8x256xf32, #tpu.memory_space<vmem>>) attributes {dimension_semantics = [], scalar_prefetch = 0 : i64, scratch_operands = 0 : i64, tpu.core_type = #tpu.core_type<tc>} {
    %get3A = arith.constant 0 : index
    %get3A_0 = arith.constant 0 : index
    %get3A_1 = vector.load %arg0[%get3A, %get3A_0] : memref<8x256xf32, #tpu.memory_space<vmem>>, vector<1x256xf32>
    %get3A_2 = arith.constant 0 : index
    %get3A_3 = arith.constant 0 : index
    %get3A_4 = vector.load %arg1[%get3A_2, %get3A_3] : memref<8x256xf32, #tpu.memory_space<vmem>>, vector<1x256xf32>
    %add3A = arith.addf %get3A_1, %get3A_4 : vector<1x256xf32>
    %convert_element_type3A = arith.truncf %add3A : vector<1x256xf32> to vector<1x256xbf16>
    %convert_element_type3A_5 = arith.extf %convert_element_type3A : vector<1x256xbf16> to vector<1x256xf32>
    %get3A_6 = arith.constant 0 : index
    %get3A_7 = arith.constant 0 : index
    %get3A_8 = arith.constant 0 : index
    %get3A_9 = vector.load %arg2[%get3A_6, %get3A_7, %get3A_8] : memref<4x256x512xf32, #tpu.memory_space<vmem>>, vector<1x256x512xf32>
    %get3A_10 = vector.shape_cast %get3A_9 : vector<1x256x512xf32> to vector<256x512xf32>
    %convert_element_type3A_11 = arith.truncf %get3A_10 : vector<256x512xf32> to vector<256x512xbf16>
    %convert_element_type3A_12 = arith.extf %convert_element_type3A_11 : vector<256x512xbf16> to vector<256x512xf32>
    %squeeze3A = vector.shape_cast %convert_element_type3A_5 : vector<1x256xf32> to vector<256xf32>
    %broadcast_in_dim3A = vector.shape_cast %squeeze3A : vector<256xf32> to vector<256x1xf32>
    %mul3A = vector.broadcast %broadcast_in_dim3A : vector<256x1xf32> to vector<256x512xf32>
    %mul3A_13 = arith.mulf %convert_element_type3A_12, %mul3A : vector<256x512xf32>
    %reduce_sum3A = arith.constant dense<0.000000e+00> : vector<512xf32>
    %reduce_sum3A_14 = vector.multi_reduction <add>, %mul3A_13, %reduce_sum3A [0] : vector<256x512xf32> to vector<512xf32>
    %broadcast_in_dim3A_15 = vector.shape_cast %reduce_sum3A_14 : vector<512xf32> to vector<1x512xf32>
    %get3A_16 = arith.constant 0 : index
    %get3A_17 = arith.constant 0 : index
    %get3A_18 = vector.load %arg3[%get3A_16, %get3A_17] : memref<4x512xf32, #tpu.memory_space<vmem>>, vector<1x512xf32>
    %add3A_19 = arith.addf %broadcast_in_dim3A_15, %get3A_18 : vector<1x512xf32>
    %max3A = arith.constant 0.000000e+00 : f32
    %max3A_20 = vector.broadcast %max3A : f32 to vector<1x512xf32>
    %max3A_21 = arith.maximumf %add3A_19, %max3A_20 : vector<1x512xf32>
    %reduce_sum3A_22 = arith.constant dense<0.000000e+00> : vector<1xf32>
    %reduce_sum3A_23 = vector.multi_reduction <add>, %max3A_21, %reduce_sum3A_22 [1] : vector<1x512xf32> to vector<1xf32>
    %broadcast_in_dim3A_24 = vector.shape_cast %reduce_sum3A_23 : vector<1xf32> to vector<1x1xf32>
    %div3A = arith.constant 5.120000e+02 : f32
    %div3A_25 = vector.broadcast %div3A : f32 to vector<1x1xf32>
    %div3A_26 = arith.divf %broadcast_in_dim3A_24, %div3A_25 : vector<1x1xf32>
    %sub3A = vector.broadcast %div3A_26 : vector<1x1xf32> to vector<1x512xf32>
    %sub3A_27 = arith.subf %max3A_21, %sub3A : vector<1x512xf32>
    %integer_pow3A = arith.mulf %sub3A_27, %sub3A_27 : vector<1x512xf32>
    %reduce_sum3A_28 = arith.constant dense<0.000000e+00> : vector<1xf32>
    %reduce_sum3A_29 = vector.multi_reduction <add>, %integer_pow3A, %reduce_sum3A_28 [1] : vector<1x512xf32> to vector<1xf32>
    %broadcast_in_dim3A_30 = vector.shape_cast %reduce_sum3A_29 : vector<1xf32> to vector<1x1xf32>
    %div3A_31 = arith.constant 5.120000e+02 : f32
    %div3A_32 = vector.broadcast %div3A_31 : f32 to vector<1x1xf32>
    %div3A_33 = arith.divf %broadcast_in_dim3A_30, %div3A_32 : vector<1x1xf32>
    %get3A_34 = arith.constant 0 : index
    %get3A_35 = arith.constant 0 : index
    %get3A_36 = vector.load %arg4[%get3A_34, %get3A_35] : memref<4x512xf32, #tpu.memory_space<vmem>>, vector<1x512xf32>
    %sub3A_37 = vector.broadcast %div3A_26 : vector<1x1xf32> to vector<1x512xf32>
    %sub3A_38 = arith.subf %max3A_21, %sub3A_37 : vector<1x512xf32>
    %mul3A_39 = arith.mulf %get3A_36, %sub3A_38 : vector<1x512xf32>
    %add3A_40 = arith.constant 9.99999974E-6 : f32
    %add3A_41 = vector.broadcast %add3A_40 : f32 to vector<1x1xf32>
    %add3A_42 = arith.addf %div3A_33, %add3A_41 : vector<1x1xf32>
    %sqrt3A = math.sqrt %add3A_42 : vector<1x1xf32>
    %div3A_43 = vector.broadcast %sqrt3A : vector<1x1xf32> to vector<1x512xf32>
    %div3A_44 = arith.divf %mul3A_39, %div3A_43 : vector<1x512xf32>
    %get3A_45 = arith.constant 0 : index
    %get3A_46 = arith.constant 0 : index
    %get3A_47 = vector.load %arg5[%get3A_45, %get3A_46] : memref<4x512xf32, #tpu.memory_space<vmem>>, vector<1x512xf32>
    %add3A_48 = arith.addf %div3A_44, %get3A_47 : vector<1x512xf32>
    %convert_element_type3A_49 = arith.truncf %add3A_48 : vector<1x512xf32> to vector<1x512xbf16>
    %convert_element_type3A_50 = arith.extf %convert_element_type3A_49 : vector<1x512xbf16> to vector<1x512xf32>
    %get3A_51 = arith.constant 0 : index
    %get3A_52 = arith.constant 0 : index
    %get3A_53 = arith.constant 0 : index
    %get3A_54 = vector.load %arg6[%get3A_51, %get3A_52, %get3A_53] : memref<4x512x256xf32, #tpu.memory_space<vmem>>, vector<1x512x256xf32>
    %get3A_55 = vector.shape_cast %get3A_54 : vector<1x512x256xf32> to vector<512x256xf32>
    %convert_element_type3A_56 = arith.truncf %get3A_55 : vector<512x256xf32> to vector<512x256xbf16>
    %convert_element_type3A_57 = arith.extf %convert_element_type3A_56 : vector<512x256xbf16> to vector<512x256xf32>
    %squeeze3A_58 = vector.shape_cast %convert_element_type3A_50 : vector<1x512xf32> to vector<512xf32>
    %broadcast_in_dim3A_59 = vector.shape_cast %squeeze3A_58 : vector<512xf32> to vector<512x1xf32>
    %mul3A_60 = vector.broadcast %broadcast_in_dim3A_59 : vector<512x1xf32> to vector<512x256xf32>
    %mul3A_61 = arith.mulf %convert_element_type3A_57, %mul3A_60 : vector<512x256xf32>
    %reduce_sum3A_62 = arith.constant dense<0.000000e+00> : vector<256xf32>
    %reduce_sum3A_63 = vector.multi_reduction <add>, %mul3A_61, %reduce_sum3A_62 [0] : vector<512x256xf32> to vector<256xf32>
    %broadcast_in_dim3A_64 = vector.shape_cast %reduce_sum3A_63 : vector<256xf32> to vector<1x256xf32>
    %get3A_65 = arith.constant 0 : index
    %get3A_66 = arith.constant 0 : index
    %get3A_67 = vector.load %arg7[%get3A_65, %get3A_66] : memref<4x256xf32, #tpu.memory_space<vmem>>, vector<1x256xf32>
    %add3A_68 = arith.addf %broadcast_in_dim3A_64, %get3A_67 : vector<1x256xf32>
    %max3A_69 = arith.constant 0.000000e+00 : f32
    %max3A_70 = vector.broadcast %max3A_69 : f32 to vector<1x256xf32>
    %max3A_71 = arith.maximumf %add3A_68, %max3A_70 : vector<1x256xf32>
    %reduce_sum3A_72 = arith.constant dense<0.000000e+00> : vector<1xf32>
    %reduce_sum3A_73 = vector.multi_reduction <add>, %max3A_71, %reduce_sum3A_72 [1] : vector<1x256xf32> to vector<1xf32>
    %broadcast_in_dim3A_74 = vector.shape_cast %reduce_sum3A_73 : vector<1xf32> to vector<1x1xf32>
    %div3A_75 = arith.constant 2.560000e+02 : f32
    %div3A_76 = vector.broadcast %div3A_75 : f32 to vector<1x1xf32>
    %div3A_77 = arith.divf %broadcast_in_dim3A_74, %div3A_76 : vector<1x1xf32>
    %sub3A_78 = vector.broadcast %div3A_77 : vector<1x1xf32> to vector<1x256xf32>
    %sub3A_79 = arith.subf %max3A_71, %sub3A_78 : vector<1x256xf32>
    %integer_pow3A_80 = arith.mulf %sub3A_79, %sub3A_79 : vector<1x256xf32>
    %reduce_sum3A_81 = arith.constant dense<0.000000e+00> : vector<1xf32>
    %reduce_sum3A_82 = vector.multi_reduction <add>, %integer_pow3A_80, %reduce_sum3A_81 [1] : vector<1x256xf32> to vector<1xf32>
    %broadcast_in_dim3A_83 = vector.shape_cast %reduce_sum3A_82 : vector<1xf32> to vector<1x1xf32>
    %div3A_84 = arith.constant 2.560000e+02 : f32
    %div3A_85 = vector.broadcast %div3A_84 : f32 to vector<1x1xf32>
    %div3A_86 = arith.divf %broadcast_in_dim3A_83, %div3A_85 : vector<1x1xf32>
    %get3A_87 = arith.constant 0 : index
    %get3A_88 = arith.constant 0 : index
    %get3A_89 = vector.load %arg8[%get3A_87, %get3A_88] : memref<4x256xf32, #tpu.memory_space<vmem>>, vector<1x256xf32>
    %sub3A_90 = vector.broadcast %div3A_77 : vector<1x1xf32> to vector<1x256xf32>
    %sub3A_91 = arith.subf %max3A_71, %sub3A_90 : vector<1x256xf32>
    %mul3A_92 = arith.mulf %get3A_89, %sub3A_91 : vector<1x256xf32>
    %add3A_93 = arith.constant 9.99999974E-6 : f32
    %add3A_94 = vector.broadcast %add3A_93 : f32 to vector<1x1xf32>
    %add3A_95 = arith.addf %div3A_86, %add3A_94 : vector<1x1xf32>
    %sqrt3A_96 = math.sqrt %add3A_95 : vector<1x1xf32>
    %div3A_97 = vector.broadcast %sqrt3A_96 : vector<1x1xf32> to vector<1x256xf32>
    %div3A_98 = arith.divf %mul3A_92, %div3A_97 : vector<1x256xf32>
    %get3A_99 = arith.constant 0 : index
    %get3A_100 = arith.constant 0 : index
    %get3A_101 = vector.load %arg9[%get3A_99, %get3A_100] : memref<4x256xf32, #tpu.memory_space<vmem>>, vector<1x256xf32>
    %add3A_102 = arith.addf %div3A_98, %get3A_101 : vector<1x256xf32>
    %get3A_103 = arith.constant 1 : index
    %get3A_104 = arith.constant 0 : index
    %get3A_105 = vector.load %arg1[%get3A_103, %get3A_104] : memref<8x256xf32, #tpu.memory_space<vmem>>, vector<1x256xf32>
    %add3A_106 = arith.addf %get3A_1, %get3A_105 : vector<1x256xf32>
    %convert_element_type3A_107 = arith.truncf %add3A_106 : vector<1x256xf32> to vector<1x256xbf16>
    %convert_element_type3A_108 = arith.extf %convert_element_type3A_107 : vector<1x256xbf16> to vector<1x256xf32>
    %get3A_109 = arith.constant 1 : index
    %get3A_110 = arith.constant 0 : index
    %get3A_111 = arith.constant 0 : index
    %get3A_112 = vector.load %arg2[%get3A_109, %get3A_110, %get3A_111] : memref<4x256x512xf32, #tpu.memory_space<vmem>>, vector<1x256x512xf32>
    %get3A_113 = vector.shape_cast %get3A_112 : vector<1x256x512xf32> to vector<256x512xf32>
    %convert_element_type3A_114 = arith.truncf %get3A_113 : vector<256x512xf32> to vector<256x512xbf16>
    %convert_element_type3A_115 = arith.extf %convert_element_type3A_114 : vector<256x512xbf16> to vector<256x512xf32>
    %squeeze3A_116 = vector.shape_cast %convert_element_type3A_108 : vector<1x256xf32> to vector<256xf32>
    %broadcast_in_dim3A_117 = vector.shape_cast %squeeze3A_116 : vector<256xf32> to vector<256x1xf32>
    %mul3A_118 = vector.broadcast %broadcast_in_dim3A_117 : vector<256x1xf32> to vector<256x512xf32>
    %mul3A_119 = arith.mulf %convert_element_type3A_115, %mul3A_118 : vector<256x512xf32>
    %reduce_sum3A_120 = arith.constant dense<0.000000e+00> : vector<512xf32>
    %reduce_sum3A_121 = vector.multi_reduction <add>, %mul3A_119, %reduce_sum3A_120 [0] : vector<256x512xf32> to vector<512xf32>
    %broadcast_in_dim3A_122 = vector.shape_cast %reduce_sum3A_121 : vector<512xf32> to vector<1x512xf32>
    %get3A_123 = arith.constant 1 : index
    %get3A_124 = arith.constant 0 : index
    %get3A_125 = vector.load %arg3[%get3A_123, %get3A_124] : memref<4x512xf32, #tpu.memory_space<vmem>>, vector<1x512xf32>
    %add3A_126 = arith.addf %broadcast_in_dim3A_122, %get3A_125 : vector<1x512xf32>
    %max3A_127 = arith.constant 0.000000e+00 : f32
    %max3A_128 = vector.broadcast %max3A_127 : f32 to vector<1x512xf32>
    %max3A_129 = arith.maximumf %add3A_126, %max3A_128 : vector<1x512xf32>
    %reduce_sum3A_130 = arith.constant dense<0.000000e+00> : vector<1xf32>
    %reduce_sum3A_131 = vector.multi_reduction <add>, %max3A_129, %reduce_sum3A_130 [1] : vector<1x512xf32> to vector<1xf32>
    %broadcast_in_dim3A_132 = vector.shape_cast %reduce_sum3A_131 : vector<1xf32> to vector<1x1xf32>
    %div3A_133 = arith.constant 5.120000e+02 : f32
    %div3A_134 = vector.broadcast %div3A_133 : f32 to vector<1x1xf32>
    %div3A_135 = arith.divf %broadcast_in_dim3A_132, %div3A_134 : vector<1x1xf32>
    %sub3A_136 = vector.broadcast %div3A_135 : vector<1x1xf32> to vector<1x512xf32>
    %sub3A_137 = arith.subf %max3A_129, %sub3A_136 : vector<1x512xf32>
    %integer_pow3A_138 = arith.mulf %sub3A_137, %sub3A_137 : vector<1x512xf32>
    %reduce_sum3A_139 = arith.constant dense<0.000000e+00> : vector<1xf32>
    %reduce_sum3A_140 = vector.multi_reduction <add>, %integer_pow3A_138, %reduce_sum3A_139 [1] : vector<1x512xf32> to vector<1xf32>
    %broadcast_in_dim3A_141 = vector.shape_cast %reduce_sum3A_140 : vector<1xf32> to vector<1x1xf32>
    %div3A_142 = arith.constant 5.120000e+02 : f32
    %div3A_143 = vector.broadcast %div3A_142 : f32 to vector<1x1xf32>
    %div3A_144 = arith.divf %broadcast_in_dim3A_141, %div3A_143 : vector<1x1xf32>
    %get3A_145 = arith.constant 1 : index
    %get3A_146 = arith.constant 0 : index
    %get3A_147 = vector.load %arg4[%get3A_145, %get3A_146] : memref<4x512xf32, #tpu.memory_space<vmem>>, vector<1x512xf32>
    %sub3A_148 = vector.broadcast %div3A_135 : vector<1x1xf32> to vector<1x512xf32>
    %sub3A_149 = arith.subf %max3A_129, %sub3A_148 : vector<1x512xf32>
    %mul3A_150 = arith.mulf %get3A_147, %sub3A_149 : vector<1x512xf32>
    %add3A_151 = arith.constant 9.99999974E-6 : f32
    %add3A_152 = vector.broadcast %add3A_151 : f32 to vector<1x1xf32>
    %add3A_153 = arith.addf %div3A_144, %add3A_152 : vector<1x1xf32>
    %sqrt3A_154 = math.sqrt %add3A_153 : vector<1x1xf32>
    %div3A_155 = vector.broadcast %sqrt3A_154 : vector<1x1xf32> to vector<1x512xf32>
    %div3A_156 = arith.divf %mul3A_150, %div3A_155 : vector<1x512xf32>
    %get3A_157 = arith.constant 1 : index
    %get3A_158 = arith.constant 0 : index
    %get3A_159 = vector.load %arg5[%get3A_157, %get3A_158] : memref<4x512xf32, #tpu.memory_space<vmem>>, vector<1x512xf32>
    %add3A_160 = arith.addf %div3A_156, %get3A_159 : vector<1x512xf32>
    %convert_element_type3A_161 = arith.truncf %add3A_160 : vector<1x512xf32> to vector<1x512xbf16>
    %convert_element_type3A_162 = arith.extf %convert_element_type3A_161 : vector<1x512xbf16> to vector<1x512xf32>
    %get3A_163 = arith.constant 1 : index
    %get3A_164 = arith.constant 0 : index
    %get3A_165 = arith.constant 0 : index
    %get3A_166 = vector.load %arg6[%get3A_163, %get3A_164, %get3A_165] : memref<4x512x256xf32, #tpu.memory_space<vmem>>, vector<1x512x256xf32>
    %get3A_167 = vector.shape_cast %get3A_166 : vector<1x512x256xf32> to vector<512x256xf32>
    %convert_element_type3A_168 = arith.truncf %get3A_167 : vector<512x256xf32> to vector<512x256xbf16>
    %convert_element_type3A_169 = arith.extf %convert_element_type3A_168 : vector<512x256xbf16> to vector<512x256xf32>
    %squeeze3A_170 = vector.shape_cast %convert_element_type3A_162 : vector<1x512xf32> to vector<512xf32>
    %broadcast_in_dim3A_171 = vector.shape_cast %squeeze3A_170 : vector<512xf32> to vector<512x1xf32>
    %mul3A_172 = vector.broadcast %broadcast_in_dim3A_171 : vector<512x1xf32> to vector<512x256xf32>
    %mul3A_173 = arith.mulf %convert_element_type3A_169, %mul3A_172 : vector<512x256xf32>
    %reduce_sum3A_174 = arith.constant dense<0.000000e+00> : vector<256xf32>
    %reduce_sum3A_175 = vector.multi_reduction <add>, %mul3A_173, %reduce_sum3A_174 [0] : vector<512x256xf32> to vector<256xf32>
    %broadcast_in_dim3A_176 = vector.shape_cast %reduce_sum3A_175 : vector<256xf32> to vector<1x256xf32>
    %get3A_177 = arith.constant 1 : index
    %get3A_178 = arith.constant 0 : index
    %get3A_179 = vector.load %arg7[%get3A_177, %get3A_178] : memref<4x256xf32, #tpu.memory_space<vmem>>, vector<1x256xf32>
    %add3A_180 = arith.addf %broadcast_in_dim3A_176, %get3A_179 : vector<1x256xf32>
    %max3A_181 = arith.constant 0.000000e+00 : f32
    %max3A_182 = vector.broadcast %max3A_181 : f32 to vector<1x256xf32>
    %max3A_183 = arith.maximumf %add3A_180, %max3A_182 : vector<1x256xf32>
    %reduce_sum3A_184 = arith.constant dense<0.000000e+00> : vector<1xf32>
    %reduce_sum3A_185 = vector.multi_reduction <add>, %max3A_183, %reduce_sum3A_184 [1] : vector<1x256xf32> to vector<1xf32>
    %broadcast_in_dim3A_186 = vector.shape_cast %reduce_sum3A_185 : vector<1xf32> to vector<1x1xf32>
    %div3A_187 = arith.constant 2.560000e+02 : f32
    %div3A_188 = vector.broadcast %div3A_187 : f32 to vector<1x1xf32>
    %div3A_189 = arith.divf %broadcast_in_dim3A_186, %div3A_188 : vector<1x1xf32>
    %sub3A_190 = vector.broadcast %div3A_189 : vector<1x1xf32> to vector<1x256xf32>
    %sub3A_191 = arith.subf %max3A_183, %sub3A_190 : vector<1x256xf32>
    %integer_pow3A_192 = arith.mulf %sub3A_191, %sub3A_191 : vector<1x256xf32>
    %reduce_sum3A_193 = arith.constant dense<0.000000e+00> : vector<1xf32>
    %reduce_sum3A_194 = vector.multi_reduction <add>, %integer_pow3A_192, %reduce_sum3A_193 [1] : vector<1x256xf32> to vector<1xf32>
    %broadcast_in_dim3A_195 = vector.shape_cast %reduce_sum3A_194 : vector<1xf32> to vector<1x1xf32>
    %div3A_196 = arith.constant 2.560000e+02 : f32
    %div3A_197 = vector.broadcast %div3A_196 : f32 to vector<1x1xf32>
    %div3A_198 = arith.divf %broadcast_in_dim3A_195, %div3A_197 : vector<1x1xf32>
    %get3A_199 = arith.constant 1 : index
    %get3A_200 = arith.constant 0 : index
    %get3A_201 = vector.load %arg8[%get3A_199, %get3A_200] : memref<4x256xf32, #tpu.memory_space<vmem>>, vector<1x256xf32>
    %sub3A_202 = vector.broadcast %div3A_189 : vector<1x1xf32> to vector<1x256xf32>
    %sub3A_203 = arith.subf %max3A_183, %sub3A_202 : vector<1x256xf32>
    %mul3A_204 = arith.mulf %get3A_201, %sub3A_203 : vector<1x256xf32>
    %add3A_205 = arith.constant 9.99999974E-6 : f32
    %add3A_206 = vector.broadcast %add3A_205 : f32 to vector<1x1xf32>
    %add3A_207 = arith.addf %div3A_198, %add3A_206 : vector<1x1xf32>
    %sqrt3A_208 = math.sqrt %add3A_207 : vector<1x1xf32>
    %div3A_209 = vector.broadcast %sqrt3A_208 : vector<1x1xf32> to vector<1x256xf32>
    %div3A_210 = arith.divf %mul3A_204, %div3A_209 : vector<1x256xf32>
    %get3A_211 = arith.constant 1 : index
    %get3A_212 = arith.constant 0 : index
    %get3A_213 = vector.load %arg9[%get3A_211, %get3A_212] : memref<4x256xf32, #tpu.memory_space<vmem>>, vector<1x256xf32>
    %add3A_214 = arith.addf %div3A_210, %get3A_213 : vector<1x256xf32>
    %get3A_215 = arith.constant 2 : index
    %get3A_216 = arith.constant 0 : index
    %get3A_217 = vector.load %arg1[%get3A_215, %get3A_216] : memref<8x256xf32, #tpu.memory_space<vmem>>, vector<1x256xf32>
    %add3A_218 = arith.addf %get3A_1, %get3A_217 : vector<1x256xf32>
    %convert_element_type3A_219 = arith.truncf %add3A_218 : vector<1x256xf32> to vector<1x256xbf16>
    %convert_element_type3A_220 = arith.extf %convert_element_type3A_219 : vector<1x256xbf16> to vector<1x256xf32>
    %get3A_221 = arith.constant 2 : index
    %get3A_222 = arith.constant 0 : index
    %get3A_223 = arith.constant 0 : index
    %get3A_224 = vector.load %arg2[%get3A_221, %get3A_222, %get3A_223] : memref<4x256x512xf32, #tpu.memory_space<vmem>>, vector<1x256x512xf32>
    %get3A_225 = vector.shape_cast %get3A_224 : vector<1x256x512xf32> to vector<256x512xf32>
    %convert_element_type3A_226 = arith.truncf %get3A_225 : vector<256x512xf32> to vector<256x512xbf16>
    %convert_element_type3A_227 = arith.extf %convert_element_type3A_226 : vector<256x512xbf16> to vector<256x512xf32>
    %squeeze3A_228 = vector.shape_cast %convert_element_type3A_220 : vector<1x256xf32> to vector<256xf32>
    %broadcast_in_dim3A_229 = vector.shape_cast %squeeze3A_228 : vector<256xf32> to vector<256x1xf32>
    %mul3A_230 = vector.broadcast %broadcast_in_dim3A_229 : vector<256x1xf32> to vector<256x512xf32>
    %mul3A_231 = arith.mulf %convert_element_type3A_227, %mul3A_230 : vector<256x512xf32>
    %reduce_sum3A_232 = arith.constant dense<0.000000e+00> : vector<512xf32>
    %reduce_sum3A_233 = vector.multi_reduction <add>, %mul3A_231, %reduce_sum3A_232 [0] : vector<256x512xf32> to vector<512xf32>
    %broadcast_in_dim3A_234 = vector.shape_cast %reduce_sum3A_233 : vector<512xf32> to vector<1x512xf32>
    %get3A_235 = arith.constant 2 : index
    %get3A_236 = arith.constant 0 : index
    %get3A_237 = vector.load %arg3[%get3A_235, %get3A_236] : memref<4x512xf32, #tpu.memory_space<vmem>>, vector<1x512xf32>
    %add3A_238 = arith.addf %broadcast_in_dim3A_234, %get3A_237 : vector<1x512xf32>
    %max3A_239 = arith.constant 0.000000e+00 : f32
    %max3A_240 = vector.broadcast %max3A_239 : f32 to vector<1x512xf32>
    %max3A_241 = arith.maximumf %add3A_238, %max3A_240 : vector<1x512xf32>
    %reduce_sum3A_242 = arith.constant dense<0.000000e+00> : vector<1xf32>
    %reduce_sum3A_243 = vector.multi_reduction <add>, %max3A_241, %reduce_sum3A_242 [1] : vector<1x512xf32> to vector<1xf32>
    %broadcast_in_dim3A_244 = vector.shape_cast %reduce_sum3A_243 : vector<1xf32> to vector<1x1xf32>
    %div3A_245 = arith.constant 5.120000e+02 : f32
    %div3A_246 = vector.broadcast %div3A_245 : f32 to vector<1x1xf32>
    %div3A_247 = arith.divf %broadcast_in_dim3A_244, %div3A_246 : vector<1x1xf32>
    %sub3A_248 = vector.broadcast %div3A_247 : vector<1x1xf32> to vector<1x512xf32>
    %sub3A_249 = arith.subf %max3A_241, %sub3A_248 : vector<1x512xf32>
    %integer_pow3A_250 = arith.mulf %sub3A_249, %sub3A_249 : vector<1x512xf32>
    %reduce_sum3A_251 = arith.constant dense<0.000000e+00> : vector<1xf32>
    %reduce_sum3A_252 = vector.multi_reduction <add>, %integer_pow3A_250, %reduce_sum3A_251 [1] : vector<1x512xf32> to vector<1xf32>
    %broadcast_in_dim3A_253 = vector.shape_cast %reduce_sum3A_252 : vector<1xf32> to vector<1x1xf32>
    %div3A_254 = arith.constant 5.120000e+02 : f32
    %div3A_255 = vector.broadcast %div3A_254 : f32 to vector<1x1xf32>
    %div3A_256 = arith.divf %broadcast_in_dim3A_253, %div3A_255 : vector<1x1xf32>
    %get3A_257 = arith.constant 2 : index
    %get3A_258 = arith.constant 0 : index
    %get3A_259 = vector.load %arg4[%get3A_257, %get3A_258] : memref<4x512xf32, #tpu.memory_space<vmem>>, vector<1x512xf32>
    %sub3A_260 = vector.broadcast %div3A_247 : vector<1x1xf32> to vector<1x512xf32>
    %sub3A_261 = arith.subf %max3A_241, %sub3A_260 : vector<1x512xf32>
    %mul3A_262 = arith.mulf %get3A_259, %sub3A_261 : vector<1x512xf32>
    %add3A_263 = arith.constant 9.99999974E-6 : f32
    %add3A_264 = vector.broadcast %add3A_263 : f32 to vector<1x1xf32>
    %add3A_265 = arith.addf %div3A_256, %add3A_264 : vector<1x1xf32>
    %sqrt3A_266 = math.sqrt %add3A_265 : vector<1x1xf32>
    %div3A_267 = vector.broadcast %sqrt3A_266 : vector<1x1xf32> to vector<1x512xf32>
    %div3A_268 = arith.divf %mul3A_262, %div3A_267 : vector<1x512xf32>
    %get3A_269 = arith.constant 2 : index
    %get3A_270 = arith.constant 0 : index
    %get3A_271 = vector.load %arg5[%get3A_269, %get3A_270] : memref<4x512xf32, #tpu.memory_space<vmem>>, vector<1x512xf32>
    %add3A_272 = arith.addf %div3A_268, %get3A_271 : vector<1x512xf32>
    %convert_element_type3A_273 = arith.truncf %add3A_272 : vector<1x512xf32> to vector<1x512xbf16>
    %convert_element_type3A_274 = arith.extf %convert_element_type3A_273 : vector<1x512xbf16> to vector<1x512xf32>
    %get3A_275 = arith.constant 2 : index
    %get3A_276 = arith.constant 0 : index
    %get3A_277 = arith.constant 0 : index
    %get3A_278 = vector.load %arg6[%get3A_275, %get3A_276, %get3A_277] : memref<4x512x256xf32, #tpu.memory_space<vmem>>, vector<1x512x256xf32>
    %get3A_279 = vector.shape_cast %get3A_278 : vector<1x512x256xf32> to vector<512x256xf32>
    %convert_element_type3A_280 = arith.truncf %get3A_279 : vector<512x256xf32> to vector<512x256xbf16>
    %convert_element_type3A_281 = arith.extf %convert_element_type3A_280 : vector<512x256xbf16> to vector<512x256xf32>
    %squeeze3A_282 = vector.shape_cast %convert_element_type3A_274 : vector<1x512xf32> to vector<512xf32>
    %broadcast_in_dim3A_283 = vector.shape_cast %squeeze3A_282 : vector<512xf32> to vector<512x1xf32>
    %mul3A_284 = vector.broadcast %broadcast_in_dim3A_283 : vector<512x1xf32> to vector<512x256xf32>
    %mul3A_285 = arith.mulf %convert_element_type3A_281, %mul3A_284 : vector<512x256xf32>
    %reduce_sum3A_286 = arith.constant dense<0.000000e+00> : vector<256xf32>
    %reduce_sum3A_287 = vector.multi_reduction <add>, %mul3A_285, %reduce_sum3A_286 [0] : vector<512x256xf32> to vector<256xf32>
    %broadcast_in_dim3A_288 = vector.shape_cast %reduce_sum3A_287 : vector<256xf32> to vector<1x256xf32>
    %get3A_289 = arith.constant 2 : index
    %get3A_290 = arith.constant 0 : index
    %get3A_291 = vector.load %arg7[%get3A_289, %get3A_290] : memref<4x256xf32, #tpu.memory_space<vmem>>, vector<1x256xf32>
    %add3A_292 = arith.addf %broadcast_in_dim3A_288, %get3A_291 : vector<1x256xf32>
    %max3A_293 = arith.constant 0.000000e+00 : f32
    %max3A_294 = vector.broadcast %max3A_293 : f32 to vector<1x256xf32>
    %max3A_295 = arith.maximumf %add3A_292, %max3A_294 : vector<1x256xf32>
    %reduce_sum3A_296 = arith.constant dense<0.000000e+00> : vector<1xf32>
    %reduce_sum3A_297 = vector.multi_reduction <add>, %max3A_295, %reduce_sum3A_296 [1] : vector<1x256xf32> to vector<1xf32>
    %broadcast_in_dim3A_298 = vector.shape_cast %reduce_sum3A_297 : vector<1xf32> to vector<1x1xf32>
    %div3A_299 = arith.constant 2.560000e+02 : f32
    %div3A_300 = vector.broadcast %div3A_299 : f32 to vector<1x1xf32>
    %div3A_301 = arith.divf %broadcast_in_dim3A_298, %div3A_300 : vector<1x1xf32>
    %sub3A_302 = vector.broadcast %div3A_301 : vector<1x1xf32> to vector<1x256xf32>
    %sub3A_303 = arith.subf %max3A_295, %sub3A_302 : vector<1x256xf32>
    %integer_pow3A_304 = arith.mulf %sub3A_303, %sub3A_303 : vector<1x256xf32>
    %reduce_sum3A_305 = arith.constant dense<0.000000e+00> : vector<1xf32>
    %reduce_sum3A_306 = vector.multi_reduction <add>, %integer_pow3A_304, %reduce_sum3A_305 [1] : vector<1x256xf32> to vector<1xf32>
    %broadcast_in_dim3A_307 = vector.shape_cast %reduce_sum3A_306 : vector<1xf32> to vector<1x1xf32>
    %div3A_308 = arith.constant 2.560000e+02 : f32
    %div3A_309 = vector.broadcast %div3A_308 : f32 to vector<1x1xf32>
    %div3A_310 = arith.divf %broadcast_in_dim3A_307, %div3A_309 : vector<1x1xf32>
    %get3A_311 = arith.constant 2 : index
    %get3A_312 = arith.constant 0 : index
    %get3A_313 = vector.load %arg8[%get3A_311, %get3A_312] : memref<4x256xf32, #tpu.memory_space<vmem>>, vector<1x256xf32>
    %sub3A_314 = vector.broadcast %div3A_301 : vector<1x1xf32> to vector<1x256xf32>
    %sub3A_315 = arith.subf %max3A_295, %sub3A_314 : vector<1x256xf32>
    %mul3A_316 = arith.mulf %get3A_313, %sub3A_315 : vector<1x256xf32>
    %add3A_317 = arith.constant 9.99999974E-6 : f32
    %add3A_318 = vector.broadcast %add3A_317 : f32 to vector<1x1xf32>
    %add3A_319 = arith.addf %div3A_310, %add3A_318 : vector<1x1xf32>
    %sqrt3A_320 = math.sqrt %add3A_319 : vector<1x1xf32>
    %div3A_321 = vector.broadcast %sqrt3A_320 : vector<1x1xf32> to vector<1x256xf32>
    %div3A_322 = arith.divf %mul3A_316, %div3A_321 : vector<1x256xf32>
    %get3A_323 = arith.constant 2 : index
    %get3A_324 = arith.constant 0 : index
    %get3A_325 = vector.load %arg9[%get3A_323, %get3A_324] : memref<4x256xf32, #tpu.memory_space<vmem>>, vector<1x256xf32>
    %add3A_326 = arith.addf %div3A_322, %get3A_325 : vector<1x256xf32>
    %get3A_327 = arith.constant 3 : index
    %get3A_328 = arith.constant 0 : index
    %get3A_329 = vector.load %arg1[%get3A_327, %get3A_328] : memref<8x256xf32, #tpu.memory_space<vmem>>, vector<1x256xf32>
    %add3A_330 = arith.addf %get3A_1, %get3A_329 : vector<1x256xf32>
    %convert_element_type3A_331 = arith.truncf %add3A_330 : vector<1x256xf32> to vector<1x256xbf16>
    %convert_element_type3A_332 = arith.extf %convert_element_type3A_331 : vector<1x256xbf16> to vector<1x256xf32>
    %get3A_333 = arith.constant 3 : index
    %get3A_334 = arith.constant 0 : index
    %get3A_335 = arith.constant 0 : index
    %get3A_336 = vector.load %arg2[%get3A_333, %get3A_334, %get3A_335] : memref<4x256x512xf32, #tpu.memory_space<vmem>>, vector<1x256x512xf32>
    %get3A_337 = vector.shape_cast %get3A_336 : vector<1x256x512xf32> to vector<256x512xf32>
    %convert_element_type3A_338 = arith.truncf %get3A_337 : vector<256x512xf32> to vector<256x512xbf16>
    %convert_element_type3A_339 = arith.extf %convert_element_type3A_338 : vector<256x512xbf16> to vector<256x512xf32>
    %squeeze3A_340 = vector.shape_cast %convert_element_type3A_332 : vector<1x256xf32> to vector<256xf32>
    %broadcast_in_dim3A_341 = vector.shape_cast %squeeze3A_340 : vector<256xf32> to vector<256x1xf32>
    %mul3A_342 = vector.broadcast %broadcast_in_dim3A_341 : vector<256x1xf32> to vector<256x512xf32>
    %mul3A_343 = arith.mulf %convert_element_type3A_339, %mul3A_342 : vector<256x512xf32>
    %reduce_sum3A_344 = arith.constant dense<0.000000e+00> : vector<512xf32>
    %reduce_sum3A_345 = vector.multi_reduction <add>, %mul3A_343, %reduce_sum3A_344 [0] : vector<256x512xf32> to vector<512xf32>
    %broadcast_in_dim3A_346 = vector.shape_cast %reduce_sum3A_345 : vector<512xf32> to vector<1x512xf32>
    %get3A_347 = arith.constant 3 : index
    %get3A_348 = arith.constant 0 : index
    %get3A_349 = vector.load %arg3[%get3A_347, %get3A_348] : memref<4x512xf32, #tpu.memory_space<vmem>>, vector<1x512xf32>
    %add3A_350 = arith.addf %broadcast_in_dim3A_346, %get3A_349 : vector<1x512xf32>
    %max3A_351 = arith.constant 0.000000e+00 : f32
    %max3A_352 = vector.broadcast %max3A_351 : f32 to vector<1x512xf32>
    %max3A_353 = arith.maximumf %add3A_350, %max3A_352 : vector<1x512xf32>
    %reduce_sum3A_354 = arith.constant dense<0.000000e+00> : vector<1xf32>
    %reduce_sum3A_355 = vector.multi_reduction <add>, %max3A_353, %reduce_sum3A_354 [1] : vector<1x512xf32> to vector<1xf32>
    %broadcast_in_dim3A_356 = vector.shape_cast %reduce_sum3A_355 : vector<1xf32> to vector<1x1xf32>
    %div3A_357 = arith.constant 5.120000e+02 : f32
    %div3A_358 = vector.broadcast %div3A_357 : f32 to vector<1x1xf32>
    %div3A_359 = arith.divf %broadcast_in_dim3A_356, %div3A_358 : vector<1x1xf32>
    %sub3A_360 = vector.broadcast %div3A_359 : vector<1x1xf32> to vector<1x512xf32>
    %sub3A_361 = arith.subf %max3A_353, %sub3A_360 : vector<1x512xf32>
    %integer_pow3A_362 = arith.mulf %sub3A_361, %sub3A_361 : vector<1x512xf32>
    %reduce_sum3A_363 = arith.constant dense<0.000000e+00> : vector<1xf32>
    %reduce_sum3A_364 = vector.multi_reduction <add>, %integer_pow3A_362, %reduce_sum3A_363 [1] : vector<1x512xf32> to vector<1xf32>
    %broadcast_in_dim3A_365 = vector.shape_cast %reduce_sum3A_364 : vector<1xf32> to vector<1x1xf32>
    %div3A_366 = arith.constant 5.120000e+02 : f32
    %div3A_367 = vector.broadcast %div3A_366 : f32 to vector<1x1xf32>
    %div3A_368 = arith.divf %broadcast_in_dim3A_365, %div3A_367 : vector<1x1xf32>
    %get3A_369 = arith.constant 3 : index
    %get3A_370 = arith.constant 0 : index
    %get3A_371 = vector.load %arg4[%get3A_369, %get3A_370] : memref<4x512xf32, #tpu.memory_space<vmem>>, vector<1x512xf32>
    %sub3A_372 = vector.broadcast %div3A_359 : vector<1x1xf32> to vector<1x512xf32>
    %sub3A_373 = arith.subf %max3A_353, %sub3A_372 : vector<1x512xf32>
    %mul3A_374 = arith.mulf %get3A_371, %sub3A_373 : vector<1x512xf32>
    %add3A_375 = arith.constant 9.99999974E-6 : f32
    %add3A_376 = vector.broadcast %add3A_375 : f32 to vector<1x1xf32>
    %add3A_377 = arith.addf %div3A_368, %add3A_376 : vector<1x1xf32>
    %sqrt3A_378 = math.sqrt %add3A_377 : vector<1x1xf32>
    %div3A_379 = vector.broadcast %sqrt3A_378 : vector<1x1xf32> to vector<1x512xf32>
    %div3A_380 = arith.divf %mul3A_374, %div3A_379 : vector<1x512xf32>
    %get3A_381 = arith.constant 3 : index
    %get3A_382 = arith.constant 0 : index
    %get3A_383 = vector.load %arg5[%get3A_381, %get3A_382] : memref<4x512xf32, #tpu.memory_space<vmem>>, vector<1x512xf32>
    %add3A_384 = arith.addf %div3A_380, %get3A_383 : vector<1x512xf32>
    %convert_element_type3A_385 = arith.truncf %add3A_384 : vector<1x512xf32> to vector<1x512xbf16>
    %convert_element_type3A_386 = arith.extf %convert_element_type3A_385 : vector<1x512xbf16> to vector<1x512xf32>
    %get3A_387 = arith.constant 3 : index
    %get3A_388 = arith.constant 0 : index
    %get3A_389 = arith.constant 0 : index
    %get3A_390 = vector.load %arg6[%get3A_387, %get3A_388, %get3A_389] : memref<4x512x256xf32, #tpu.memory_space<vmem>>, vector<1x512x256xf32>
    %get3A_391 = vector.shape_cast %get3A_390 : vector<1x512x256xf32> to vector<512x256xf32>
    %convert_element_type3A_392 = arith.truncf %get3A_391 : vector<512x256xf32> to vector<512x256xbf16>
    %convert_element_type3A_393 = arith.extf %convert_element_type3A_392 : vector<512x256xbf16> to vector<512x256xf32>
    %squeeze3A_394 = vector.shape_cast %convert_element_type3A_386 : vector<1x512xf32> to vector<512xf32>
    %broadcast_in_dim3A_395 = vector.shape_cast %squeeze3A_394 : vector<512xf32> to vector<512x1xf32>
    %mul3A_396 = vector.broadcast %broadcast_in_dim3A_395 : vector<512x1xf32> to vector<512x256xf32>
    %mul3A_397 = arith.mulf %convert_element_type3A_393, %mul3A_396 : vector<512x256xf32>
    %reduce_sum3A_398 = arith.constant dense<0.000000e+00> : vector<256xf32>
    %reduce_sum3A_399 = vector.multi_reduction <add>, %mul3A_397, %reduce_sum3A_398 [0] : vector<512x256xf32> to vector<256xf32>
    %broadcast_in_dim3A_400 = vector.shape_cast %reduce_sum3A_399 : vector<256xf32> to vector<1x256xf32>
    %get3A_401 = arith.constant 3 : index
    %get3A_402 = arith.constant 0 : index
    %get3A_403 = vector.load %arg7[%get3A_401, %get3A_402] : memref<4x256xf32, #tpu.memory_space<vmem>>, vector<1x256xf32>
    %add3A_404 = arith.addf %broadcast_in_dim3A_400, %get3A_403 : vector<1x256xf32>
    %max3A_405 = arith.constant 0.000000e+00 : f32
    %max3A_406 = vector.broadcast %max3A_405 : f32 to vector<1x256xf32>
    %max3A_407 = arith.maximumf %add3A_404, %max3A_406 : vector<1x256xf32>
    %reduce_sum3A_408 = arith.constant dense<0.000000e+00> : vector<1xf32>
    %reduce_sum3A_409 = vector.multi_reduction <add>, %max3A_407, %reduce_sum3A_408 [1] : vector<1x256xf32> to vector<1xf32>
    %broadcast_in_dim3A_410 = vector.shape_cast %reduce_sum3A_409 : vector<1xf32> to vector<1x1xf32>
    %div3A_411 = arith.constant 2.560000e+02 : f32
    %div3A_412 = vector.broadcast %div3A_411 : f32 to vector<1x1xf32>
    %div3A_413 = arith.divf %broadcast_in_dim3A_410, %div3A_412 : vector<1x1xf32>
    %sub3A_414 = vector.broadcast %div3A_413 : vector<1x1xf32> to vector<1x256xf32>
    %sub3A_415 = arith.subf %max3A_407, %sub3A_414 : vector<1x256xf32>
    %integer_pow3A_416 = arith.mulf %sub3A_415, %sub3A_415 : vector<1x256xf32>
    %reduce_sum3A_417 = arith.constant dense<0.000000e+00> : vector<1xf32>
    %reduce_sum3A_418 = vector.multi_reduction <add>, %integer_pow3A_416, %reduce_sum3A_417 [1] : vector<1x256xf32> to vector<1xf32>
    %broadcast_in_dim3A_419 = vector.shape_cast %reduce_sum3A_418 : vector<1xf32> to vector<1x1xf32>
    %div3A_420 = arith.constant 2.560000e+02 : f32
    %div3A_421 = vector.broadcast %div3A_420 : f32 to vector<1x1xf32>
    %div3A_422 = arith.divf %broadcast_in_dim3A_419, %div3A_421 : vector<1x1xf32>
    %get3A_423 = arith.constant 3 : index
    %get3A_424 = arith.constant 0 : index
    %get3A_425 = vector.load %arg8[%get3A_423, %get3A_424] : memref<4x256xf32, #tpu.memory_space<vmem>>, vector<1x256xf32>
    %sub3A_426 = vector.broadcast %div3A_413 : vector<1x1xf32> to vector<1x256xf32>
    %sub3A_427 = arith.subf %max3A_407, %sub3A_426 : vector<1x256xf32>
    %mul3A_428 = arith.mulf %get3A_425, %sub3A_427 : vector<1x256xf32>
    %add3A_429 = arith.constant 9.99999974E-6 : f32
    %add3A_430 = vector.broadcast %add3A_429 : f32 to vector<1x1xf32>
    %add3A_431 = arith.addf %div3A_422, %add3A_430 : vector<1x1xf32>
    %sqrt3A_432 = math.sqrt %add3A_431 : vector<1x1xf32>
    %div3A_433 = vector.broadcast %sqrt3A_432 : vector<1x1xf32> to vector<1x256xf32>
    %div3A_434 = arith.divf %mul3A_428, %div3A_433 : vector<1x256xf32>
    %get3A_435 = arith.constant 3 : index
    %get3A_436 = arith.constant 0 : index
    %get3A_437 = vector.load %arg9[%get3A_435, %get3A_436] : memref<4x256xf32, #tpu.memory_space<vmem>>, vector<1x256xf32>
    %add3A_438 = arith.addf %div3A_434, %get3A_437 : vector<1x256xf32>
    %concatenate3A = tpu.concatenate %add3A_102, %add3A_214, %add3A_326, %add3A_438 in 0 : vector<1x256xf32>, vector<1x256xf32>, vector<1x256xf32>, vector<1x256xf32> -> vector<4x256xf32>
    %add3A_439 = arith.addf %add3A_102, %add3A_214 : vector<1x256xf32>
    %add3A_440 = arith.addf %add3A_439, %add3A_326 : vector<1x256xf32>
    %add3A_441 = arith.addf %add3A_440, %add3A_438 : vector<1x256xf32>
    %broadcast_in_dim3A_442 = arith.constant 0.000000e+00 : f32
    %broadcast_in_dim3A_443 = vector.broadcast %broadcast_in_dim3A_442 : f32 to vector<3x256xf32>
    %concatenate3A_444 = tpu.concatenate %concatenate3A, %add3A_441, %broadcast_in_dim3A_443 in 0 : vector<4x256xf32>, vector<1x256xf32>, vector<3x256xf32> -> vector<8x256xf32>
    %swap3A = arith.constant 0 : index
    %swap3A_445 = arith.constant 0 : index
    %swap3A_446 = vector.load %arg10[%swap3A, %swap3A_445] : memref<8x256xf32, #tpu.memory_space<vmem>>, vector<8x256xf32>
    tpu.vector_store %arg10[%swap3A, %swap3A_445], %concatenate3A_444 {strides = array<i32>} : memref<8x256xf32, #tpu.memory_space<vmem>>, vector<8x256xf32>,
    return
  }
}

module attributes {stable_mosaic.version = 14 : i64} {
  func.func @_k1a_body(%arg0: i32, %arg1: memref<400x128xf32, #tpu.memory_space<vmem>>, %arg2: memref<400x128xf32, #tpu.memory_space<vmem>>, %arg3: memref<8x256xf32, #tpu.memory_space<vmem>>, %arg4: memref<256x256xbf16, #tpu.memory_space<vmem>>, %arg5: memref<400x256xf32, #tpu.memory_space<vmem>>, %arg6: memref<8x256xf32, #tpu.memory_space<vmem>>) attributes {dimension_semantics = [#tpu.dimension_semantics<arbitrary>], iteration_bounds = array<i64: 25>, scalar_prefetch = 0 : i64, scratch_operands = 0 : i64, tpu.core_type = #tpu.core_type<tc>, window_params = [{transform_indices = @transform_0, window_bounds = array<i64: 400, 128>}, {transform_indices = @transform_1, window_bounds = array<i64: 400, 128>}, {pipeline_mode = #tpu.pipeline_mode<synchronous>, transform_indices = @transform_2, window_bounds = array<i64: 8, 256>}, {pipeline_mode = #tpu.pipeline_mode<synchronous>, transform_indices = @transform_3, window_bounds = array<i64: 256, 256>}, {transform_indices = @transform_4, window_bounds = array<i64: 400, 256>}, {pipeline_mode = #tpu.pipeline_mode<synchronous>, transform_indices = @transform_5, window_bounds = array<i64: 8, 256>}]} {
    %get3A = arith.constant 0 : index
    %get3A_0 = arith.constant 0 : index
    %get3A_1 = vector.load %arg1[%get3A, %get3A_0] : memref<400x128xf32, #tpu.memory_space<vmem>>, vector<400x128xf32>
    %get3A_2 = arith.constant 0 : index
    %get3A_3 = arith.constant 0 : index
    %get3A_4 = vector.load %arg2[%get3A_2, %get3A_3] : memref<400x128xf32, #tpu.memory_space<vmem>>, vector<400x128xf32>
    %concatenate3A = tpu.concatenate %get3A_1, %get3A_4 in 1 : vector<400x128xf32>, vector<400x128xf32> -> vector<400x256xf32>
    %get3A_5 = arith.constant 0 : index
    %get3A_6 = arith.constant 0 : index
    %get3A_7 = vector.load %arg3[%get3A_5, %get3A_6] : memref<8x256xf32, #tpu.memory_space<vmem>>, vector<1x256xf32>
    %add3A = vector.broadcast %get3A_7 : vector<1x256xf32> to vector<400x256xf32>
    %add3A_8 = arith.addf %concatenate3A, %add3A : vector<400x256xf32>
    %convert_element_type3A = arith.truncf %add3A_8 : vector<400x256xf32> to vector<400x256xbf16>
    %get3A_9 = arith.constant 0 : index
    %get3A_10 = arith.constant 0 : index
    %get3A_11 = vector.load %arg4[%get3A_9, %get3A_10] : memref<256x256xbf16, #tpu.memory_space<vmem>>, vector<256x256xbf16>
    %dot_general3A = arith.constant dense<0.000000e+00> : vector<400x256xf32>
    %dot_general3A_12 = tpu.matmul %convert_element_type3A, %get3A_11, %dot_general3A {dimension_numbers = #tpu.dot_dimension_numbers<[1], [0], [0], [1], [0, 0, 1, 1], [], []>, transpose_lhs_hint = false} : vector<400x256xbf16>, vector<256x256xbf16>, vector<400x256xf32> -> vector<400x256xf32>
    %swap3A = arith.constant 0 : index
    %swap3A_13 = arith.constant 0 : index
    %swap3A_14 = vector.load %arg5[%swap3A, %swap3A_13] : memref<400x256xf32, #tpu.memory_space<vmem>>, vector<400x256xf32>
    tpu.vector_store %arg5[%swap3A, %swap3A_13], %dot_general3A_12 {strides = array<i32>} : memref<400x256xf32, #tpu.memory_space<vmem>>, vector<400x256xf32>,
    %reduce_sum3A = arith.constant dense<0.000000e+00> : vector<256xf32>
    %reduce_sum3A_15 = vector.multi_reduction <add>, %concatenate3A, %reduce_sum3A [0] : vector<400x256xf32> to vector<256xf32>
    %broadcast_in_dim3A = vector.shape_cast %reduce_sum3A_15 : vector<256xf32> to vector<1x256xf32>
    %broadcast_in_dim3A_16 = arith.constant 0.000000e+00 : f32
    %broadcast_in_dim3A_17 = vector.broadcast %broadcast_in_dim3A_16 : f32 to vector<7x256xf32>
    %concatenate3A_18 = tpu.concatenate %broadcast_in_dim3A, %broadcast_in_dim3A_17 in 0 : vector<1x256xf32>, vector<7x256xf32> -> vector<8x256xf32>
    %eq3A = arith.constant 0 : i32
    %eq3A_19 = arith.cmpi eq, %arg0, %eq3A : i32
    %convert_element_type3A_20 = arith.extui %eq3A_19 : i1 to i32
    %cond3A = arith.constant 0 : i32
    %cond3A_21 = arith.cmpi ne, %convert_element_type3A_20, %cond3A : i32
    scf.if %cond3A_21 {
      %swap3A_26 = arith.constant 0 : index
      %swap3A_27 = arith.constant 0 : index
      %swap3A_28 = vector.load %arg6[%swap3A_26, %swap3A_27] : memref<8x256xf32, #tpu.memory_space<vmem>>, vector<8x256xf32>
      tpu.vector_store %arg6[%swap3A_26, %swap3A_27], %concatenate3A_18 {strides = array<i32>} : memref<8x256xf32, #tpu.memory_space<vmem>>, vector<8x256xf32>,
    } else {
    }
    %ne3A = arith.constant 0 : i32
    %ne3A_22 = arith.cmpi ne, %arg0, %ne3A : i32
    %convert_element_type3A_23 = arith.extui %ne3A_22 : i1 to i32
    %cond3A_24 = arith.constant 0 : i32
    %cond3A_25 = arith.cmpi ne, %convert_element_type3A_23, %cond3A_24 : i32
    scf.if %cond3A_25 {
      %get3A_26 = arith.constant 0 : index
      %get3A_27 = arith.constant 0 : index
      %get3A_28 = vector.load %arg6[%get3A_26, %get3A_27] : memref<8x256xf32, #tpu.memory_space<vmem>>, vector<8x256xf32>
      %add3A_29 = arith.addf %get3A_28, %concatenate3A_18 : vector<8x256xf32>
      %swap3A_30 = arith.constant 0 : index
      %swap3A_31 = arith.constant 0 : index
      %swap3A_32 = vector.load %arg6[%swap3A_30, %swap3A_31] : memref<8x256xf32, #tpu.memory_space<vmem>>, vector<8x256xf32>
      tpu.vector_store %arg6[%swap3A_30, %swap3A_31], %add3A_29 {strides = array<i32>} : memref<8x256xf32, #tpu.memory_space<vmem>>, vector<8x256xf32>,
    } else {
    }
    return
  }
  func.func @transform_0(%arg0: i32) -> (i32, i32) {
    %c0_i32 = arith.constant 0 : i32
    %c0_i32_0 = arith.constant 0 : i32
    return %arg0, %c0_i32 : i32, i32
  }
  func.func @transform_1(%arg0: i32) -> (i32, i32) {
    %c0_i32 = arith.constant 0 : i32
    %c0_i32_0 = arith.constant 0 : i32
    return %arg0, %c0_i32 : i32, i32
  }
  func.func @transform_2(%arg0: i32) -> (i32, i32) {
    %c0_i32 = arith.constant 0 : i32
    %c0_i32_0 = arith.constant 0 : i32
    %c0_i32_1 = arith.constant 0 : i32
    return %c0_i32, %c0_i32_0 : i32, i32
  }
  func.func @transform_3(%arg0: i32) -> (i32, i32) {
    %c0_i32 = arith.constant 0 : i32
    %c0_i32_0 = arith.constant 0 : i32
    %c0_i32_1 = arith.constant 0 : i32
    return %c0_i32, %c0_i32_0 : i32, i32
  }
  func.func @transform_4(%arg0: i32) -> (i32, i32) {
    %c0_i32 = arith.constant 0 : i32
    %c0_i32_0 = arith.constant 0 : i32
    return %arg0, %c0_i32 : i32, i32
  }
  func.func @transform_5(%arg0: i32) -> (i32, i32) {
    %c0_i32 = arith.constant 0 : i32
    %c0_i32_0 = arith.constant 0 : i32
    %c0_i32_1 = arith.constant 0 : i32
    return %c0_i32, %c0_i32_0 : i32, i32
  }
}

module attributes {stable_mosaic.version = 14 : i64} {
  func.func @_k2_body_full(%arg0: i32, %arg1: memref<400x256xf32, #tpu.memory_space<vmem>>, %arg2: memref<8x256xf32, #tpu.memory_space<vmem>>, %arg3: memref<8x256xf32, #tpu.memory_space<vmem>>, %arg4: memref<400x256xf32, #tpu.memory_space<vmem>>) attributes {dimension_semantics = [#tpu.dimension_semantics<arbitrary>], iteration_bounds = array<i64: 25>, scalar_prefetch = 0 : i64, scratch_operands = 0 : i64, tpu.core_type = #tpu.core_type<tc>, window_params = [{transform_indices = @transform_0, window_bounds = array<i64: 400, 256>}, {pipeline_mode = #tpu.pipeline_mode<synchronous>, transform_indices = @transform_1, window_bounds = array<i64: 8, 256>}, {pipeline_mode = #tpu.pipeline_mode<synchronous>, transform_indices = @transform_2, window_bounds = array<i64: 8, 256>}, {transform_indices = @transform_3, window_bounds = array<i64: 400, 256>}]} {
    %get3A = arith.constant 0 : index
    %get3A_0 = arith.constant 0 : index
    %get3A_1 = vector.load %arg2[%get3A, %get3A_0] : memref<8x256xf32, #tpu.memory_space<vmem>>, vector<1x256xf32>
    %mul3A = arith.constant 9.99999974E-5 : f32
    %mul3A_2 = vector.broadcast %mul3A : f32 to vector<1x256xf32>
    %mul3A_3 = arith.mulf %get3A_1, %mul3A_2 : vector<1x256xf32>
    %get3A_4 = arith.constant 1 : index
    %get3A_5 = arith.constant 0 : index
    %get3A_6 = vector.load %arg2[%get3A_4, %get3A_5] : memref<8x256xf32, #tpu.memory_space<vmem>>, vector<1x256xf32>
    %mul3A_7 = arith.constant 9.99999974E-5 : f32
    %mul3A_8 = vector.broadcast %mul3A_7 : f32 to vector<1x256xf32>
    %mul3A_9 = arith.mulf %get3A_6, %mul3A_8 : vector<1x256xf32>
    %mul3A_10 = arith.mulf %mul3A_3, %mul3A_3 : vector<1x256xf32>
    %sub3A = arith.subf %mul3A_9, %mul3A_10 : vector<1x256xf32>
    %get3A_11 = arith.constant 0 : index
    %get3A_12 = arith.constant 0 : index
    %get3A_13 = vector.load %arg3[%get3A_11, %get3A_12] : memref<8x256xf32, #tpu.memory_space<vmem>>, vector<1x256xf32>
    %get3A_14 = arith.constant 0 : index
    %get3A_15 = arith.constant 0 : index
    %get3A_16 = vector.load %arg1[%get3A_14, %get3A_15] : memref<400x256xf32, #tpu.memory_space<vmem>>, vector<400x256xf32>
    %sub3A_17 = vector.broadcast %mul3A_3 : vector<1x256xf32> to vector<400x256xf32>
    %sub3A_18 = arith.subf %get3A_16, %sub3A_17 : vector<400x256xf32>
    %mul3A_19 = vector.broadcast %get3A_13 : vector<1x256xf32> to vector<400x256xf32>
    %mul3A_20 = arith.mulf %mul3A_19, %sub3A_18 : vector<400x256xf32>
    %add3A = arith.constant 9.99999974E-6 : f32
    %add3A_21 = vector.broadcast %add3A : f32 to vector<1x256xf32>
    %add3A_22 = arith.addf %sub3A, %add3A_21 : vector<1x256xf32>
    %sqrt3A = math.sqrt %add3A_22 : vector<1x256xf32>
    %div3A = vector.broadcast %sqrt3A : vector<1x256xf32> to vector<400x256xf32>
    %div3A_23 = arith.divf %mul3A_20, %div3A : vector<400x256xf32>
    %get3A_24 = arith.constant 1 : index
    %get3A_25 = arith.constant 0 : index
    %get3A_26 = vector.load %arg3[%get3A_24, %get3A_25] : memref<8x256xf32, #tpu.memory_space<vmem>>, vector<1x256xf32>
    %add3A_27 = vector.broadcast %get3A_26 : vector<1x256xf32> to vector<400x256xf32>
    %add3A_28 = arith.addf %div3A_23, %add3A_27 : vector<400x256xf32>
    %max3A = arith.constant 0.000000e+00 : f32
    %max3A_29 = vector.broadcast %max3A : f32 to vector<400x256xf32>
    %max3A_30 = arith.maximumf %add3A_28, %max3A_29 : vector<400x256xf32>
    %swap3A = arith.constant 0 : index
    %swap3A_31 = arith.constant 0 : index
    %swap3A_32 = vector.load %arg4[%swap3A, %swap3A_31] : memref<400x256xf32, #tpu.memory_space<vmem>>, vector<400x256xf32>
    tpu.vector_store %arg4[%swap3A, %swap3A_31], %max3A_30 {strides = array<i32>} : memref<400x256xf32, #tpu.memory_space<vmem>>, vector<400x256xf32>,
    return
  }
  func.func @transform_0(%arg0: i32) -> (i32, i32) {
    %c0_i32 = arith.constant 0 : i32
    %c0_i32_0 = arith.constant 0 : i32
    return %arg0, %c0_i32 : i32, i32
  }
  func.func @transform_1(%arg0: i32) -> (i32, i32) {
    %c0_i32 = arith.constant 0 : i32
    %c0_i32_0 = arith.constant 0 : i32
    %c0_i32_1 = arith.constant 0 : i32
    return %c0_i32, %c0_i32_0 : i32, i32
  }
  func.func @transform_2(%arg0: i32) -> (i32, i32) {
    %c0_i32 = arith.constant 0 : i32
    %c0_i32_0 = arith.constant 0 : i32
    %c0_i32_1 = arith.constant 0 : i32
    return %c0_i32, %c0_i32_0 : i32, i32
  }
  func.func @transform_3(%arg0: i32) -> (i32, i32) {
    %c0_i32 = arith.constant 0 : i32
    %c0_i32_0 = arith.constant 0 : i32
    return %arg0, %c0_i32 : i32, i32
  }
}

</mosaic_0001>

<sc_bundles>
// kernel: kernel.17.cloned.1.call-start
scs
__scs_entry_jumppad:
0x0: {  	(pc) =	sbr.rel $0x88, $3  }
0x1: {  	(tag) =	ssettag $0x0;
	lr =	simm.s32 $0x1  }
0x2: {  	[smem:$0x3F91] =	sst lr;
	_ =	strace $0xD0000000  }
0x3: {  	_ = 	snop  }
0x4: {  	_ = 	snop  }
0x5: {  	_ = 	snop  }
0x6: {  	_ = 	snop  }
0x7: {  	_ = 	snop  }
__scs_overlays_trampoline_lowered:
0x8: {  	[smem:$0x3FA0] =	sst s0  }
0x9: {  	[smem:$0x3FA1] =	sst s1  }
0xa: {  	[smem:$0x3FA2] =	sst s2  }
0xb: {  	[smem:$0x3FA3] =	sst s3  }
0xc: {  	[smem:$0x3FA4] =	sst s4  }
0xd: {  	[smem:$0x3FA5] =	sst s5  }
0xe: {  	[smem:$0x3FA6] =	sst s6  }
0xf: {  	[smem:$0x3FA7] =	sst s7  }
0x10: {  	[smem:$0x3FA8] =	sst s8  }
0x11: {  	[smem:$0x3FA9] =	sst s9;
	s0 =	simm.s32 @!p0 $0x0  }
0x12: {  	s1 =	sld [smem:$0x3F8F];
	s0 =	simm.s32 @p0 $0x1  }
0x13: {  	[smem:$0x3FAA] =	sst s0;
	s0 =	simm.s32 @!p1 $0x0  }
0x14: {  	s2 =	sld [smem:$0x3F8E];
	s0 =	simm.s32 @p1 $0x1  }
0x15: {  	[smem:$0x3FAB] =	sst s0;
	s0 =	simm.s32 @!p2 $0x0  }
0x16: {  	s3 =	sld [smem:$0x3FDB];
	s0 =	simm.s32 @p2 $0x1  }
0x17: {  	s4 =	simm.s32 $0x1BF5;
	[smem:$0x3FAD] =	sst s0  }
0x18: {  	s0 =	sld [smem:$0x3F90];
	_ =	swait.ge [sflag:s4], $0x0  }
0x19: {  	s7 =	sld [smem:$0x3F91]  }
0x1a: {  	s8 =	sadd.s32 $0xFFFFE003, lr  }
0x1b: {  	s9 =	sadd.s32 $0xFFFFFEF7, lr;
	s5 =	simm.s32 $0xFFFFFFFF;
	p2 =	slt.u32 s8, $0xFFFFF086  }
0x1c: {  	p1 =	slt.u32 s9, $0xF7A;
	s5 =	simm.s32 @!p2 $0x0  }
0x1d: {  	s5 =	simm.s32 @p1 $0x1;
	p0 =	seq.s32 s7, s2  }
0x1e: {  	s7 =	smul.u32 @!p0 $0xF7A, s2;
	p2 =	seq.s32 @!p0 s5, $0x0  }
0x1f: {  	s9 =	smul.u32 $0xF7A, s1;
	s8 =	simm.s32 @!p0 $0x1BF5;
	p2 =	por !p2, p0  }
0x20: {  	[sflag:s8] =	ssyncset.s32 @!p0 $0xFFFFF086;
	s6 =	sadd.s32 @!p0 s3, s7;
	s7 =	simm.s32 @!p0 $0x108  }
0x21: {  	s3 =	sadd.s32 s3, s9;
	s6 =	sadd.s32 @!p0 $0x88, s6;
	s7 =	simm.s32 @p2 $0x1082  }
0x22: {  	[simem:s7], [sflag:s8] =	dma.local @!p0 [hbm:s6], $0xF7A  }
0x23: {  	s9 =	sor.u32 $0xD0000000, s2;
	s6 =	simm.s32 $0x108;
	_ =	swait.ge @!p0 [sflag:s8], $0x0  }
0x24: {  	s3 =	sadd.s32 $0x88, s3;
	s6 =	simm.s32 @!p1 $0x1082;
	[sflag:s4] =	ssyncset.s32 $0xFFFFF086  }
0x25: {  	[simem:s6], [sflag:s4] =	dma.local [hbm:s3], $0xF7A  }
0x26: {  	[smem:$0x3F91] =	sst s1;
	(tag) =	ssettag s2;
	_ =	strace s9  }
0x27: {  	s1 =	sld [smem:$0x3FA1]  }
0x28: {  	s2 =	sld [smem:$0x3FA2]  }
0x29: {  	s4 =	sld [smem:$0x3FA4]  }
0x2a: {  	p0 =	seq.s32 s5, $0x0;
	s5 =	sld [smem:$0x3FA5]  }
0x2b: {  	s6 =	sld [smem:$0x3FA6]  }
0x2c: {  	s7 =	sld [smem:$0x3FA7]  }
0x2d: {  	s3 =	simm.s32 $0x108;
	s8 =	sld [smem:$0x3FA8]  }
0x2e: {  	s3 =	simm.s32 @!p0 $0x1082;
	s9 =	sld [smem:$0x3FA9]  }
0x2f: {  	lr =	sadd.s32 s0, s3;
	s0 =	sld [smem:$0x3FA0]  }
0x30: {  	s3 =	sld [smem:$0x3FA3]  }
0x31: {  	[smem:$0x3FAC] =	sst s10  }
0x32: {  	s10 =	sld [smem:$0x3FAA];
	_ =	sdelay $0x3  }
0x33: {  	p0 =	seq.s32 s10, $0x1;
	s10 =	sld [smem:$0x3FAC];
	_ =	sdelay $0x3  }
0x34: {  	[smem:$0x3FAC] =	sst s10  }
0x35: {  	s10 =	sld [smem:$0x3FAB];
	_ =	sdelay $0x3  }
0x36: {  	p1 =	seq.s32 s10, $0x1;
	s10 =	sld [smem:$0x3FAC];
	_ =	sdelay $0x3  }
0x37: {  	[smem:$0x3FAC] =	sst s10  }
0x38: {  	s10 =	sld [smem:$0x3FAD]  }
0x39: {  	_ = 	snop;
	(pc) =	sbr.ind lr, $3  }
0x3a: {  	_ = 	snop  }
0x3b: {  	_ = 	snop  }
0x3c: {  	p2 =	seq.s32 s10, $0x1;
	s10 =	sld [smem:$0x3FAC]  }
0x3d: {  	_ =	shalt  }
0x3e: {  	_ =	shalt  }
0x3f: {  	_ =	shalt  }
0x40: {  	_ =	shalt  }
0x41: {  	_ =	shalt  }
0x42: {  	_ =	shalt  }
0x43: {  	_ =	shalt  }
0x44: {  	_ =	shalt  }
0x45: {  	_ =	shalt  }
0x46: {  	_ =	shalt  }
0x47: {  	_ =	shalt  }
0x48: {  	_ =	shalt  }
0x49: {  	_ =	shalt  }
0x4a: {  	_ =	shalt  }
0x4b: {  	_ =	shalt  }
0x4c: {  	_ =	shalt  }
0x4d: {  	_ =	shalt  }
0x4e: {  	_ =	shalt  }
0x4f: {  	_ =	shalt  }
0x50: {  	_ =	shalt  }
0x51: {  	_ =	shalt  }
0x52: {  	_ =	shalt  }
0x53: {  	_ =	shalt  }
0x54: {  	_ =	shalt  }
0x55: {  	_ =	shalt  }
0x56: {  	_ =	shalt  }
0x57: {  	_ =	shalt  }
0x58: {  	_ =	shalt  }
0x59: {  	_ =	shalt  }
0x5a: {  	_ =	shalt  }
0x5b: {  	_ =	shalt  }
0x5c: {  	_ =	shalt  }
0x5d: {  	_ =	shalt  }
0x5e: {  	_ =	shalt  }
0x5f: {  	_ =	shalt  }
0x60: {  	_ =	shalt  }
0x61: {  	_ =	shalt  }
0x62: {  	_ =	shalt  }
0x63: {  	_ =	shalt  }
0x64: {  	_ =	shalt  }
0x65: {  	_ =	shalt  }
0x66: {  	_ =	shalt  }
0x67: {  	_ =	shalt  }
0x68: {  	_ =	shalt  }
0x69: {  	_ =	shalt  }
0x6a: {  	_ =	shalt  }
0x6b: {  	_ =	shalt  }
0x6c: {  	_ =	shalt  }
0x6d: {  	_ =	shalt  }
0x6e: {  	_ =	shalt  }
0x6f: {  	_ =	shalt  }
0x70: {  	_ =	shalt  }
0x71: {  	_ =	shalt  }
0x72: {  	_ =	shalt  }
0x73: {  	_ =	shalt  }
0x74: {  	_ =	shalt  }
0x75: {  	_ =	shalt  }
0x76: {  	_ =	shalt  }
0x77: {  	_ =	shalt  }
0x78: {  	_ =	shalt  }
0x79: {  	_ =	shalt  }
0x7a: {  	_ =	shalt  }
0x7b: {  	_ =	shalt  }
0x7c: {  	_ =	shalt  }
0x7d: {  	_ =	shalt  }
0x7e: {  	_ =	shalt  }
0x7f: {  	_ =	shalt  }
0x80: {  	_ =	shalt  }
0x81: {  	_ =	shalt  }
0x82: {  	_ =	shalt  }
0x83: {  	_ =	shalt  }
0x84: {  	_ =	shalt  }
0x85: {  	_ =	shalt  }
0x86: {  	_ =	shalt  }
0x87: {  	_ =	shalt  }
.Lfunc_end0:
.L_simem_size_0:
called_computation_lowered:
.L_overlay_start_0:
0x88: {  	s2 =	sld [smem:$0x3FD9]  }
0x89: {  	s3 =	sld [smem:$0x3FFE];
	_ =	sdelay $0x1  }
0x8a: {  	s1 =	srdreg.scid  }
0x8b: {  	s0 =	sand.u32 $0x1, s1  }
0x8c: {  	s17 =	sshll.u32 s0, $0xA;
	s2 =	sadd.s32 s3, s2  }
0x8d: {  	s2 =	sadd.s32 s2, s17  }
0x8e: {  	[smem:$0x3FB8] =	sst s2  }
0x8f: {  	_ = 	snop  }
0x90: {  	(tm) =	ssettm $0x1  }
0x91: {  	s18 =	sld [smem:$0x3FFB];
	_ =	sdelay $0x3  }
0x92: {  	_ =	strace s18  }
0x93: {  	s2 =	sld [smem:$0x3FFC];
	_ =	sdelay $0x3  }
0x94: {  	_ =	strace s2  }
0x95: {  	s2 =	sld [smem:$0x3FFD];
	_ =	sdelay $0x3  }
0x96: {  	_ =	strace s2  }
0x97: {  	_ =	strace $0x8FFFFFFF  }
0x98: {  	s19 =	sld [smem:$0x3FDB];
	_ =	sdelay $0x1  }
0x99: {  	s20 =	simm.s32 $_scs_section_size  }
0x9a: {  	s4 =	simm.s32 $_size__tile_overlayer_lowered;
	s5 =	simm.s32 $_tile_overlayer_lowered  }
0x9b: {  	s6 =	simm.s32 $0x1BFF;
	s21 =	sshll.u32 s5, $0x1;
	s3 =	sadd.s32 s20, s19  }
0x9c: {  	s22 =	simm.s32 $0x0;
	s4 =	sshll.u32 s4, $0x1;
	s5 =	sadd.s32 s21, s3  }
0x9d: {  	[timem:s22], [sflag:s6] =	dma.local [hbm:s5], s4  }
0x9e: {  	_ =	swait.ge [sflag:s6], s4  }
0x9f: {  	s4 =	ssub.s32 $0x0, s4;
	[sflag:s6] =	ssyncset.done $0x0  }
0xa0: {  	[sflag:s6] =	ssyncadd.s32 s4;
	_ =	sdelay $0x1  }
0xa1: {  	s23 =	simm.s32 $0x1B8B  }
0xa2: {  	_ =	swait.ge [sflag:s23], $0x1  }
0xa3: {  	[sflag:s23] =	ssyncset.done $0x0  }
0xa4: {  	[sflag:s23] =	ssyncadd.s32 $0xFFFFFFFF  }
0xa5: {  	s4 =	sld [smem:$0x0]  }
0xa6: {  	s5 =	sand.u32 $0xFFFFFFFE, s1  }
0xa7: {  	p0 =	sne.s32 s1, s5  }
0xa8: {  	s5 =	sshll.u32 @p0 s5, $0xE  }
0xa9: {  	s5 =	sadd.s32 @p0 $0x11B8D, s5;
	s6 =	sshll.u32 @p0 s4, $0x11  }
0xaa: {  	s5 =	sor.u32 @p0 s6, s5  }
0xab: {  	[sflag:s5] =	ssyncadd.remote.s32 @p0 $0x1;
	_ =	sdelay $0x1  }
0xac: {  	s5 =	simm.s32 @p0 $0x1B8D  }
0xad: {  	_ =	swait.eq @p0 [sflag:s5], $0x1  }
0xae: {  	[sflag:s5] =	ssyncadd.s32 @p0 $0xFFFFFFFF  }
0xaf: {  	s6 =	sshll.u32 @!p0 s1, $0xE  }
0xb0: {  	s6 =	sor.u32 @!p0 $0x4000, s6;
	s5 =	simm.s32 @!p0 $0x1B8D  }
0xb1: {  	s4 =	sshll.u32 @!p0 s4, $0x11;
	s6 =	sadd.s32 @!p0 $0x11B8D, s6;
	_ =	swait.eq @!p0 [sflag:s5], $0x1  }
0xb2: {  	s4 =	sor.u32 @!p0 s4, s6;
	[sflag:s5] =	ssyncadd.s32 @!p0 $0xFFFFFFFF  }
0xb3: {  	s25 =	simm.s32 $0x1B8E;
	s24 =	sld [smem:$0x3FFE];
	[sflag:s4] =	ssyncadd.remote.s32 @!p0 $0x1  }
0xb4: {  	s26 =	simm.s32 $execute0_lowered;
	[smem:$0x3FD2] =	sst s25  }
0xb5: {  	s5 =	sshll.u32 s26, $0x1;
	_ =	strace $0x80000049;
	[dreg:$0x1] =	wrdreg $0xFFFFFFFF  }
0xb6: {  	s28 =	simm.s32 $_size_execute0_lowered;
	s3 =	sadd.s32 s3, s5;
	[dreg:$0x0] =	wrdreg $0x0  }
0xb7: {  	s5 =	sshll.u32 s28, $0x1;
	[dreg:$0x2] =	wrdreg s3  }
0xb8: {  	[dreg:$0x3] =	wrdreg s5  }
0xb9: {  	[dreg:$0x4] =	wrdreg $0xC0  }
0xba: {  	_ =	task [dreg:s22], $0x5FFFF  }
0xbb: {  	[dreg:$0x1] =	wrdreg $0xFFFFFFFF  }
0xbc: {  	[dreg:$0x0] =	wrdreg $0x60  }
0xbd: {  	[dreg:$0x2] =	wrdreg s24  }
0xbe: {  	[dreg:$0x3] =	wrdreg $0x42000  }
0xbf: {  	[dreg:$0x4] =	wrdreg $0x9  }
0xc0: {  	_ =	task.clear_ibuf [dreg:s22], $0x5FFFF;
	_ =	strace $0x90000049  }
0xc1: {  	s29 =	simm.s32 $0x9;
	_ =	strace $0x8000004B  }
0xc2: {  	_ =	swait.ge [sflag:s29], $0x1  }
0xc3: {  	[sflag:s29] =	ssyncadd.s32 $0xFFFFFFFF  }
0xc4: {  	_ =	strace $0x9000004B  }
0xc5: {  	_ =	sfence  }
0xc6: {  	s30 =	sld [smem:$0x0];
	_ =	sdelay $0x2  }
0xc7: {  	s31 =	sshll.u32 s1, $0xD;
	s1 =	sshrl.u32 s1, $0x2  }
0xc8: {  	s4 =	sand.u32 $0x4000, s31;
	s1 =	sadd.s32 s1, s30  }
0xc9: {  	s0 =	sor.u32 s4, s0;
	s1 =	sshll.u32 s1, $0x11  }
0xca: {  	s0 =	sor.u32 s1, s0  }
0xcb: {  	s0 =	sadd.s32 $0x8F2B, s0  }
0xcc: {  	[sflag:s0] =	ssyncadd.remote.s32 $0x1  }
0xcd: {  	_ =	sfence.sel $0xFFFF  }
0xce: {  	[dreg:$0x0] =	wrdreg $0xFFFFFFFF;
	(pc) =	sbr.abs _section_cstart, $3  }
0xcf: {  	[dreg:$0x1] =	wrdreg $0xFFFFFFFF  }
0xd0: {  	_ =	task.clear_ibuf [dreg:s22], $0x2FFFF;
	_ =	strace $0x9FFFFFFF  }
0xd1: {  	(tm) =	ssettm $0x7FFFFFFF  }
tec
execute0_lowered:
.L_overlay_start_1:
0x0: {  	(tag) =	ssettag $0x1  }
0x1: {  	s0 =	rddreg [dreg:$0x0]  }
0x2: {  	s1 =	rddreg [dreg:$0x1];
	s3 =	simm.s32 $0x0  }
0x3: {  	s11 =	stileid.u32;
	s5 =	srdreg.scid;
	s28 =	simm.s32 $0x1  }
0x4: {  	s29 =	simm.s32 $0x180;
	s30 =	simm.s32 $0x2;
	s31 =	simm.s32 $0x5  }
0x5: {  	[smem:$0x7FF] =	sst s3;
	s2 =	sadd.s32 $0x61200, s0;
	s6 =	smul.u32 $0x4E000, s11  }
0x6: {  	s4 =	sadd.s32 $0x66200, s0;
	s5 =	sand.u32 $0x1, s5;
	s7 =	smul.u32 $0x50, s11  }
0x7: {  	s8 =	sadd.s32 $0xB6E00, s0;
	s10 =	sadd.s32 $0xB7600, s0;
	s12 =	sadd.s32 $0xDE800, s0  }
0x8: {  	s20 =	sshll.u32 s11, $0x6;
	s21 =	smul.u32 $0x2700, s11;
	s13 =	sadd.s32 $0x138000, s1  }
0x9: {  	s23 =	smul.u32 $0x500, s11;
	p1 =	sne.s32 s11, $0xF;
	p2 =	seq.s32 s11, $0xF  }
0xa: {  	_ =	strace $0x8000004A;
	[dreg:$0x3] =	wrdreg s8;
	s18 =	ssub.s32 $0x2, s5  }
0xb: {  	s9 =	smul.u32 $0x28, s5;
	s8 =	sor.u32 $0x1C09, s20;
	[dreg:$0x4] =	wrdreg s10  }
0xc: {  	p0 =	seq.s32 s5, $0x1;
	[dreg:$0x5] =	wrdreg s12;
	s24 =	smul.u32 $0x280, s5  }
0xd: {  	[dreg:$0x6] =	wrdreg s13;
	s19 =	sshrl.u32 s18, $0x1;
	s6 =	sshrl.u32 s6, $0x2  }
0xe: {  	s10 =	sadd.s32 s10, s21;
	s0 =	ssub.s32 s18, s19;
	s7 =	sadd.s32 s9, s7  }
0xf: {  	s6 =	sadd.s32 s6, s1;
	[dreg:$0x9] =	wrdreg s10;
	s7 =	sshll.u32 s7, $0x4  }
0x10: {  	s0 =	smax.u32 s0, $0x1;
	s9 =	sadd.s32 s2, s7;
	s7 =	sadd.s32 s12, s21  }
0x11: {  	[dreg:$0xb] =	wrdreg s0;
	s2 =	sadd.s32 s23, s2;
	s21 =	sshrl.u32 s6, $0x3  }
0x12: {  	s23 =	sshrl.u32 @!p1 s13, $0x3;
	s0 =	simm.s32 $0x3;
	s6 =	simm.s32 $0x4  }
0x13: {  	s13 =	simm.s32 $0x8;
	s14 =	sadd.s32 $0x10, s9;
	s22 =	sadd.s32 $0x20, s9  }
0x14: {  	[dreg:$0xa] =	wrdreg s7;
	s25 =	sadd.s32 $0x30, s9;
	s26 =	sadd.s32 $0x40, s9  }
.Ltmp0:
0x15: {  	s18 =	sadd.s32 $0x50, s9;
	[dreg:$0x7] =	wrdreg s14;
	(pc) =	sbr.rel .LBB2_1-.Ltmp0, $4  }
0x16: {  	s19 =	sadd.s32 $0x60, s9;
	s20 =	sadd.s32 s24, s2;
	[dreg:$0x8] =	wrdreg s22  }
0x17: {  	s24 =	simm.s32 $0x200;
	s2 =	simm.s32 $0x6;
	[dreg:$0xc] =	wrdreg s25  }
0x18: {  	s7 =	simm.s32 $0x7;
	[dreg:$0xd] =	wrdreg s26;
	s22 =	simm.s32 $0x9  }
0x19: {  	s25 =	simm.s32 $0x80;
	s26 =	simm.s32 $0x100;
	s14 =	simm.s32 $0x0  }
.LBB2_7:
0x1a: {  	s10 =	rddreg [dreg:$0x6]  }
0x1b: {  	s5 =	sadd.s32 $0x27000, s5;
	s10 =	sshrl.u32 s10, $0x3  }
0x1c: {  	[hbm:s5], [sflag:s8] =	dma.local [spmem:s10], $0x100  }
0x1d: {  	_ =	swait.ge [sflag:s22], $0x100  }
0x1e: {  	[sflag:s22] =	ssyncset.done $0x0  }
0x1f: {  	[sflag:s22] =	ssyncadd.s32 $0xFFFFFF00  }
.LBB2_8:
0x20: {  	s14 =	sadd.s32 $0x1, s14;
	s5 =	rddreg [dreg:$0xb]  }
0x21: {  	p3 =	sne.s32 s14, s5  }
.Ltmp1:
0x22: {  	_ = 	snop;
	(pc) =	sbr.rel @!p3 .LBB2_9-.Ltmp1, $1  }
0x23: {  	_ =	sdelay $0x3  }
.LBB2_1:
0x24: {  	[spmem:s21], [sflag:s8] =	dma.local [hbm:s4], $0x2700  }
0x25: {  	_ =	swait.ge [sflag:s22], $0x2700  }
0x26: {  	[sflag:s22] =	ssyncset.done $0x0  }
0x27: {  	s5 =	simm.s32 @!p1 $0x9;
	[sflag:s22] =	ssyncadd.s32 $0xFFFFD900  }
0x28: {  	[spmem:s23], [sflag:s8] =	dma.local @!p1 [hbm:s4], $0x200  }
0x29: {  	_ =	swait.ge @!p1 [sflag:s5], $0x200  }
0x2a: {  	[sflag:s5] =	ssyncset.done @!p1 $0x0  }
0x2b: {  	s11 =	rddreg [dreg:$0x3];
	[sflag:s5] =	ssyncadd.s32 @!p1 $0xFFFFFE00  }
0x2c: {  	[tilespmem:s24], [sflag:$0x9] =	stream.linear.gather [hbm4b:s11+s3], $0x4000, $0x38;
	[tilespmem:$0x17B00] =	vst v63  }
0x2d: {  	_ =	swait.ge [sflag:s22], $0x4000  }
0x2e: {  	[sflag:s22] =	ssyncset.done $0x0  }
0x2f: {  	[sflag:s22] =	ssyncadd.s32 $0xFFFFC000  }
0x30: {  	[bflag:$0x0] =	sbarrier.arrive $0xFFFF  }
0x31: {  	[tilespmem:s3], [sflag:$0x1] =	stream.linear.gather [hbm4b:s9+s3], $0x80, $0x38;
	[tilespmem:$0x17B00] =	vst v63  }
0x32: {  	s12 =	rddreg [dreg:$0x7]  }
0x33: {  	[tilespmem:s25], [sflag:$0x2] =	stream.linear.gather [hbm4b:s12+s3], $0x80, $0x38;
	[tilespmem:$0x17B00] =	vst v63  }
0x34: {  	s15 =	rddreg [dreg:$0x8]  }
0x35: {  	[tilespmem:s26], [sflag:$0x3] =	stream.linear.gather [hbm4b:s15+s3], $0x80, $0x38;
	[tilespmem:$0x17B00] =	vst v63  }
0x36: {  	_ =	swait.ge [sflag:s28], $0x80  }
0x37: {  	[sflag:s28] =	ssyncset.done $0x0  }
0x38: {  	[sflag:s28] =	ssyncadd.s32 $0xFFFFFF80  }
0x39: {  	[spmem:s1] =	stream.indirect.scatter.add.f32 [tilespmem:s24], [sflag:$0x5], $0x80, s3, s25, $0xb8;
	[tilespmem:$0x17B00] =	vst v63  }
0x3a: {  	s16 =	rddreg [dreg:$0xc]  }
0x3b: {  	[tilespmem:s29], [sflag:$0x4] =	stream.linear.gather [hbm4b:s16+s3], $0x80, $0x38;
	[tilespmem:$0x17B00] =	vst v63  }
0x3c: {  	_ =	swait.ge [sflag:s30], $0x80  }
0x3d: {  	[sflag:s30] =	ssyncset.done $0x0  }
0x3e: {  	[sflag:s30] =	ssyncadd.s32 $0xFFFFFF80  }
0x3f: {  	[spmem:s1] =	stream.indirect.scatter.add.f32 [tilespmem:s24], [sflag:$0x6], $0x80, s25, s25, $0xb8;
	[tilespmem:$0x17B00] =	vst v63  }
0x40: {  	_ =	swait.ge [sflag:s31], $0x4000  }
0x41: {  	[sflag:s31] =	ssyncset.done $0x0  }
0x42: {  	s17 =	rddreg [dreg:$0xd];
	[sflag:s31] =	ssyncadd.s32 $0xFFFFC000  }
0x43: {  	[tilespmem:s3], [sflag:$0x1] =	stream.linear.gather [hbm4b:s17+s3], $0x80, $0x38;
	[tilespmem:$0x17B00] =	vst v63  }
0x44: {  	_ =	swait.ge [sflag:s0], $0x80  }
0x45: {  	[sflag:s0] =	ssyncset.done $0x0  }
0x46: {  	[sflag:s0] =	ssyncadd.s32 $0xFFFFFF80  }
0x47: {  	[spmem:s1] =	stream.indirect.scatter.add.f32 [tilespmem:s24], [sflag:$0x7], $0x80, s26, s25, $0xb8;
	[tilespmem:$0x17B00] =	vst v63  }
0x48: {  	_ =	swait.ge [sflag:s2], $0x4000  }
0x49: {  	[sflag:s2] =	ssyncset.done $0x0  }
0x4a: {  	[sflag:s2] =	ssyncadd.s32 $0xFFFFC000  }
0x4b: {  	[tilespmem:s25], [sflag:$0x2] =	stream.linear.gather [hbm4b:s18+s3], $0x80, $0x38;
	[tilespmem:$0x17B00] =	vst v63  }
0x4c: {  	_ =	swait.ge [sflag:s6], $0x80  }
0x4d: {  	[sflag:s6] =	ssyncset.done $0x0  }
0x4e: {  	[sflag:s6] =	ssyncadd.s32 $0xFFFFFF80  }
0x4f: {  	[spmem:s1] =	stream.indirect.scatter.add.f32 [tilespmem:s24], [sflag:$0x8], $0x80, s29, s25, $0xb8;
	[tilespmem:$0x17B00] =	vst v63  }
0x50: {  	_ =	swait.ge [sflag:s7], $0x4000  }
0x51: {  	[sflag:s7] =	ssyncset.done $0x0  }
0x52: {  	s10 =	simm.s32 $0x0;
	[sflag:s7] =	ssyncadd.s32 $0xFFFFC000  }
0x53: {  	[tilespmem:s26], [sflag:$0x3] =	stream.linear.gather [hbm4b:s19+s3], $0x80, $0x38;
	[tilespmem:$0x17B00] =	vst v63  }
.LBB2_2:
0x54: {  	_ =	swait.ge [sflag:s28], $0x80  }
0x55: {  	[sflag:s28] =	ssyncset.done $0x0  }
0x56: {  	[sflag:s28] =	ssyncadd.s32 $0xFFFFFF80  }
0x57: {  	[spmem:s1] =	stream.indirect.scatter.add.f32 [tilespmem:s24], [sflag:$0x5], $0x80, s3, s25, $0xb8;
	[tilespmem:$0x17B00] =	vst v63  }
0x58: {  	_ =	swait.ge [sflag:s13], $0x4000  }
0x59: {  	s5 =	sadd.s32 s10, s20;
	[sflag:s13] =	ssyncset.done $0x0  }
0x5a: {  	s11 =	sadd.s32 $0x70, s5;
	[sflag:s13] =	ssyncadd.s32 $0xFFFFC000  }
0x5b: {  	[tilespmem:s29], [sflag:$0x4] =	stream.linear.gather [hbm4b:s11+s3], $0x80, $0x38;
	[tilespmem:$0x17B00] =	vst v63  }
0x5c: {  	_ =	swait.ge [sflag:s30], $0x80  }
0x5d: {  	p3 =	seq.s32 s10, $0x200;
	[sflag:s30] =	ssyncset.done $0x0  }
0x5e: {  	s11 =	simm.s32 @p3 $0x3;
	[sflag:s30] =	ssyncadd.s32 $0xFFFFFF80  }
0x5f: {  	[spmem:s1] =	stream.indirect.scatter.add.f32 [tilespmem:s24], [sflag:$0x6], $0x80, s25, s25, $0xb8;
	[tilespmem:$0x17B00] =	vst v63  }
0x60: {  	_ =	swait.ge @p3 [sflag:s11], $0x80  }
0x61: {  	s12 =	simm.s32 @p3 $0x100;
	[sflag:s11] =	ssyncset.done @p3 $0x0  }
0x62: {  	s15 =	simm.s32 @p3 $0x200;
	[sflag:s11] =	ssyncadd.s32 @p3 $0xFFFFFF80;
	s11 =	simm.s32 @p3 $0x80  }
0x63: {  	[spmem:s1] =	stream.indirect.scatter.add.f32 @p3 [tilespmem:s15], [sflag:$0x7], $0x80, s12, s11, $0xb8;
	[tilespmem:$0x17B00] =	vst v63  }
0x64: {  	s11 =	simm.s32 @!p3 $0x5  }
0x65: {  	_ =	swait.ge @!p3 [sflag:s11], $0x4000  }
0x66: {  	s12 =	sadd.s32 @!p3 s10, s20;
	[sflag:s11] =	ssyncset.done @!p3 $0x0  }
0x67: {  	s15 =	simm.s32 @!p3 $0x0;
	[sflag:s11] =	ssyncadd.s32 @!p3 $0xFFFFC000;
	s11 =	sadd.s32 @!p3 $0x80, s12  }
0x68: {  	[tilespmem:s15], [sflag:$0x1] =	stream.linear.gather @!p3 [hbm4b:s11+s15], $0x80, $0x38;
	[tilespmem:$0x17B00] =	vst v63  }
0x69: {  	s11 =	simm.s32 @!p3 $0x3  }
0x6a: {  	_ =	swait.ge @!p3 [sflag:s11], $0x80  }
0x6b: {  	s16 =	simm.s32 @!p3 $0x100;
	[sflag:s11] =	ssyncset.done @!p3 $0x0  }
0x6c: {  	s17 =	simm.s32 @!p3 $0x200;
	[sflag:s11] =	ssyncadd.s32 @!p3 $0xFFFFFF80;
	s11 =	simm.s32 @!p3 $0x80  }
0x6d: {  	[spmem:s1] =	stream.indirect.scatter.add.f32 @!p3 [tilespmem:s17], [sflag:$0x7], $0x80, s16, s11, $0xb8;
	[tilespmem:$0x17B00] =	vst v63  }
0x6e: {  	s16 =	simm.s32 @!p3 $0x6  }
0x6f: {  	_ =	swait.ge @!p3 [sflag:s16], $0x4000  }
0x70: {  	[sflag:s16] =	ssyncset.done @!p3 $0x0  }
0x71: {  	s12 =	sadd.s32 @!p3 $0x90, s12;
	[sflag:s16] =	ssyncadd.s32 @!p3 $0xFFFFC000  }
0x72: {  	[tilespmem:s11], [sflag:$0x2] =	stream.linear.gather @!p3 [hbm4b:s12+s15], $0x80, $0x38;
	[tilespmem:$0x17B00] =	vst v63  }
.Ltmp2:
0x73: {  	_ = 	snop;
	(pc) =	sbr.rel @p3 .LBB2_4-.Ltmp2, $4  }
0x74: {  	_ =	swait.ge [sflag:s6], $0x80  }
0x75: {  	[sflag:s6] =	ssyncset.done $0x0  }
0x76: {  	[sflag:s6] =	ssyncadd.s32 $0xFFFFFF80  }
0x77: {  	[spmem:s1] =	stream.indirect.scatter.add.f32 [tilespmem:s24], [sflag:$0x8], $0x80, s29, s25, $0xb8;
	[tilespmem:$0x17B00] =	vst v63  }
.Ltmp3:
0x78: {  	(pc) =	sbr.rel .LBB2_2-.Ltmp3, $4  }
0x79: {  	_ =	swait.ge [sflag:s7], $0x4000  }
0x7a: {  	[sflag:s7] =	ssyncset.done $0x0  }
0x7b: {  	s5 =	sadd.s32 $0xA0, s5;
	s10 =	sadd.s32 $0x40, s10;
	[sflag:s7] =	ssyncadd.s32 $0xFFFFC000  }
0x7c: {  	[tilespmem:s26], [sflag:$0x3] =	stream.linear.gather [hbm4b:s5+s3], $0x80, $0x38;
	[tilespmem:$0x17B00] =	vst v63  }
.LBB2_4:
0x7d: {  	_ =	swait.ge [sflag:s2], $0x4000  }
0x7e: {  	[sflag:s2] =	ssyncset.done $0x0  }
0x7f: {  	[sflag:s2] =	ssyncadd.s32 $0xFFFFC000  }
0x80: {  	_ =	swait.ge [sflag:s7], $0x4000  }
0x81: {  	[sflag:s7] =	ssyncset.done $0x0  }
0x82: {  	[sflag:s7] =	ssyncadd.s32 $0xFFFFC000  }
0x83: {  	_ =	swait.ge [sflag:s13], $0x4000  }
0x84: {  	[sflag:s13] =	ssyncset.done $0x0  }
0x85: {  	[sflag:s13] =	ssyncadd.s32 $0xFFFFC000  }
.Ltmp4:
0x86: {  	_ =	swait.ge [sflag:s31], $0x4000;
	(pc) =	sbr.rel @!p0 .LBB2_5-.Ltmp4, $3  }
0x87: {  	[sflag:s31] =	ssyncset.done $0x0  }
0x88: {  	[sflag:s31] =	ssyncadd.s32 $0xFFFFC000  }
0x89: {  	[bflag:$0x0] =	sbarrier.arrive $0xFFFF;
	_ =	sdelay $0x1  }
0x8a: {  	s5 =	rddreg [dreg:$0xa]  }
0x8b: {  	[hbm:s5], [sflag:s8] =	dma.local [spmem:s21], $0x2700  }
.Ltmp5:
0x8c: {  	_ = 	snop;
	(pc) =	sbr.rel @p1 .LBB2_8-.Ltmp5, $4  }
.Ltmp6:
0x8d: {  	_ = 	snop;
	(pc) =	sbr.rel @!p1 .LBB2_7-.Ltmp6, $4  }
0x8e: {  	_ =	swait.ge [sflag:s22], $0x2700  }
0x8f: {  	[sflag:s22] =	ssyncset.done $0x0  }
0x90: {  	s5 =	rddreg [dreg:$0x5];
	[sflag:s22] =	ssyncadd.s32 $0xFFFFD900  }
0x91: {  	_ = 	snop  }
.LBB2_5:
0x92: {  	s5 =	rddreg [dreg:$0x9]  }
0x93: {  	[hbm:s5], [sflag:s8] =	dma.local [spmem:s21], $0x2700  }
.Ltmp7:
0x94: {  	_ = 	snop;
	(pc) =	sbr.rel @p2 .LBB2_7-.Ltmp7, $4  }
.Ltmp8:
0x95: {  	_ = 	snop;
	(pc) =	sbr.rel @!p2 .LBB2_8-.Ltmp8, $4  }
0x96: {  	_ =	swait.ge [sflag:s22], $0x2700  }
0x97: {  	[sflag:s22] =	ssyncset.done $0x0  }
0x98: {  	s5 =	rddreg [dreg:$0x4];
	[sflag:s22] =	ssyncadd.s32 $0xFFFFD900  }
0x99: {  	_ = 	snop  }
.LBB2_9:
0x9a: {  	_ =	sfence.sel $0x180000  }
0x9b: {  	[bflag:$0x0] =	sbarrier.arrive $0xFFFF  }
0x9c: {  	_ =	strace $0x9000004A  }
0x9d: {  	s0 =	stileid.u32;
	[bflag:$0x2] =	sbarrier.arrive $0xFFFF  }
0x9e: {  	p0 =	sne.s32 s0, $0x0;
	s0 =	rddreg [dreg:$0x2]  }
0x9f: {  	s0 =	sadd.s32 @!p0 $0x100000, s0  }
0xa0: {  	[sflag:s0] =	ssyncadd.tile.s32 @!p0 $0x1;
	_ =	shalt  }
.Lfunc_end2:
_tile_overlayer_lowered:
.L_overlay_start_2:
0xa1: {  	(tag) =	ssettag $0x2  }
0xa2: {  	s0 =	rddreg [dreg:$0x0];
	s2 =	stileid.u32  }
0xa3: {  	s1 =	rddreg [dreg:$0x1];
	p0 =	sne.s32 s2, $0x0  }
0xa4: {  	s3 =	rddreg [dreg:$0x2];
	[bflag:$0x3] =	sbarrier.arrive $0xFFFF;
	s2 =	simm.s32 @!p0 $0x1C09  }
0xa5: {  	[timem:s3], [sflag:s2] =	dma.local @!p0 [hbm:s0], s1  }
0xa6: {  	s0 =	simm.s32 @!p0 $0x9  }
0xa7: {  	_ =	swait.ge @!p0 [sflag:s0], s1  }
0xa8: {  	s1 =	ssub.s32 @!p0 $0x0, s1;
	[sflag:s0] =	ssyncset.done @!p0 $0x0  }
0xa9: {  	[sflag:s0] =	ssyncadd.s32 @!p0 s1  }
0xaa: {  	[bflag:$0x3] =	sbarrier.arrive $0xFFFF  }
0xab: {  	_ =	shalt  }

// kernel: kernel.20.cloned.1.call-start
scs
__scs_entry_jumppad:
0x0: {  	(pc) =	sbr.rel $0x88, $3  }
0x1: {  	(tag) =	ssettag $0x0;
	lr =	simm.s32 $0x1  }
0x2: {  	[smem:$0x3F91] =	sst lr;
	_ =	strace $0xD0000000  }
0x3: {  	_ = 	snop  }
0x4: {  	_ = 	snop  }
0x5: {  	_ = 	snop  }
0x6: {  	_ = 	snop  }
0x7: {  	_ = 	snop  }
__scs_overlays_trampoline_lowered:
0x8: {  	[smem:$0x3FA0] =	sst s0  }
0x9: {  	[smem:$0x3FA1] =	sst s1  }
0xa: {  	[smem:$0x3FA2] =	sst s2  }
0xb: {  	[smem:$0x3FA3] =	sst s3  }
0xc: {  	[smem:$0x3FA4] =	sst s4  }
0xd: {  	[smem:$0x3FA5] =	sst s5  }
0xe: {  	[smem:$0x3FA6] =	sst s6  }
0xf: {  	[smem:$0x3FA7] =	sst s7  }
0x10: {  	[smem:$0x3FA8] =	sst s8  }
0x11: {  	[smem:$0x3FA9] =	sst s9;
	s0 =	simm.s32 @!p0 $0x0  }
0x12: {  	s1 =	sld [smem:$0x3F8F];
	s0 =	simm.s32 @p0 $0x1  }
0x13: {  	[smem:$0x3FAA] =	sst s0;
	s0 =	simm.s32 @!p1 $0x0  }
0x14: {  	s2 =	sld [smem:$0x3F8E];
	s0 =	simm.s32 @p1 $0x1  }
0x15: {  	[smem:$0x3FAB] =	sst s0;
	s0 =	simm.s32 @!p2 $0x0  }
0x16: {  	s3 =	sld [smem:$0x3FDB];
	s0 =	simm.s32 @p2 $0x1  }
0x17: {  	s4 =	simm.s32 $0x1BF5;
	[smem:$0x3FAD] =	sst s0  }
0x18: {  	s0 =	sld [smem:$0x3F90];
	_ =	swait.ge [sflag:s4], $0x0  }
0x19: {  	s7 =	sld [smem:$0x3F91]  }
0x1a: {  	s8 =	sadd.s32 $0xFFFFE003, lr  }
0x1b: {  	s9 =	sadd.s32 $0xFFFFFEF7, lr;
	s5 =	simm.s32 $0xFFFFFFFF;
	p2 =	slt.u32 s8, $0xFFFFF086  }
0x1c: {  	p1 =	slt.u32 s9, $0xF7A;
	s5 =	simm.s32 @!p2 $0x0  }
0x1d: {  	s5 =	simm.s32 @p1 $0x1;
	p0 =	seq.s32 s7, s2  }
0x1e: {  	s7 =	smul.u32 @!p0 $0xF7A, s2;
	p2 =	seq.s32 @!p0 s5, $0x0  }
0x1f: {  	s9 =	smul.u32 $0xF7A, s1;
	s8 =	simm.s32 @!p0 $0x1BF5;
	p2 =	por !p2, p0  }
0x20: {  	[sflag:s8] =	ssyncset.s32 @!p0 $0xFFFFF086;
	s6 =	sadd.s32 @!p0 s3, s7;
	s7 =	simm.s32 @!p0 $0x108  }
0x21: {  	s3 =	sadd.s32 s3, s9;
	s6 =	sadd.s32 @!p0 $0x88, s6;
	s7 =	simm.s32 @p2 $0x1082  }
0x22: {  	[simem:s7], [sflag:s8] =	dma.local @!p0 [hbm:s6], $0xF7A  }
0x23: {  	s9 =	sor.u32 $0xD0000000, s2;
	s6 =	simm.s32 $0x108;
	_ =	swait.ge @!p0 [sflag:s8], $0x0  }
0x24: {  	s3 =	sadd.s32 $0x88, s3;
	s6 =	simm.s32 @!p1 $0x1082;
	[sflag:s4] =	ssyncset.s32 $0xFFFFF086  }
0x25: {  	[simem:s6], [sflag:s4] =	dma.local [hbm:s3], $0xF7A  }
0x26: {  	[smem:$0x3F91] =	sst s1;
	(tag) =	ssettag s2;
	_ =	strace s9  }
0x27: {  	s1 =	sld [smem:$0x3FA1]  }
0x28: {  	s2 =	sld [smem:$0x3FA2]  }
0x29: {  	s4 =	sld [smem:$0x3FA4]  }
0x2a: {  	p0 =	seq.s32 s5, $0x0;
	s5 =	sld [smem:$0x3FA5]  }
0x2b: {  	s6 =	sld [smem:$0x3FA6]  }
0x2c: {  	s7 =	sld [smem:$0x3FA7]  }
0x2d: {  	s3 =	simm.s32 $0x108;
	s8 =	sld [smem:$0x3FA8]  }
0x2e: {  	s3 =	simm.s32 @!p0 $0x1082;
	s9 =	sld [smem:$0x3FA9]  }
0x2f: {  	lr =	sadd.s32 s0, s3;
	s0 =	sld [smem:$0x3FA0]  }
0x30: {  	s3 =	sld [smem:$0x3FA3]  }
0x31: {  	[smem:$0x3FAC] =	sst s10  }
0x32: {  	s10 =	sld [smem:$0x3FAA];
	_ =	sdelay $0x3  }
0x33: {  	p0 =	seq.s32 s10, $0x1;
	s10 =	sld [smem:$0x3FAC];
	_ =	sdelay $0x3  }
0x34: {  	[smem:$0x3FAC] =	sst s10  }
0x35: {  	s10 =	sld [smem:$0x3FAB];
	_ =	sdelay $0x3  }
0x36: {  	p1 =	seq.s32 s10, $0x1;
	s10 =	sld [smem:$0x3FAC];
	_ =	sdelay $0x3  }
0x37: {  	[smem:$0x3FAC] =	sst s10  }
0x38: {  	s10 =	sld [smem:$0x3FAD]  }
0x39: {  	_ = 	snop;
	(pc) =	sbr.ind lr, $3  }
0x3a: {  	_ = 	snop  }
0x3b: {  	_ = 	snop  }
0x3c: {  	p2 =	seq.s32 s10, $0x1;
	s10 =	sld [smem:$0x3FAC]  }
0x3d: {  	_ =	shalt  }
0x3e: {  	_ =	shalt  }
0x3f: {  	_ =	shalt  }
0x40: {  	_ =	shalt  }
0x41: {  	_ =	shalt  }
0x42: {  	_ =	shalt  }
0x43: {  	_ =	shalt  }
0x44: {  	_ =	shalt  }
0x45: {  	_ =	shalt  }
0x46: {  	_ =	shalt  }
0x47: {  	_ =	shalt  }
0x48: {  	_ =	shalt  }
0x49: {  	_ =	shalt  }
0x4a: {  	_ =	shalt  }
0x4b: {  	_ =	shalt  }
0x4c: {  	_ =	shalt  }
0x4d: {  	_ =	shalt  }
0x4e: {  	_ =	shalt  }
0x4f: {  	_ =	shalt  }
0x50: {  	_ =	shalt  }
0x51: {  	_ =	shalt  }
0x52: {  	_ =	shalt  }
0x53: {  	_ =	shalt  }
0x54: {  	_ =	shalt  }
0x55: {  	_ =	shalt  }
0x56: {  	_ =	shalt  }
0x57: {  	_ =	shalt  }
0x58: {  	_ =	shalt  }
0x59: {  	_ =	shalt  }
0x5a: {  	_ =	shalt  }
0x5b: {  	_ =	shalt  }
0x5c: {  	_ =	shalt  }
0x5d: {  	_ =	shalt  }
0x5e: {  	_ =	shalt  }
0x5f: {  	_ =	shalt  }
0x60: {  	_ =	shalt  }
0x61: {  	_ =	shalt  }
0x62: {  	_ =	shalt  }
0x63: {  	_ =	shalt  }
0x64: {  	_ =	shalt  }
0x65: {  	_ =	shalt  }
0x66: {  	_ =	shalt  }
0x67: {  	_ =	shalt  }
0x68: {  	_ =	shalt  }
0x69: {  	_ =	shalt  }
0x6a: {  	_ =	shalt  }
0x6b: {  	_ =	shalt  }
0x6c: {  	_ =	shalt  }
0x6d: {  	_ =	shalt  }
0x6e: {  	_ =	shalt  }
0x6f: {  	_ =	shalt  }
0x70: {  	_ =	shalt  }
0x71: {  	_ =	shalt  }
0x72: {  	_ =	shalt  }
0x73: {  	_ =	shalt  }
0x74: {  	_ =	shalt  }
0x75: {  	_ =	shalt  }
0x76: {  	_ =	shalt  }
0x77: {  	_ =	shalt  }
0x78: {  	_ =	shalt  }
0x79: {  	_ =	shalt  }
0x7a: {  	_ =	shalt  }
0x7b: {  	_ =	shalt  }
0x7c: {  	_ =	shalt  }
0x7d: {  	_ =	shalt  }
0x7e: {  	_ =	shalt  }
0x7f: {  	_ =	shalt  }
0x80: {  	_ =	shalt  }
0x81: {  	_ =	shalt  }
0x82: {  	_ =	shalt  }
0x83: {  	_ =	shalt  }
0x84: {  	_ =	shalt  }
0x85: {  	_ =	shalt  }
0x86: {  	_ =	shalt  }
0x87: {  	_ =	shalt  }
.Lfunc_end0:
.L_simem_size_0:
called_computation.1_lowered:
.L_overlay_start_0:
0x88: {  	s2 =	sld [smem:$0x3FD9]  }
0x89: {  	s3 =	sld [smem:$0x3FFE];
	_ =	sdelay $0x1  }
0x8a: {  	s1 =	srdreg.scid  }
0x8b: {  	s0 =	sand.u32 $0x1, s1  }
0x8c: {  	s16 =	sshll.u32 s0, $0xA;
	s2 =	sadd.s32 s3, s2  }
0x8d: {  	s2 =	sadd.s32 s2, s16  }
0x8e: {  	[smem:$0x3FB8] =	sst s2  }
0x8f: {  	_ = 	snop  }
0x90: {  	(tm) =	ssettm $0x1  }
0x91: {  	s17 =	sld [smem:$0x3FFB];
	_ =	sdelay $0x3  }
0x92: {  	_ =	strace s17  }
0x93: {  	s2 =	sld [smem:$0x3FFC];
	_ =	sdelay $0x3  }
0x94: {  	_ =	strace s2  }
0x95: {  	s2 =	sld [smem:$0x3FFD];
	_ =	sdelay $0x3  }
0x96: {  	_ =	strace s2  }
0x97: {  	_ =	strace $0x8FFFFFFF  }
0x98: {  	s18 =	sld [smem:$0x3FDB];
	_ =	sdelay $0x1  }
0x99: {  	s19 =	simm.s32 $_scs_section_size  }
0x9a: {  	s4 =	simm.s32 $_size__tile_overlayer_lowered;
	s5 =	simm.s32 $_tile_overlayer_lowered  }
0x9b: {  	s22 =	simm.s32 $0x1BFF;
	s21 =	sshll.u32 s5, $0x1;
	s2 =	sadd.s32 s19, s18  }
0x9c: {  	s6 =	simm.s32 $0x0;
	s20 =	sshll.u32 s4, $0x1;
	s4 =	sadd.s32 s21, s2  }
0x9d: {  	[timem:s6], [sflag:s22] =	dma.local [hbm:s4], s20  }
0x9e: {  	_ =	swait.ge [sflag:s22], s20  }
0x9f: {  	s3 =	ssub.s32 $0x0, s20;
	[sflag:s22] =	ssyncset.done $0x0  }
0xa0: {  	[sflag:s22] =	ssyncadd.s32 s3;
	_ =	sdelay $0x1  }
0xa1: {  	s23 =	simm.s32 $0x1B8B  }
0xa2: {  	_ =	swait.ge [sflag:s23], $0x1  }
0xa3: {  	[sflag:s23] =	ssyncset.done $0x0  }
0xa4: {  	s25 =	simm.s32 $0x1B8E;
	s24 =	sld [smem:$0x3FFE];
	[sflag:s23] =	ssyncadd.s32 $0xFFFFFFFF  }
0xa5: {  	s26 =	simm.s32 $execute0_lowered;
	[smem:$0x3FD2] =	sst s25  }
0xa6: {  	s4 =	sshll.u32 s26, $0x1;
	_ =	strace $0x80000046;
	[dreg:$0x1] =	wrdreg $0xFFFFFFFF  }
0xa7: {  	s28 =	simm.s32 $_size_execute0_lowered;
	s2 =	sadd.s32 s2, s4;
	[dreg:$0x0] =	wrdreg $0x0  }
0xa8: {  	s4 =	sshll.u32 s28, $0x1;
	[dreg:$0x2] =	wrdreg s2  }
0xa9: {  	[dreg:$0x3] =	wrdreg s4  }
0xaa: {  	[dreg:$0x4] =	wrdreg $0xC0  }
0xab: {  	_ =	task [dreg:s6], $0x5FFFF  }
0xac: {  	[dreg:$0x1] =	wrdreg $0xFFFFFFFF  }
0xad: {  	[dreg:$0x0] =	wrdreg $0x60  }
0xae: {  	[dreg:$0x2] =	wrdreg s24  }
0xaf: {  	[dreg:$0x3] =	wrdreg $0x84000  }
0xb0: {  	[dreg:$0x4] =	wrdreg $0xA  }
0xb1: {  	_ =	task.clear_ibuf [dreg:s6], $0x5FFFF;
	_ =	strace $0x90000046  }
0xb2: {  	s29 =	simm.s32 $0xA;
	_ =	strace $0x80000048  }
0xb3: {  	_ =	swait.ge [sflag:s29], $0x1  }
0xb4: {  	[sflag:s29] =	ssyncadd.s32 $0xFFFFFFFF  }
0xb5: {  	_ =	strace $0x90000048  }
0xb6: {  	_ =	sfence  }
0xb7: {  	s30 =	sld [smem:$0x0];
	_ =	sdelay $0x2  }
0xb8: {  	s31 =	sshll.u32 s1, $0xD;
	s1 =	sshrl.u32 s1, $0x2  }
0xb9: {  	s3 =	sand.u32 $0x4000, s31;
	s1 =	sadd.s32 s1, s30  }
0xba: {  	s0 =	sor.u32 s3, s0;
	s1 =	sshll.u32 s1, $0x11  }
0xbb: {  	s0 =	sor.u32 s1, s0  }
0xbc: {  	s0 =	sadd.s32 $0x8F2B, s0  }
0xbd: {  	[sflag:s0] =	ssyncadd.remote.s32 $0x1  }
0xbe: {  	_ =	sfence.sel $0xFFFF  }
0xbf: {  	[dreg:$0x0] =	wrdreg $0xFFFFFFFF;
	(pc) =	sbr.abs _section_cstart, $3  }
0xc0: {  	[dreg:$0x1] =	wrdreg $0xFFFFFFFF  }
0xc1: {  	_ =	task.clear_ibuf [dreg:s6], $0x2FFFF;
	_ =	strace $0x9FFFFFFF  }
0xc2: {  	(tm) =	ssettm $0x7FFFFFFF  }
0xc3: {  	_ =	shalt  }
tec
execute0_lowered:
.L_overlay_start_1:
0x0: {  	(tag) =	ssettag $0x1  }
0x1: {  	s0 =	rddreg [dreg:$0x0]  }
0x2: {  	s1 =	rddreg [dreg:$0x1];
	s2 =	simm.s32 $0x0;
	s6 =	srdreg.scid  }
0x3: {  	s13 =	stileid.u32;
	s28 =	simm.s32 $0x200;
	s29 =	simm.s32 $0x280  }
0x4: {  	s30 =	simm.s32 $0x3;
	s31 =	simm.s32 $0x400;
	[smem:$0x7FF] =	sst s2  }
0x5: {  	s3 =	sadd.s32 $0x5C200, s0;
	s7 =	sadd.s32 $0x61200, s0;
	s4 =	sadd.s32 $0x35000, s0  }
0x6: {  	s5 =	sadd.s32 $0xDE00, s0;
	s8 =	sand.u32 $0x1, s6;
	s25 =	sadd.s32 $0x66200, s0  }
0x7: {  	s10 =	smul.u32 $0x4E000, s13;
	s26 =	sadd.s32 $0x68A00, s0;
	s14 =	sadd.s32 $0x8FC00, s0  }
0x8: {  	s11 =	sshll.u32 s13, $0x6;
	s12 =	smul.u32 $0x2800, s13;
	s17 =	sadd.s32 $0x138000, s1  }
0x9: {  	s23 =	smul.u32 $0x2700, s13;
	_ =	strace $0x80000047;
	[dreg:$0x3] =	wrdreg s25  }
0xa: {  	p1 =	sne.s32 s13, $0xF;
	p2 =	seq.s32 s13, $0xF;
	[dreg:$0x8] =	wrdreg s17  }
0xb: {  	s9 =	ssub.s32 $0x2, s8;
	p0 =	seq.s32 s8, $0x1;
	[dreg:$0x4] =	wrdreg s26  }
0xc: {  	s25 =	smul.u32 $0x500, s13;
	[dreg:$0x5] =	wrdreg s14;
	s13 =	simm.s32 $0x8  }
0xd: {  	s17 =	simm.s32 $0x0;
	s15 =	sshrl.u32 s9, $0x1;
	s10 =	sshrl.u32 s10, $0x2  }
0xe: {  	s18 =	sshrl.u32 s12, $0x3;
	s6 =	sadd.s32 s26, s23;
	s26 =	sadd.s32 s14, s23  }
0xf: {  	s12 =	simm.s32 $0x5;
	s14 =	simm.s32 $0x6;
	[dreg:$0xf] =	wrdreg s6  }
0x10: {  	s0 =	ssub.s32 s9, s15;
	s16 =	sadd.s32 s10, s1;
	[dreg:$0x10] =	wrdreg s26  }
0x11: {  	s15 =	sor.u32 $0x1C09, s11;
	s19 =	sadd.s32 s3, s18;
	[dreg:$0x6] =	wrdreg s16  }
0x12: {  	s20 =	sadd.s32 s7, s18;
	s21 =	sor.u32 $0x10, s18;
	[dreg:$0x9] =	wrdreg s19  }
0x13: {  	s8 =	sor.u32 $0x20, s18;
	s26 =	simm.s32 $0x180;
	[dreg:$0xa] =	wrdreg s20  }
0x14: {  	s18 =	simm.s32 $0x4400;
	s22 =	sadd.s32 s3, s21;
	[dreg:$0x7] =	wrdreg s15  }
0x15: {  	s9 =	sadd.s32 s7, s21;
	s24 =	sadd.s32 s3, s8;
	[dreg:$0xb] =	wrdreg s22  }
0x16: {  	s8 =	sadd.s32 s7, s8;
	s0 =	smax.u32 s0, $0x1;
	[dreg:$0xc] =	wrdreg s9  }
.Ltmp0:
0x17: {  	s21 =	sadd.s32 s25, s7;
	[dreg:$0xd] =	wrdreg s24;
	(pc) =	sbr.rel .LBB2_1-.Ltmp0, $4  }
0x18: {  	s16 =	simm.s32 $0x9;
	s7 =	simm.s32 $0x380;
	[dreg:$0xe] =	wrdreg s8  }
0x19: {  	s19 =	simm.s32 $0x2;
	[dreg:$0x11] =	wrdreg s0;
	s22 =	sadd.s32 s25, s3  }
0x1a: {  	s24 =	simm.s32 $0x80;
	s25 =	simm.s32 $0x100;
	s0 =	simm.s32 $0x1  }
0x1b: {  	s3 =	simm.s32 $0x300;
	s8 =	simm.s32 $0x4;
	s9 =	simm.s32 $0x7  }
.LBB2_10:
0x1c: {  	s10 =	rddreg [dreg:$0x8]  }
0x1d: {  	s6 =	sadd.s32 $0x27000, s11;
	s10 =	sshrl.u32 s10, $0x3  }
0x1e: {  	[hbm:s6], [sflag:s15] =	dma.local [spmem:s10], $0x100  }
0x1f: {  	_ =	swait.ge [sflag:s16], $0x100  }
0x20: {  	[sflag:s16] =	ssyncset.done $0x0  }
0x21: {  	[sflag:s16] =	ssyncadd.s32 $0xFFFFFF00  }
.LBB2_11:
0x22: {  	s17 =	sadd.s32 $0x1, s17;
	s6 =	rddreg [dreg:$0x11]  }
0x23: {  	p3 =	sne.s32 s17, s6  }
.Ltmp1:
0x24: {  	_ = 	snop;
	(pc) =	sbr.rel @!p3 .LBB2_12-.Ltmp1, $1  }
0x25: {  	_ =	sdelay $0x3  }
.LBB2_1:
0x26: {  	[dreg:$0x12] =	wrdreg s17  }
0x27: {  	s6 =	rddreg [dreg:$0x6]  }
0x28: {  	s10 =	sshrl.u32 s6, $0x3;
	s6 =	rddreg [dreg:$0x3]  }
0x29: {  	[dreg:$0x13] =	wrdreg s10  }
0x2a: {  	[spmem:s10], [sflag:s15] =	dma.local [hbm:s6], $0x2700  }
0x2b: {  	_ =	swait.ge [sflag:s16], $0x2700  }
0x2c: {  	[sflag:s16] =	ssyncset.done $0x0;
	s10 =	rddreg [dreg:$0x8]  }
0x2d: {  	[sflag:s16] =	ssyncadd.s32 $0xFFFFD900;
	s11 =	sshrl.u32 @!p1 s10, $0x3  }
0x2e: {  	[spmem:s11], [sflag:s15] =	dma.local @!p1 [hbm:s6], $0x200  }
0x2f: {  	s11 =	simm.s32 @!p1 $0x9  }
0x30: {  	_ =	swait.ge @!p1 [sflag:s11], $0x200  }
0x31: {  	[sflag:s11] =	ssyncset.done @!p1 $0x0  }
0x32: {  	[sflag:s11] =	ssyncadd.s32 @!p1 $0xFFFFFE00  }
0x33: {  	[bflag:$0x0] =	sbarrier.arrive $0xFFFF  }
0x34: {  	s11 =	rddreg [dreg:$0x9]  }
0x35: {  	[tilespmem:s2], [sflag:$0x3] =	stream.linear.gather [hbm4b:s11+s2], $0x80, $0x38;
	[tilespmem:$0x1BD00] =	vst v63  }
0x36: {  	s15 =	rddreg [dreg:$0xa]  }
0x37: {  	[tilespmem:s24], [sflag:$0x3] =	stream.linear.gather [hbm4b:s15+s2], $0x80, $0x38;
	[tilespmem:$0x1BD00] =	vst v63  }
0x38: {  	s16 =	rddreg [dreg:$0xb]  }
0x39: {  	[tilespmem:s25], [sflag:$0x4] =	stream.linear.gather [hbm4b:s16+s2], $0x80, $0x38;
	[tilespmem:$0x1BD00] =	vst v63  }
0x3a: {  	s17 =	rddreg [dreg:$0xc]  }
0x3b: {  	[tilespmem:s26], [sflag:$0x4] =	stream.linear.gather [hbm4b:s17+s2], $0x80, $0x38;
	[tilespmem:$0x1BD00] =	vst v63  }
0x3c: {  	s20 =	rddreg [dreg:$0xd]  }
0x3d: {  	[tilespmem:s28], [sflag:$0x5] =	stream.linear.gather [hbm4b:s20+s2], $0x80, $0x38;
	[tilespmem:$0x1BD00] =	vst v63  }
0x3e: {  	s23 =	rddreg [dreg:$0xe]  }
0x3f: {  	[tilespmem:s29], [sflag:$0x5] =	stream.linear.gather [hbm4b:s23+s2], $0x80, $0x38;
	[tilespmem:$0x1BD00] =	vst v63  }
0x40: {  	_ =	swait.ge [sflag:s30], $0x80  }
.Ltmp2:
0x41: {  	[sflag:s30] =	ssyncset.done $0x0;
	(pc) =	sbr.rel @!p0 .LBB2_2-.Ltmp2, $4  }
0x42: {  	[sflag:s30] =	ssyncadd.s32 $0xFFFFFF80  }
0x43: {  	_ =	swait.ge [sflag:s30], $0x80  }
0x44: {  	[sflag:s30] =	ssyncset.done $0x0  }
0x45: {  	s17 =	simm.s32 $0x0;
	[sflag:s30] =	ssyncadd.s32 $0xFFFFFF80  }
0x46: {  	[tilespmem:s31], [sflag:$0x1] =	stream.indirect.gather [hbm4b:s5+s24], $0x80, s17, s24, $0xb8;
	[tilespmem:$0x1BD00] =	vst v63  }
.LBB2_7:
0x47: {  	_ =	swait.ge [sflag:s0], $0x4000  }
0x48: {  	p3 =	seq.s32 s17, $0x0;
	[sflag:s0] =	ssyncset.done $0x0  }
0x49: {  	s6 =	simm.s32 @!p3 $0x8;
	[sflag:s0] =	ssyncadd.s32 $0xFFFFC000  }
0x4a: {  	[spmem:s1] =	stream.indirect.scatter.add.f32 [tilespmem:s31], [sflag:$0x7], $0x80, s24, s24, $0xb8;
	[tilespmem:$0x1BD00] =	vst v63  }
0x4b: {  	_ =	swait.ge @!p3 [sflag:s6], $0x4000  }
0x4c: {  	s20 =	sadd.s32 s17, s22;
	[sflag:s6] =	ssyncset.done @!p3 $0x0  }
0x4d: {  	s11 =	sadd.s32 s17, s21;
	s16 =	sadd.s32 $0x30, s20;
	[sflag:s6] =	ssyncadd.s32 @!p3 $0xFFFFC000  }
0x4e: {  	[tilespmem:s3], [sflag:$0x6] =	stream.linear.gather [hbm4b:s16+s2], $0x80, $0x38;
	[tilespmem:$0x1BD00] =	vst v63  }
0x4f: {  	s23 =	sadd.s32 $0x30, s11  }
0x50: {  	[tilespmem:s7], [sflag:$0x6] =	stream.linear.gather [hbm4b:s23+s2], $0x80, $0x38;
	[tilespmem:$0x1BD00] =	vst v63  }
0x51: {  	_ =	swait.ge [sflag:s8], $0x80  }
0x52: {  	[sflag:s8] =	ssyncset.done $0x0  }
0x53: {  	[sflag:s8] =	ssyncadd.s32 $0xFFFFFF80  }
0x54: {  	_ =	swait.ge [sflag:s8], $0x80  }
0x55: {  	[sflag:s8] =	ssyncset.done $0x0  }
0x56: {  	[sflag:s8] =	ssyncadd.s32 $0xFFFFFF80  }
0x57: {  	[tilespmem:s18], [sflag:$0x2] =	stream.indirect.gather [hbm4b:s5+s24], $0x80, s25, s24, $0xb8;
	[tilespmem:$0x1BD00] =	vst v63  }
0x58: {  	_ =	swait.ge [sflag:s19], $0x4000  }
0x59: {  	[sflag:s19] =	ssyncset.done $0x0  }
0x5a: {  	[sflag:s19] =	ssyncadd.s32 $0xFFFFC000  }
0x5b: {  	[spmem:s1] =	stream.indirect.scatter.add.f32 [tilespmem:s18], [sflag:$0x8], $0x80, s26, s24, $0xb8;
	[tilespmem:$0x1BD00] =	vst v63  }
0x5c: {  	p3 =	seq.s32 s17, $0x4C0;
	_ =	swait.ge [sflag:s9], $0x4000  }
0x5d: {  	s6 =	sadd.s32 @!p3 s17, s22;
	[sflag:s9] =	ssyncset.done $0x0  }
0x5e: {  	s15 =	simm.s32 @!p3 $0x0;
	s10 =	sadd.s32 @!p3 $0x40, s6;
	[sflag:s9] =	ssyncadd.s32 $0xFFFFC000  }
0x5f: {  	[tilespmem:s15], [sflag:$0x3] =	stream.linear.gather @!p3 [hbm4b:s10+s15], $0x80, $0x38;
	[tilespmem:$0x1BD00] =	vst v63  }
0x60: {  	s10 =	sadd.s32 @!p3 s17, s21  }
0x61: {  	s23 =	simm.s32 @!p3 $0x80;
	s16 =	sadd.s32 @!p3 $0x40, s10  }
0x62: {  	[tilespmem:s23], [sflag:$0x3] =	stream.linear.gather @!p3 [hbm4b:s16+s15], $0x80, $0x38;
	[tilespmem:$0x1BD00] =	vst v63  }
0x63: {  	_ =	swait.ge [sflag:s12], $0x80  }
0x64: {  	[sflag:s12] =	ssyncset.done $0x0  }
0x65: {  	[sflag:s12] =	ssyncadd.s32 $0xFFFFFF80  }
0x66: {  	_ =	swait.ge [sflag:s12], $0x80  }
0x67: {  	[sflag:s12] =	ssyncset.done $0x0  }
0x68: {  	[sflag:s12] =	ssyncadd.s32 $0xFFFFFF80  }
0x69: {  	[tilespmem:s31], [sflag:$0x1] =	stream.indirect.gather [hbm4b:s5+s24], $0x80, s28, s24, $0xb8;
	[tilespmem:$0x1BD00] =	vst v63  }
0x6a: {  	_ =	swait.ge [sflag:s0], $0x4000  }
0x6b: {  	[sflag:s0] =	ssyncset.done $0x0  }
0x6c: {  	[sflag:s0] =	ssyncadd.s32 $0xFFFFC000  }
0x6d: {  	[spmem:s1] =	stream.indirect.scatter.add.f32 [tilespmem:s31], [sflag:$0x7], $0x80, s29, s24, $0xb8;
	[tilespmem:$0x1BD00] =	vst v63  }
0x6e: {  	_ =	swait.ge [sflag:s13], $0x4000  }
0x6f: {  	[sflag:s13] =	ssyncset.done $0x0  }
0x70: {  	s6 =	sadd.s32 @!p3 $0x50, s6;
	s16 =	simm.s32 @!p3 $0x100;
	[sflag:s13] =	ssyncadd.s32 $0xFFFFC000  }
0x71: {  	[tilespmem:s16], [sflag:$0x4] =	stream.linear.gather @!p3 [hbm4b:s6+s15], $0x80, $0x38;
	[tilespmem:$0x1BD00] =	vst v63  }
0x72: {  	s6 =	sadd.s32 @!p3 $0x50, s10;
	s10 =	simm.s32 @!p3 $0x180  }
0x73: {  	[tilespmem:s10], [sflag:$0x4] =	stream.linear.gather @!p3 [hbm4b:s6+s15], $0x80, $0x38;
	[tilespmem:$0x1BD00] =	vst v63  }
0x74: {  	_ =	swait.ge [sflag:s14], $0x80  }
0x75: {  	[sflag:s14] =	ssyncset.done $0x0  }
0x76: {  	[sflag:s14] =	ssyncadd.s32 $0xFFFFFF80  }
0x77: {  	_ =	swait.ge [sflag:s14], $0x80  }
0x78: {  	[sflag:s14] =	ssyncset.done $0x0  }
0x79: {  	[sflag:s14] =	ssyncadd.s32 $0xFFFFFF80  }
0x7a: {  	[tilespmem:s18], [sflag:$0x2] =	stream.indirect.gather [hbm4b:s5+s24], $0x80, s3, s24, $0xb8;
	[tilespmem:$0x1BD00] =	vst v63  }
0x7b: {  	_ =	swait.ge [sflag:s19], $0x4000  }
0x7c: {  	[sflag:s19] =	ssyncset.done $0x0  }
.Ltmp3:
0x7d: {  	[sflag:s19] =	ssyncadd.s32 $0xFFFFC000;
	(pc) =	sbr.rel @p3 .LBB2_9-.Ltmp3, $4  }
0x7e: {  	[spmem:s1] =	stream.indirect.scatter.add.f32 [tilespmem:s18], [sflag:$0x8], $0x80, s7, s24, $0xb8;
	[tilespmem:$0x1BD00] =	vst v63  }
0x7f: {  	_ =	swait.ge [sflag:s9], $0x4000  }
0x80: {  	[sflag:s9] =	ssyncset.done $0x0  }
0x81: {  	[sflag:s9] =	ssyncadd.s32 $0xFFFFC000  }
0x82: {  	s6 =	sadd.s32 $0x60, s20  }
0x83: {  	[tilespmem:s28], [sflag:$0x5] =	stream.linear.gather [hbm4b:s6+s2], $0x80, $0x38;
	[tilespmem:$0x1BD00] =	vst v63  }
0x84: {  	s23 =	sadd.s32 $0x60, s11  }
0x85: {  	[tilespmem:s29], [sflag:$0x5] =	stream.linear.gather [hbm4b:s23+s2], $0x80, $0x38;
	[tilespmem:$0x1BD00] =	vst v63  }
0x86: {  	_ =	swait.ge [sflag:s30], $0x80  }
0x87: {  	[sflag:s30] =	ssyncset.done $0x0  }
.Ltmp4:
0x88: {  	[sflag:s30] =	ssyncadd.s32 $0xFFFFFF80;
	(pc) =	sbr.rel .LBB2_7-.Ltmp4, $4  }
0x89: {  	_ =	swait.ge [sflag:s30], $0x80  }
0x8a: {  	[sflag:s30] =	ssyncset.done $0x0  }
0x8b: {  	s17 =	sadd.s32 $0x40, s17;
	[sflag:s30] =	ssyncadd.s32 $0xFFFFFF80  }
0x8c: {  	[tilespmem:s31], [sflag:$0x1] =	stream.indirect.gather [hbm4b:s5+s24], $0x80, s2, s24, $0xb8;
	[tilespmem:$0x1BD00] =	vst v63  }
.LBB2_2:
0x8d: {  	[tilespmem:s31], [sflag:$0x1] =	stream.indirect.gather [hbm4b:s4+s24], $0x80, s17, s24, $0xb8;
	[tilespmem:$0x1BD00] =	vst v63  }
.LBB2_3:
0x8e: {  	_ =	swait.ge [sflag:s0], $0x4000  }
0x8f: {  	p3 =	seq.s32 s17, $0x0;
	[sflag:s0] =	ssyncset.done $0x0  }
0x90: {  	s11 =	simm.s32 @!p3 $0x8;
	[sflag:s0] =	ssyncadd.s32 $0xFFFFC000  }
0x91: {  	[spmem:s1] =	stream.indirect.scatter.add.f32 [tilespmem:s31], [sflag:$0x7], $0x80, s24, s24, $0xb8;
	[tilespmem:$0x1BD00] =	vst v63  }
0x92: {  	_ =	swait.ge @!p3 [sflag:s11], $0x4000  }
0x93: {  	s20 =	sadd.s32 s17, s22;
	[sflag:s11] =	ssyncset.done @!p3 $0x0  }
0x94: {  	s23 =	sadd.s32 $0x30, s20;
	[sflag:s11] =	ssyncadd.s32 @!p3 $0xFFFFC000;
	s11 =	sadd.s32 s17, s21  }
0x95: {  	[tilespmem:s3], [sflag:$0x6] =	stream.linear.gather [hbm4b:s23+s2], $0x80, $0x38;
	[tilespmem:$0x1BD00] =	vst v63  }
0x96: {  	s6 =	sadd.s32 $0x30, s11  }
0x97: {  	[tilespmem:s7], [sflag:$0x6] =	stream.linear.gather [hbm4b:s6+s2], $0x80, $0x38;
	[tilespmem:$0x1BD00] =	vst v63  }
0x98: {  	_ =	swait.ge [sflag:s8], $0x80  }
0x99: {  	[sflag:s8] =	ssyncset.done $0x0  }
0x9a: {  	[sflag:s8] =	ssyncadd.s32 $0xFFFFFF80  }
0x9b: {  	_ =	swait.ge [sflag:s8], $0x80  }
0x9c: {  	[sflag:s8] =	ssyncset.done $0x0  }
0x9d: {  	[sflag:s8] =	ssyncadd.s32 $0xFFFFFF80  }
0x9e: {  	[tilespmem:s18], [sflag:$0x2] =	stream.indirect.gather [hbm4b:s4+s24], $0x80, s25, s24, $0xb8;
	[tilespmem:$0x1BD00] =	vst v63  }
0x9f: {  	_ =	swait.ge [sflag:s19], $0x4000  }
0xa0: {  	[sflag:s19] =	ssyncset.done $0x0  }
0xa1: {  	[sflag:s19] =	ssyncadd.s32 $0xFFFFC000  }
0xa2: {  	[spmem:s1] =	stream.indirect.scatter.add.f32 [tilespmem:s18], [sflag:$0x8], $0x80, s26, s24, $0xb8;
	[tilespmem:$0x1BD00] =	vst v63  }
0xa3: {  	p3 =	seq.s32 s17, $0x4C0;
	_ =	swait.ge [sflag:s9], $0x4000  }
0xa4: {  	s6 =	sadd.s32 @!p3 s17, s22;
	[sflag:s9] =	ssyncset.done $0x0  }
0xa5: {  	s16 =	simm.s32 @!p3 $0x0;
	s10 =	sadd.s32 @!p3 $0x40, s6;
	[sflag:s9] =	ssyncadd.s32 $0xFFFFC000  }
0xa6: {  	[tilespmem:s16], [sflag:$0x3] =	stream.linear.gather @!p3 [hbm4b:s10+s16], $0x80, $0x38;
	[tilespmem:$0x1BD00] =	vst v63  }
0xa7: {  	s10 =	sadd.s32 @!p3 s17, s21  }
0xa8: {  	s15 =	simm.s32 @!p3 $0x80;
	s23 =	sadd.s32 @!p3 $0x40, s10  }
0xa9: {  	[tilespmem:s15], [sflag:$0x3] =	stream.linear.gather @!p3 [hbm4b:s23+s16], $0x80, $0x38;
	[tilespmem:$0x1BD00] =	vst v63  }
0xaa: {  	_ =	swait.ge [sflag:s12], $0x80  }
0xab: {  	[sflag:s12] =	ssyncset.done $0x0  }
0xac: {  	[sflag:s12] =	ssyncadd.s32 $0xFFFFFF80  }
0xad: {  	_ =	swait.ge [sflag:s12], $0x80  }
0xae: {  	[sflag:s12] =	ssyncset.done $0x0  }
0xaf: {  	[sflag:s12] =	ssyncadd.s32 $0xFFFFFF80  }
0xb0: {  	[tilespmem:s31], [sflag:$0x1] =	stream.indirect.gather [hbm4b:s4+s24], $0x80, s28, s24, $0xb8;
	[tilespmem:$0x1BD00] =	vst v63  }
0xb1: {  	_ =	swait.ge [sflag:s0], $0x4000  }
0xb2: {  	[sflag:s0] =	ssyncset.done $0x0  }
0xb3: {  	[sflag:s0] =	ssyncadd.s32 $0xFFFFC000  }
0xb4: {  	[spmem:s1] =	stream.indirect.scatter.add.f32 [tilespmem:s31], [sflag:$0x7], $0x80, s29, s24, $0xb8;
	[tilespmem:$0x1BD00] =	vst v63  }
0xb5: {  	_ =	swait.ge [sflag:s13], $0x4000  }
0xb6: {  	[sflag:s13] =	ssyncset.done $0x0  }
0xb7: {  	s6 =	sadd.s32 @!p3 $0x50, s6;
	s15 =	simm.s32 @!p3 $0x100;
	[sflag:s13] =	ssyncadd.s32 $0xFFFFC000  }
0xb8: {  	[tilespmem:s15], [sflag:$0x4] =	stream.linear.gather @!p3 [hbm4b:s6+s16], $0x80, $0x38;
	[tilespmem:$0x1BD00] =	vst v63  }
0xb9: {  	s6 =	sadd.s32 @!p3 $0x50, s10;
	s10 =	simm.s32 @!p3 $0x180  }
0xba: {  	[tilespmem:s10], [sflag:$0x4] =	stream.linear.gather @!p3 [hbm4b:s6+s16], $0x80, $0x38;
	[tilespmem:$0x1BD00] =	vst v63  }
0xbb: {  	_ =	swait.ge [sflag:s14], $0x80  }
0xbc: {  	[sflag:s14] =	ssyncset.done $0x0  }
0xbd: {  	[sflag:s14] =	ssyncadd.s32 $0xFFFFFF80  }
0xbe: {  	_ =	swait.ge [sflag:s14], $0x80  }
0xbf: {  	[sflag:s14] =	ssyncset.done $0x0  }
0xc0: {  	[sflag:s14] =	ssyncadd.s32 $0xFFFFFF80  }
0xc1: {  	[tilespmem:s18], [sflag:$0x2] =	stream.indirect.gather [hbm4b:s4+s24], $0x80, s3, s24, $0xb8;
	[tilespmem:$0x1BD00] =	vst v63  }
0xc2: {  	_ =	swait.ge [sflag:s19], $0x4000  }
0xc3: {  	[sflag:s19] =	ssyncset.done $0x0  }
.Ltmp5:
0xc4: {  	[sflag:s19] =	ssyncadd.s32 $0xFFFFC000;
	(pc) =	sbr.rel @p3 .LBB2_5-.Ltmp5, $4  }
0xc5: {  	[spmem:s1] =	stream.indirect.scatter.add.f32 [tilespmem:s18], [sflag:$0x8], $0x80, s7, s24, $0xb8;
	[tilespmem:$0x1BD00] =	vst v63  }
0xc6: {  	_ =	swait.ge [sflag:s9], $0x4000  }
0xc7: {  	[sflag:s9] =	ssyncset.done $0x0  }
0xc8: {  	[sflag:s9] =	ssyncadd.s32 $0xFFFFC000  }
0xc9: {  	s6 =	sadd.s32 $0x60, s20  }
0xca: {  	[tilespmem:s28], [sflag:$0x5] =	stream.linear.gather [hbm4b:s6+s2], $0x80, $0x38;
	[tilespmem:$0x1BD00] =	vst v63  }
0xcb: {  	s23 =	sadd.s32 $0x60, s11  }
0xcc: {  	[tilespmem:s29], [sflag:$0x5] =	stream.linear.gather [hbm4b:s23+s2], $0x80, $0x38;
	[tilespmem:$0x1BD00] =	vst v63  }
0xcd: {  	_ =	swait.ge [sflag:s30], $0x80  }
0xce: {  	[sflag:s30] =	ssyncset.done $0x0  }
.Ltmp6:
0xcf: {  	[sflag:s30] =	ssyncadd.s32 $0xFFFFFF80;
	(pc) =	sbr.rel .LBB2_3-.Ltmp6, $4  }
0xd0: {  	_ =	swait.ge [sflag:s30], $0x80  }
0xd1: {  	[sflag:s30] =	ssyncset.done $0x0  }
0xd2: {  	s17 =	sadd.s32 $0x40, s17;
	[sflag:s30] =	ssyncadd.s32 $0xFFFFFF80  }
0xd3: {  	[tilespmem:s31], [sflag:$0x1] =	stream.indirect.gather [hbm4b:s4+s24], $0x80, s2, s24, $0xb8;
	[tilespmem:$0x1BD00] =	vst v63  }
.LBB2_9:
0xd4: {  	_ =	swait.ge [sflag:s13], $0x4000  }
0xd5: {  	[sflag:s13] =	ssyncset.done $0x0  }
0xd6: {  	[sflag:s13] =	ssyncadd.s32 $0xFFFFC000  }
0xd7: {  	[bflag:$0x0] =	sbarrier.arrive $0xFFFF  }
0xd8: {  	s15 =	rddreg [dreg:$0x7]  }
0xd9: {  	s6 =	rddreg [dreg:$0x10]  }
0xda: {  	s10 =	rddreg [dreg:$0x13]  }
0xdb: {  	[hbm:s6], [sflag:s15] =	dma.local [spmem:s10], $0x2700  }
.Ltmp7:
0xdc: {  	_ = 	snop;
	(pc) =	sbr.rel @p1 .LBB2_11-.Ltmp7, $4  }
.Ltmp8:
0xdd: {  	s16 =	simm.s32 $0x9;
	(pc) =	sbr.rel @!p1 .LBB2_10-.Ltmp8, $4  }
0xde: {  	_ =	swait.ge [sflag:s16], $0x2700  }
0xdf: {  	[sflag:s16] =	ssyncset.done $0x0;
	s11 =	rddreg [dreg:$0x5]  }
0xe0: {  	s17 =	rddreg [dreg:$0x12];
	[sflag:s16] =	ssyncadd.s32 $0xFFFFD900  }
0xe1: {  	_ = 	snop  }
.LBB2_5:
0xe2: {  	_ =	swait.ge [sflag:s13], $0x4000  }
0xe3: {  	[sflag:s13] =	ssyncset.done $0x0  }
0xe4: {  	[sflag:s13] =	ssyncadd.s32 $0xFFFFC000  }
0xe5: {  	[bflag:$0x0] =	sbarrier.arrive $0xFFFF  }
0xe6: {  	s15 =	rddreg [dreg:$0x7]  }
0xe7: {  	s6 =	rddreg [dreg:$0xf]  }
0xe8: {  	s10 =	rddreg [dreg:$0x13]  }
0xe9: {  	[hbm:s6], [sflag:s15] =	dma.local [spmem:s10], $0x2700  }
.Ltmp9:
0xea: {  	_ = 	snop;
	(pc) =	sbr.rel @p2 .LBB2_10-.Ltmp9, $4  }
.Ltmp10:
0xeb: {  	s16 =	simm.s32 $0x9;
	(pc) =	sbr.rel @!p2 .LBB2_11-.Ltmp10, $4  }
0xec: {  	_ =	swait.ge [sflag:s16], $0x2700  }
0xed: {  	[sflag:s16] =	ssyncset.done $0x0;
	s11 =	rddreg [dreg:$0x4]  }
0xee: {  	s17 =	rddreg [dreg:$0x12];
	[sflag:s16] =	ssyncadd.s32 $0xFFFFD900  }
0xef: {  	_ = 	snop  }
.LBB2_12:
0xf0: {  	_ =	sfence.sel $0x180000  }
0xf1: {  	[bflag:$0x0] =	sbarrier.arrive $0xFFFF  }
0xf2: {  	_ =	strace $0x90000047  }
0xf3: {  	s0 =	stileid.u32;
	[bflag:$0x2] =	sbarrier.arrive $0xFFFF  }
0xf4: {  	p0 =	sne.s32 s0, $0x0;
	s0 =	rddreg [dreg:$0x2]  }
0xf5: {  	s0 =	sadd.s32 @!p0 $0x100000, s0  }
0xf6: {  	[sflag:s0] =	ssyncadd.tile.s32 @!p0 $0x1;
	_ =	shalt  }
.Lfunc_end2:
_tile_overlayer_lowered:
.L_overlay_start_2:
0xf7: {  	(tag) =	ssettag $0x2  }
0xf8: {  	s0 =	rddreg [dreg:$0x0];
	s2 =	stileid.u32  }
0xf9: {  	s1 =	rddreg [dreg:$0x1];
	p0 =	sne.s32 s2, $0x0  }
0xfa: {  	s3 =	rddreg [dreg:$0x2];
	[bflag:$0x3] =	sbarrier.arrive $0xFFFF;
	s2 =	simm.s32 @!p0 $0x1C09  }
0xfb: {  	[timem:s3], [sflag:s2] =	dma.local @!p0 [hbm:s0], s1  }
0xfc: {  	s0 =	simm.s32 @!p0 $0x9  }
0xfd: {  	_ =	swait.ge @!p0 [sflag:s0], s1  }
0xfe: {  	s1 =	ssub.s32 @!p0 $0x0, s1;
	[sflag:s0] =	ssyncset.done @!p0 $0x0  }
0xff: {  	[sflag:s0] =	ssyncadd.s32 @!p0 s1  }
0x100: {  	[bflag:$0x3] =	sbarrier.arrive $0xFFFF  }
0x101: {  	_ =	shalt  }

// kernel: kernel.23.cloned.1.call-start
scs
__scs_entry_jumppad:
0x0: {  	(pc) =	sbr.rel $0x88, $3  }
0x1: {  	(tag) =	ssettag $0x0;
	lr =	simm.s32 $0x1  }
0x2: {  	[smem:$0x3F91] =	sst lr;
	_ =	strace $0xD0000000  }
0x3: {  	_ = 	snop  }
0x4: {  	_ = 	snop  }
0x5: {  	_ = 	snop  }
0x6: {  	_ = 	snop  }
0x7: {  	_ = 	snop  }
__scs_overlays_trampoline_lowered:
0x8: {  	[smem:$0x3FA0] =	sst s0  }
0x9: {  	[smem:$0x3FA1] =	sst s1  }
0xa: {  	[smem:$0x3FA2] =	sst s2  }
0xb: {  	[smem:$0x3FA3] =	sst s3  }
0xc: {  	[smem:$0x3FA4] =	sst s4  }
0xd: {  	[smem:$0x3FA5] =	sst s5  }
0xe: {  	[smem:$0x3FA6] =	sst s6  }
0xf: {  	[smem:$0x3FA7] =	sst s7  }
0x10: {  	[smem:$0x3FA8] =	sst s8  }
0x11: {  	[smem:$0x3FA9] =	sst s9;
	s0 =	simm.s32 @!p0 $0x0  }
0x12: {  	s1 =	sld [smem:$0x3F8F];
	s0 =	simm.s32 @p0 $0x1  }
0x13: {  	[smem:$0x3FAA] =	sst s0;
	s0 =	simm.s32 @!p1 $0x0  }
0x14: {  	s2 =	sld [smem:$0x3F8E];
	s0 =	simm.s32 @p1 $0x1  }
0x15: {  	[smem:$0x3FAB] =	sst s0;
	s0 =	simm.s32 @!p2 $0x0  }
0x16: {  	s3 =	sld [smem:$0x3FDB];
	s0 =	simm.s32 @p2 $0x1  }
0x17: {  	s4 =	simm.s32 $0x1BF5;
	[smem:$0x3FAD] =	sst s0  }
0x18: {  	s0 =	sld [smem:$0x3F90];
	_ =	swait.ge [sflag:s4], $0x0  }
0x19: {  	s7 =	sld [smem:$0x3F91]  }
0x1a: {  	s8 =	sadd.s32 $0xFFFFE003, lr  }
0x1b: {  	s9 =	sadd.s32 $0xFFFFFEF7, lr;
	s5 =	simm.s32 $0xFFFFFFFF;
	p2 =	slt.u32 s8, $0xFFFFF086  }
0x1c: {  	p1 =	slt.u32 s9, $0xF7A;
	s5 =	simm.s32 @!p2 $0x0  }
0x1d: {  	s5 =	simm.s32 @p1 $0x1;
	p0 =	seq.s32 s7, s2  }
0x1e: {  	s7 =	smul.u32 @!p0 $0xF7A, s2;
	p2 =	seq.s32 @!p0 s5, $0x0  }
0x1f: {  	s9 =	smul.u32 $0xF7A, s1;
	s8 =	simm.s32 @!p0 $0x1BF5;
	p2 =	por !p2, p0  }
0x20: {  	[sflag:s8] =	ssyncset.s32 @!p0 $0xFFFFF086;
	s6 =	sadd.s32 @!p0 s3, s7;
	s7 =	simm.s32 @!p0 $0x108  }
0x21: {  	s3 =	sadd.s32 s3, s9;
	s6 =	sadd.s32 @!p0 $0x88, s6;
	s7 =	simm.s32 @p2 $0x1082  }
0x22: {  	[simem:s7], [sflag:s8] =	dma.local @!p0 [hbm:s6], $0xF7A  }
0x23: {  	s9 =	sor.u32 $0xD0000000, s2;
	s6 =	simm.s32 $0x108;
	_ =	swait.ge @!p0 [sflag:s8], $0x0  }
0x24: {  	s3 =	sadd.s32 $0x88, s3;
	s6 =	simm.s32 @!p1 $0x1082;
	[sflag:s4] =	ssyncset.s32 $0xFFFFF086  }
0x25: {  	[simem:s6], [sflag:s4] =	dma.local [hbm:s3], $0xF7A  }
0x26: {  	[smem:$0x3F91] =	sst s1;
	(tag) =	ssettag s2;
	_ =	strace s9  }
0x27: {  	s1 =	sld [smem:$0x3FA1]  }
0x28: {  	s2 =	sld [smem:$0x3FA2]  }
0x29: {  	s4 =	sld [smem:$0x3FA4]  }
0x2a: {  	p0 =	seq.s32 s5, $0x0;
	s5 =	sld [smem:$0x3FA5]  }
0x2b: {  	s6 =	sld [smem:$0x3FA6]  }
0x2c: {  	s7 =	sld [smem:$0x3FA7]  }
0x2d: {  	s3 =	simm.s32 $0x108;
	s8 =	sld [smem:$0x3FA8]  }
0x2e: {  	s3 =	simm.s32 @!p0 $0x1082;
	s9 =	sld [smem:$0x3FA9]  }
0x2f: {  	lr =	sadd.s32 s0, s3;
	s0 =	sld [smem:$0x3FA0]  }
0x30: {  	s3 =	sld [smem:$0x3FA3]  }
0x31: {  	[smem:$0x3FAC] =	sst s10  }
0x32: {  	s10 =	sld [smem:$0x3FAA];
	_ =	sdelay $0x3  }
0x33: {  	p0 =	seq.s32 s10, $0x1;
	s10 =	sld [smem:$0x3FAC];
	_ =	sdelay $0x3  }
0x34: {  	[smem:$0x3FAC] =	sst s10  }
0x35: {  	s10 =	sld [smem:$0x3FAB];
	_ =	sdelay $0x3  }
0x36: {  	p1 =	seq.s32 s10, $0x1;
	s10 =	sld [smem:$0x3FAC];
	_ =	sdelay $0x3  }
0x37: {  	[smem:$0x3FAC] =	sst s10  }
0x38: {  	s10 =	sld [smem:$0x3FAD]  }
0x39: {  	_ = 	snop;
	(pc) =	sbr.ind lr, $3  }
0x3a: {  	_ = 	snop  }
0x3b: {  	_ = 	snop  }
0x3c: {  	p2 =	seq.s32 s10, $0x1;
	s10 =	sld [smem:$0x3FAC]  }
0x3d: {  	_ =	shalt  }
0x3e: {  	_ =	shalt  }
0x3f: {  	_ =	shalt  }
0x40: {  	_ =	shalt  }
0x41: {  	_ =	shalt  }
0x42: {  	_ =	shalt  }
0x43: {  	_ =	shalt  }
0x44: {  	_ =	shalt  }
0x45: {  	_ =	shalt  }
0x46: {  	_ =	shalt  }
0x47: {  	_ =	shalt  }
0x48: {  	_ =	shalt  }
0x49: {  	_ =	shalt  }
0x4a: {  	_ =	shalt  }
0x4b: {  	_ =	shalt  }
0x4c: {  	_ =	shalt  }
0x4d: {  	_ =	shalt  }
0x4e: {  	_ =	shalt  }
0x4f: {  	_ =	shalt  }
0x50: {  	_ =	shalt  }
0x51: {  	_ =	shalt  }
0x52: {  	_ =	shalt  }
0x53: {  	_ =	shalt  }
0x54: {  	_ =	shalt  }
0x55: {  	_ =	shalt  }
0x56: {  	_ =	shalt  }
0x57: {  	_ =	shalt  }
0x58: {  	_ =	shalt  }
0x59: {  	_ =	shalt  }
0x5a: {  	_ =	shalt  }
0x5b: {  	_ =	shalt  }
0x5c: {  	_ =	shalt  }
0x5d: {  	_ =	shalt  }
0x5e: {  	_ =	shalt  }
0x5f: {  	_ =	shalt  }
0x60: {  	_ =	shalt  }
0x61: {  	_ =	shalt  }
0x62: {  	_ =	shalt  }
0x63: {  	_ =	shalt  }
0x64: {  	_ =	shalt  }
0x65: {  	_ =	shalt  }
0x66: {  	_ =	shalt  }
0x67: {  	_ =	shalt  }
0x68: {  	_ =	shalt  }
0x69: {  	_ =	shalt  }
0x6a: {  	_ =	shalt  }
0x6b: {  	_ =	shalt  }
0x6c: {  	_ =	shalt  }
0x6d: {  	_ =	shalt  }
0x6e: {  	_ =	shalt  }
0x6f: {  	_ =	shalt  }
0x70: {  	_ =	shalt  }
0x71: {  	_ =	shalt  }
0x72: {  	_ =	shalt  }
0x73: {  	_ =	shalt  }
0x74: {  	_ =	shalt  }
0x75: {  	_ =	shalt  }
0x76: {  	_ =	shalt  }
0x77: {  	_ =	shalt  }
0x78: {  	_ =	shalt  }
0x79: {  	_ =	shalt  }
0x7a: {  	_ =	shalt  }
0x7b: {  	_ =	shalt  }
0x7c: {  	_ =	shalt  }
0x7d: {  	_ =	shalt  }
0x7e: {  	_ =	shalt  }
0x7f: {  	_ =	shalt  }
0x80: {  	_ =	shalt  }
0x81: {  	_ =	shalt  }
0x82: {  	_ =	shalt  }
0x83: {  	_ =	shalt  }
0x84: {  	_ =	shalt  }
0x85: {  	_ =	shalt  }
0x86: {  	_ =	shalt  }
0x87: {  	_ =	shalt  }
.Lfunc_end0:
.L_simem_size_0:
called_computation.2_lowered:
.L_overlay_start_0:
0x88: {  	s2 =	sld [smem:$0x3FD9]  }
0x89: {  	s3 =	sld [smem:$0x3FFE];
	_ =	sdelay $0x1  }
0x8a: {  	s1 =	srdreg.scid  }
0x8b: {  	s0 =	sand.u32 $0x1, s1  }
0x8c: {  	s16 =	sshll.u32 s0, $0xA;
	s2 =	sadd.s32 s3, s2  }
0x8d: {  	s2 =	sadd.s32 s2, s16  }
0x8e: {  	[smem:$0x3FB8] =	sst s2  }
0x8f: {  	_ = 	snop  }
0x90: {  	(tm) =	ssettm $0x1  }
0x91: {  	s17 =	sld [smem:$0x3FFB];
	_ =	sdelay $0x3  }
0x92: {  	_ =	strace s17  }
0x93: {  	s2 =	sld [smem:$0x3FFC];
	_ =	sdelay $0x3  }
0x94: {  	_ =	strace s2  }
0x95: {  	s2 =	sld [smem:$0x3FFD];
	_ =	sdelay $0x3  }
0x96: {  	_ =	strace s2  }
0x97: {  	_ =	strace $0x8FFFFFFF  }
0x98: {  	s18 =	sld [smem:$0x3FDB];
	_ =	sdelay $0x1  }
0x99: {  	s19 =	simm.s32 $_scs_section_size  }
0x9a: {  	s4 =	simm.s32 $_size__tile_overlayer_lowered;
	s5 =	simm.s32 $_tile_overlayer_lowered  }
0x9b: {  	s22 =	simm.s32 $0x1BFF;
	s21 =	sshll.u32 s5, $0x1;
	s2 =	sadd.s32 s19, s18  }
0x9c: {  	s6 =	simm.s32 $0x0;
	s20 =	sshll.u32 s4, $0x1;
	s4 =	sadd.s32 s21, s2  }
0x9d: {  	[timem:s6], [sflag:s22] =	dma.local [hbm:s4], s20  }
0x9e: {  	_ =	swait.ge [sflag:s22], s20  }
0x9f: {  	s3 =	ssub.s32 $0x0, s20;
	[sflag:s22] =	ssyncset.done $0x0  }
0xa0: {  	[sflag:s22] =	ssyncadd.s32 s3;
	_ =	sdelay $0x1  }
0xa1: {  	s23 =	simm.s32 $0x1B8B  }
0xa2: {  	_ =	swait.ge [sflag:s23], $0x1  }
0xa3: {  	[sflag:s23] =	ssyncset.done $0x0  }
0xa4: {  	s25 =	simm.s32 $0x1B8E;
	s24 =	sld [smem:$0x3FFE];
	[sflag:s23] =	ssyncadd.s32 $0xFFFFFFFF  }
0xa5: {  	s26 =	simm.s32 $execute0_lowered;
	[smem:$0x3FD2] =	sst s25  }
0xa6: {  	s4 =	sshll.u32 s26, $0x1;
	_ =	strace $0x8000004C;
	[dreg:$0x1] =	wrdreg $0xFFFFFFFF  }
0xa7: {  	s28 =	simm.s32 $_size_execute0_lowered;
	s2 =	sadd.s32 s2, s4;
	[dreg:$0x0] =	wrdreg $0x0  }
0xa8: {  	s4 =	sshll.u32 s28, $0x1;
	[dreg:$0x2] =	wrdreg s2  }
0xa9: {  	[dreg:$0x3] =	wrdreg s4  }
0xaa: {  	[dreg:$0x4] =	wrdreg $0xC0  }
0xab: {  	_ =	task [dreg:s6], $0x5FFFF  }
0xac: {  	[dreg:$0x1] =	wrdreg $0xFFFFFFFF  }
0xad: {  	[dreg:$0x0] =	wrdreg $0x60  }
0xae: {  	[dreg:$0x2] =	wrdreg s24  }
0xaf: {  	[dreg:$0x3] =	wrdreg $0x84000  }
0xb0: {  	[dreg:$0x4] =	wrdreg $0x9  }
0xb1: {  	_ =	task.clear_ibuf [dreg:s6], $0x5FFFF;
	_ =	strace $0x9000004C  }
0xb2: {  	s29 =	simm.s32 $0x9;
	_ =	strace $0x8000004E  }
0xb3: {  	_ =	swait.ge [sflag:s29], $0x1  }
0xb4: {  	[sflag:s29] =	ssyncadd.s32 $0xFFFFFFFF  }
0xb5: {  	_ =	strace $0x9000004E  }
0xb6: {  	_ =	sfence  }
0xb7: {  	s30 =	sld [smem:$0x0];
	_ =	sdelay $0x2  }
0xb8: {  	s31 =	sshll.u32 s1, $0xD;
	s1 =	sshrl.u32 s1, $0x2  }
0xb9: {  	s3 =	sand.u32 $0x4000, s31;
	s1 =	sadd.s32 s1, s30  }
0xba: {  	s0 =	sor.u32 s3, s0;
	s1 =	sshll.u32 s1, $0x11  }
0xbb: {  	s0 =	sor.u32 s1, s0  }
0xbc: {  	s0 =	sadd.s32 $0x8F2B, s0  }
0xbd: {  	[sflag:s0] =	ssyncadd.remote.s32 $0x1  }
0xbe: {  	_ =	sfence.sel $0xFFFF  }
0xbf: {  	[dreg:$0x0] =	wrdreg $0xFFFFFFFF;
	(pc) =	sbr.abs _section_cstart, $3  }
0xc0: {  	[dreg:$0x1] =	wrdreg $0xFFFFFFFF  }
0xc1: {  	_ =	task.clear_ibuf [dreg:s6], $0x2FFFF;
	_ =	strace $0x9FFFFFFF  }
0xc2: {  	(tm) =	ssettm $0x7FFFFFFF  }
0xc3: {  	_ =	shalt  }
tec
execute0_lowered:
.L_overlay_start_1:
0x0: {  	(tag) =	ssettag $0x1  }
0x1: {  	s0 =	rddreg [dreg:$0x0]  }
0x2: {  	s1 =	rddreg [dreg:$0x1];
	s2 =	simm.s32 $0x0;
	s6 =	srdreg.scid  }
0x3: {  	s13 =	stileid.u32;
	s28 =	simm.s32 $0x200;
	s29 =	simm.s32 $0x280  }
0x4: {  	s30 =	simm.s32 $0x3;
	s31 =	simm.s32 $0x400;
	[smem:$0x7FF] =	sst s2  }
0x5: {  	s3 =	sadd.s32 $0x5C200, s0;
	s7 =	sadd.s32 $0x61200, s0;
	s4 =	sadd.s32 $0xDE00, s0  }
0x6: {  	s5 =	sadd.s32 $0x35000, s0;
	s8 =	sand.u32 $0x1, s6;
	s25 =	sadd.s32 $0x66200, s0  }
0x7: {  	s10 =	smul.u32 $0x4E000, s13;
	s26 =	sadd.s32 $0x68A00, s0;
	s14 =	sadd.s32 $0x8FC00, s0  }
0x8: {  	s11 =	sshll.u32 s13, $0x6;
	s12 =	smul.u32 $0x2800, s13;
	s17 =	sadd.s32 $0x138000, s1  }
0x9: {  	s23 =	smul.u32 $0x2700, s13;
	_ =	strace $0x8000004D;
	[dreg:$0x3] =	wrdreg s25  }
0xa: {  	p1 =	sne.s32 s13, $0xF;
	p2 =	seq.s32 s13, $0xF;
	[dreg:$0x8] =	wrdreg s17  }
0xb: {  	s9 =	ssub.s32 $0x2, s8;
	p0 =	seq.s32 s8, $0x1;
	[dreg:$0x4] =	wrdreg s26  }
0xc: {  	s25 =	smul.u32 $0x500, s13;
	[dreg:$0x5] =	wrdreg s14;
	s13 =	simm.s32 $0x8  }
0xd: {  	s17 =	simm.s32 $0x0;
	s15 =	sshrl.u32 s9, $0x1;
	s10 =	sshrl.u32 s10, $0x2  }
0xe: {  	s18 =	sshrl.u32 s12, $0x3;
	s6 =	sadd.s32 s26, s23;
	s26 =	sadd.s32 s14, s23  }
0xf: {  	s12 =	simm.s32 $0x5;
	s14 =	simm.s32 $0x6;
	[dreg:$0xf] =	wrdreg s6  }
0x10: {  	s0 =	ssub.s32 s9, s15;
	s16 =	sadd.s32 s10, s1;
	[dreg:$0x10] =	wrdreg s26  }
0x11: {  	s15 =	sor.u32 $0x1C09, s11;
	s19 =	sadd.s32 s3, s18;
	[dreg:$0x6] =	wrdreg s16  }
0x12: {  	s20 =	sadd.s32 s7, s18;
	s21 =	sor.u32 $0x10, s18;
	[dreg:$0x9] =	wrdreg s19  }
0x13: {  	s8 =	sor.u32 $0x20, s18;
	s26 =	simm.s32 $0x180;
	[dreg:$0xa] =	wrdreg s20  }
0x14: {  	s18 =	simm.s32 $0x4400;
	s22 =	sadd.s32 s3, s21;
	[dreg:$0x7] =	wrdreg s15  }
0x15: {  	s9 =	sadd.s32 s7, s21;
	s24 =	sadd.s32 s3, s8;
	[dreg:$0xb] =	wrdreg s22  }
0x16: {  	s8 =	sadd.s32 s7, s8;
	s0 =	smax.u32 s0, $0x1;
	[dreg:$0xc] =	wrdreg s9  }
.Ltmp0:
0x17: {  	s21 =	sadd.s32 s25, s7;
	[dreg:$0xd] =	wrdreg s24;
	(pc) =	sbr.rel .LBB2_1-.Ltmp0, $4  }
0x18: {  	s16 =	simm.s32 $0x9;
	s7 =	simm.s32 $0x380;
	[dreg:$0xe] =	wrdreg s8  }
0x19: {  	s19 =	simm.s32 $0x2;
	[dreg:$0x11] =	wrdreg s0;
	s22 =	sadd.s32 s25, s3  }
0x1a: {  	s24 =	simm.s32 $0x80;
	s25 =	simm.s32 $0x100;
	s0 =	simm.s32 $0x1  }
0x1b: {  	s3 =	simm.s32 $0x300;
	s8 =	simm.s32 $0x4;
	s9 =	simm.s32 $0x7  }
.LBB2_10:
0x1c: {  	s10 =	rddreg [dreg:$0x8]  }
0x1d: {  	s6 =	sadd.s32 $0x27000, s11;
	s10 =	sshrl.u32 s10, $0x3  }
0x1e: {  	[hbm:s6], [sflag:s15] =	dma.local [spmem:s10], $0x100  }
0x1f: {  	_ =	swait.ge [sflag:s16], $0x100  }
0x20: {  	[sflag:s16] =	ssyncset.done $0x0  }
0x21: {  	[sflag:s16] =	ssyncadd.s32 $0xFFFFFF00  }
.LBB2_11:
0x22: {  	s17 =	sadd.s32 $0x1, s17;
	s6 =	rddreg [dreg:$0x11]  }
0x23: {  	p3 =	sne.s32 s17, s6  }
.Ltmp1:
0x24: {  	_ = 	snop;
	(pc) =	sbr.rel @!p3 .LBB2_12-.Ltmp1, $1  }
0x25: {  	_ =	sdelay $0x3  }
.LBB2_1:
0x26: {  	[dreg:$0x12] =	wrdreg s17  }
0x27: {  	s6 =	rddreg [dreg:$0x6]  }
0x28: {  	s10 =	sshrl.u32 s6, $0x3;
	s6 =	rddreg [dreg:$0x3]  }
0x29: {  	[dreg:$0x13] =	wrdreg s10  }
0x2a: {  	[spmem:s10], [sflag:s15] =	dma.local [hbm:s6], $0x2700  }
0x2b: {  	_ =	swait.ge [sflag:s16], $0x2700  }
0x2c: {  	[sflag:s16] =	ssyncset.done $0x0;
	s10 =	rddreg [dreg:$0x8]  }
0x2d: {  	[sflag:s16] =	ssyncadd.s32 $0xFFFFD900;
	s11 =	sshrl.u32 @!p1 s10, $0x3  }
0x2e: {  	[spmem:s11], [sflag:s15] =	dma.local @!p1 [hbm:s6], $0x200  }
0x2f: {  	s11 =	simm.s32 @!p1 $0x9  }
0x30: {  	_ =	swait.ge @!p1 [sflag:s11], $0x200  }
0x31: {  	[sflag:s11] =	ssyncset.done @!p1 $0x0  }
0x32: {  	[sflag:s11] =	ssyncadd.s32 @!p1 $0xFFFFFE00  }
0x33: {  	[bflag:$0x0] =	sbarrier.arrive $0xFFFF  }
0x34: {  	s11 =	rddreg [dreg:$0x9]  }
0x35: {  	[tilespmem:s2], [sflag:$0x3] =	stream.linear.gather [hbm4b:s11+s2], $0x80, $0x38;
	[tilespmem:$0x1BD00] =	vst v63  }
0x36: {  	s15 =	rddreg [dreg:$0xa]  }
0x37: {  	[tilespmem:s24], [sflag:$0x3] =	stream.linear.gather [hbm4b:s15+s2], $0x80, $0x38;
	[tilespmem:$0x1BD00] =	vst v63  }
0x38: {  	s16 =	rddreg [dreg:$0xb]  }
0x39: {  	[tilespmem:s25], [sflag:$0x4] =	stream.linear.gather [hbm4b:s16+s2], $0x80, $0x38;
	[tilespmem:$0x1BD00] =	vst v63  }
0x3a: {  	s17 =	rddreg [dreg:$0xc]  }
0x3b: {  	[tilespmem:s26], [sflag:$0x4] =	stream.linear.gather [hbm4b:s17+s2], $0x80, $0x38;
	[tilespmem:$0x1BD00] =	vst v63  }
0x3c: {  	s20 =	rddreg [dreg:$0xd]  }
0x3d: {  	[tilespmem:s28], [sflag:$0x5] =	stream.linear.gather [hbm4b:s20+s2], $0x80, $0x38;
	[tilespmem:$0x1BD00] =	vst v63  }
0x3e: {  	s23 =	rddreg [dreg:$0xe]  }
0x3f: {  	[tilespmem:s29], [sflag:$0x5] =	stream.linear.gather [hbm4b:s23+s2], $0x80, $0x38;
	[tilespmem:$0x1BD00] =	vst v63  }
0x40: {  	_ =	swait.ge [sflag:s30], $0x80  }
.Ltmp2:
0x41: {  	[sflag:s30] =	ssyncset.done $0x0;
	(pc) =	sbr.rel @!p0 .LBB2_2-.Ltmp2, $4  }
0x42: {  	[sflag:s30] =	ssyncadd.s32 $0xFFFFFF80  }
0x43: {  	_ =	swait.ge [sflag:s30], $0x80  }
0x44: {  	[sflag:s30] =	ssyncset.done $0x0  }
0x45: {  	s17 =	simm.s32 $0x0;
	[sflag:s30] =	ssyncadd.s32 $0xFFFFFF80  }
0x46: {  	[tilespmem:s31], [sflag:$0x1] =	stream.indirect.gather [hbm4b:s5+s24], $0x80, s17, s24, $0xb8;
	[tilespmem:$0x1BD00] =	vst v63  }
.LBB2_7:
0x47: {  	_ =	swait.ge [sflag:s0], $0x4000  }
0x48: {  	p3 =	seq.s32 s17, $0x0;
	[sflag:s0] =	ssyncset.done $0x0  }
0x49: {  	s6 =	simm.s32 @!p3 $0x8;
	[sflag:s0] =	ssyncadd.s32 $0xFFFFC000  }
0x4a: {  	[spmem:s1] =	stream.indirect.scatter.add.f32 [tilespmem:s31], [sflag:$0x7], $0x80, s24, s24, $0xb8;
	[tilespmem:$0x1BD00] =	vst v63  }
0x4b: {  	_ =	swait.ge @!p3 [sflag:s6], $0x4000  }
0x4c: {  	s20 =	sadd.s32 s17, s22;
	[sflag:s6] =	ssyncset.done @!p3 $0x0  }
0x4d: {  	s11 =	sadd.s32 s17, s21;
	s16 =	sadd.s32 $0x30, s20;
	[sflag:s6] =	ssyncadd.s32 @!p3 $0xFFFFC000  }
0x4e: {  	[tilespmem:s3], [sflag:$0x6] =	stream.linear.gather [hbm4b:s16+s2], $0x80, $0x38;
	[tilespmem:$0x1BD00] =	vst v63  }
0x4f: {  	s23 =	sadd.s32 $0x30, s11  }
0x50: {  	[tilespmem:s7], [sflag:$0x6] =	stream.linear.gather [hbm4b:s23+s2], $0x80, $0x38;
	[tilespmem:$0x1BD00] =	vst v63  }
0x51: {  	_ =	swait.ge [sflag:s8], $0x80  }
0x52: {  	[sflag:s8] =	ssyncset.done $0x0  }
0x53: {  	[sflag:s8] =	ssyncadd.s32 $0xFFFFFF80  }
0x54: {  	_ =	swait.ge [sflag:s8], $0x80  }
0x55: {  	[sflag:s8] =	ssyncset.done $0x0  }
0x56: {  	[sflag:s8] =	ssyncadd.s32 $0xFFFFFF80  }
0x57: {  	[tilespmem:s18], [sflag:$0x2] =	stream.indirect.gather [hbm4b:s5+s24], $0x80, s25, s24, $0xb8;
	[tilespmem:$0x1BD00] =	vst v63  }
0x58: {  	_ =	swait.ge [sflag:s19], $0x4000  }
0x59: {  	[sflag:s19] =	ssyncset.done $0x0  }
0x5a: {  	[sflag:s19] =	ssyncadd.s32 $0xFFFFC000  }
0x5b: {  	[spmem:s1] =	stream.indirect.scatter.add.f32 [tilespmem:s18], [sflag:$0x8], $0x80, s26, s24, $0xb8;
	[tilespmem:$0x1BD00] =	vst v63  }
0x5c: {  	p3 =	seq.s32 s17, $0x4C0;
	_ =	swait.ge [sflag:s9], $0x4000  }
0x5d: {  	s6 =	sadd.s32 @!p3 s17, s22;
	[sflag:s9] =	ssyncset.done $0x0  }
0x5e: {  	s15 =	simm.s32 @!p3 $0x0;
	s10 =	sadd.s32 @!p3 $0x40, s6;
	[sflag:s9] =	ssyncadd.s32 $0xFFFFC000  }
0x5f: {  	[tilespmem:s15], [sflag:$0x3] =	stream.linear.gather @!p3 [hbm4b:s10+s15], $0x80, $0x38;
	[tilespmem:$0x1BD00] =	vst v63  }
0x60: {  	s10 =	sadd.s32 @!p3 s17, s21  }
0x61: {  	s23 =	simm.s32 @!p3 $0x80;
	s16 =	sadd.s32 @!p3 $0x40, s10  }
0x62: {  	[tilespmem:s23], [sflag:$0x3] =	stream.linear.gather @!p3 [hbm4b:s16+s15], $0x80, $0x38;
	[tilespmem:$0x1BD00] =	vst v63  }
0x63: {  	_ =	swait.ge [sflag:s12], $0x80  }
0x64: {  	[sflag:s12] =	ssyncset.done $0x0  }
0x65: {  	[sflag:s12] =	ssyncadd.s32 $0xFFFFFF80  }
0x66: {  	_ =	swait.ge [sflag:s12], $0x80  }
0x67: {  	[sflag:s12] =	ssyncset.done $0x0  }
0x68: {  	[sflag:s12] =	ssyncadd.s32 $0xFFFFFF80  }
0x69: {  	[tilespmem:s31], [sflag:$0x1] =	stream.indirect.gather [hbm4b:s5+s24], $0x80, s28, s24, $0xb8;
	[tilespmem:$0x1BD00] =	vst v63  }
0x6a: {  	_ =	swait.ge [sflag:s0], $0x4000  }
0x6b: {  	[sflag:s0] =	ssyncset.done $0x0  }
0x6c: {  	[sflag:s0] =	ssyncadd.s32 $0xFFFFC000  }
0x6d: {  	[spmem:s1] =	stream.indirect.scatter.add.f32 [tilespmem:s31], [sflag:$0x7], $0x80, s29, s24, $0xb8;
	[tilespmem:$0x1BD00] =	vst v63  }
0x6e: {  	_ =	swait.ge [sflag:s13], $0x4000  }
0x6f: {  	[sflag:s13] =	ssyncset.done $0x0  }
0x70: {  	s6 =	sadd.s32 @!p3 $0x50, s6;
	s16 =	simm.s32 @!p3 $0x100;
	[sflag:s13] =	ssyncadd.s32 $0xFFFFC000  }
0x71: {  	[tilespmem:s16], [sflag:$0x4] =	stream.linear.gather @!p3 [hbm4b:s6+s15], $0x80, $0x38;
	[tilespmem:$0x1BD00] =	vst v63  }
0x72: {  	s6 =	sadd.s32 @!p3 $0x50, s10;
	s10 =	simm.s32 @!p3 $0x180  }
0x73: {  	[tilespmem:s10], [sflag:$0x4] =	stream.linear.gather @!p3 [hbm4b:s6+s15], $0x80, $0x38;
	[tilespmem:$0x1BD00] =	vst v63  }
0x74: {  	_ =	swait.ge [sflag:s14], $0x80  }
0x75: {  	[sflag:s14] =	ssyncset.done $0x0  }
0x76: {  	[sflag:s14] =	ssyncadd.s32 $0xFFFFFF80  }
0x77: {  	_ =	swait.ge [sflag:s14], $0x80  }
0x78: {  	[sflag:s14] =	ssyncset.done $0x0  }
0x79: {  	[sflag:s14] =	ssyncadd.s32 $0xFFFFFF80  }
0x7a: {  	[tilespmem:s18], [sflag:$0x2] =	stream.indirect.gather [hbm4b:s5+s24], $0x80, s3, s24, $0xb8;
	[tilespmem:$0x1BD00] =	vst v63  }
0x7b: {  	_ =	swait.ge [sflag:s19], $0x4000  }
0x7c: {  	[sflag:s19] =	ssyncset.done $0x0  }
.Ltmp3:
0x7d: {  	[sflag:s19] =	ssyncadd.s32 $0xFFFFC000;
	(pc) =	sbr.rel @p3 .LBB2_9-.Ltmp3, $4  }
0x7e: {  	[spmem:s1] =	stream.indirect.scatter.add.f32 [tilespmem:s18], [sflag:$0x8], $0x80, s7, s24, $0xb8;
	[tilespmem:$0x1BD00] =	vst v63  }
0x7f: {  	_ =	swait.ge [sflag:s9], $0x4000  }
0x80: {  	[sflag:s9] =	ssyncset.done $0x0  }
0x81: {  	[sflag:s9] =	ssyncadd.s32 $0xFFFFC000  }
0x82: {  	s6 =	sadd.s32 $0x60, s20  }
0x83: {  	[tilespmem:s28], [sflag:$0x5] =	stream.linear.gather [hbm4b:s6+s2], $0x80, $0x38;
	[tilespmem:$0x1BD00] =	vst v63  }
0x84: {  	s23 =	sadd.s32 $0x60, s11  }
0x85: {  	[tilespmem:s29], [sflag:$0x5] =	stream.linear.gather [hbm4b:s23+s2], $0x80, $0x38;
	[tilespmem:$0x1BD00] =	vst v63  }
0x86: {  	_ =	swait.ge [sflag:s30], $0x80  }
0x87: {  	[sflag:s30] =	ssyncset.done $0x0  }
.Ltmp4:
0x88: {  	[sflag:s30] =	ssyncadd.s32 $0xFFFFFF80;
	(pc) =	sbr.rel .LBB2_7-.Ltmp4, $4  }
0x89: {  	_ =	swait.ge [sflag:s30], $0x80  }
0x8a: {  	[sflag:s30] =	ssyncset.done $0x0  }
0x8b: {  	s17 =	sadd.s32 $0x40, s17;
	[sflag:s30] =	ssyncadd.s32 $0xFFFFFF80  }
0x8c: {  	[tilespmem:s31], [sflag:$0x1] =	stream.indirect.gather [hbm4b:s5+s24], $0x80, s2, s24, $0xb8;
	[tilespmem:$0x1BD00] =	vst v63  }
.LBB2_2:
0x8d: {  	[tilespmem:s31], [sflag:$0x1] =	stream.indirect.gather [hbm4b:s4+s24], $0x80, s17, s24, $0xb8;
	[tilespmem:$0x1BD00] =	vst v63  }
.LBB2_3:
0x8e: {  	_ =	swait.ge [sflag:s0], $0x4000  }
0x8f: {  	p3 =	seq.s32 s17, $0x0;
	[sflag:s0] =	ssyncset.done $0x0  }
0x90: {  	s11 =	simm.s32 @!p3 $0x8;
	[sflag:s0] =	ssyncadd.s32 $0xFFFFC000  }
0x91: {  	[spmem:s1] =	stream.indirect.scatter.add.f32 [tilespmem:s31], [sflag:$0x7], $0x80, s24, s24, $0xb8;
	[tilespmem:$0x1BD00] =	vst v63  }
0x92: {  	_ =	swait.ge @!p3 [sflag:s11], $0x4000  }
0x93: {  	s20 =	sadd.s32 s17, s22;
	[sflag:s11] =	ssyncset.done @!p3 $0x0  }
0x94: {  	s23 =	sadd.s32 $0x30, s20;
	[sflag:s11] =	ssyncadd.s32 @!p3 $0xFFFFC000;
	s11 =	sadd.s32 s17, s21  }
0x95: {  	[tilespmem:s3], [sflag:$0x6] =	stream.linear.gather [hbm4b:s23+s2], $0x80, $0x38;
	[tilespmem:$0x1BD00] =	vst v63  }
0x96: {  	s6 =	sadd.s32 $0x30, s11  }
0x97: {  	[tilespmem:s7], [sflag:$0x6] =	stream.linear.gather [hbm4b:s6+s2], $0x80, $0x38;
	[tilespmem:$0x1BD00] =	vst v63  }
0x98: {  	_ =	swait.ge [sflag:s8], $0x80  }
0x99: {  	[sflag:s8] =	ssyncset.done $0x0  }
0x9a: {  	[sflag:s8] =	ssyncadd.s32 $0xFFFFFF80  }
0x9b: {  	_ =	swait.ge [sflag:s8], $0x80  }
0x9c: {  	[sflag:s8] =	ssyncset.done $0x0  }
0x9d: {  	[sflag:s8] =	ssyncadd.s32 $0xFFFFFF80  }
0x9e: {  	[tilespmem:s18], [sflag:$0x2] =	stream.indirect.gather [hbm4b:s4+s24], $0x80, s25, s24, $0xb8;
	[tilespmem:$0x1BD00] =	vst v63  }
0x9f: {  	_ =	swait.ge [sflag:s19], $0x4000  }
0xa0: {  	[sflag:s19] =	ssyncset.done $0x0  }
0xa1: {  	[sflag:s19] =	ssyncadd.s32 $0xFFFFC000  }
0xa2: {  	[spmem:s1] =	stream.indirect.scatter.add.f32 [tilespmem:s18], [sflag:$0x8], $0x80, s26, s24, $0xb8;
	[tilespmem:$0x1BD00] =	vst v63  }
0xa3: {  	p3 =	seq.s32 s17, $0x4C0;
	_ =	swait.ge [sflag:s9], $0x4000  }
0xa4: {  	s6 =	sadd.s32 @!p3 s17, s22;
	[sflag:s9] =	ssyncset.done $0x0  }
0xa5: {  	s16 =	simm.s32 @!p3 $0x0;
	s10 =	sadd.s32 @!p3 $0x40, s6;
	[sflag:s9] =	ssyncadd.s32 $0xFFFFC000  }
0xa6: {  	[tilespmem:s16], [sflag:$0x3] =	stream.linear.gather @!p3 [hbm4b:s10+s16], $0x80, $0x38;
	[tilespmem:$0x1BD00] =	vst v63  }
0xa7: {  	s10 =	sadd.s32 @!p3 s17, s21  }
0xa8: {  	s15 =	simm.s32 @!p3 $0x80;
	s23 =	sadd.s32 @!p3 $0x40, s10  }
0xa9: {  	[tilespmem:s15], [sflag:$0x3] =	stream.linear.gather @!p3 [hbm4b:s23+s16], $0x80, $0x38;
	[tilespmem:$0x1BD00] =	vst v63  }
0xaa: {  	_ =	swait.ge [sflag:s12], $0x80  }
0xab: {  	[sflag:s12] =	ssyncset.done $0x0  }
0xac: {  	[sflag:s12] =	ssyncadd.s32 $0xFFFFFF80  }
0xad: {  	_ =	swait.ge [sflag:s12], $0x80  }
0xae: {  	[sflag:s12] =	ssyncset.done $0x0  }
0xaf: {  	[sflag:s12] =	ssyncadd.s32 $0xFFFFFF80  }
0xb0: {  	[tilespmem:s31], [sflag:$0x1] =	stream.indirect.gather [hbm4b:s4+s24], $0x80, s28, s24, $0xb8;
	[tilespmem:$0x1BD00] =	vst v63  }
0xb1: {  	_ =	swait.ge [sflag:s0], $0x4000  }
0xb2: {  	[sflag:s0] =	ssyncset.done $0x0  }
0xb3: {  	[sflag:s0] =	ssyncadd.s32 $0xFFFFC000  }
0xb4: {  	[spmem:s1] =	stream.indirect.scatter.add.f32 [tilespmem:s31], [sflag:$0x7], $0x80, s29, s24, $0xb8;
	[tilespmem:$0x1BD00] =	vst v63  }
0xb5: {  	_ =	swait.ge [sflag:s13], $0x4000  }
0xb6: {  	[sflag:s13] =	ssyncset.done $0x0  }
0xb7: {  	s6 =	sadd.s32 @!p3 $0x50, s6;
	s15 =	simm.s32 @!p3 $0x100;
	[sflag:s13] =	ssyncadd.s32 $0xFFFFC000  }
0xb8: {  	[tilespmem:s15], [sflag:$0x4] =	stream.linear.gather @!p3 [hbm4b:s6+s16], $0x80, $0x38;
	[tilespmem:$0x1BD00] =	vst v63  }
0xb9: {  	s6 =	sadd.s32 @!p3 $0x50, s10;
	s10 =	simm.s32 @!p3 $0x180  }
0xba: {  	[tilespmem:s10], [sflag:$0x4] =	stream.linear.gather @!p3 [hbm4b:s6+s16], $0x80, $0x38;
	[tilespmem:$0x1BD00] =	vst v63  }
0xbb: {  	_ =	swait.ge [sflag:s14], $0x80  }
0xbc: {  	[sflag:s14] =	ssyncset.done $0x0  }
0xbd: {  	[sflag:s14] =	ssyncadd.s32 $0xFFFFFF80  }
0xbe: {  	_ =	swait.ge [sflag:s14], $0x80  }
0xbf: {  	[sflag:s14] =	ssyncset.done $0x0  }
0xc0: {  	[sflag:s14] =	ssyncadd.s32 $0xFFFFFF80  }
0xc1: {  	[tilespmem:s18], [sflag:$0x2] =	stream.indirect.gather [hbm4b:s4+s24], $0x80, s3, s24, $0xb8;
	[tilespmem:$0x1BD00] =	vst v63  }
0xc2: {  	_ =	swait.ge [sflag:s19], $0x4000  }
0xc3: {  	[sflag:s19] =	ssyncset.done $0x0  }
.Ltmp5:
0xc4: {  	[sflag:s19] =	ssyncadd.s32 $0xFFFFC000;
	(pc) =	sbr.rel @p3 .LBB2_5-.Ltmp5, $4  }
0xc5: {  	[spmem:s1] =	stream.indirect.scatter.add.f32 [tilespmem:s18], [sflag:$0x8], $0x80, s7, s24, $0xb8;
	[tilespmem:$0x1BD00] =	vst v63  }
0xc6: {  	_ =	swait.ge [sflag:s9], $0x4000  }
0xc7: {  	[sflag:s9] =	ssyncset.done $0x0  }
0xc8: {  	[sflag:s9] =	ssyncadd.s32 $0xFFFFC000  }
0xc9: {  	s6 =	sadd.s32 $0x60, s20  }
0xca: {  	[tilespmem:s28], [sflag:$0x5] =	stream.linear.gather [hbm4b:s6+s2], $0x80, $0x38;
	[tilespmem:$0x1BD00] =	vst v63  }
0xcb: {  	s23 =	sadd.s32 $0x60, s11  }
0xcc: {  	[tilespmem:s29], [sflag:$0x5] =	stream.linear.gather [hbm4b:s23+s2], $0x80, $0x38;
	[tilespmem:$0x1BD00] =	vst v63  }
0xcd: {  	_ =	swait.ge [sflag:s30], $0x80  }
0xce: {  	[sflag:s30] =	ssyncset.done $0x0  }
.Ltmp6:
0xcf: {  	[sflag:s30] =	ssyncadd.s32 $0xFFFFFF80;
	(pc) =	sbr.rel .LBB2_3-.Ltmp6, $4  }
0xd0: {  	_ =	swait.ge [sflag:s30], $0x80  }
0xd1: {  	[sflag:s30] =	ssyncset.done $0x0  }
0xd2: {  	s17 =	sadd.s32 $0x40, s17;
	[sflag:s30] =	ssyncadd.s32 $0xFFFFFF80  }
0xd3: {  	[tilespmem:s31], [sflag:$0x1] =	stream.indirect.gather [hbm4b:s4+s24], $0x80, s2, s24, $0xb8;
	[tilespmem:$0x1BD00] =	vst v63  }
.LBB2_9:
0xd4: {  	_ =	swait.ge [sflag:s13], $0x4000  }
0xd5: {  	[sflag:s13] =	ssyncset.done $0x0  }
0xd6: {  	[sflag:s13] =	ssyncadd.s32 $0xFFFFC000  }
0xd7: {  	[bflag:$0x0] =	sbarrier.arrive $0xFFFF  }
0xd8: {  	s15 =	rddreg [dreg:$0x7]  }
0xd9: {  	s6 =	rddreg [dreg:$0x10]  }
0xda: {  	s10 =	rddreg [dreg:$0x13]  }
0xdb: {  	[hbm:s6], [sflag:s15] =	dma.local [spmem:s10], $0x2700  }
.Ltmp7:
0xdc: {  	_ = 	snop;
	(pc) =	sbr.rel @p1 .LBB2_11-.Ltmp7, $4  }
.Ltmp8:
0xdd: {  	s16 =	simm.s32 $0x9;
	(pc) =	sbr.rel @!p1 .LBB2_10-.Ltmp8, $4  }
0xde: {  	_ =	swait.ge [sflag:s16], $0x2700  }
0xdf: {  	[sflag:s16] =	ssyncset.done $0x0;
	s11 =	rddreg [dreg:$0x5]  }
0xe0: {  	s17 =	rddreg [dreg:$0x12];
	[sflag:s16] =	ssyncadd.s32 $0xFFFFD900  }
0xe1: {  	_ = 	snop  }
.LBB2_5:
0xe2: {  	_ =	swait.ge [sflag:s13], $0x4000  }
0xe3: {  	[sflag:s13] =	ssyncset.done $0x0  }
0xe4: {  	[sflag:s13] =	ssyncadd.s32 $0xFFFFC000  }
0xe5: {  	[bflag:$0x0] =	sbarrier.arrive $0xFFFF  }
0xe6: {  	s15 =	rddreg [dreg:$0x7]  }
0xe7: {  	s6 =	rddreg [dreg:$0xf]  }
0xe8: {  	s10 =	rddreg [dreg:$0x13]  }
0xe9: {  	[hbm:s6], [sflag:s15] =	dma.local [spmem:s10], $0x2700  }
.Ltmp9:
0xea: {  	_ = 	snop;
	(pc) =	sbr.rel @p2 .LBB2_10-.Ltmp9, $4  }
.Ltmp10:
0xeb: {  	s16 =	simm.s32 $0x9;
	(pc) =	sbr.rel @!p2 .LBB2_11-.Ltmp10, $4  }
0xec: {  	_ =	swait.ge [sflag:s16], $0x2700  }
0xed: {  	[sflag:s16] =	ssyncset.done $0x0;
	s11 =	rddreg [dreg:$0x4]  }
0xee: {  	s17 =	rddreg [dreg:$0x12];
	[sflag:s16] =	ssyncadd.s32 $0xFFFFD900  }
0xef: {  	_ = 	snop  }
.LBB2_12:
0xf0: {  	_ =	sfence.sel $0x180000  }
0xf1: {  	[bflag:$0x0] =	sbarrier.arrive $0xFFFF  }
0xf2: {  	_ =	strace $0x9000004D  }
0xf3: {  	s0 =	stileid.u32;
	[bflag:$0x2] =	sbarrier.arrive $0xFFFF  }
0xf4: {  	p0 =	sne.s32 s0, $0x0;
	s0 =	rddreg [dreg:$0x2]  }
0xf5: {  	s0 =	sadd.s32 @!p0 $0x100000, s0  }
0xf6: {  	[sflag:s0] =	ssyncadd.tile.s32 @!p0 $0x1;
	_ =	shalt  }
.Lfunc_end2:
_tile_overlayer_lowered:
.L_overlay_start_2:
0xf7: {  	(tag) =	ssettag $0x2  }
0xf8: {  	s0 =	rddreg [dreg:$0x0];
	s2 =	stileid.u32  }
0xf9: {  	s1 =	rddreg [dreg:$0x1];
	p0 =	sne.s32 s2, $0x0  }
0xfa: {  	s3 =	rddreg [dreg:$0x2];
	[bflag:$0x3] =	sbarrier.arrive $0xFFFF;
	s2 =	simm.s32 @!p0 $0x1C09  }
0xfb: {  	[timem:s3], [sflag:s2] =	dma.local @!p0 [hbm:s0], s1  }
0xfc: {  	s0 =	simm.s32 @!p0 $0x9  }
0xfd: {  	_ =	swait.ge @!p0 [sflag:s0], s1  }
0xfe: {  	s1 =	ssub.s32 @!p0 $0x0, s1;
	[sflag:s0] =	ssyncset.done @!p0 $0x0  }
0xff: {  	[sflag:s0] =	ssyncadd.s32 @!p0 s1  }
0x100: {  	[bflag:$0x3] =	sbarrier.arrive $0xFFFF  }
0x101: {  	_ =	shalt  }

// kernel: kernel.26.cloned.1.call-start
scs
__scs_entry_jumppad:
0x0: {  	(pc) =	sbr.rel $0x88, $3  }
0x1: {  	(tag) =	ssettag $0x0;
	lr =	simm.s32 $0x1  }
0x2: {  	[smem:$0x3F91] =	sst lr;
	_ =	strace $0xD0000000  }
0x3: {  	_ = 	snop  }
0x4: {  	_ = 	snop  }
0x5: {  	_ = 	snop  }
0x6: {  	_ = 	snop  }
0x7: {  	_ = 	snop  }
__scs_overlays_trampoline_lowered:
0x8: {  	[smem:$0x3FA0] =	sst s0  }
0x9: {  	[smem:$0x3FA1] =	sst s1  }
0xa: {  	[smem:$0x3FA2] =	sst s2  }
0xb: {  	[smem:$0x3FA3] =	sst s3  }
0xc: {  	[smem:$0x3FA4] =	sst s4  }
0xd: {  	[smem:$0x3FA5] =	sst s5  }
0xe: {  	[smem:$0x3FA6] =	sst s6  }
0xf: {  	[smem:$0x3FA7] =	sst s7  }
0x10: {  	[smem:$0x3FA8] =	sst s8  }
0x11: {  	[smem:$0x3FA9] =	sst s9;
	s0 =	simm.s32 @!p0 $0x0  }
0x12: {  	s1 =	sld [smem:$0x3F8F];
	s0 =	simm.s32 @p0 $0x1  }
0x13: {  	[smem:$0x3FAA] =	sst s0;
	s0 =	simm.s32 @!p1 $0x0  }
0x14: {  	s2 =	sld [smem:$0x3F8E];
	s0 =	simm.s32 @p1 $0x1  }
0x15: {  	[smem:$0x3FAB] =	sst s0;
	s0 =	simm.s32 @!p2 $0x0  }
0x16: {  	s3 =	sld [smem:$0x3FDB];
	s0 =	simm.s32 @p2 $0x1  }
0x17: {  	s4 =	simm.s32 $0x1BF5;
	[smem:$0x3FAD] =	sst s0  }
0x18: {  	s0 =	sld [smem:$0x3F90];
	_ =	swait.ge [sflag:s4], $0x0  }
0x19: {  	s7 =	sld [smem:$0x3F91]  }
0x1a: {  	s8 =	sadd.s32 $0xFFFFE003, lr  }
0x1b: {  	s9 =	sadd.s32 $0xFFFFFEF7, lr;
	s5 =	simm.s32 $0xFFFFFFFF;
	p2 =	slt.u32 s8, $0xFFFFF086  }
0x1c: {  	p1 =	slt.u32 s9, $0xF7A;
	s5 =	simm.s32 @!p2 $0x0  }
0x1d: {  	s5 =	simm.s32 @p1 $0x1;
	p0 =	seq.s32 s7, s2  }
0x1e: {  	s7 =	smul.u32 @!p0 $0xF7A, s2;
	p2 =	seq.s32 @!p0 s5, $0x0  }
0x1f: {  	s9 =	smul.u32 $0xF7A, s1;
	s8 =	simm.s32 @!p0 $0x1BF5;
	p2 =	por !p2, p0  }
0x20: {  	[sflag:s8] =	ssyncset.s32 @!p0 $0xFFFFF086;
	s6 =	sadd.s32 @!p0 s3, s7;
	s7 =	simm.s32 @!p0 $0x108  }
0x21: {  	s3 =	sadd.s32 s3, s9;
	s6 =	sadd.s32 @!p0 $0x88, s6;
	s7 =	simm.s32 @p2 $0x1082  }
0x22: {  	[simem:s7], [sflag:s8] =	dma.local @!p0 [hbm:s6], $0xF7A  }
0x23: {  	s9 =	sor.u32 $0xD0000000, s2;
	s6 =	simm.s32 $0x108;
	_ =	swait.ge @!p0 [sflag:s8], $0x0  }
0x24: {  	s3 =	sadd.s32 $0x88, s3;
	s6 =	simm.s32 @!p1 $0x1082;
	[sflag:s4] =	ssyncset.s32 $0xFFFFF086  }
0x25: {  	[simem:s6], [sflag:s4] =	dma.local [hbm:s3], $0xF7A  }
0x26: {  	[smem:$0x3F91] =	sst s1;
	(tag) =	ssettag s2;
	_ =	strace s9  }
0x27: {  	s1 =	sld [smem:$0x3FA1]  }
0x28: {  	s2 =	sld [smem:$0x3FA2]  }
0x29: {  	s4 =	sld [smem:$0x3FA4]  }
0x2a: {  	p0 =	seq.s32 s5, $0x0;
	s5 =	sld [smem:$0x3FA5]  }
0x2b: {  	s6 =	sld [smem:$0x3FA6]  }
0x2c: {  	s7 =	sld [smem:$0x3FA7]  }
0x2d: {  	s3 =	simm.s32 $0x108;
	s8 =	sld [smem:$0x3FA8]  }
0x2e: {  	s3 =	simm.s32 @!p0 $0x1082;
	s9 =	sld [smem:$0x3FA9]  }
0x2f: {  	lr =	sadd.s32 s0, s3;
	s0 =	sld [smem:$0x3FA0]  }
0x30: {  	s3 =	sld [smem:$0x3FA3]  }
0x31: {  	[smem:$0x3FAC] =	sst s10  }
0x32: {  	s10 =	sld [smem:$0x3FAA];
	_ =	sdelay $0x3  }
0x33: {  	p0 =	seq.s32 s10, $0x1;
	s10 =	sld [smem:$0x3FAC];
	_ =	sdelay $0x3  }
0x34: {  	[smem:$0x3FAC] =	sst s10  }
0x35: {  	s10 =	sld [smem:$0x3FAB];
	_ =	sdelay $0x3  }
0x36: {  	p1 =	seq.s32 s10, $0x1;
	s10 =	sld [smem:$0x3FAC];
	_ =	sdelay $0x3  }
0x37: {  	[smem:$0x3FAC] =	sst s10  }
0x38: {  	s10 =	sld [smem:$0x3FAD]  }
0x39: {  	_ = 	snop;
	(pc) =	sbr.ind lr, $3  }
0x3a: {  	_ = 	snop  }
0x3b: {  	_ = 	snop  }
0x3c: {  	p2 =	seq.s32 s10, $0x1;
	s10 =	sld [smem:$0x3FAC]  }
0x3d: {  	_ =	shalt  }
0x3e: {  	_ =	shalt  }
0x3f: {  	_ =	shalt  }
0x40: {  	_ =	shalt  }
0x41: {  	_ =	shalt  }
0x42: {  	_ =	shalt  }
0x43: {  	_ =	shalt  }
0x44: {  	_ =	shalt  }
0x45: {  	_ =	shalt  }
0x46: {  	_ =	shalt  }
0x47: {  	_ =	shalt  }
0x48: {  	_ =	shalt  }
0x49: {  	_ =	shalt  }
0x4a: {  	_ =	shalt  }
0x4b: {  	_ =	shalt  }
0x4c: {  	_ =	shalt  }
0x4d: {  	_ =	shalt  }
0x4e: {  	_ =	shalt  }
0x4f: {  	_ =	shalt  }
0x50: {  	_ =	shalt  }
0x51: {  	_ =	shalt  }
0x52: {  	_ =	shalt  }
0x53: {  	_ =	shalt  }
0x54: {  	_ =	shalt  }
0x55: {  	_ =	shalt  }
0x56: {  	_ =	shalt  }
0x57: {  	_ =	shalt  }
0x58: {  	_ =	shalt  }
0x59: {  	_ =	shalt  }
0x5a: {  	_ =	shalt  }
0x5b: {  	_ =	shalt  }
0x5c: {  	_ =	shalt  }
0x5d: {  	_ =	shalt  }
0x5e: {  	_ =	shalt  }
0x5f: {  	_ =	shalt  }
0x60: {  	_ =	shalt  }
0x61: {  	_ =	shalt  }
0x62: {  	_ =	shalt  }
0x63: {  	_ =	shalt  }
0x64: {  	_ =	shalt  }
0x65: {  	_ =	shalt  }
0x66: {  	_ =	shalt  }
0x67: {  	_ =	shalt  }
0x68: {  	_ =	shalt  }
0x69: {  	_ =	shalt  }
0x6a: {  	_ =	shalt  }
0x6b: {  	_ =	shalt  }
0x6c: {  	_ =	shalt  }
0x6d: {  	_ =	shalt  }
0x6e: {  	_ =	shalt  }
0x6f: {  	_ =	shalt  }
0x70: {  	_ =	shalt  }
0x71: {  	_ =	shalt  }
0x72: {  	_ =	shalt  }
0x73: {  	_ =	shalt  }
0x74: {  	_ =	shalt  }
0x75: {  	_ =	shalt  }
0x76: {  	_ =	shalt  }
0x77: {  	_ =	shalt  }
0x78: {  	_ =	shalt  }
0x79: {  	_ =	shalt  }
0x7a: {  	_ =	shalt  }
0x7b: {  	_ =	shalt  }
0x7c: {  	_ =	shalt  }
0x7d: {  	_ =	shalt  }
0x7e: {  	_ =	shalt  }
0x7f: {  	_ =	shalt  }
0x80: {  	_ =	shalt  }
0x81: {  	_ =	shalt  }
0x82: {  	_ =	shalt  }
0x83: {  	_ =	shalt  }
0x84: {  	_ =	shalt  }
0x85: {  	_ =	shalt  }
0x86: {  	_ =	shalt  }
0x87: {  	_ =	shalt  }
.Lfunc_end0:
.L_simem_size_0:
called_computation.3_lowered:
.L_overlay_start_0:
0x88: {  	s2 =	sld [smem:$0x3FD9]  }
0x89: {  	s3 =	sld [smem:$0x3FFE];
	_ =	sdelay $0x1  }
0x8a: {  	s1 =	srdreg.scid  }
0x8b: {  	s0 =	sand.u32 $0x1, s1  }
0x8c: {  	s16 =	sshll.u32 s0, $0xA;
	s2 =	sadd.s32 s3, s2  }
0x8d: {  	s2 =	sadd.s32 s2, s16  }
0x8e: {  	[smem:$0x3FB8] =	sst s2  }
0x8f: {  	_ = 	snop  }
0x90: {  	(tm) =	ssettm $0x1  }
0x91: {  	s17 =	sld [smem:$0x3FFB];
	_ =	sdelay $0x3  }
0x92: {  	_ =	strace s17  }
0x93: {  	s2 =	sld [smem:$0x3FFC];
	_ =	sdelay $0x3  }
0x94: {  	_ =	strace s2  }
0x95: {  	s2 =	sld [smem:$0x3FFD];
	_ =	sdelay $0x3  }
0x96: {  	_ =	strace s2  }
0x97: {  	_ =	strace $0x8FFFFFFF  }
0x98: {  	s18 =	sld [smem:$0x3FDB];
	_ =	sdelay $0x1  }
0x99: {  	s19 =	simm.s32 $_scs_section_size  }
0x9a: {  	s4 =	simm.s32 $_size__tile_overlayer_lowered;
	s5 =	simm.s32 $_tile_overlayer_lowered  }
0x9b: {  	s22 =	simm.s32 $0x1BFF;
	s21 =	sshll.u32 s5, $0x1;
	s2 =	sadd.s32 s19, s18  }
0x9c: {  	s6 =	simm.s32 $0x0;
	s20 =	sshll.u32 s4, $0x1;
	s4 =	sadd.s32 s21, s2  }
0x9d: {  	[timem:s6], [sflag:s22] =	dma.local [hbm:s4], s20  }
0x9e: {  	_ =	swait.ge [sflag:s22], s20  }
0x9f: {  	s3 =	ssub.s32 $0x0, s20;
	[sflag:s22] =	ssyncset.done $0x0  }
0xa0: {  	[sflag:s22] =	ssyncadd.s32 s3;
	_ =	sdelay $0x1  }
0xa1: {  	s23 =	simm.s32 $0x1B8B  }
0xa2: {  	_ =	swait.ge [sflag:s23], $0x1  }
0xa3: {  	[sflag:s23] =	ssyncset.done $0x0  }
0xa4: {  	s25 =	simm.s32 $0x1B8E;
	s24 =	sld [smem:$0x3FFE];
	[sflag:s23] =	ssyncadd.s32 $0xFFFFFFFF  }
0xa5: {  	s26 =	simm.s32 $execute0_lowered;
	[smem:$0x3FD2] =	sst s25  }
0xa6: {  	s4 =	sshll.u32 s26, $0x1;
	_ =	strace $0x8000004F;
	[dreg:$0x1] =	wrdreg $0xFFFFFFFF  }
0xa7: {  	s28 =	simm.s32 $_size_execute0_lowered;
	s2 =	sadd.s32 s2, s4;
	[dreg:$0x0] =	wrdreg $0x0  }
0xa8: {  	s4 =	sshll.u32 s28, $0x1;
	[dreg:$0x2] =	wrdreg s2  }
0xa9: {  	[dreg:$0x3] =	wrdreg s4  }
0xaa: {  	[dreg:$0x4] =	wrdreg $0xC0  }
0xab: {  	_ =	task [dreg:s6], $0x5FFFF  }
0xac: {  	[dreg:$0x1] =	wrdreg $0xFFFFFFFF  }
0xad: {  	[dreg:$0x0] =	wrdreg $0x60  }
0xae: {  	[dreg:$0x2] =	wrdreg s24  }
0xaf: {  	[dreg:$0x3] =	wrdreg $0x84000  }
0xb0: {  	[dreg:$0x4] =	wrdreg $0x9  }
0xb1: {  	_ =	task.clear_ibuf [dreg:s6], $0x5FFFF;
	_ =	strace $0x9000004F  }
0xb2: {  	s29 =	simm.s32 $0x9;
	_ =	strace $0x80000051  }
0xb3: {  	_ =	swait.ge [sflag:s29], $0x1  }
0xb4: {  	[sflag:s29] =	ssyncadd.s32 $0xFFFFFFFF  }
0xb5: {  	_ =	strace $0x90000051  }
0xb6: {  	_ =	sfence  }
0xb7: {  	s30 =	sld [smem:$0x0];
	_ =	sdelay $0x2  }
0xb8: {  	s31 =	sshll.u32 s1, $0xD;
	s1 =	sshrl.u32 s1, $0x2  }
0xb9: {  	s3 =	sand.u32 $0x4000, s31;
	s1 =	sadd.s32 s1, s30  }
0xba: {  	s0 =	sor.u32 s3, s0;
	s1 =	sshll.u32 s1, $0x11  }
0xbb: {  	s0 =	sor.u32 s1, s0  }
0xbc: {  	s0 =	sadd.s32 $0x8F2B, s0  }
0xbd: {  	[sflag:s0] =	ssyncadd.remote.s32 $0x1  }
0xbe: {  	_ =	sfence.sel $0xFFFF  }
0xbf: {  	[dreg:$0x0] =	wrdreg $0xFFFFFFFF;
	(pc) =	sbr.abs _section_cstart, $3  }
0xc0: {  	[dreg:$0x1] =	wrdreg $0xFFFFFFFF  }
0xc1: {  	_ =	task.clear_ibuf [dreg:s6], $0x2FFFF;
	_ =	strace $0x9FFFFFFF  }
0xc2: {  	(tm) =	ssettm $0x7FFFFFFF  }
0xc3: {  	_ =	shalt  }
tec
execute0_lowered:
.L_overlay_start_1:
0x0: {  	(tag) =	ssettag $0x1  }
0x1: {  	s0 =	rddreg [dreg:$0x0]  }
0x2: {  	s1 =	rddreg [dreg:$0x1];
	s2 =	simm.s32 $0x0;
	s6 =	srdreg.scid  }
0x3: {  	s13 =	stileid.u32;
	s28 =	simm.s32 $0x200;
	s29 =	simm.s32 $0x280  }
0x4: {  	s30 =	simm.s32 $0x3;
	s31 =	simm.s32 $0x400;
	[smem:$0x7FF] =	sst s2  }
0x5: {  	s3 =	sadd.s32 $0x5C200, s0;
	s7 =	sadd.s32 $0x61200, s0;
	s4 =	sadd.s32 $0xB7600, s0  }
0x6: {  	s5 =	sadd.s32 $0xDE00, s0;
	s8 =	sand.u32 $0x1, s6;
	s25 =	sadd.s32 $0x66200, s0  }
0x7: {  	s10 =	smul.u32 $0x4E000, s13;
	s26 =	sadd.s32 $0x35000, s0;
	s14 =	sadd.s32 $0x68A00, s0  }
0x8: {  	s11 =	sshll.u32 s13, $0x6;
	s12 =	smul.u32 $0x2800, s13;
	s17 =	sadd.s32 $0x138000, s1  }
0x9: {  	s23 =	smul.u32 $0x2700, s13;
	_ =	strace $0x80000050;
	[dreg:$0x3] =	wrdreg s25  }
0xa: {  	p1 =	sne.s32 s13, $0xF;
	p2 =	seq.s32 s13, $0xF;
	[dreg:$0x8] =	wrdreg s17  }
0xb: {  	s9 =	ssub.s32 $0x2, s8;
	p0 =	seq.s32 s8, $0x1;
	[dreg:$0x4] =	wrdreg s26  }
0xc: {  	s25 =	smul.u32 $0x500, s13;
	[dreg:$0x5] =	wrdreg s14;
	s13 =	simm.s32 $0x8  }
0xd: {  	s17 =	simm.s32 $0x0;
	s15 =	sshrl.u32 s9, $0x1;
	s10 =	sshrl.u32 s10, $0x2  }
0xe: {  	s18 =	sshrl.u32 s12, $0x3;
	s6 =	sadd.s32 s26, s23;
	s26 =	sadd.s32 s14, s23  }
0xf: {  	s12 =	simm.s32 $0x5;
	s14 =	simm.s32 $0x6;
	[dreg:$0xf] =	wrdreg s6  }
0x10: {  	s0 =	ssub.s32 s9, s15;
	s16 =	sadd.s32 s10, s1;
	[dreg:$0x10] =	wrdreg s26  }
0x11: {  	s15 =	sor.u32 $0x1C09, s11;
	s19 =	sadd.s32 s3, s18;
	[dreg:$0x6] =	wrdreg s16  }
0x12: {  	s20 =	sadd.s32 s7, s18;
	s21 =	sor.u32 $0x10, s18;
	[dreg:$0x9] =	wrdreg s19  }
0x13: {  	s8 =	sor.u32 $0x20, s18;
	s26 =	simm.s32 $0x180;
	[dreg:$0xa] =	wrdreg s20  }
0x14: {  	s18 =	simm.s32 $0x4400;
	s22 =	sadd.s32 s3, s21;
	[dreg:$0x7] =	wrdreg s15  }
0x15: {  	s9 =	sadd.s32 s7, s21;
	s24 =	sadd.s32 s3, s8;
	[dreg:$0xb] =	wrdreg s22  }
0x16: {  	s8 =	sadd.s32 s7, s8;
	s0 =	smax.u32 s0, $0x1;
	[dreg:$0xc] =	wrdreg s9  }
.Ltmp0:
0x17: {  	s21 =	sadd.s32 s25, s7;
	[dreg:$0xd] =	wrdreg s24;
	(pc) =	sbr.rel .LBB2_1-.Ltmp0, $4  }
0x18: {  	s16 =	simm.s32 $0x9;
	s7 =	simm.s32 $0x380;
	[dreg:$0xe] =	wrdreg s8  }
0x19: {  	s19 =	simm.s32 $0x2;
	[dreg:$0x11] =	wrdreg s0;
	s22 =	sadd.s32 s25, s3  }
0x1a: {  	s24 =	simm.s32 $0x80;
	s25 =	simm.s32 $0x100;
	s0 =	simm.s32 $0x1  }
0x1b: {  	s3 =	simm.s32 $0x300;
	s8 =	simm.s32 $0x4;
	s9 =	simm.s32 $0x7  }
.LBB2_10:
0x1c: {  	s10 =	rddreg [dreg:$0x8]  }
0x1d: {  	s6 =	sadd.s32 $0x27000, s11;
	s10 =	sshrl.u32 s10, $0x3  }
0x1e: {  	[hbm:s6], [sflag:s15] =	dma.local [spmem:s10], $0x100  }
0x1f: {  	_ =	swait.ge [sflag:s16], $0x100  }
0x20: {  	[sflag:s16] =	ssyncset.done $0x0  }
0x21: {  	[sflag:s16] =	ssyncadd.s32 $0xFFFFFF00  }
.LBB2_11:
0x22: {  	s17 =	sadd.s32 $0x1, s17;
	s6 =	rddreg [dreg:$0x11]  }
0x23: {  	p3 =	sne.s32 s17, s6  }
.Ltmp1:
0x24: {  	_ = 	snop;
	(pc) =	sbr.rel @!p3 .LBB2_12-.Ltmp1, $1  }
0x25: {  	_ =	sdelay $0x3  }
.LBB2_1:
0x26: {  	[dreg:$0x12] =	wrdreg s17  }
0x27: {  	s6 =	rddreg [dreg:$0x6]  }
0x28: {  	s10 =	sshrl.u32 s6, $0x3;
	s6 =	rddreg [dreg:$0x3]  }
0x29: {  	[dreg:$0x13] =	wrdreg s10  }
0x2a: {  	[spmem:s10], [sflag:s15] =	dma.local [hbm:s6], $0x2700  }
0x2b: {  	_ =	swait.ge [sflag:s16], $0x2700  }
0x2c: {  	[sflag:s16] =	ssyncset.done $0x0;
	s10 =	rddreg [dreg:$0x8]  }
0x2d: {  	[sflag:s16] =	ssyncadd.s32 $0xFFFFD900;
	s11 =	sshrl.u32 @!p1 s10, $0x3  }
0x2e: {  	[spmem:s11], [sflag:s15] =	dma.local @!p1 [hbm:s6], $0x200  }
0x2f: {  	s11 =	simm.s32 @!p1 $0x9  }
0x30: {  	_ =	swait.ge @!p1 [sflag:s11], $0x200  }
0x31: {  	[sflag:s11] =	ssyncset.done @!p1 $0x0  }
0x32: {  	[sflag:s11] =	ssyncadd.s32 @!p1 $0xFFFFFE00  }
0x33: {  	[bflag:$0x0] =	sbarrier.arrive $0xFFFF  }
0x34: {  	s11 =	rddreg [dreg:$0x9]  }
0x35: {  	[tilespmem:s2], [sflag:$0x3] =	stream.linear.gather [hbm4b:s11+s2], $0x80, $0x38;
	[tilespmem:$0x1BD00] =	vst v63  }
0x36: {  	s15 =	rddreg [dreg:$0xa]  }
0x37: {  	[tilespmem:s24], [sflag:$0x3] =	stream.linear.gather [hbm4b:s15+s2], $0x80, $0x38;
	[tilespmem:$0x1BD00] =	vst v63  }
0x38: {  	s16 =	rddreg [dreg:$0xb]  }
0x39: {  	[tilespmem:s25], [sflag:$0x4] =	stream.linear.gather [hbm4b:s16+s2], $0x80, $0x38;
	[tilespmem:$0x1BD00] =	vst v63  }
0x3a: {  	s17 =	rddreg [dreg:$0xc]  }
0x3b: {  	[tilespmem:s26], [sflag:$0x4] =	stream.linear.gather [hbm4b:s17+s2], $0x80, $0x38;
	[tilespmem:$0x1BD00] =	vst v63  }
0x3c: {  	s20 =	rddreg [dreg:$0xd]  }
0x3d: {  	[tilespmem:s28], [sflag:$0x5] =	stream.linear.gather [hbm4b:s20+s2], $0x80, $0x38;
	[tilespmem:$0x1BD00] =	vst v63  }
0x3e: {  	s23 =	rddreg [dreg:$0xe]  }
0x3f: {  	[tilespmem:s29], [sflag:$0x5] =	stream.linear.gather [hbm4b:s23+s2], $0x80, $0x38;
	[tilespmem:$0x1BD00] =	vst v63  }
0x40: {  	_ =	swait.ge [sflag:s30], $0x80  }
.Ltmp2:
0x41: {  	[sflag:s30] =	ssyncset.done $0x0;
	(pc) =	sbr.rel @!p0 .LBB2_2-.Ltmp2, $4  }
0x42: {  	[sflag:s30] =	ssyncadd.s32 $0xFFFFFF80  }
0x43: {  	_ =	swait.ge [sflag:s30], $0x80  }
0x44: {  	[sflag:s30] =	ssyncset.done $0x0  }
0x45: {  	s17 =	simm.s32 $0x0;
	[sflag:s30] =	ssyncadd.s32 $0xFFFFFF80  }
0x46: {  	[tilespmem:s31], [sflag:$0x1] =	stream.indirect.gather [hbm4b:s5+s24], $0x80, s17, s24, $0xb8;
	[tilespmem:$0x1BD00] =	vst v63  }
.LBB2_7:
0x47: {  	_ =	swait.ge [sflag:s0], $0x4000  }
0x48: {  	p3 =	seq.s32 s17, $0x0;
	[sflag:s0] =	ssyncset.done $0x0  }
0x49: {  	s6 =	simm.s32 @!p3 $0x8;
	[sflag:s0] =	ssyncadd.s32 $0xFFFFC000  }
0x4a: {  	[spmem:s1] =	stream.indirect.scatter.add.f32 [tilespmem:s31], [sflag:$0x7], $0x80, s24, s24, $0xb8;
	[tilespmem:$0x1BD00] =	vst v63  }
0x4b: {  	_ =	swait.ge @!p3 [sflag:s6], $0x4000  }
0x4c: {  	s20 =	sadd.s32 s17, s22;
	[sflag:s6] =	ssyncset.done @!p3 $0x0  }
0x4d: {  	s11 =	sadd.s32 s17, s21;
	s16 =	sadd.s32 $0x30, s20;
	[sflag:s6] =	ssyncadd.s32 @!p3 $0xFFFFC000  }
0x4e: {  	[tilespmem:s3], [sflag:$0x6] =	stream.linear.gather [hbm4b:s16+s2], $0x80, $0x38;
	[tilespmem:$0x1BD00] =	vst v63  }
0x4f: {  	s23 =	sadd.s32 $0x30, s11  }
0x50: {  	[tilespmem:s7], [sflag:$0x6] =	stream.linear.gather [hbm4b:s23+s2], $0x80, $0x38;
	[tilespmem:$0x1BD00] =	vst v63  }
0x51: {  	_ =	swait.ge [sflag:s8], $0x80  }
0x52: {  	[sflag:s8] =	ssyncset.done $0x0  }
0x53: {  	[sflag:s8] =	ssyncadd.s32 $0xFFFFFF80  }
0x54: {  	_ =	swait.ge [sflag:s8], $0x80  }
0x55: {  	[sflag:s8] =	ssyncset.done $0x0  }
0x56: {  	[sflag:s8] =	ssyncadd.s32 $0xFFFFFF80  }
0x57: {  	[tilespmem:s18], [sflag:$0x2] =	stream.indirect.gather [hbm4b:s5+s24], $0x80, s25, s24, $0xb8;
	[tilespmem:$0x1BD00] =	vst v63  }
0x58: {  	_ =	swait.ge [sflag:s19], $0x4000  }
0x59: {  	[sflag:s19] =	ssyncset.done $0x0  }
0x5a: {  	[sflag:s19] =	ssyncadd.s32 $0xFFFFC000  }
0x5b: {  	[spmem:s1] =	stream.indirect.scatter.add.f32 [tilespmem:s18], [sflag:$0x8], $0x80, s26, s24, $0xb8;
	[tilespmem:$0x1BD00] =	vst v63  }
0x5c: {  	p3 =	seq.s32 s17, $0x4C0;
	_ =	swait.ge [sflag:s9], $0x4000  }
0x5d: {  	s6 =	sadd.s32 @!p3 s17, s22;
	[sflag:s9] =	ssyncset.done $0x0  }
0x5e: {  	s15 =	simm.s32 @!p3 $0x0;
	s10 =	sadd.s32 @!p3 $0x40, s6;
	[sflag:s9] =	ssyncadd.s32 $0xFFFFC000  }
0x5f: {  	[tilespmem:s15], [sflag:$0x3] =	stream.linear.gather @!p3 [hbm4b:s10+s15], $0x80, $0x38;
	[tilespmem:$0x1BD00] =	vst v63  }
0x60: {  	s10 =	sadd.s32 @!p3 s17, s21  }
0x61: {  	s23 =	simm.s32 @!p3 $0x80;
	s16 =	sadd.s32 @!p3 $0x40, s10  }
0x62: {  	[tilespmem:s23], [sflag:$0x3] =	stream.linear.gather @!p3 [hbm4b:s16+s15], $0x80, $0x38;
	[tilespmem:$0x1BD00] =	vst v63  }
0x63: {  	_ =	swait.ge [sflag:s12], $0x80  }
0x64: {  	[sflag:s12] =	ssyncset.done $0x0  }
0x65: {  	[sflag:s12] =	ssyncadd.s32 $0xFFFFFF80  }
0x66: {  	_ =	swait.ge [sflag:s12], $0x80  }
0x67: {  	[sflag:s12] =	ssyncset.done $0x0  }
0x68: {  	[sflag:s12] =	ssyncadd.s32 $0xFFFFFF80  }
0x69: {  	[tilespmem:s31], [sflag:$0x1] =	stream.indirect.gather [hbm4b:s5+s24], $0x80, s28, s24, $0xb8;
	[tilespmem:$0x1BD00] =	vst v63  }
0x6a: {  	_ =	swait.ge [sflag:s0], $0x4000  }
0x6b: {  	[sflag:s0] =	ssyncset.done $0x0  }
0x6c: {  	[sflag:s0] =	ssyncadd.s32 $0xFFFFC000  }
0x6d: {  	[spmem:s1] =	stream.indirect.scatter.add.f32 [tilespmem:s31], [sflag:$0x7], $0x80, s29, s24, $0xb8;
	[tilespmem:$0x1BD00] =	vst v63  }
0x6e: {  	_ =	swait.ge [sflag:s13], $0x4000  }
0x6f: {  	[sflag:s13] =	ssyncset.done $0x0  }
0x70: {  	s6 =	sadd.s32 @!p3 $0x50, s6;
	s16 =	simm.s32 @!p3 $0x100;
	[sflag:s13] =	ssyncadd.s32 $0xFFFFC000  }
0x71: {  	[tilespmem:s16], [sflag:$0x4] =	stream.linear.gather @!p3 [hbm4b:s6+s15], $0x80, $0x38;
	[tilespmem:$0x1BD00] =	vst v63  }
0x72: {  	s6 =	sadd.s32 @!p3 $0x50, s10;
	s10 =	simm.s32 @!p3 $0x180  }
0x73: {  	[tilespmem:s10], [sflag:$0x4] =	stream.linear.gather @!p3 [hbm4b:s6+s15], $0x80, $0x38;
	[tilespmem:$0x1BD00] =	vst v63  }
0x74: {  	_ =	swait.ge [sflag:s14], $0x80  }
0x75: {  	[sflag:s14] =	ssyncset.done $0x0  }
0x76: {  	[sflag:s14] =	ssyncadd.s32 $0xFFFFFF80  }
0x77: {  	_ =	swait.ge [sflag:s14], $0x80  }
0x78: {  	[sflag:s14] =	ssyncset.done $0x0  }
0x79: {  	[sflag:s14] =	ssyncadd.s32 $0xFFFFFF80  }
0x7a: {  	[tilespmem:s18], [sflag:$0x2] =	stream.indirect.gather [hbm4b:s5+s24], $0x80, s3, s24, $0xb8;
	[tilespmem:$0x1BD00] =	vst v63  }
0x7b: {  	_ =	swait.ge [sflag:s19], $0x4000  }
0x7c: {  	[sflag:s19] =	ssyncset.done $0x0  }
.Ltmp3:
0x7d: {  	[sflag:s19] =	ssyncadd.s32 $0xFFFFC000;
	(pc) =	sbr.rel @p3 .LBB2_9-.Ltmp3, $4  }
0x7e: {  	[spmem:s1] =	stream.indirect.scatter.add.f32 [tilespmem:s18], [sflag:$0x8], $0x80, s7, s24, $0xb8;
	[tilespmem:$0x1BD00] =	vst v63  }
0x7f: {  	_ =	swait.ge [sflag:s9], $0x4000  }
0x80: {  	[sflag:s9] =	ssyncset.done $0x0  }
0x81: {  	[sflag:s9] =	ssyncadd.s32 $0xFFFFC000  }
0x82: {  	s6 =	sadd.s32 $0x60, s20  }
0x83: {  	[tilespmem:s28], [sflag:$0x5] =	stream.linear.gather [hbm4b:s6+s2], $0x80, $0x38;
	[tilespmem:$0x1BD00] =	vst v63  }
0x84: {  	s23 =	sadd.s32 $0x60, s11  }
0x85: {  	[tilespmem:s29], [sflag:$0x5] =	stream.linear.gather [hbm4b:s23+s2], $0x80, $0x38;
	[tilespmem:$0x1BD00] =	vst v63  }
0x86: {  	_ =	swait.ge [sflag:s30], $0x80  }
0x87: {  	[sflag:s30] =	ssyncset.done $0x0  }
.Ltmp4:
0x88: {  	[sflag:s30] =	ssyncadd.s32 $0xFFFFFF80;
	(pc) =	sbr.rel .LBB2_7-.Ltmp4, $4  }
0x89: {  	_ =	swait.ge [sflag:s30], $0x80  }
0x8a: {  	[sflag:s30] =	ssyncset.done $0x0  }
0x8b: {  	s17 =	sadd.s32 $0x40, s17;
	[sflag:s30] =	ssyncadd.s32 $0xFFFFFF80  }
0x8c: {  	[tilespmem:s31], [sflag:$0x1] =	stream.indirect.gather [hbm4b:s5+s24], $0x80, s2, s24, $0xb8;
	[tilespmem:$0x1BD00] =	vst v63  }
.LBB2_2:
0x8d: {  	[tilespmem:s31], [sflag:$0x1] =	stream.indirect.gather [hbm4b:s4+s24], $0x80, s17, s24, $0xb8;
	[tilespmem:$0x1BD00] =	vst v63  }
.LBB2_3:
0x8e: {  	_ =	swait.ge [sflag:s0], $0x4000  }
0x8f: {  	p3 =	seq.s32 s17, $0x0;
	[sflag:s0] =	ssyncset.done $0x0  }
0x90: {  	s11 =	simm.s32 @!p3 $0x8;
	[sflag:s0] =	ssyncadd.s32 $0xFFFFC000  }
0x91: {  	[spmem:s1] =	stream.indirect.scatter.add.f32 [tilespmem:s31], [sflag:$0x7], $0x80, s24, s24, $0xb8;
	[tilespmem:$0x1BD00] =	vst v63  }
0x92: {  	_ =	swait.ge @!p3 [sflag:s11], $0x4000  }
0x93: {  	s20 =	sadd.s32 s17, s22;
	[sflag:s11] =	ssyncset.done @!p3 $0x0  }
0x94: {  	s23 =	sadd.s32 $0x30, s20;
	[sflag:s11] =	ssyncadd.s32 @!p3 $0xFFFFC000;
	s11 =	sadd.s32 s17, s21  }
0x95: {  	[tilespmem:s3], [sflag:$0x6] =	stream.linear.gather [hbm4b:s23+s2], $0x80, $0x38;
	[tilespmem:$0x1BD00] =	vst v63  }
0x96: {  	s6 =	sadd.s32 $0x30, s11  }
0x97: {  	[tilespmem:s7], [sflag:$0x6] =	stream.linear.gather [hbm4b:s6+s2], $0x80, $0x38;
	[tilespmem:$0x1BD00] =	vst v63  }
0x98: {  	_ =	swait.ge [sflag:s8], $0x80  }
0x99: {  	[sflag:s8] =	ssyncset.done $0x0  }
0x9a: {  	[sflag:s8] =	ssyncadd.s32 $0xFFFFFF80  }
0x9b: {  	_ =	swait.ge [sflag:s8], $0x80  }
0x9c: {  	[sflag:s8] =	ssyncset.done $0x0  }
0x9d: {  	[sflag:s8] =	ssyncadd.s32 $0xFFFFFF80  }
0x9e: {  	[tilespmem:s18], [sflag:$0x2] =	stream.indirect.gather [hbm4b:s4+s24], $0x80, s25, s24, $0xb8;
	[tilespmem:$0x1BD00] =	vst v63  }
0x9f: {  	_ =	swait.ge [sflag:s19], $0x4000  }
0xa0: {  	[sflag:s19] =	ssyncset.done $0x0  }
0xa1: {  	[sflag:s19] =	ssyncadd.s32 $0xFFFFC000  }
0xa2: {  	[spmem:s1] =	stream.indirect.scatter.add.f32 [tilespmem:s18], [sflag:$0x8], $0x80, s26, s24, $0xb8;
	[tilespmem:$0x1BD00] =	vst v63  }
0xa3: {  	p3 =	seq.s32 s17, $0x4C0;
	_ =	swait.ge [sflag:s9], $0x4000  }
0xa4: {  	s6 =	sadd.s32 @!p3 s17, s22;
	[sflag:s9] =	ssyncset.done $0x0  }
0xa5: {  	s16 =	simm.s32 @!p3 $0x0;
	s10 =	sadd.s32 @!p3 $0x40, s6;
	[sflag:s9] =	ssyncadd.s32 $0xFFFFC000  }
0xa6: {  	[tilespmem:s16], [sflag:$0x3] =	stream.linear.gather @!p3 [hbm4b:s10+s16], $0x80, $0x38;
	[tilespmem:$0x1BD00] =	vst v63  }
0xa7: {  	s10 =	sadd.s32 @!p3 s17, s21  }
0xa8: {  	s15 =	simm.s32 @!p3 $0x80;
	s23 =	sadd.s32 @!p3 $0x40, s10  }
0xa9: {  	[tilespmem:s15], [sflag:$0x3] =	stream.linear.gather @!p3 [hbm4b:s23+s16], $0x80, $0x38;
	[tilespmem:$0x1BD00] =	vst v63  }
0xaa: {  	_ =	swait.ge [sflag:s12], $0x80  }
0xab: {  	[sflag:s12] =	ssyncset.done $0x0  }
0xac: {  	[sflag:s12] =	ssyncadd.s32 $0xFFFFFF80  }
0xad: {  	_ =	swait.ge [sflag:s12], $0x80  }
0xae: {  	[sflag:s12] =	ssyncset.done $0x0  }
0xaf: {  	[sflag:s12] =	ssyncadd.s32 $0xFFFFFF80  }
0xb0: {  	[tilespmem:s31], [sflag:$0x1] =	stream.indirect.gather [hbm4b:s4+s24], $0x80, s28, s24, $0xb8;
	[tilespmem:$0x1BD00] =	vst v63  }
0xb1: {  	_ =	swait.ge [sflag:s0], $0x4000  }
0xb2: {  	[sflag:s0] =	ssyncset.done $0x0  }
0xb3: {  	[sflag:s0] =	ssyncadd.s32 $0xFFFFC000  }
0xb4: {  	[spmem:s1] =	stream.indirect.scatter.add.f32 [tilespmem:s31], [sflag:$0x7], $0x80, s29, s24, $0xb8;
	[tilespmem:$0x1BD00] =	vst v63  }
0xb5: {  	_ =	swait.ge [sflag:s13], $0x4000  }
0xb6: {  	[sflag:s13] =	ssyncset.done $0x0  }
0xb7: {  	s6 =	sadd.s32 @!p3 $0x50, s6;
	s15 =	simm.s32 @!p3 $0x100;
	[sflag:s13] =	ssyncadd.s32 $0xFFFFC000  }
0xb8: {  	[tilespmem:s15], [sflag:$0x4] =	stream.linear.gather @!p3 [hbm4b:s6+s16], $0x80, $0x38;
	[tilespmem:$0x1BD00] =	vst v63  }
0xb9: {  	s6 =	sadd.s32 @!p3 $0x50, s10;
	s10 =	simm.s32 @!p3 $0x180  }
0xba: {  	[tilespmem:s10], [sflag:$0x4] =	stream.linear.gather @!p3 [hbm4b:s6+s16], $0x80, $0x38;
	[tilespmem:$0x1BD00] =	vst v63  }
0xbb: {  	_ =	swait.ge [sflag:s14], $0x80  }
0xbc: {  	[sflag:s14] =	ssyncset.done $0x0  }
0xbd: {  	[sflag:s14] =	ssyncadd.s32 $0xFFFFFF80  }
0xbe: {  	_ =	swait.ge [sflag:s14], $0x80  }
0xbf: {  	[sflag:s14] =	ssyncset.done $0x0  }
0xc0: {  	[sflag:s14] =	ssyncadd.s32 $0xFFFFFF80  }
0xc1: {  	[tilespmem:s18], [sflag:$0x2] =	stream.indirect.gather [hbm4b:s4+s24], $0x80, s3, s24, $0xb8;
	[tilespmem:$0x1BD00] =	vst v63  }
0xc2: {  	_ =	swait.ge [sflag:s19], $0x4000  }
0xc3: {  	[sflag:s19] =	ssyncset.done $0x0  }
.Ltmp5:
0xc4: {  	[sflag:s19] =	ssyncadd.s32 $0xFFFFC000;
	(pc) =	sbr.rel @p3 .LBB2_5-.Ltmp5, $4  }
0xc5: {  	[spmem:s1] =	stream.indirect.scatter.add.f32 [tilespmem:s18], [sflag:$0x8], $0x80, s7, s24, $0xb8;
	[tilespmem:$0x1BD00] =	vst v63  }
0xc6: {  	_ =	swait.ge [sflag:s9], $0x4000  }
0xc7: {  	[sflag:s9] =	ssyncset.done $0x0  }
0xc8: {  	[sflag:s9] =	ssyncadd.s32 $0xFFFFC000  }
0xc9: {  	s6 =	sadd.s32 $0x60, s20  }
0xca: {  	[tilespmem:s28], [sflag:$0x5] =	stream.linear.gather [hbm4b:s6+s2], $0x80, $0x38;
	[tilespmem:$0x1BD00] =	vst v63  }
0xcb: {  	s23 =	sadd.s32 $0x60, s11  }
0xcc: {  	[tilespmem:s29], [sflag:$0x5] =	stream.linear.gather [hbm4b:s23+s2], $0x80, $0x38;
	[tilespmem:$0x1BD00] =	vst v63  }
0xcd: {  	_ =	swait.ge [sflag:s30], $0x80  }
0xce: {  	[sflag:s30] =	ssyncset.done $0x0  }
.Ltmp6:
0xcf: {  	[sflag:s30] =	ssyncadd.s32 $0xFFFFFF80;
	(pc) =	sbr.rel .LBB2_3-.Ltmp6, $4  }
0xd0: {  	_ =	swait.ge [sflag:s30], $0x80  }
0xd1: {  	[sflag:s30] =	ssyncset.done $0x0  }
0xd2: {  	s17 =	sadd.s32 $0x40, s17;
	[sflag:s30] =	ssyncadd.s32 $0xFFFFFF80  }
0xd3: {  	[tilespmem:s31], [sflag:$0x1] =	stream.indirect.gather [hbm4b:s4+s24], $0x80, s2, s24, $0xb8;
	[tilespmem:$0x1BD00] =	vst v63  }
.LBB2_9:
0xd4: {  	_ =	swait.ge [sflag:s13], $0x4000  }
0xd5: {  	[sflag:s13] =	ssyncset.done $0x0  }
0xd6: {  	[sflag:s13] =	ssyncadd.s32 $0xFFFFC000  }
0xd7: {  	[bflag:$0x0] =	sbarrier.arrive $0xFFFF  }
0xd8: {  	s15 =	rddreg [dreg:$0x7]  }
0xd9: {  	s6 =	rddreg [dreg:$0x10]  }
0xda: {  	s10 =	rddreg [dreg:$0x13]  }
0xdb: {  	[hbm:s6], [sflag:s15] =	dma.local [spmem:s10], $0x2700  }
.Ltmp7:
0xdc: {  	_ = 	snop;
	(pc) =	sbr.rel @p1 .LBB2_11-.Ltmp7, $4  }
.Ltmp8:
0xdd: {  	s16 =	simm.s32 $0x9;
	(pc) =	sbr.rel @!p1 .LBB2_10-.Ltmp8, $4  }
0xde: {  	_ =	swait.ge [sflag:s16], $0x2700  }
0xdf: {  	[sflag:s16] =	ssyncset.done $0x0;
	s11 =	rddreg [dreg:$0x5]  }
0xe0: {  	s17 =	rddreg [dreg:$0x12];
	[sflag:s16] =	ssyncadd.s32 $0xFFFFD900  }
0xe1: {  	_ = 	snop  }
.LBB2_5:
0xe2: {  	_ =	swait.ge [sflag:s13], $0x4000  }
0xe3: {  	[sflag:s13] =	ssyncset.done $0x0  }
0xe4: {  	[sflag:s13] =	ssyncadd.s32 $0xFFFFC000  }
0xe5: {  	[bflag:$0x0] =	sbarrier.arrive $0xFFFF  }
0xe6: {  	s15 =	rddreg [dreg:$0x7]  }
0xe7: {  	s6 =	rddreg [dreg:$0xf]  }
0xe8: {  	s10 =	rddreg [dreg:$0x13]  }
0xe9: {  	[hbm:s6], [sflag:s15] =	dma.local [spmem:s10], $0x2700  }
.Ltmp9:
0xea: {  	_ = 	snop;
	(pc) =	sbr.rel @p2 .LBB2_10-.Ltmp9, $4  }
.Ltmp10:
0xeb: {  	s16 =	simm.s32 $0x9;
	(pc) =	sbr.rel @!p2 .LBB2_11-.Ltmp10, $4  }
0xec: {  	_ =	swait.ge [sflag:s16], $0x2700  }
0xed: {  	[sflag:s16] =	ssyncset.done $0x0;
	s11 =	rddreg [dreg:$0x4]  }
0xee: {  	s17 =	rddreg [dreg:$0x12];
	[sflag:s16] =	ssyncadd.s32 $0xFFFFD900  }
0xef: {  	_ = 	snop  }
.LBB2_12:
0xf0: {  	_ =	sfence.sel $0x180000  }
0xf1: {  	[bflag:$0x0] =	sbarrier.arrive $0xFFFF  }
0xf2: {  	_ =	strace $0x90000050  }
0xf3: {  	s0 =	stileid.u32;
	[bflag:$0x2] =	sbarrier.arrive $0xFFFF  }
0xf4: {  	p0 =	sne.s32 s0, $0x0;
	s0 =	rddreg [dreg:$0x2]  }
0xf5: {  	s0 =	sadd.s32 @!p0 $0x100000, s0  }
0xf6: {  	[sflag:s0] =	ssyncadd.tile.s32 @!p0 $0x1;
	_ =	shalt  }
.Lfunc_end2:
_tile_overlayer_lowered:
.L_overlay_start_2:
0xf7: {  	(tag) =	ssettag $0x2  }
0xf8: {  	s0 =	rddreg [dreg:$0x0];
	s2 =	stileid.u32  }
0xf9: {  	s1 =	rddreg [dreg:$0x1];
	p0 =	sne.s32 s2, $0x0  }
0xfa: {  	s3 =	rddreg [dreg:$0x2];
	[bflag:$0x3] =	sbarrier.arrive $0xFFFF;
	s2 =	simm.s32 @!p0 $0x1C09  }
0xfb: {  	[timem:s3], [sflag:s2] =	dma.local @!p0 [hbm:s0], s1  }
0xfc: {  	s0 =	simm.s32 @!p0 $0x9  }
0xfd: {  	_ =	swait.ge @!p0 [sflag:s0], s1  }
0xfe: {  	s1 =	ssub.s32 @!p0 $0x0, s1;
	[sflag:s0] =	ssyncset.done @!p0 $0x0  }
0xff: {  	[sflag:s0] =	ssyncadd.s32 @!p0 s1  }
0x100: {  	[bflag:$0x3] =	sbarrier.arrive $0xFFFF  }
0x101: {  	_ =	shalt  }

</sc_bundles>
